<compile_context>
chip_gen: v7x
topology: tpu7x:2x2x1
jax: 0.10.2.dev20260603
libtpu: 0.0.44.dev20260713+nightly
codegen_flags: <defaults>
</compile_context>

<pallas_src>
import functools

import jax
import jax.numpy as jnp
from jax import lax
from jax.experimental import pallas as pl
from jax.experimental.pallas import tpu as pltpu
from jax.experimental.pallas import tpu_sc as plsc

BATCH = 16384
NCLS = 128
BBLK = 1024
NROWS = 100000
NWORK = 32
RPW = 3136
CROWS = 224
NCHUNK = RPW // CROWS
GPC = 74
IDXPAD = NCHUNK * GPC * 16
CPAD = RPW
WLPAD = 3200
ACH = 64


def _vgather(x, idx):
    dnums = lax.GatherDimensionNumbers(
        offset_dims=(), collapsed_slice_dims=(0,), start_index_map=(0,))
    return lax.gather(x, idx[:, None], dnums, (1,),
                      mode=lax.GatherScatterMode.PROMISE_IN_BOUNDS)


def _dense_body(out_ref, tgt_ref, wg_ref, wlg_ref, nwr_ref, l_ref):
    x = out_ref[...]
    m = jnp.max(x, axis=1, keepdims=True)
    lse = m + jnp.log(jnp.sum(jnp.exp(x - m), axis=1, keepdims=True))
    logp = x - lse
    part = jnp.sum(wg_ref[...] * tgt_ref[...] * logp)
    nwr_ref[...] = wlg_ref[...] * x

    @pl.when(pl.program_id(0) == 0)
    def _():
        l_ref[...] = jnp.zeros((1, 1), jnp.float32)

    l_ref[...] += jnp.full((1, 1), -part)


def _claims_body(w_hbm, idx_hbm, out_hbm, wloc_hbm, wb_hbm, k_hbm,
                 idx_v, claim_v, wloc_v, wb_v, kbuf_v, cbuf_v,
                 sin0, sin1, sout0, sout1):
    wid = lax.axis_index("c") * 16 + lax.axis_index("s")
    base = jnp.minimum(wid * RPW, NROWS - RPW)
    lane = lax.iota(jnp.int32, 16)

    pltpu.sync_copy(idx_hbm, idx_v.at[pl.ds(0, BATCH)])
    for j in range((IDXPAD - BATCH) // 16):
        idx_v[pl.ds(BATCH + j * 16, 16)] = jnp.full((16,), -1, jnp.int32)

    def _init_body(i, _):
        claim_v[pl.ds(i * 16, 16)] = jnp.full((16,), -1, jnp.int32)
        return 0

    lax.fori_loop(0, CPAD // 16, _init_body, 0)

    def _fire_in(t, cslot, sem):
        return pltpu.async_copy(w_hbm.at[pl.ds(base + t * CROWS, CROWS)],
                                cbuf_v.at[cslot], sem)

    def _out_dma(t, cslot, sem):
        return pltpu.make_async_copy(
            cbuf_v.at[cslot],
            out_hbm.at[pl.ds(base + t * CROWS, CROWS)], sem)

    def _claim_body(g, _):
        iv = idx_v[pl.ds(g * 16, 16)]
        local = iv - base
        inr = (local >= 0) & (local < RPW)
        bv = lane + g * 16
        plsc.store_scatter(claim_v, [local], bv, mask=inr)
        cb = plsc.load_gather(claim_v, [local], mask=inr)
        bad = inr & (cb != bv)
        anybad = plsc.all_reduce_population_count(bad)[0] > 0

        @pl.when(anybad)
        def _():
            win = inr
            for sh in range(1, 16):
                later = _vgather(local, jnp.minimum(lane + sh, 15))
                valid = (lane + sh) < 16
                win = win & ~(valid & (later == local))
            plsc.store_scatter(claim_v, [local], bv, mask=win)

        return 0

    def _chunk_body(t, _):
        @pl.when(t % 2 == 0)
        def _():
            @pl.when(t >= 2)
            def _():
                _out_dma(t - 2, 0, sout0).wait()
            h = _fire_in(t, 0, sin0)
            lax.fori_loop(t * GPC, (t + 1) * GPC, _claim_body, 0)
            h.wait()
            _out_dma(t, 0, sout0).start()

        @pl.when(t % 2 == 1)
        def _():
            @pl.when(t >= 2)
            def _():
                _out_dma(t - 2, 1, sout1).wait()
            h = _fire_in(t, 1, sin1)
            lax.fori_loop(t * GPC, (t + 1) * GPC, _claim_body, 0)
            h.wait()
            _out_dma(t, 1, sout1).start()

        return 0

    lax.fori_loop(0, NCHUNK, _chunk_body, 0)
    _out_dma(NCHUNK - 2, 0, sout0).wait()
    _out_dma(NCHUNK - 1, 1, sout1).wait()

    def _compact_body(i, off):
        c = claim_v[pl.ds(i * 16, 16)]
        m = c >= 0
        pos = off + jnp.cumsum(m.astype(jnp.int32)) - 1
        plsc.store_scatter(wloc_v, [pos], lane + i * 16, mask=m)
        plsc.store_scatter(wb_v, [pos], c, mask=m)
        return off + plsc.all_reduce_population_count(m)[0]

    k_cnt = lax.fori_loop(0, CPAD // 16, _compact_body, jnp.int32(0))

    safe = jnp.maximum(k_cnt - 1, 0)
    rm = lax.rem(safe, 16)
    roff = safe - rm
    rms = jnp.broadcast_to(rm, (16,))
    lastloc = _vgather(wloc_v[pl.ds(roff, 16)], rms)
    lastb = _vgather(wb_v[pl.ds(roff, 16)], rms)
    for j in range(ACH // 16):
        plsc.store_scatter(wloc_v, [k_cnt + lane + j * 16], lastloc)
        plsc.store_scatter(wb_v, [k_cnt + lane + j * 16], lastb)

    pltpu.sync_copy(wloc_v, wloc_hbm.at[wid])
    pltpu.sync_copy(wb_v, wb_hbm.at[wid])
    kbuf_v[pl.ds(0, 16)] = jnp.broadcast_to(k_cnt, (16,))
    pltpu.sync_copy(kbuf_v, k_hbm.at[wid])


def _apply_body(out_hbm, nwr_hbm, s_hbm, wloc_hbm, wb_hbm, k_hbm,
                wloc_v, wb_v, kbuf_v, s_v, sbuf_v, buf_v, obuf_v,
                gs0, gs1, ss0, ss1):
    wid = lax.axis_index("c") * 16 + lax.axis_index("s")
    base = jnp.minimum(wid * RPW, NROWS - RPW)

    sh = pltpu.async_copy(s_hbm, s_v, gs1)
    pltpu.sync_copy(wloc_hbm.at[wid], wloc_v)
    pltpu.sync_copy(wb_hbm.at[wid], wb_v)
    pltpu.sync_copy(k_hbm.at[wid], kbuf_v)
    sh.wait()
    k_cnt = kbuf_v[pl.ds(0, 16)][0]
    ntrips = (k_cnt + ACH - 1) // ACH

    def _fire_gathers(t, aslot, sem):
        bref = wb_v.at[pl.ds(t * ACH, ACH)]
        pltpu.async_copy(nwr_hbm.at[bref], buf_v.at[aslot], sem)

    def _wait_gathers(t, aslot, sem):
        bref = wb_v.at[pl.ds(t * ACH, ACH)]
        pltpu.make_async_copy(nwr_hbm.at[bref], buf_v.at[aslot], sem).wait()

    def _scatter_dmas(t, aslot, sem):
        hs = []
        for j in range(ACH // 16):
            lv = wloc_v[pl.ds(t * ACH + j * 16, 16)] + base
            hs.append(pltpu.make_async_copy(
                obuf_v.at[aslot, pl.ds(j * 16, 16)], out_hbm.at[lv], sem))
        return hs

    @pl.when(ntrips > 0)
    def _():
        _fire_gathers(0, 0, gs0)

    def _trip(t, _):
        def _one(aslot, gsem, ssem):
            @pl.when(t + 1 < ntrips)
            def _():
                _fire_gathers(t + 1, 1 - aslot, gs1 if aslot == 0 else gs0)

            for j in range(ACH // 16):
                bv = wb_v[pl.ds(t * ACH + j * 16, 16)]
                sbuf_v[aslot, pl.ds(j * 16, 16)] = plsc.load_gather(s_v, [bv])

            _wait_gathers(t, aslot, gsem)

            @pl.when(t >= 2)
            def _():
                for h in _scatter_dmas(t - 2, aslot, ssem):
                    h.wait()

            def _rowdiv(r, _):
                rr = lax.rem(r, 16)
                sval = _vgather(sbuf_v[aslot, pl.ds(r - rr, 16)],
                                jnp.broadcast_to(rr, (16,)))
                inv = 1.0 / sval
                for c in range(NCLS // 16):
                    obuf_v[aslot, r, pl.ds(c * 16, 16)] = (
                        buf_v[aslot, r, pl.ds(c * 16, 16)] * inv)
                return 0

            lax.fori_loop(0, ACH, _rowdiv, 0)
            for h in _scatter_dmas(t, aslot, ssem):
                h.start()

        @pl.when(t % 2 == 0)
        def _():
            _one(0, gs0, ss0)

        @pl.when(t % 2 == 1)
        def _():
            _one(1, gs1, ss1)

        return 0

    lax.fori_loop(0, ntrips, _trip, 0)

    def _drain_scatters(sem):
        for j in range(ACH // 16):
            lv = wloc_v[pl.ds(j * 16, 16)] + base
            pltpu.make_async_copy(obuf_v.at[0, pl.ds(j * 16, 16)],
                                  out_hbm.at[lv], sem).wait()

    @pl.when(ntrips >= 2)
    def _():
        _drain_scatters(ss0)
        _drain_scatters(ss1)

    @pl.when(ntrips == 1)
    def _():
        _drain_scatters(ss0)


def _sc_claims(weights, indices):
    mesh = plsc.VectorSubcoreMesh(core_axis_name="c", subcore_axis_name="s")
    f = functools.partial(
        pl.kernel,
        mesh=mesh,
        compiler_params=pltpu.CompilerParams(needs_layout_passes=False),
        out_type=[
            jax.ShapeDtypeStruct((NROWS, NCLS), jnp.float32),
            jax.ShapeDtypeStruct((NWORK, WLPAD), jnp.int32),
            jax.ShapeDtypeStruct((NWORK, WLPAD), jnp.int32),
            jax.ShapeDtypeStruct((NWORK, 16), jnp.int32),
        ],
        scratch_types=[
            pltpu.VMEM((IDXPAD,), jnp.int32),
            pltpu.VMEM((CPAD,), jnp.int32),
            pltpu.VMEM((WLPAD,), jnp.int32),
            pltpu.VMEM((WLPAD,), jnp.int32),
            pltpu.VMEM((16,), jnp.int32),
            pltpu.VMEM((2, CROWS, NCLS), jnp.float32),
            pltpu.SemaphoreType.DMA,
            pltpu.SemaphoreType.DMA,
            pltpu.SemaphoreType.DMA,
            pltpu.SemaphoreType.DMA,
        ],
    )(_claims_body)
    return f(weights, indices)


def _sc_apply(out_ref, nw_raw, s, wloc_a, wb_a, k_a):
    mesh = plsc.VectorSubcoreMesh(core_axis_name="c", subcore_axis_name="s")
    f = functools.partial(
        pl.kernel,
        mesh=mesh,
        compiler_params=pltpu.CompilerParams(needs_layout_passes=False),
        out_type=(),
        scratch_types=[
            pltpu.VMEM((WLPAD,), jnp.int32),
            pltpu.VMEM((WLPAD,), jnp.int32),
            pltpu.VMEM((16,), jnp.int32),
            pltpu.VMEM((BATCH,), jnp.float32),
            pltpu.VMEM((2, ACH), jnp.float32),
            pltpu.VMEM((2, ACH, NCLS), jnp.float32),
            pltpu.VMEM((2, ACH, NCLS), jnp.float32),
            pltpu.SemaphoreType.DMA,
            pltpu.SemaphoreType.DMA,
            pltpu.SemaphoreType.DMA,
            pltpu.SemaphoreType.DMA,
        ],
    )(_apply_body)
    f(out_ref, nw_raw, s, wloc_a, wb_a, k_a)


def kernel(output, targets, weights, weak_labels, indices):
    w_g = jnp.take(weights, indices, axis=0)
    wl_g = jnp.take(weak_labels, indices, axis=0)
    grid = BATCH // BBLK
    row_spec = pl.BlockSpec((BBLK, NCLS), lambda i: (i, 0))
    nw_raw, lmat = pl.pallas_call(
        _dense_body,
        grid=(grid,),
        in_specs=[row_spec, row_spec, row_spec, row_spec],
        out_specs=[row_spec, pl.BlockSpec((1, 1), lambda i: (0, 0))],
        out_shape=[
            jax.ShapeDtypeStruct((BATCH, NCLS), jnp.float32),
            jax.ShapeDtypeStruct((1, 1), jnp.float32),
        ],
    )(output, targets, w_g, wl_g)
    updated0, wloc_a, wb_a, k_a = _sc_claims(weights, indices)
    s = jnp.sum(nw_raw, axis=1)
    uref = jax.new_ref(updated0)
    _sc_apply(uref, nw_raw, s, wloc_a, wb_a, k_a)
    updated = jax.freeze(uref)
    return lmat[0, 0], updated

# --- scband reference (transcript-rebuilt; emitter-appended) ---
"""Pipeline reference for scband-partial-loss-20718922236417 (READ-ONLY COPY).

The authoritative reference and input builder live on the scoring server;
editing this copy changes nothing except your own understanding.
"""

import jax, jax.numpy as jnp
import numpy as np

N_ROWS = 100000
N_CLASSES = 128
BATCH = 16384

def setup_inputs(seed: int = 0) -> dict:
    key = jax.random.key(seed)
    k1, k2, k3, k4 = jax.random.split(key, 4)
    output = jax.random.normal(k1, (BATCH, N_CLASSES), dtype=jnp.float32)
    targets = jax.random.uniform(k2, (BATCH, N_CLASSES), dtype=jnp.float32)
    indices = jax.random.randint(k3, (BATCH,), 0, N_ROWS, dtype=jnp.int32)
    # Persistent module state sized per init_kwargs (weak_labels: [N_ROWS, N_CLASSES]).
    weak_labels = jax.random.uniform(k4, (N_ROWS, N_CLASSES), dtype=jnp.float32) + 1e-3
    weights = weak_labels / jnp.sum(weak_labels, axis=1, keepdims=True)
    return {"output": output, "targets": targets, "weights": weights,
            "weak_labels": weak_labels, "indices": indices}

def reference(output, targets, weights, weak_labels, indices):
    # v = output - mean(output, axis=1, keepdims=True)
    v = output - jnp.mean(output, axis=1, keepdims=True)
    # nn.LogSoftmax() with no dim on a 2D tensor applies along dim=1
    logp = jax.nn.log_softmax(v, axis=1)
    # weights[indices].detach()
    w_gathered = jax.lax.stop_gradient(jnp.take(weights, indices, axis=0))
    L = -jnp.sum(w_gathered * targets * logp)
    # new_weights = weak_labels[indices].detach() * output.detach()
    new_weights = jax.lax.stop_gradient(jnp.take(weak_labels, indices, axis=0)) * jax.lax.stop_gradient(output)
    new_weights = new_weights / jnp.sum(new_weights, axis=1, keepdims=True)
    # in-place scatter overwrite: self.weights[indices] = ...
    updated_weights = weights.at[indices].set(new_weights)
    return L, updated_weights

if __name__ == "__main__":
    import jax
    _d = setup_inputs()
    print(jax.jit(kernel)(*tuple(_d.values())))

</pallas_src>

<mosaic_0001>
#map = affine_map<(d0, d1) -> (0, 0)>
#map1 = affine_map<(d0, d1) -> (0)>
module attributes {stable_mosaic.version = 14 : i64} {
  func.func @_claims_body(%arg0: i32, %arg1: i32, %arg2: memref<100000x128xf32, #tpu.memory_space<hbm>>, %arg3: memref<16384xi32, #tpu.memory_space<hbm>>, %arg4: memref<100000x128xf32, #tpu.memory_space<hbm>>, %arg5: memref<32x3200xi32, #tpu.memory_space<hbm>>, %arg6: memref<32x3200xi32, #tpu.memory_space<hbm>>, %arg7: memref<32x16xi32, #tpu.memory_space<hbm>>, %arg8: memref<16576xi32, #tpu.memory_space<vmem>>, %arg9: memref<3136xi32, #tpu.memory_space<vmem>>, %arg10: memref<3200xi32, #tpu.memory_space<vmem>>, %arg11: memref<3200xi32, #tpu.memory_space<vmem>>, %arg12: memref<16xi32, #tpu.memory_space<vmem>>, %arg13: memref<2x224x128xf32, #tpu.memory_space<vmem>>, %arg14: memref<!tpu.dma_semaphore, #tpu.memory_space<semaphore_mem>>, %arg15: memref<!tpu.dma_semaphore, #tpu.memory_space<semaphore_mem>>, %arg16: memref<!tpu.dma_semaphore, #tpu.memory_space<semaphore_mem>>, %arg17: memref<!tpu.dma_semaphore, #tpu.memory_space<semaphore_mem>>) attributes {dimension_semantics = [#tpu.dimension_semantics<core_parallel>, #tpu.dimension_semantics<subcore_parallel>], iteration_bounds = array<i64: 2, 16>, scalar_prefetch = 0 : i64, scratch_operands = 10 : i64, tpu.core_type = #tpu.core_type<sc_vector_subcore>, window_params = [{transform_indices = #map}, {transform_indices = #map1}, {transform_indices = #map}, {transform_indices = #map}, {transform_indices = #map}, {transform_indices = #map}]} {
    %mul3A = arith.constant 16 : i32
    %mul3A_0 = arith.muli %arg0, %mul3A : i32
    %add3A = arith.addi %mul3A_0, %arg1 : i32
    %mul3A_1 = arith.constant 3136 : i32
    %mul3A_2 = arith.muli %add3A, %mul3A_1 : i32
    %min3A = arith.constant 96864 : i32
    %min3A_3 = arith.minsi %mul3A_2, %min3A : i32
    %iota3A = tpu.iota {dimensions = array<i32: 0>} : vector<16xi32>
    "tpu.region"() ({
      %run_scoped3A = tpu.sem_alloc : memref<!tpu.dma_semaphore, #tpu.memory_space<semaphore_mem>>
      %dma_start3A = arith.constant 0 : i32
      %dma_start3A_155 = tpu.memref_slice %arg8[%dma_start3A] : memref<16576xi32, #tpu.memory_space<vmem>> -> memref<16384xi32, #tpu.memory_space<vmem>>
      %dma_start3A_156 = arith.constant 0 : i32
      %dma_start3A_157 = tpu.memref_slice %arg8[%dma_start3A_156] : memref<16576xi32, #tpu.memory_space<vmem>> -> memref<16384xi32, #tpu.memory_space<vmem>>
      tpu.enqueue_dma source(%arg3 : memref<16384xi32, #tpu.memory_space<hbm>>) target(%dma_start3A_157 : memref<16384xi32, #tpu.memory_space<vmem>>) target_semaphore(%run_scoped3A : memref<!tpu.dma_semaphore, #tpu.memory_space<semaphore_mem>>)
      %dma_wait3A_158 = arith.constant 0 : i32
      %dma_wait3A_159 = tpu.memref_slice %arg8[%dma_wait3A_158] : memref<16576xi32, #tpu.memory_space<vmem>> -> memref<16384xi32, #tpu.memory_space<vmem>>
      %dma_wait3A_160 = arith.constant 0 : i32
      %dma_wait3A_161 = tpu.memref_slice %arg8[%dma_wait3A_160] : memref<16576xi32, #tpu.memory_space<vmem>> -> memref<16384xi32, #tpu.memory_space<vmem>>
      tpu.wait_dma2 semaphore(%run_scoped3A : memref<!tpu.dma_semaphore, #tpu.memory_space<semaphore_mem>>) src(%arg3 : memref<16384xi32, #tpu.memory_space<hbm>>) dst(%dma_wait3A_161 : memref<16384xi32, #tpu.memory_space<vmem>>)
      tpu.yield
    }) : () -> ()
    %broadcast_in_dim3A = arith.constant -1 : i32
    %broadcast_in_dim3A_4 = vector.broadcast %broadcast_in_dim3A : i32 to vector<16xi32>
    %swap3A = arith.constant 16384 : index
    %swap3A_5 = tpu.vector_load %arg8[%swap3A] {strides = array<i32>} : memref<16576xi32, #tpu.memory_space<vmem>>, vector<16xi32>,
    tpu.vector_store %arg8[%swap3A], %broadcast_in_dim3A_4 {strides = array<i32>} : memref<16576xi32, #tpu.memory_space<vmem>>, vector<16xi32>,
    %broadcast_in_dim3A_6 = arith.constant -1 : i32
    %broadcast_in_dim3A_7 = vector.broadcast %broadcast_in_dim3A_6 : i32 to vector<16xi32>
    %swap3A_8 = arith.constant 16400 : index
    %swap3A_9 = tpu.vector_load %arg8[%swap3A_8] {strides = array<i32>} : memref<16576xi32, #tpu.memory_space<vmem>>, vector<16xi32>,
    tpu.vector_store %arg8[%swap3A_8], %broadcast_in_dim3A_7 {strides = array<i32>} : memref<16576xi32, #tpu.memory_space<vmem>>, vector<16xi32>,
    %broadcast_in_dim3A_10 = arith.constant -1 : i32
    %broadcast_in_dim3A_11 = vector.broadcast %broadcast_in_dim3A_10 : i32 to vector<16xi32>
    %swap3A_12 = arith.constant 16416 : index
    %swap3A_13 = tpu.vector_load %arg8[%swap3A_12] {strides = array<i32>} : memref<16576xi32, #tpu.memory_space<vmem>>, vector<16xi32>,
    tpu.vector_store %arg8[%swap3A_12], %broadcast_in_dim3A_11 {strides = array<i32>} : memref<16576xi32, #tpu.memory_space<vmem>>, vector<16xi32>,
    %broadcast_in_dim3A_14 = arith.constant -1 : i32
    %broadcast_in_dim3A_15 = vector.broadcast %broadcast_in_dim3A_14 : i32 to vector<16xi32>
    %swap3A_16 = arith.constant 16432 : index
    %swap3A_17 = tpu.vector_load %arg8[%swap3A_16] {strides = array<i32>} : memref<16576xi32, #tpu.memory_space<vmem>>, vector<16xi32>,
    tpu.vector_store %arg8[%swap3A_16], %broadcast_in_dim3A_15 {strides = array<i32>} : memref<16576xi32, #tpu.memory_space<vmem>>, vector<16xi32>,
    %broadcast_in_dim3A_18 = arith.constant -1 : i32
    %broadcast_in_dim3A_19 = vector.broadcast %broadcast_in_dim3A_18 : i32 to vector<16xi32>
    %swap3A_20 = arith.constant 16448 : index
    %swap3A_21 = tpu.vector_load %arg8[%swap3A_20] {strides = array<i32>} : memref<16576xi32, #tpu.memory_space<vmem>>, vector<16xi32>,
    tpu.vector_store %arg8[%swap3A_20], %broadcast_in_dim3A_19 {strides = array<i32>} : memref<16576xi32, #tpu.memory_space<vmem>>, vector<16xi32>,
    %broadcast_in_dim3A_22 = arith.constant -1 : i32
    %broadcast_in_dim3A_23 = vector.broadcast %broadcast_in_dim3A_22 : i32 to vector<16xi32>
    %swap3A_24 = arith.constant 16464 : index
    %swap3A_25 = tpu.vector_load %arg8[%swap3A_24] {strides = array<i32>} : memref<16576xi32, #tpu.memory_space<vmem>>, vector<16xi32>,
    tpu.vector_store %arg8[%swap3A_24], %broadcast_in_dim3A_23 {strides = array<i32>} : memref<16576xi32, #tpu.memory_space<vmem>>, vector<16xi32>,
    %broadcast_in_dim3A_26 = arith.constant -1 : i32
    %broadcast_in_dim3A_27 = vector.broadcast %broadcast_in_dim3A_26 : i32 to vector<16xi32>
    %swap3A_28 = arith.constant 16480 : index
    %swap3A_29 = tpu.vector_load %arg8[%swap3A_28] {strides = array<i32>} : memref<16576xi32, #tpu.memory_space<vmem>>, vector<16xi32>,
    tpu.vector_store %arg8[%swap3A_28], %broadcast_in_dim3A_27 {strides = array<i32>} : memref<16576xi32, #tpu.memory_space<vmem>>, vector<16xi32>,
    %broadcast_in_dim3A_30 = arith.constant -1 : i32
    %broadcast_in_dim3A_31 = vector.broadcast %broadcast_in_dim3A_30 : i32 to vector<16xi32>
    %swap3A_32 = arith.constant 16496 : index
    %swap3A_33 = tpu.vector_load %arg8[%swap3A_32] {strides = array<i32>} : memref<16576xi32, #tpu.memory_space<vmem>>, vector<16xi32>,
    tpu.vector_store %arg8[%swap3A_32], %broadcast_in_dim3A_31 {strides = array<i32>} : memref<16576xi32, #tpu.memory_space<vmem>>, vector<16xi32>,
    %broadcast_in_dim3A_34 = arith.constant -1 : i32
    %broadcast_in_dim3A_35 = vector.broadcast %broadcast_in_dim3A_34 : i32 to vector<16xi32>
    %swap3A_36 = arith.constant 16512 : index
    %swap3A_37 = tpu.vector_load %arg8[%swap3A_36] {strides = array<i32>} : memref<16576xi32, #tpu.memory_space<vmem>>, vector<16xi32>,
    tpu.vector_store %arg8[%swap3A_36], %broadcast_in_dim3A_35 {strides = array<i32>} : memref<16576xi32, #tpu.memory_space<vmem>>, vector<16xi32>,
    %broadcast_in_dim3A_38 = arith.constant -1 : i32
    %broadcast_in_dim3A_39 = vector.broadcast %broadcast_in_dim3A_38 : i32 to vector<16xi32>
    %swap3A_40 = arith.constant 16528 : index
    %swap3A_41 = tpu.vector_load %arg8[%swap3A_40] {strides = array<i32>} : memref<16576xi32, #tpu.memory_space<vmem>>, vector<16xi32>,
    tpu.vector_store %arg8[%swap3A_40], %broadcast_in_dim3A_39 {strides = array<i32>} : memref<16576xi32, #tpu.memory_space<vmem>>, vector<16xi32>,
    %broadcast_in_dim3A_42 = arith.constant -1 : i32
    %broadcast_in_dim3A_43 = vector.broadcast %broadcast_in_dim3A_42 : i32 to vector<16xi32>
    %swap3A_44 = arith.constant 16544 : index
    %swap3A_45 = tpu.vector_load %arg8[%swap3A_44] {strides = array<i32>} : memref<16576xi32, #tpu.memory_space<vmem>>, vector<16xi32>,
    tpu.vector_store %arg8[%swap3A_44], %broadcast_in_dim3A_43 {strides = array<i32>} : memref<16576xi32, #tpu.memory_space<vmem>>, vector<16xi32>,
    %broadcast_in_dim3A_46 = arith.constant -1 : i32
    %broadcast_in_dim3A_47 = vector.broadcast %broadcast_in_dim3A_46 : i32 to vector<16xi32>
    %swap3A_48 = arith.constant 16560 : index
    %swap3A_49 = tpu.vector_load %arg8[%swap3A_48] {strides = array<i32>} : memref<16576xi32, #tpu.memory_space<vmem>>, vector<16xi32>,
    tpu.vector_store %arg8[%swap3A_48], %broadcast_in_dim3A_47 {strides = array<i32>} : memref<16576xi32, #tpu.memory_space<vmem>>, vector<16xi32>,
    %scan3A = arith.constant 0 : i32
    %scan3A_50 = arith.constant 0 : i32
    %scan3A_51 = arith.constant 196 : i32
    %scan3A_52 = arith.addi %scan3A_50, %scan3A_51 : i32
    %scan3A_53 = arith.constant 1 : i32
    %scan3A_54 = scf.for %scan3A_155 = %scan3A_50 to %scan3A_52 step %scan3A_53 iter_args(%scan3A_156 = %scan3A) -> (i32)  : i32 {
      %broadcast_in_dim3A_157 = arith.constant -1 : i32
      %broadcast_in_dim3A_158 = vector.broadcast %broadcast_in_dim3A_157 : i32 to vector<16xi32>
      %mul3A_159 = arith.constant 16 : i32
      %mul3A_160 = arith.muli %scan3A_155, %mul3A_159 : i32
      %swap3A_161 = arith.index_cast %mul3A_160 : i32 to index
      %swap3A_162 = tpu.vector_load %arg9[%swap3A_161] {strides = array<i32>} : memref<3136xi32, #tpu.memory_space<vmem>>, vector<16xi32>,
      tpu.vector_store %arg9[%swap3A_161], %broadcast_in_dim3A_158 {strides = array<i32>} : memref<3136xi32, #tpu.memory_space<vmem>>, vector<16xi32>,
      %scan3A_163 = arith.constant 0 : i32
      scf.yield %scan3A_163 : i32
    }
    %scan3A_55 = arith.constant 196 : i32
    %scan3A_56 = arith.constant 0 : i32
    %scan3A_57 = arith.constant 0 : i32
    %scan3A_58 = arith.constant 14 : i32
    %scan3A_59 = arith.addi %scan3A_57, %scan3A_58 : i32
    %scan3A_60 = arith.constant 1 : i32
    %scan3A_61 = scf.for %scan3A_155 = %scan3A_57 to %scan3A_59 step %scan3A_60 iter_args(%scan3A_156 = %scan3A_56) -> (i32)  : i32 {
      %jit3A = arith.constant 2 : i32
      %eq3A = arith.constant 0 : i32
      %eq3A_157 = arith.cmpi eq, %jit3A, %eq3A : i32
      %jit3A_158 = arith.constant 1 : i32
      %select_n3A = arith.select %eq3A_157, %jit3A_158, %jit3A : i32
      %rem3A_159 = arith.remsi %scan3A_155, %select_n3A : i32
      %ne3A = arith.constant 0 : i32
      %ne3A_160 = arith.cmpi ne, %rem3A_159, %ne3A : i32
      %lt3A = arith.constant 0 : i32
      %lt3A_161 = arith.cmpi slt, %rem3A_159, %lt3A : i32
      %lt3A_162 = arith.constant 0 : i32
      %lt3A_163 = arith.cmpi slt, %select_n3A, %lt3A_162 : i32
      %ne3A_164 = arith.xori %lt3A_161, %lt3A_163 : i1
      %and3A = arith.andi %ne3A_164, %ne3A_160 : i1
      %add3A_165 = arith.addi %rem3A_159, %select_n3A : i32
      %select_n3A_166 = arith.select %and3A, %add3A_165, %rem3A_159 : i32
      %eq3A_167 = arith.constant 0 : i32
      %eq3A_168 = arith.cmpi eq, %select_n3A_166, %eq3A_167 : i32
      %convert_element_type3A = arith.extui %eq3A_168 : i1 to i32
      %cond3A = arith.constant 0 : i32
      %cond3A_169 = arith.cmpi ne, %convert_element_type3A, %cond3A : i32
      scf.if %cond3A_169 {
        %ge3A = arith.constant 2 : i32
        %ge3A_192 = arith.cmpi sge, %scan3A_155, %ge3A : i32
        %convert_element_type3A_193 = arith.extui %ge3A_192 : i1 to i32
        %cond3A_194 = arith.constant 0 : i32
        %cond3A_195 = arith.cmpi ne, %convert_element_type3A_193, %cond3A_194 : i32
        scf.if %cond3A_195 {
          %sub3A_256 = arith.constant 2 : i32
          %sub3A_257 = arith.subi %scan3A_155, %sub3A_256 : i32
          %mul3A_258 = arith.constant 224 : i32
          %mul3A_259 = arith.muli %sub3A_257, %mul3A_258 : i32
          %add3A_260 = arith.addi %min3A_3, %mul3A_259 : i32
          %dma_wait3A_261 = arith.constant 0 : i32
          %dma_wait3A_262 = arith.constant 0 : i32
          %dma_wait3A_263 = arith.constant 0 : i32
          %dma_wait3A_264 = tpu.memref_slice %arg13[%dma_wait3A_261, %dma_wait3A_262, %dma_wait3A_263] : memref<2x224x128xf32, #tpu.memory_space<vmem>> -> memref<1x224x128xf32, #tpu.memory_space<vmem>>
          %dma_wait3A_265 = tpu.memref_squeeze %dma_wait3A_264 : memref<1x224x128xf32, #tpu.memory_space<vmem>> -> memref<224x128xf32, #tpu.memory_space<vmem>>
          %dma_wait3A_266 = arith.constant 0 : i32
          %dma_wait3A_267 = tpu.memref_slice %arg4[%add3A_260, %dma_wait3A_266] : memref<100000x128xf32, #tpu.memory_space<hbm>> -> memref<224x128xf32, #tpu.memory_space<hbm>>
          %dma_wait3A_268 = arith.constant 0 : i32
          %dma_wait3A_269 = tpu.memref_slice %arg4[%add3A_260, %dma_wait3A_268] : memref<100000x128xf32, #tpu.memory_space<hbm>> -> memref<224x128xf32, #tpu.memory_space<hbm>>
          %dma_wait3A_270 = arith.constant 0 : i32
          %dma_wait3A_271 = arith.constant 0 : i32
          %dma_wait3A_272 = tpu.memref_slice %arg13[%dma_wait3A_261, %dma_wait3A_270, %dma_wait3A_271] : memref<2x224x128xf32, #tpu.memory_space<vmem>> -> memref<1x224x128xf32, #tpu.memory_space<vmem>>
          %dma_wait3A_273 = tpu.memref_squeeze %dma_wait3A_272 : memref<1x224x128xf32, #tpu.memory_space<vmem>> -> memref<224x128xf32, #tpu.memory_space<vmem>>
          tpu.wait_dma2 semaphore(%arg16 : memref<!tpu.dma_semaphore, #tpu.memory_space<semaphore_mem>>) src(%dma_wait3A_273 : memref<224x128xf32, #tpu.memory_space<vmem>>) dst(%dma_wait3A_269 : memref<224x128xf32, #tpu.memory_space<hbm>>)
        } else {
        }
        %mul3A_196 = arith.constant 224 : i32
        %mul3A_197 = arith.muli %scan3A_155, %mul3A_196 : i32
        %add3A_198 = arith.addi %min3A_3, %mul3A_197 : i32
        %dma_start3A = arith.constant 0 : i32
        %dma_start3A_199 = arith.constant 0 : i32
        %dma_start3A_200 = arith.constant 0 : i32
        %dma_start3A_201 = tpu.memref_slice %arg13[%dma_start3A, %dma_start3A_199, %dma_start3A_200] : memref<2x224x128xf32, #tpu.memory_space<vmem>> -> memref<1x224x128xf32, #tpu.memory_space<vmem>>
        %dma_start3A_202 = tpu.memref_squeeze %dma_start3A_201 : memref<1x224x128xf32, #tpu.memory_space<vmem>> -> memref<224x128xf32, #tpu.memory_space<vmem>>
        %dma_start3A_203 = arith.constant 0 : i32
        %dma_start3A_204 = tpu.memref_slice %arg2[%add3A_198, %dma_start3A_203] : memref<100000x128xf32, #tpu.memory_space<hbm>> -> memref<224x128xf32, #tpu.memory_space<hbm>>
        %dma_start3A_205 = arith.constant 0 : i32
        %dma_start3A_206 = arith.constant 0 : i32
        %dma_start3A_207 = tpu.memref_slice %arg13[%dma_start3A, %dma_start3A_205, %dma_start3A_206] : memref<2x224x128xf32, #tpu.memory_space<vmem>> -> memref<1x224x128xf32, #tpu.memory_space<vmem>>
        %dma_start3A_208 = tpu.memref_squeeze %dma_start3A_207 : memref<1x224x128xf32, #tpu.memory_space<vmem>> -> memref<224x128xf32, #tpu.memory_space<vmem>>
        %dma_start3A_209 = arith.constant 0 : i32
        %dma_start3A_210 = tpu.memref_slice %arg2[%add3A_198, %dma_start3A_209] : memref<100000x128xf32, #tpu.memory_space<hbm>> -> memref<224x128xf32, #tpu.memory_space<hbm>>
        tpu.enqueue_dma source(%dma_start3A_210 : memref<224x128xf32, #tpu.memory_space<hbm>>) target(%dma_start3A_208 : memref<224x128xf32, #tpu.memory_space<vmem>>) target_semaphore(%arg14 : memref<!tpu.dma_semaphore, #tpu.memory_space<semaphore_mem>>)
        %mul3A_211 = arith.constant 74 : i32
        %mul3A_212 = arith.muli %scan3A_155, %mul3A_211 : i32
        %add3A_213 = arith.constant 1 : i32
        %add3A_214 = arith.addi %scan3A_155, %add3A_213 : i32
        %mul3A_215 = arith.constant 74 : i32
        %mul3A_216 = arith.muli %add3A_214, %mul3A_215 : i32
        %while3A = arith.constant 0 : i32
        %while3A_217 = arith.subi %mul3A_216, %mul3A_212 : i32
        %while3A_218 = arith.addi %mul3A_212, %while3A_217 : i32
        %while3A_219 = arith.constant 1 : i32
        %while3A_220 = arith.divsi %while3A_217, %while3A_219 : i32
        %while3A_221 = arith.muli %while3A_220, %while3A_219 : i32
        %while3A_222 = arith.addi %mul3A_212, %while3A_221 : i32
        %while3A_223 = arith.constant 1 : i32
        %while3A_224 = scf.for %while3A_256 = %mul3A_212 to %while3A_222 step %while3A_223 iter_args(%while3A_257 = %while3A) -> (i32)  : i32 {
          %mul3A_258 = arith.constant 16 : i32
          %mul3A_259 = arith.muli %while3A_256, %mul3A_258 : i32
          %get3A_260 = arith.index_cast %mul3A_259 : i32 to index
          %get3A_261 = tpu.vector_load %arg8[%get3A_260] {strides = array<i32>} : memref<16576xi32, #tpu.memory_space<vmem>>, vector<16xi32>,
          %sub3A_262 = vector.broadcast %min3A_3 : i32 to vector<16xi32>
          %sub3A_263 = arith.subi %get3A_261, %sub3A_262 : vector<16xi32>
          %ge3A_264 = arith.constant 0 : i32
          %ge3A_265 = vector.broadcast %ge3A_264 : i32 to vector<16xi32>
          %ge3A_266 = arith.cmpi sge, %sub3A_263, %ge3A_265 : vector<16xi32>
          %lt3A_267 = arith.constant 3136 : i32
          %lt3A_268 = vector.broadcast %lt3A_267 : i32 to vector<16xi32>
          %lt3A_269 = arith.cmpi slt, %sub3A_263, %lt3A_268 : vector<16xi32>
          %and3A_270 = arith.andi %ge3A_266, %lt3A_269 : vector<16xi1>
          %mul3A_271 = arith.constant 16 : i32
          %mul3A_272 = arith.muli %while3A_256, %mul3A_271 : i32
          %add3A_273 = vector.broadcast %mul3A_272 : i32 to vector<16xi32>
          %add3A_274 = arith.addi %iota3A, %add3A_273 : vector<16xi32>
          tpu.vector_store_idx %arg9[%sub3A_263], %add3A_274 masked %and3A_270 : memref<3136xi32, #tpu.memory_space<vmem>>[vector<16xi32>], vector<16xi32>, vector<16xi1>
          %gather3A_275 = tpu.vector_load_idx %arg9[%sub3A_263] masked %and3A_270 : memref<3136xi32, #tpu.memory_space<vmem>>[vector<16xi32>], vector<16xi32>, vector<16xi1>
          %ne3A_276 = arith.cmpi ne, %gather3A_275, %add3A_274 : vector<16xi32>
          %and3A_277 = arith.andi %and3A_270, %ne3A_276 : vector<16xi1>
          %all_reduce_population_count3A = tpu.all_reduce %and3A_277 {dim = 0 : i64, kind = #tpu.reduction_kind<sum>} : vector<16xi1> -> vector<16xi32>
          %slice3A = vector.extract_strided_slice %all_reduce_population_count3A {offsets = [0], sizes = [1], strides = [1]} : vector<16xi32> to vector<1xi32>
          %squeeze3A = vector.extract %slice3A[0] : i32 from vector<1xi32>
          %gt3A = arith.constant 0 : i32
          %gt3A_278 = arith.cmpi sgt, %squeeze3A, %gt3A : i32
          %convert_element_type3A_279 = arith.extui %gt3A_278 : i1 to i32
          %cond3A_280 = arith.constant 0 : i32
          %cond3A_281 = arith.cmpi ne, %convert_element_type3A_279, %cond3A_280 : i32
          scf.if %cond3A_281 {
            %add3A_283 = arith.constant 1 : i32
            %add3A_284 = vector.broadcast %add3A_283 : i32 to vector<16xi32>
            %add3A_285 = arith.addi %iota3A, %add3A_284 : vector<16xi32>
            %min3A_286 = arith.constant 15 : i32
            %min3A_287 = vector.broadcast %min3A_286 : i32 to vector<16xi32>
            %min3A_288 = arith.minsi %add3A_285, %min3A_287 : vector<16xi32>
            %broadcast_in_dim3A_289 = vector.shape_cast %min3A_288 : vector<16xi32> to vector<16x1xi32>
            %gather3A_290 = vector.shape_cast %broadcast_in_dim3A_289 : vector<16x1xi32> to vector<16xi32>
            %gather3A_291 = tpu.dynamic_gather %sub3A_263[%gather3A_290] in [0] : vector<16xi32>, vector<16xi32> -> vector<16xi32>
            %add3A_292 = arith.constant 1 : i32
            %add3A_293 = vector.broadcast %add3A_292 : i32 to vector<16xi32>
            %add3A_294 = arith.addi %iota3A, %add3A_293 : vector<16xi32>
            %lt3A_295 = arith.constant 16 : i32
            %lt3A_296 = vector.broadcast %lt3A_295 : i32 to vector<16xi32>
            %lt3A_297 = arith.cmpi slt, %add3A_294, %lt3A_296 : vector<16xi32>
            %eq3A_298 = arith.cmpi eq, %gather3A_291, %sub3A_263 : vector<16xi32>
            %and3A_299 = arith.andi %lt3A_297, %eq3A_298 : vector<16xi1>
            %not3A = arith.constant dense<true> : vector<16xi1>
            %not3A_300 = arith.xori %and3A_299, %not3A : vector<16xi1>
            %and3A_301 = arith.andi %and3A_270, %not3A_300 : vector<16xi1>
            %add3A_302 = arith.constant 2 : i32
            %add3A_303 = vector.broadcast %add3A_302 : i32 to vector<16xi32>
            %add3A_304 = arith.addi %iota3A, %add3A_303 : vector<16xi32>
            %min3A_305 = arith.constant 15 : i32
            %min3A_306 = vector.broadcast %min3A_305 : i32 to vector<16xi32>
            %min3A_307 = arith.minsi %add3A_304, %min3A_306 : vector<16xi32>
            %broadcast_in_dim3A_308 = vector.shape_cast %min3A_307 : vector<16xi32> to vector<16x1xi32>
            %gather3A_309 = vector.shape_cast %broadcast_in_dim3A_308 : vector<16x1xi32> to vector<16xi32>
            %gather3A_310 = tpu.dynamic_gather %sub3A_263[%gather3A_309] in [0] : vector<16xi32>, vector<16xi32> -> vector<16xi32>
            %add3A_311 = arith.constant 2 : i32
            %add3A_312 = vector.broadcast %add3A_311 : i32 to vector<16xi32>
            %add3A_313 = arith.addi %iota3A, %add3A_312 : vector<16xi32>
            %lt3A_314 = arith.constant 16 : i32
            %lt3A_315 = vector.broadcast %lt3A_314 : i32 to vector<16xi32>
            %lt3A_316 = arith.cmpi slt, %add3A_313, %lt3A_315 : vector<16xi32>
            %eq3A_317 = arith.cmpi eq, %gather3A_310, %sub3A_263 : vector<16xi32>
            %and3A_318 = arith.andi %lt3A_316, %eq3A_317 : vector<16xi1>
            %not3A_319 = arith.constant dense<true> : vector<16xi1>
            %not3A_320 = arith.xori %and3A_318, %not3A_319 : vector<16xi1>
            %and3A_321 = arith.andi %and3A_301, %not3A_320 : vector<16xi1>
            %add3A_322 = arith.constant 3 : i32
            %add3A_323 = vector.broadcast %add3A_322 : i32 to vector<16xi32>
            %add3A_324 = arith.addi %iota3A, %add3A_323 : vector<16xi32>
            %min3A_325 = arith.constant 15 : i32
            %min3A_326 = vector.broadcast %min3A_325 : i32 to vector<16xi32>
            %min3A_327 = arith.minsi %add3A_324, %min3A_326 : vector<16xi32>
            %broadcast_in_dim3A_328 = vector.shape_cast %min3A_327 : vector<16xi32> to vector<16x1xi32>
            %gather3A_329 = vector.shape_cast %broadcast_in_dim3A_328 : vector<16x1xi32> to vector<16xi32>
            %gather3A_330 = tpu.dynamic_gather %sub3A_263[%gather3A_329] in [0] : vector<16xi32>, vector<16xi32> -> vector<16xi32>
            %add3A_331 = arith.constant 3 : i32
            %add3A_332 = vector.broadcast %add3A_331 : i32 to vector<16xi32>
            %add3A_333 = arith.addi %iota3A, %add3A_332 : vector<16xi32>
            %lt3A_334 = arith.constant 16 : i32
            %lt3A_335 = vector.broadcast %lt3A_334 : i32 to vector<16xi32>
            %lt3A_336 = arith.cmpi slt, %add3A_333, %lt3A_335 : vector<16xi32>
            %eq3A_337 = arith.cmpi eq, %gather3A_330, %sub3A_263 : vector<16xi32>
            %and3A_338 = arith.andi %lt3A_336, %eq3A_337 : vector<16xi1>
            %not3A_339 = arith.constant dense<true> : vector<16xi1>
            %not3A_340 = arith.xori %and3A_338, %not3A_339 : vector<16xi1>
            %and3A_341 = arith.andi %and3A_321, %not3A_340 : vector<16xi1>
            %add3A_342 = arith.constant 4 : i32
            %add3A_343 = vector.broadcast %add3A_342 : i32 to vector<16xi32>
            %add3A_344 = arith.addi %iota3A, %add3A_343 : vector<16xi32>
            %min3A_345 = arith.constant 15 : i32
            %min3A_346 = vector.broadcast %min3A_345 : i32 to vector<16xi32>
            %min3A_347 = arith.minsi %add3A_344, %min3A_346 : vector<16xi32>
            %broadcast_in_dim3A_348 = vector.shape_cast %min3A_347 : vector<16xi32> to vector<16x1xi32>
            %gather3A_349 = vector.shape_cast %broadcast_in_dim3A_348 : vector<16x1xi32> to vector<16xi32>
            %gather3A_350 = tpu.dynamic_gather %sub3A_263[%gather3A_349] in [0] : vector<16xi32>, vector<16xi32> -> vector<16xi32>
            %add3A_351 = arith.constant 4 : i32
            %add3A_352 = vector.broadcast %add3A_351 : i32 to vector<16xi32>
            %add3A_353 = arith.addi %iota3A, %add3A_352 : vector<16xi32>
            %lt3A_354 = arith.constant 16 : i32
            %lt3A_355 = vector.broadcast %lt3A_354 : i32 to vector<16xi32>
            %lt3A_356 = arith.cmpi slt, %add3A_353, %lt3A_355 : vector<16xi32>
            %eq3A_357 = arith.cmpi eq, %gather3A_350, %sub3A_263 : vector<16xi32>
            %and3A_358 = arith.andi %lt3A_356, %eq3A_357 : vector<16xi1>
            %not3A_359 = arith.constant dense<true> : vector<16xi1>
            %not3A_360 = arith.xori %and3A_358, %not3A_359 : vector<16xi1>
            %and3A_361 = arith.andi %and3A_341, %not3A_360 : vector<16xi1>
            %add3A_362 = arith.constant 5 : i32
            %add3A_363 = vector.broadcast %add3A_362 : i32 to vector<16xi32>
            %add3A_364 = arith.addi %iota3A, %add3A_363 : vector<16xi32>
            %min3A_365 = arith.constant 15 : i32
            %min3A_366 = vector.broadcast %min3A_365 : i32 to vector<16xi32>
            %min3A_367 = arith.minsi %add3A_364, %min3A_366 : vector<16xi32>
            %broadcast_in_dim3A_368 = vector.shape_cast %min3A_367 : vector<16xi32> to vector<16x1xi32>
            %gather3A_369 = vector.shape_cast %broadcast_in_dim3A_368 : vector<16x1xi32> to vector<16xi32>
            %gather3A_370 = tpu.dynamic_gather %sub3A_263[%gather3A_369] in [0] : vector<16xi32>, vector<16xi32> -> vector<16xi32>
            %add3A_371 = arith.constant 5 : i32
            %add3A_372 = vector.broadcast %add3A_371 : i32 to vector<16xi32>
            %add3A_373 = arith.addi %iota3A, %add3A_372 : vector<16xi32>
            %lt3A_374 = arith.constant 16 : i32
            %lt3A_375 = vector.broadcast %lt3A_374 : i32 to vector<16xi32>
            %lt3A_376 = arith.cmpi slt, %add3A_373, %lt3A_375 : vector<16xi32>
            %eq3A_377 = arith.cmpi eq, %gather3A_370, %sub3A_263 : vector<16xi32>
            %and3A_378 = arith.andi %lt3A_376, %eq3A_377 : vector<16xi1>
            %not3A_379 = arith.constant dense<true> : vector<16xi1>
            %not3A_380 = arith.xori %and3A_378, %not3A_379 : vector<16xi1>
            %and3A_381 = arith.andi %and3A_361, %not3A_380 : vector<16xi1>
            %add3A_382 = arith.constant 6 : i32
            %add3A_383 = vector.broadcast %add3A_382 : i32 to vector<16xi32>
            %add3A_384 = arith.addi %iota3A, %add3A_383 : vector<16xi32>
            %min3A_385 = arith.constant 15 : i32
            %min3A_386 = vector.broadcast %min3A_385 : i32 to vector<16xi32>
            %min3A_387 = arith.minsi %add3A_384, %min3A_386 : vector<16xi32>
            %broadcast_in_dim3A_388 = vector.shape_cast %min3A_387 : vector<16xi32> to vector<16x1xi32>
            %gather3A_389 = vector.shape_cast %broadcast_in_dim3A_388 : vector<16x1xi32> to vector<16xi32>
            %gather3A_390 = tpu.dynamic_gather %sub3A_263[%gather3A_389] in [0] : vector<16xi32>, vector<16xi32> -> vector<16xi32>
            %add3A_391 = arith.constant 6 : i32
            %add3A_392 = vector.broadcast %add3A_391 : i32 to vector<16xi32>
            %add3A_393 = arith.addi %iota3A, %add3A_392 : vector<16xi32>
            %lt3A_394 = arith.constant 16 : i32
            %lt3A_395 = vector.broadcast %lt3A_394 : i32 to vector<16xi32>
            %lt3A_396 = arith.cmpi slt, %add3A_393, %lt3A_395 : vector<16xi32>
            %eq3A_397 = arith.cmpi eq, %gather3A_390, %sub3A_263 : vector<16xi32>
            %and3A_398 = arith.andi %lt3A_396, %eq3A_397 : vector<16xi1>
            %not3A_399 = arith.constant dense<true> : vector<16xi1>
            %not3A_400 = arith.xori %and3A_398, %not3A_399 : vector<16xi1>
            %and3A_401 = arith.andi %and3A_381, %not3A_400 : vector<16xi1>
            %add3A_402 = arith.constant 7 : i32
            %add3A_403 = vector.broadcast %add3A_402 : i32 to vector<16xi32>
            %add3A_404 = arith.addi %iota3A, %add3A_403 : vector<16xi32>
            %min3A_405 = arith.constant 15 : i32
            %min3A_406 = vector.broadcast %min3A_405 : i32 to vector<16xi32>
            %min3A_407 = arith.minsi %add3A_404, %min3A_406 : vector<16xi32>
            %broadcast_in_dim3A_408 = vector.shape_cast %min3A_407 : vector<16xi32> to vector<16x1xi32>
            %gather3A_409 = vector.shape_cast %broadcast_in_dim3A_408 : vector<16x1xi32> to vector<16xi32>
            %gather3A_410 = tpu.dynamic_gather %sub3A_263[%gather3A_409] in [0] : vector<16xi32>, vector<16xi32> -> vector<16xi32>
            %add3A_411 = arith.constant 7 : i32
            %add3A_412 = vector.broadcast %add3A_411 : i32 to vector<16xi32>
            %add3A_413 = arith.addi %iota3A, %add3A_412 : vector<16xi32>
            %lt3A_414 = arith.constant 16 : i32
            %lt3A_415 = vector.broadcast %lt3A_414 : i32 to vector<16xi32>
            %lt3A_416 = arith.cmpi slt, %add3A_413, %lt3A_415 : vector<16xi32>
            %eq3A_417 = arith.cmpi eq, %gather3A_410, %sub3A_263 : vector<16xi32>
            %and3A_418 = arith.andi %lt3A_416, %eq3A_417 : vector<16xi1>
            %not3A_419 = arith.constant dense<true> : vector<16xi1>
            %not3A_420 = arith.xori %and3A_418, %not3A_419 : vector<16xi1>
            %and3A_421 = arith.andi %and3A_401, %not3A_420 : vector<16xi1>
            %add3A_422 = arith.constant 8 : i32
            %add3A_423 = vector.broadcast %add3A_422 : i32 to vector<16xi32>
            %add3A_424 = arith.addi %iota3A, %add3A_423 : vector<16xi32>
            %min3A_425 = arith.constant 15 : i32
            %min3A_426 = vector.broadcast %min3A_425 : i32 to vector<16xi32>
            %min3A_427 = arith.minsi %add3A_424, %min3A_426 : vector<16xi32>
            %broadcast_in_dim3A_428 = vector.shape_cast %min3A_427 : vector<16xi32> to vector<16x1xi32>
            %gather3A_429 = vector.shape_cast %broadcast_in_dim3A_428 : vector<16x1xi32> to vector<16xi32>
            %gather3A_430 = tpu.dynamic_gather %sub3A_263[%gather3A_429] in [0] : vector<16xi32>, vector<16xi32> -> vector<16xi32>
            %add3A_431 = arith.constant 8 : i32
            %add3A_432 = vector.broadcast %add3A_431 : i32 to vector<16xi32>
            %add3A_433 = arith.addi %iota3A, %add3A_432 : vector<16xi32>
            %lt3A_434 = arith.constant 16 : i32
            %lt3A_435 = vector.broadcast %lt3A_434 : i32 to vector<16xi32>
            %lt3A_436 = arith.cmpi slt, %add3A_433, %lt3A_435 : vector<16xi32>
            %eq3A_437 = arith.cmpi eq, %gather3A_430, %sub3A_263 : vector<16xi32>
            %and3A_438 = arith.andi %lt3A_436, %eq3A_437 : vector<16xi1>
            %not3A_439 = arith.constant dense<true> : vector<16xi1>
            %not3A_440 = arith.xori %and3A_438, %not3A_439 : vector<16xi1>
            %and3A_441 = arith.andi %and3A_421, %not3A_440 : vector<16xi1>
            %add3A_442 = arith.constant 9 : i32
            %add3A_443 = vector.broadcast %add3A_442 : i32 to vector<16xi32>
            %add3A_444 = arith.addi %iota3A, %add3A_443 : vector<16xi32>
            %min3A_445 = arith.constant 15 : i32
            %min3A_446 = vector.broadcast %min3A_445 : i32 to vector<16xi32>
            %min3A_447 = arith.minsi %add3A_444, %min3A_446 : vector<16xi32>
            %broadcast_in_dim3A_448 = vector.shape_cast %min3A_447 : vector<16xi32> to vector<16x1xi32>
            %gather3A_449 = vector.shape_cast %broadcast_in_dim3A_448 : vector<16x1xi32> to vector<16xi32>
            %gather3A_450 = tpu.dynamic_gather %sub3A_263[%gather3A_449] in [0] : vector<16xi32>, vector<16xi32> -> vector<16xi32>
            %add3A_451 = arith.constant 9 : i32
            %add3A_452 = vector.broadcast %add3A_451 : i32 to vector<16xi32>
            %add3A_453 = arith.addi %iota3A, %add3A_452 : vector<16xi32>
            %lt3A_454 = arith.constant 16 : i32
            %lt3A_455 = vector.broadcast %lt3A_454 : i32 to vector<16xi32>
            %lt3A_456 = arith.cmpi slt, %add3A_453, %lt3A_455 : vector<16xi32>
            %eq3A_457 = arith.cmpi eq, %gather3A_450, %sub3A_263 : vector<16xi32>
            %and3A_458 = arith.andi %lt3A_456, %eq3A_457 : vector<16xi1>
            %not3A_459 = arith.constant dense<true> : vector<16xi1>
            %not3A_460 = arith.xori %and3A_458, %not3A_459 : vector<16xi1>
            %and3A_461 = arith.andi %and3A_441, %not3A_460 : vector<16xi1>
            %add3A_462 = arith.constant 10 : i32
            %add3A_463 = vector.broadcast %add3A_462 : i32 to vector<16xi32>
            %add3A_464 = arith.addi %iota3A, %add3A_463 : vector<16xi32>
            %min3A_465 = arith.constant 15 : i32
            %min3A_466 = vector.broadcast %min3A_465 : i32 to vector<16xi32>
            %min3A_467 = arith.minsi %add3A_464, %min3A_466 : vector<16xi32>
            %broadcast_in_dim3A_468 = vector.shape_cast %min3A_467 : vector<16xi32> to vector<16x1xi32>
            %gather3A_469 = vector.shape_cast %broadcast_in_dim3A_468 : vector<16x1xi32> to vector<16xi32>
            %gather3A_470 = tpu.dynamic_gather %sub3A_263[%gather3A_469] in [0] : vector<16xi32>, vector<16xi32> -> vector<16xi32>
            %add3A_471 = arith.constant 10 : i32
            %add3A_472 = vector.broadcast %add3A_471 : i32 to vector<16xi32>
            %add3A_473 = arith.addi %iota3A, %add3A_472 : vector<16xi32>
            %lt3A_474 = arith.constant 16 : i32
            %lt3A_475 = vector.broadcast %lt3A_474 : i32 to vector<16xi32>
            %lt3A_476 = arith.cmpi slt, %add3A_473, %lt3A_475 : vector<16xi32>
            %eq3A_477 = arith.cmpi eq, %gather3A_470, %sub3A_263 : vector<16xi32>
            %and3A_478 = arith.andi %lt3A_476, %eq3A_477 : vector<16xi1>
            %not3A_479 = arith.constant dense<true> : vector<16xi1>
            %not3A_480 = arith.xori %and3A_478, %not3A_479 : vector<16xi1>
            %and3A_481 = arith.andi %and3A_461, %not3A_480 : vector<16xi1>
            %add3A_482 = arith.constant 11 : i32
            %add3A_483 = vector.broadcast %add3A_482 : i32 to vector<16xi32>
            %add3A_484 = arith.addi %iota3A, %add3A_483 : vector<16xi32>
            %min3A_485 = arith.constant 15 : i32
            %min3A_486 = vector.broadcast %min3A_485 : i32 to vector<16xi32>
            %min3A_487 = arith.minsi %add3A_484, %min3A_486 : vector<16xi32>
            %broadcast_in_dim3A_488 = vector.shape_cast %min3A_487 : vector<16xi32> to vector<16x1xi32>
            %gather3A_489 = vector.shape_cast %broadcast_in_dim3A_488 : vector<16x1xi32> to vector<16xi32>
            %gather3A_490 = tpu.dynamic_gather %sub3A_263[%gather3A_489] in [0] : vector<16xi32>, vector<16xi32> -> vector<16xi32>
            %add3A_491 = arith.constant 11 : i32
            %add3A_492 = vector.broadcast %add3A_491 : i32 to vector<16xi32>
            %add3A_493 = arith.addi %iota3A, %add3A_492 : vector<16xi32>
            %lt3A_494 = arith.constant 16 : i32
            %lt3A_495 = vector.broadcast %lt3A_494 : i32 to vector<16xi32>
            %lt3A_496 = arith.cmpi slt, %add3A_493, %lt3A_495 : vector<16xi32>
            %eq3A_497 = arith.cmpi eq, %gather3A_490, %sub3A_263 : vector<16xi32>
            %and3A_498 = arith.andi %lt3A_496, %eq3A_497 : vector<16xi1>
            %not3A_499 = arith.constant dense<true> : vector<16xi1>
            %not3A_500 = arith.xori %and3A_498, %not3A_499 : vector<16xi1>
            %and3A_501 = arith.andi %and3A_481, %not3A_500 : vector<16xi1>
            %add3A_502 = arith.constant 12 : i32
            %add3A_503 = vector.broadcast %add3A_502 : i32 to vector<16xi32>
            %add3A_504 = arith.addi %iota3A, %add3A_503 : vector<16xi32>
            %min3A_505 = arith.constant 15 : i32
            %min3A_506 = vector.broadcast %min3A_505 : i32 to vector<16xi32>
            %min3A_507 = arith.minsi %add3A_504, %min3A_506 : vector<16xi32>
            %broadcast_in_dim3A_508 = vector.shape_cast %min3A_507 : vector<16xi32> to vector<16x1xi32>
            %gather3A_509 = vector.shape_cast %broadcast_in_dim3A_508 : vector<16x1xi32> to vector<16xi32>
            %gather3A_510 = tpu.dynamic_gather %sub3A_263[%gather3A_509] in [0] : vector<16xi32>, vector<16xi32> -> vector<16xi32>
            %add3A_511 = arith.constant 12 : i32
            %add3A_512 = vector.broadcast %add3A_511 : i32 to vector<16xi32>
            %add3A_513 = arith.addi %iota3A, %add3A_512 : vector<16xi32>
            %lt3A_514 = arith.constant 16 : i32
            %lt3A_515 = vector.broadcast %lt3A_514 : i32 to vector<16xi32>
            %lt3A_516 = arith.cmpi slt, %add3A_513, %lt3A_515 : vector<16xi32>
            %eq3A_517 = arith.cmpi eq, %gather3A_510, %sub3A_263 : vector<16xi32>
            %and3A_518 = arith.andi %lt3A_516, %eq3A_517 : vector<16xi1>
            %not3A_519 = arith.constant dense<true> : vector<16xi1>
            %not3A_520 = arith.xori %and3A_518, %not3A_519 : vector<16xi1>
            %and3A_521 = arith.andi %and3A_501, %not3A_520 : vector<16xi1>
            %add3A_522 = arith.constant 13 : i32
            %add3A_523 = vector.broadcast %add3A_522 : i32 to vector<16xi32>
            %add3A_524 = arith.addi %iota3A, %add3A_523 : vector<16xi32>
            %min3A_525 = arith.constant 15 : i32
            %min3A_526 = vector.broadcast %min3A_525 : i32 to vector<16xi32>
            %min3A_527 = arith.minsi %add3A_524, %min3A_526 : vector<16xi32>
            %broadcast_in_dim3A_528 = vector.shape_cast %min3A_527 : vector<16xi32> to vector<16x1xi32>
            %gather3A_529 = vector.shape_cast %broadcast_in_dim3A_528 : vector<16x1xi32> to vector<16xi32>
            %gather3A_530 = tpu.dynamic_gather %sub3A_263[%gather3A_529] in [0] : vector<16xi32>, vector<16xi32> -> vector<16xi32>
            %add3A_531 = arith.constant 13 : i32
            %add3A_532 = vector.broadcast %add3A_531 : i32 to vector<16xi32>
            %add3A_533 = arith.addi %iota3A, %add3A_532 : vector<16xi32>
            %lt3A_534 = arith.constant 16 : i32
            %lt3A_535 = vector.broadcast %lt3A_534 : i32 to vector<16xi32>
            %lt3A_536 = arith.cmpi slt, %add3A_533, %lt3A_535 : vector<16xi32>
            %eq3A_537 = arith.cmpi eq, %gather3A_530, %sub3A_263 : vector<16xi32>
            %and3A_538 = arith.andi %lt3A_536, %eq3A_537 : vector<16xi1>
            %not3A_539 = arith.constant dense<true> : vector<16xi1>
            %not3A_540 = arith.xori %and3A_538, %not3A_539 : vector<16xi1>
            %and3A_541 = arith.andi %and3A_521, %not3A_540 : vector<16xi1>
            %add3A_542 = arith.constant 14 : i32
            %add3A_543 = vector.broadcast %add3A_542 : i32 to vector<16xi32>
            %add3A_544 = arith.addi %iota3A, %add3A_543 : vector<16xi32>
            %min3A_545 = arith.constant 15 : i32
            %min3A_546 = vector.broadcast %min3A_545 : i32 to vector<16xi32>
            %min3A_547 = arith.minsi %add3A_544, %min3A_546 : vector<16xi32>
            %broadcast_in_dim3A_548 = vector.shape_cast %min3A_547 : vector<16xi32> to vector<16x1xi32>
            %gather3A_549 = vector.shape_cast %broadcast_in_dim3A_548 : vector<16x1xi32> to vector<16xi32>
            %gather3A_550 = tpu.dynamic_gather %sub3A_263[%gather3A_549] in [0] : vector<16xi32>, vector<16xi32> -> vector<16xi32>
            %add3A_551 = arith.constant 14 : i32
            %add3A_552 = vector.broadcast %add3A_551 : i32 to vector<16xi32>
            %add3A_553 = arith.addi %iota3A, %add3A_552 : vector<16xi32>
            %lt3A_554 = arith.constant 16 : i32
            %lt3A_555 = vector.broadcast %lt3A_554 : i32 to vector<16xi32>
            %lt3A_556 = arith.cmpi slt, %add3A_553, %lt3A_555 : vector<16xi32>
            %eq3A_557 = arith.cmpi eq, %gather3A_550, %sub3A_263 : vector<16xi32>
            %and3A_558 = arith.andi %lt3A_556, %eq3A_557 : vector<16xi1>
            %not3A_559 = arith.constant dense<true> : vector<16xi1>
            %not3A_560 = arith.xori %and3A_558, %not3A_559 : vector<16xi1>
            %and3A_561 = arith.andi %and3A_541, %not3A_560 : vector<16xi1>
            %add3A_562 = arith.constant 15 : i32
            %add3A_563 = vector.broadcast %add3A_562 : i32 to vector<16xi32>
            %add3A_564 = arith.addi %iota3A, %add3A_563 : vector<16xi32>
            %min3A_565 = arith.constant 15 : i32
            %min3A_566 = vector.broadcast %min3A_565 : i32 to vector<16xi32>
            %min3A_567 = arith.minsi %add3A_564, %min3A_566 : vector<16xi32>
            %broadcast_in_dim3A_568 = vector.shape_cast %min3A_567 : vector<16xi32> to vector<16x1xi32>
            %gather3A_569 = vector.shape_cast %broadcast_in_dim3A_568 : vector<16x1xi32> to vector<16xi32>
            %gather3A_570 = tpu.dynamic_gather %sub3A_263[%gather3A_569] in [0] : vector<16xi32>, vector<16xi32> -> vector<16xi32>
            %add3A_571 = arith.constant 15 : i32
            %add3A_572 = vector.broadcast %add3A_571 : i32 to vector<16xi32>
            %add3A_573 = arith.addi %iota3A, %add3A_572 : vector<16xi32>
            %lt3A_574 = arith.constant 16 : i32
            %lt3A_575 = vector.broadcast %lt3A_574 : i32 to vector<16xi32>
            %lt3A_576 = arith.cmpi slt, %add3A_573, %lt3A_575 : vector<16xi32>
            %eq3A_577 = arith.cmpi eq, %gather3A_570, %sub3A_263 : vector<16xi32>
            %and3A_578 = arith.andi %lt3A_576, %eq3A_577 : vector<16xi1>
            %not3A_579 = arith.constant dense<true> : vector<16xi1>
            %not3A_580 = arith.xori %and3A_578, %not3A_579 : vector<16xi1>
            %and3A_581 = arith.andi %and3A_561, %not3A_580 : vector<16xi1>
            tpu.vector_store_idx %arg9[%sub3A_263], %add3A_274 masked %and3A_581 : memref<3136xi32, #tpu.memory_space<vmem>>[vector<16xi32>], vector<16xi32>, vector<16xi1>
          } else {
          }
          %while3A_282 = arith.constant 0 : i32
          scf.yield %while3A_282 : i32
        }
        %while3A_225 = arith.constant 1 : i32
        %while3A_226 = scf.for %while3A_256 = %while3A_222 to %while3A_218 step %while3A_225 iter_args(%while3A_257 = %while3A_224) -> (i32)  : i32 {
          %mul3A_258 = arith.constant 16 : i32
          %mul3A_259 = arith.muli %while3A_256, %mul3A_258 : i32
          %get3A_260 = arith.index_cast %mul3A_259 : i32 to index
          %get3A_261 = tpu.vector_load %arg8[%get3A_260] {strides = array<i32>} : memref<16576xi32, #tpu.memory_space<vmem>>, vector<16xi32>,
          %sub3A_262 = vector.broadcast %min3A_3 : i32 to vector<16xi32>
          %sub3A_263 = arith.subi %get3A_261, %sub3A_262 : vector<16xi32>
          %ge3A_264 = arith.constant 0 : i32
          %ge3A_265 = vector.broadcast %ge3A_264 : i32 to vector<16xi32>
          %ge3A_266 = arith.cmpi sge, %sub3A_263, %ge3A_265 : vector<16xi32>
          %lt3A_267 = arith.constant 3136 : i32
          %lt3A_268 = vector.broadcast %lt3A_267 : i32 to vector<16xi32>
          %lt3A_269 = arith.cmpi slt, %sub3A_263, %lt3A_268 : vector<16xi32>
          %and3A_270 = arith.andi %ge3A_266, %lt3A_269 : vector<16xi1>
          %mul3A_271 = arith.constant 16 : i32
          %mul3A_272 = arith.muli %while3A_256, %mul3A_271 : i32
          %add3A_273 = vector.broadcast %mul3A_272 : i32 to vector<16xi32>
          %add3A_274 = arith.addi %iota3A, %add3A_273 : vector<16xi32>
          tpu.vector_store_idx %arg9[%sub3A_263], %add3A_274 masked %and3A_270 : memref<3136xi32, #tpu.memory_space<vmem>>[vector<16xi32>], vector<16xi32>, vector<16xi1>
          %gather3A_275 = tpu.vector_load_idx %arg9[%sub3A_263] masked %and3A_270 : memref<3136xi32, #tpu.memory_space<vmem>>[vector<16xi32>], vector<16xi32>, vector<16xi1>
          %ne3A_276 = arith.cmpi ne, %gather3A_275, %add3A_274 : vector<16xi32>
          %and3A_277 = arith.andi %and3A_270, %ne3A_276 : vector<16xi1>
          %all_reduce_population_count3A = tpu.all_reduce %and3A_277 {dim = 0 : i64, kind = #tpu.reduction_kind<sum>} : vector<16xi1> -> vector<16xi32>
          %slice3A = vector.extract_strided_slice %all_reduce_population_count3A {offsets = [0], sizes = [1], strides = [1]} : vector<16xi32> to vector<1xi32>
          %squeeze3A = vector.extract %slice3A[0] : i32 from vector<1xi32>
          %gt3A = arith.constant 0 : i32
          %gt3A_278 = arith.cmpi sgt, %squeeze3A, %gt3A : i32
          %convert_element_type3A_279 = arith.extui %gt3A_278 : i1 to i32
          %cond3A_280 = arith.constant 0 : i32
          %cond3A_281 = arith.cmpi ne, %convert_element_type3A_279, %cond3A_280 : i32
          scf.if %cond3A_281 {
            %add3A_283 = arith.constant 1 : i32
            %add3A_284 = vector.broadcast %add3A_283 : i32 to vector<16xi32>
            %add3A_285 = arith.addi %iota3A, %add3A_284 : vector<16xi32>
            %min3A_286 = arith.constant 15 : i32
            %min3A_287 = vector.broadcast %min3A_286 : i32 to vector<16xi32>
            %min3A_288 = arith.minsi %add3A_285, %min3A_287 : vector<16xi32>
            %broadcast_in_dim3A_289 = vector.shape_cast %min3A_288 : vector<16xi32> to vector<16x1xi32>
            %gather3A_290 = vector.shape_cast %broadcast_in_dim3A_289 : vector<16x1xi32> to vector<16xi32>
            %gather3A_291 = tpu.dynamic_gather %sub3A_263[%gather3A_290] in [0] : vector<16xi32>, vector<16xi32> -> vector<16xi32>
            %add3A_292 = arith.constant 1 : i32
            %add3A_293 = vector.broadcast %add3A_292 : i32 to vector<16xi32>
            %add3A_294 = arith.addi %iota3A, %add3A_293 : vector<16xi32>
            %lt3A_295 = arith.constant 16 : i32
            %lt3A_296 = vector.broadcast %lt3A_295 : i32 to vector<16xi32>
            %lt3A_297 = arith.cmpi slt, %add3A_294, %lt3A_296 : vector<16xi32>
            %eq3A_298 = arith.cmpi eq, %gather3A_291, %sub3A_263 : vector<16xi32>
            %and3A_299 = arith.andi %lt3A_297, %eq3A_298 : vector<16xi1>
            %not3A = arith.constant dense<true> : vector<16xi1>
            %not3A_300 = arith.xori %and3A_299, %not3A : vector<16xi1>
            %and3A_301 = arith.andi %and3A_270, %not3A_300 : vector<16xi1>
            %add3A_302 = arith.constant 2 : i32
            %add3A_303 = vector.broadcast %add3A_302 : i32 to vector<16xi32>
            %add3A_304 = arith.addi %iota3A, %add3A_303 : vector<16xi32>
            %min3A_305 = arith.constant 15 : i32
            %min3A_306 = vector.broadcast %min3A_305 : i32 to vector<16xi32>
            %min3A_307 = arith.minsi %add3A_304, %min3A_306 : vector<16xi32>
            %broadcast_in_dim3A_308 = vector.shape_cast %min3A_307 : vector<16xi32> to vector<16x1xi32>
            %gather3A_309 = vector.shape_cast %broadcast_in_dim3A_308 : vector<16x1xi32> to vector<16xi32>
            %gather3A_310 = tpu.dynamic_gather %sub3A_263[%gather3A_309] in [0] : vector<16xi32>, vector<16xi32> -> vector<16xi32>
            %add3A_311 = arith.constant 2 : i32
            %add3A_312 = vector.broadcast %add3A_311 : i32 to vector<16xi32>
            %add3A_313 = arith.addi %iota3A, %add3A_312 : vector<16xi32>
            %lt3A_314 = arith.constant 16 : i32
            %lt3A_315 = vector.broadcast %lt3A_314 : i32 to vector<16xi32>
            %lt3A_316 = arith.cmpi slt, %add3A_313, %lt3A_315 : vector<16xi32>
            %eq3A_317 = arith.cmpi eq, %gather3A_310, %sub3A_263 : vector<16xi32>
            %and3A_318 = arith.andi %lt3A_316, %eq3A_317 : vector<16xi1>
            %not3A_319 = arith.constant dense<true> : vector<16xi1>
            %not3A_320 = arith.xori %and3A_318, %not3A_319 : vector<16xi1>
            %and3A_321 = arith.andi %and3A_301, %not3A_320 : vector<16xi1>
            %add3A_322 = arith.constant 3 : i32
            %add3A_323 = vector.broadcast %add3A_322 : i32 to vector<16xi32>
            %add3A_324 = arith.addi %iota3A, %add3A_323 : vector<16xi32>
            %min3A_325 = arith.constant 15 : i32
            %min3A_326 = vector.broadcast %min3A_325 : i32 to vector<16xi32>
            %min3A_327 = arith.minsi %add3A_324, %min3A_326 : vector<16xi32>
            %broadcast_in_dim3A_328 = vector.shape_cast %min3A_327 : vector<16xi32> to vector<16x1xi32>
            %gather3A_329 = vector.shape_cast %broadcast_in_dim3A_328 : vector<16x1xi32> to vector<16xi32>
            %gather3A_330 = tpu.dynamic_gather %sub3A_263[%gather3A_329] in [0] : vector<16xi32>, vector<16xi32> -> vector<16xi32>
            %add3A_331 = arith.constant 3 : i32
            %add3A_332 = vector.broadcast %add3A_331 : i32 to vector<16xi32>
            %add3A_333 = arith.addi %iota3A, %add3A_332 : vector<16xi32>
            %lt3A_334 = arith.constant 16 : i32
            %lt3A_335 = vector.broadcast %lt3A_334 : i32 to vector<16xi32>
            %lt3A_336 = arith.cmpi slt, %add3A_333, %lt3A_335 : vector<16xi32>
            %eq3A_337 = arith.cmpi eq, %gather3A_330, %sub3A_263 : vector<16xi32>
            %and3A_338 = arith.andi %lt3A_336, %eq3A_337 : vector<16xi1>
            %not3A_339 = arith.constant dense<true> : vector<16xi1>
            %not3A_340 = arith.xori %and3A_338, %not3A_339 : vector<16xi1>
            %and3A_341 = arith.andi %and3A_321, %not3A_340 : vector<16xi1>
            %add3A_342 = arith.constant 4 : i32
            %add3A_343 = vector.broadcast %add3A_342 : i32 to vector<16xi32>
            %add3A_344 = arith.addi %iota3A, %add3A_343 : vector<16xi32>
            %min3A_345 = arith.constant 15 : i32
            %min3A_346 = vector.broadcast %min3A_345 : i32 to vector<16xi32>
            %min3A_347 = arith.minsi %add3A_344, %min3A_346 : vector<16xi32>
            %broadcast_in_dim3A_348 = vector.shape_cast %min3A_347 : vector<16xi32> to vector<16x1xi32>
            %gather3A_349 = vector.shape_cast %broadcast_in_dim3A_348 : vector<16x1xi32> to vector<16xi32>
            %gather3A_350 = tpu.dynamic_gather %sub3A_263[%gather3A_349] in [0] : vector<16xi32>, vector<16xi32> -> vector<16xi32>
            %add3A_351 = arith.constant 4 : i32
            %add3A_352 = vector.broadcast %add3A_351 : i32 to vector<16xi32>
            %add3A_353 = arith.addi %iota3A, %add3A_352 : vector<16xi32>
            %lt3A_354 = arith.constant 16 : i32
            %lt3A_355 = vector.broadcast %lt3A_354 : i32 to vector<16xi32>
            %lt3A_356 = arith.cmpi slt, %add3A_353, %lt3A_355 : vector<16xi32>
            %eq3A_357 = arith.cmpi eq, %gather3A_350, %sub3A_263 : vector<16xi32>
            %and3A_358 = arith.andi %lt3A_356, %eq3A_357 : vector<16xi1>
            %not3A_359 = arith.constant dense<true> : vector<16xi1>
            %not3A_360 = arith.xori %and3A_358, %not3A_359 : vector<16xi1>
            %and3A_361 = arith.andi %and3A_341, %not3A_360 : vector<16xi1>
            %add3A_362 = arith.constant 5 : i32
            %add3A_363 = vector.broadcast %add3A_362 : i32 to vector<16xi32>
            %add3A_364 = arith.addi %iota3A, %add3A_363 : vector<16xi32>
            %min3A_365 = arith.constant 15 : i32
            %min3A_366 = vector.broadcast %min3A_365 : i32 to vector<16xi32>
            %min3A_367 = arith.minsi %add3A_364, %min3A_366 : vector<16xi32>
            %broadcast_in_dim3A_368 = vector.shape_cast %min3A_367 : vector<16xi32> to vector<16x1xi32>
            %gather3A_369 = vector.shape_cast %broadcast_in_dim3A_368 : vector<16x1xi32> to vector<16xi32>
            %gather3A_370 = tpu.dynamic_gather %sub3A_263[%gather3A_369] in [0] : vector<16xi32>, vector<16xi32> -> vector<16xi32>
            %add3A_371 = arith.constant 5 : i32
            %add3A_372 = vector.broadcast %add3A_371 : i32 to vector<16xi32>
            %add3A_373 = arith.addi %iota3A, %add3A_372 : vector<16xi32>
            %lt3A_374 = arith.constant 16 : i32
            %lt3A_375 = vector.broadcast %lt3A_374 : i32 to vector<16xi32>
            %lt3A_376 = arith.cmpi slt, %add3A_373, %lt3A_375 : vector<16xi32>
            %eq3A_377 = arith.cmpi eq, %gather3A_370, %sub3A_263 : vector<16xi32>
            %and3A_378 = arith.andi %lt3A_376, %eq3A_377 : vector<16xi1>
            %not3A_379 = arith.constant dense<true> : vector<16xi1>
            %not3A_380 = arith.xori %and3A_378, %not3A_379 : vector<16xi1>
            %and3A_381 = arith.andi %and3A_361, %not3A_380 : vector<16xi1>
            %add3A_382 = arith.constant 6 : i32
            %add3A_383 = vector.broadcast %add3A_382 : i32 to vector<16xi32>
            %add3A_384 = arith.addi %iota3A, %add3A_383 : vector<16xi32>
            %min3A_385 = arith.constant 15 : i32
            %min3A_386 = vector.broadcast %min3A_385 : i32 to vector<16xi32>
            %min3A_387 = arith.minsi %add3A_384, %min3A_386 : vector<16xi32>
            %broadcast_in_dim3A_388 = vector.shape_cast %min3A_387 : vector<16xi32> to vector<16x1xi32>
            %gather3A_389 = vector.shape_cast %broadcast_in_dim3A_388 : vector<16x1xi32> to vector<16xi32>
            %gather3A_390 = tpu.dynamic_gather %sub3A_263[%gather3A_389] in [0] : vector<16xi32>, vector<16xi32> -> vector<16xi32>
            %add3A_391 = arith.constant 6 : i32
            %add3A_392 = vector.broadcast %add3A_391 : i32 to vector<16xi32>
            %add3A_393 = arith.addi %iota3A, %add3A_392 : vector<16xi32>
            %lt3A_394 = arith.constant 16 : i32
            %lt3A_395 = vector.broadcast %lt3A_394 : i32 to vector<16xi32>
            %lt3A_396 = arith.cmpi slt, %add3A_393, %lt3A_395 : vector<16xi32>
            %eq3A_397 = arith.cmpi eq, %gather3A_390, %sub3A_263 : vector<16xi32>
            %and3A_398 = arith.andi %lt3A_396, %eq3A_397 : vector<16xi1>
            %not3A_399 = arith.constant dense<true> : vector<16xi1>
            %not3A_400 = arith.xori %and3A_398, %not3A_399 : vector<16xi1>
            %and3A_401 = arith.andi %and3A_381, %not3A_400 : vector<16xi1>
            %add3A_402 = arith.constant 7 : i32
            %add3A_403 = vector.broadcast %add3A_402 : i32 to vector<16xi32>
            %add3A_404 = arith.addi %iota3A, %add3A_403 : vector<16xi32>
            %min3A_405 = arith.constant 15 : i32
            %min3A_406 = vector.broadcast %min3A_405 : i32 to vector<16xi32>
            %min3A_407 = arith.minsi %add3A_404, %min3A_406 : vector<16xi32>
            %broadcast_in_dim3A_408 = vector.shape_cast %min3A_407 : vector<16xi32> to vector<16x1xi32>
            %gather3A_409 = vector.shape_cast %broadcast_in_dim3A_408 : vector<16x1xi32> to vector<16xi32>
            %gather3A_410 = tpu.dynamic_gather %sub3A_263[%gather3A_409] in [0] : vector<16xi32>, vector<16xi32> -> vector<16xi32>
            %add3A_411 = arith.constant 7 : i32
            %add3A_412 = vector.broadcast %add3A_411 : i32 to vector<16xi32>
            %add3A_413 = arith.addi %iota3A, %add3A_412 : vector<16xi32>
            %lt3A_414 = arith.constant 16 : i32
            %lt3A_415 = vector.broadcast %lt3A_414 : i32 to vector<16xi32>
            %lt3A_416 = arith.cmpi slt, %add3A_413, %lt3A_415 : vector<16xi32>
            %eq3A_417 = arith.cmpi eq, %gather3A_410, %sub3A_263 : vector<16xi32>
            %and3A_418 = arith.andi %lt3A_416, %eq3A_417 : vector<16xi1>
            %not3A_419 = arith.constant dense<true> : vector<16xi1>
            %not3A_420 = arith.xori %and3A_418, %not3A_419 : vector<16xi1>
            %and3A_421 = arith.andi %and3A_401, %not3A_420 : vector<16xi1>
            %add3A_422 = arith.constant 8 : i32
            %add3A_423 = vector.broadcast %add3A_422 : i32 to vector<16xi32>
            %add3A_424 = arith.addi %iota3A, %add3A_423 : vector<16xi32>
            %min3A_425 = arith.constant 15 : i32
            %min3A_426 = vector.broadcast %min3A_425 : i32 to vector<16xi32>
            %min3A_427 = arith.minsi %add3A_424, %min3A_426 : vector<16xi32>
            %broadcast_in_dim3A_428 = vector.shape_cast %min3A_427 : vector<16xi32> to vector<16x1xi32>
            %gather3A_429 = vector.shape_cast %broadcast_in_dim3A_428 : vector<16x1xi32> to vector<16xi32>
            %gather3A_430 = tpu.dynamic_gather %sub3A_263[%gather3A_429] in [0] : vector<16xi32>, vector<16xi32> -> vector<16xi32>
            %add3A_431 = arith.constant 8 : i32
            %add3A_432 = vector.broadcast %add3A_431 : i32 to vector<16xi32>
            %add3A_433 = arith.addi %iota3A, %add3A_432 : vector<16xi32>
            %lt3A_434 = arith.constant 16 : i32
            %lt3A_435 = vector.broadcast %lt3A_434 : i32 to vector<16xi32>
            %lt3A_436 = arith.cmpi slt, %add3A_433, %lt3A_435 : vector<16xi32>
            %eq3A_437 = arith.cmpi eq, %gather3A_430, %sub3A_263 : vector<16xi32>
            %and3A_438 = arith.andi %lt3A_436, %eq3A_437 : vector<16xi1>
            %not3A_439 = arith.constant dense<true> : vector<16xi1>
            %not3A_440 = arith.xori %and3A_438, %not3A_439 : vector<16xi1>
            %and3A_441 = arith.andi %and3A_421, %not3A_440 : vector<16xi1>
            %add3A_442 = arith.constant 9 : i32
            %add3A_443 = vector.broadcast %add3A_442 : i32 to vector<16xi32>
            %add3A_444 = arith.addi %iota3A, %add3A_443 : vector<16xi32>
            %min3A_445 = arith.constant 15 : i32
            %min3A_446 = vector.broadcast %min3A_445 : i32 to vector<16xi32>
            %min3A_447 = arith.minsi %add3A_444, %min3A_446 : vector<16xi32>
            %broadcast_in_dim3A_448 = vector.shape_cast %min3A_447 : vector<16xi32> to vector<16x1xi32>
            %gather3A_449 = vector.shape_cast %broadcast_in_dim3A_448 : vector<16x1xi32> to vector<16xi32>
            %gather3A_450 = tpu.dynamic_gather %sub3A_263[%gather3A_449] in [0] : vector<16xi32>, vector<16xi32> -> vector<16xi32>
            %add3A_451 = arith.constant 9 : i32
            %add3A_452 = vector.broadcast %add3A_451 : i32 to vector<16xi32>
            %add3A_453 = arith.addi %iota3A, %add3A_452 : vector<16xi32>
            %lt3A_454 = arith.constant 16 : i32
            %lt3A_455 = vector.broadcast %lt3A_454 : i32 to vector<16xi32>
            %lt3A_456 = arith.cmpi slt, %add3A_453, %lt3A_455 : vector<16xi32>
            %eq3A_457 = arith.cmpi eq, %gather3A_450, %sub3A_263 : vector<16xi32>
            %and3A_458 = arith.andi %lt3A_456, %eq3A_457 : vector<16xi1>
            %not3A_459 = arith.constant dense<true> : vector<16xi1>
            %not3A_460 = arith.xori %and3A_458, %not3A_459 : vector<16xi1>
            %and3A_461 = arith.andi %and3A_441, %not3A_460 : vector<16xi1>
            %add3A_462 = arith.constant 10 : i32
            %add3A_463 = vector.broadcast %add3A_462 : i32 to vector<16xi32>
            %add3A_464 = arith.addi %iota3A, %add3A_463 : vector<16xi32>
            %min3A_465 = arith.constant 15 : i32
            %min3A_466 = vector.broadcast %min3A_465 : i32 to vector<16xi32>
            %min3A_467 = arith.minsi %add3A_464, %min3A_466 : vector<16xi32>
            %broadcast_in_dim3A_468 = vector.shape_cast %min3A_467 : vector<16xi32> to vector<16x1xi32>
            %gather3A_469 = vector.shape_cast %broadcast_in_dim3A_468 : vector<16x1xi32> to vector<16xi32>
            %gather3A_470 = tpu.dynamic_gather %sub3A_263[%gather3A_469] in [0] : vector<16xi32>, vector<16xi32> -> vector<16xi32>
            %add3A_471 = arith.constant 10 : i32
            %add3A_472 = vector.broadcast %add3A_471 : i32 to vector<16xi32>
            %add3A_473 = arith.addi %iota3A, %add3A_472 : vector<16xi32>
            %lt3A_474 = arith.constant 16 : i32
            %lt3A_475 = vector.broadcast %lt3A_474 : i32 to vector<16xi32>
            %lt3A_476 = arith.cmpi slt, %add3A_473, %lt3A_475 : vector<16xi32>
            %eq3A_477 = arith.cmpi eq, %gather3A_470, %sub3A_263 : vector<16xi32>
            %and3A_478 = arith.andi %lt3A_476, %eq3A_477 : vector<16xi1>
            %not3A_479 = arith.constant dense<true> : vector<16xi1>
            %not3A_480 = arith.xori %and3A_478, %not3A_479 : vector<16xi1>
            %and3A_481 = arith.andi %and3A_461, %not3A_480 : vector<16xi1>
            %add3A_482 = arith.constant 11 : i32
            %add3A_483 = vector.broadcast %add3A_482 : i32 to vector<16xi32>
            %add3A_484 = arith.addi %iota3A, %add3A_483 : vector<16xi32>
            %min3A_485 = arith.constant 15 : i32
            %min3A_486 = vector.broadcast %min3A_485 : i32 to vector<16xi32>
            %min3A_487 = arith.minsi %add3A_484, %min3A_486 : vector<16xi32>
            %broadcast_in_dim3A_488 = vector.shape_cast %min3A_487 : vector<16xi32> to vector<16x1xi32>
            %gather3A_489 = vector.shape_cast %broadcast_in_dim3A_488 : vector<16x1xi32> to vector<16xi32>
            %gather3A_490 = tpu.dynamic_gather %sub3A_263[%gather3A_489] in [0] : vector<16xi32>, vector<16xi32> -> vector<16xi32>
            %add3A_491 = arith.constant 11 : i32
            %add3A_492 = vector.broadcast %add3A_491 : i32 to vector<16xi32>
            %add3A_493 = arith.addi %iota3A, %add3A_492 : vector<16xi32>
            %lt3A_494 = arith.constant 16 : i32
            %lt3A_495 = vector.broadcast %lt3A_494 : i32 to vector<16xi32>
            %lt3A_496 = arith.cmpi slt, %add3A_493, %lt3A_495 : vector<16xi32>
            %eq3A_497 = arith.cmpi eq, %gather3A_490, %sub3A_263 : vector<16xi32>
            %and3A_498 = arith.andi %lt3A_496, %eq3A_497 : vector<16xi1>
            %not3A_499 = arith.constant dense<true> : vector<16xi1>
            %not3A_500 = arith.xori %and3A_498, %not3A_499 : vector<16xi1>
            %and3A_501 = arith.andi %and3A_481, %not3A_500 : vector<16xi1>
            %add3A_502 = arith.constant 12 : i32
            %add3A_503 = vector.broadcast %add3A_502 : i32 to vector<16xi32>
            %add3A_504 = arith.addi %iota3A, %add3A_503 : vector<16xi32>
            %min3A_505 = arith.constant 15 : i32
            %min3A_506 = vector.broadcast %min3A_505 : i32 to vector<16xi32>
            %min3A_507 = arith.minsi %add3A_504, %min3A_506 : vector<16xi32>
            %broadcast_in_dim3A_508 = vector.shape_cast %min3A_507 : vector<16xi32> to vector<16x1xi32>
            %gather3A_509 = vector.shape_cast %broadcast_in_dim3A_508 : vector<16x1xi32> to vector<16xi32>
            %gather3A_510 = tpu.dynamic_gather %sub3A_263[%gather3A_509] in [0] : vector<16xi32>, vector<16xi32> -> vector<16xi32>
            %add3A_511 = arith.constant 12 : i32
            %add3A_512 = vector.broadcast %add3A_511 : i32 to vector<16xi32>
            %add3A_513 = arith.addi %iota3A, %add3A_512 : vector<16xi32>
            %lt3A_514 = arith.constant 16 : i32
            %lt3A_515 = vector.broadcast %lt3A_514 : i32 to vector<16xi32>
            %lt3A_516 = arith.cmpi slt, %add3A_513, %lt3A_515 : vector<16xi32>
            %eq3A_517 = arith.cmpi eq, %gather3A_510, %sub3A_263 : vector<16xi32>
            %and3A_518 = arith.andi %lt3A_516, %eq3A_517 : vector<16xi1>
            %not3A_519 = arith.constant dense<true> : vector<16xi1>
            %not3A_520 = arith.xori %and3A_518, %not3A_519 : vector<16xi1>
            %and3A_521 = arith.andi %and3A_501, %not3A_520 : vector<16xi1>
            %add3A_522 = arith.constant 13 : i32
            %add3A_523 = vector.broadcast %add3A_522 : i32 to vector<16xi32>
            %add3A_524 = arith.addi %iota3A, %add3A_523 : vector<16xi32>
            %min3A_525 = arith.constant 15 : i32
            %min3A_526 = vector.broadcast %min3A_525 : i32 to vector<16xi32>
            %min3A_527 = arith.minsi %add3A_524, %min3A_526 : vector<16xi32>
            %broadcast_in_dim3A_528 = vector.shape_cast %min3A_527 : vector<16xi32> to vector<16x1xi32>
            %gather3A_529 = vector.shape_cast %broadcast_in_dim3A_528 : vector<16x1xi32> to vector<16xi32>
            %gather3A_530 = tpu.dynamic_gather %sub3A_263[%gather3A_529] in [0] : vector<16xi32>, vector<16xi32> -> vector<16xi32>
            %add3A_531 = arith.constant 13 : i32
            %add3A_532 = vector.broadcast %add3A_531 : i32 to vector<16xi32>
            %add3A_533 = arith.addi %iota3A, %add3A_532 : vector<16xi32>
            %lt3A_534 = arith.constant 16 : i32
            %lt3A_535 = vector.broadcast %lt3A_534 : i32 to vector<16xi32>
            %lt3A_536 = arith.cmpi slt, %add3A_533, %lt3A_535 : vector<16xi32>
            %eq3A_537 = arith.cmpi eq, %gather3A_530, %sub3A_263 : vector<16xi32>
            %and3A_538 = arith.andi %lt3A_536, %eq3A_537 : vector<16xi1>
            %not3A_539 = arith.constant dense<true> : vector<16xi1>
            %not3A_540 = arith.xori %and3A_538, %not3A_539 : vector<16xi1>
            %and3A_541 = arith.andi %and3A_521, %not3A_540 : vector<16xi1>
            %add3A_542 = arith.constant 14 : i32
            %add3A_543 = vector.broadcast %add3A_542 : i32 to vector<16xi32>
            %add3A_544 = arith.addi %iota3A, %add3A_543 : vector<16xi32>
            %min3A_545 = arith.constant 15 : i32
            %min3A_546 = vector.broadcast %min3A_545 : i32 to vector<16xi32>
            %min3A_547 = arith.minsi %add3A_544, %min3A_546 : vector<16xi32>
            %broadcast_in_dim3A_548 = vector.shape_cast %min3A_547 : vector<16xi32> to vector<16x1xi32>
            %gather3A_549 = vector.shape_cast %broadcast_in_dim3A_548 : vector<16x1xi32> to vector<16xi32>
            %gather3A_550 = tpu.dynamic_gather %sub3A_263[%gather3A_549] in [0] : vector<16xi32>, vector<16xi32> -> vector<16xi32>
            %add3A_551 = arith.constant 14 : i32
            %add3A_552 = vector.broadcast %add3A_551 : i32 to vector<16xi32>
            %add3A_553 = arith.addi %iota3A, %add3A_552 : vector<16xi32>
            %lt3A_554 = arith.constant 16 : i32
            %lt3A_555 = vector.broadcast %lt3A_554 : i32 to vector<16xi32>
            %lt3A_556 = arith.cmpi slt, %add3A_553, %lt3A_555 : vector<16xi32>
            %eq3A_557 = arith.cmpi eq, %gather3A_550, %sub3A_263 : vector<16xi32>
            %and3A_558 = arith.andi %lt3A_556, %eq3A_557 : vector<16xi1>
            %not3A_559 = arith.constant dense<true> : vector<16xi1>
            %not3A_560 = arith.xori %and3A_558, %not3A_559 : vector<16xi1>
            %and3A_561 = arith.andi %and3A_541, %not3A_560 : vector<16xi1>
            %add3A_562 = arith.constant 15 : i32
            %add3A_563 = vector.broadcast %add3A_562 : i32 to vector<16xi32>
            %add3A_564 = arith.addi %iota3A, %add3A_563 : vector<16xi32>
            %min3A_565 = arith.constant 15 : i32
            %min3A_566 = vector.broadcast %min3A_565 : i32 to vector<16xi32>
            %min3A_567 = arith.minsi %add3A_564, %min3A_566 : vector<16xi32>
            %broadcast_in_dim3A_568 = vector.shape_cast %min3A_567 : vector<16xi32> to vector<16x1xi32>
            %gather3A_569 = vector.shape_cast %broadcast_in_dim3A_568 : vector<16x1xi32> to vector<16xi32>
            %gather3A_570 = tpu.dynamic_gather %sub3A_263[%gather3A_569] in [0] : vector<16xi32>, vector<16xi32> -> vector<16xi32>
            %add3A_571 = arith.constant 15 : i32
            %add3A_572 = vector.broadcast %add3A_571 : i32 to vector<16xi32>
            %add3A_573 = arith.addi %iota3A, %add3A_572 : vector<16xi32>
            %lt3A_574 = arith.constant 16 : i32
            %lt3A_575 = vector.broadcast %lt3A_574 : i32 to vector<16xi32>
            %lt3A_576 = arith.cmpi slt, %add3A_573, %lt3A_575 : vector<16xi32>
            %eq3A_577 = arith.cmpi eq, %gather3A_570, %sub3A_263 : vector<16xi32>
            %and3A_578 = arith.andi %lt3A_576, %eq3A_577 : vector<16xi1>
            %not3A_579 = arith.constant dense<true> : vector<16xi1>
            %not3A_580 = arith.xori %and3A_578, %not3A_579 : vector<16xi1>
            %and3A_581 = arith.andi %and3A_561, %not3A_580 : vector<16xi1>
            tpu.vector_store_idx %arg9[%sub3A_263], %add3A_274 masked %and3A_581 : memref<3136xi32, #tpu.memory_space<vmem>>[vector<16xi32>], vector<16xi32>, vector<16xi1>
          } else {
          }
          %while3A_282 = arith.constant 0 : i32
          scf.yield %while3A_282 : i32
        }
        %dma_wait3A_227 = arith.constant 0 : i32
        %dma_wait3A_228 = arith.constant 0 : i32
        %dma_wait3A_229 = arith.constant 0 : i32
        %dma_wait3A_230 = tpu.memref_slice %arg13[%dma_wait3A_227, %dma_wait3A_228, %dma_wait3A_229] : memref<2x224x128xf32, #tpu.memory_space<vmem>> -> memref<1x224x128xf32, #tpu.memory_space<vmem>>
        %dma_wait3A_231 = tpu.memref_squeeze %dma_wait3A_230 : memref<1x224x128xf32, #tpu.memory_space<vmem>> -> memref<224x128xf32, #tpu.memory_space<vmem>>
        %dma_wait3A_232 = arith.constant 0 : i32
        %dma_wait3A_233 = tpu.memref_slice %arg2[%add3A_198, %dma_wait3A_232] : memref<100000x128xf32, #tpu.memory_space<hbm>> -> memref<224x128xf32, #tpu.memory_space<hbm>>
        %dma_wait3A_234 = arith.constant 0 : i32
        %dma_wait3A_235 = arith.constant 0 : i32
        %dma_wait3A_236 = tpu.memref_slice %arg13[%dma_wait3A_227, %dma_wait3A_234, %dma_wait3A_235] : memref<2x224x128xf32, #tpu.memory_space<vmem>> -> memref<1x224x128xf32, #tpu.memory_space<vmem>>
        %dma_wait3A_237 = tpu.memref_squeeze %dma_wait3A_236 : memref<1x224x128xf32, #tpu.memory_space<vmem>> -> memref<224x128xf32, #tpu.memory_space<vmem>>
        %dma_wait3A_238 = arith.constant 0 : i32
        %dma_wait3A_239 = tpu.memref_slice %arg2[%add3A_198, %dma_wait3A_238] : memref<100000x128xf32, #tpu.memory_space<hbm>> -> memref<224x128xf32, #tpu.memory_space<hbm>>
        tpu.wait_dma2 semaphore(%arg14 : memref<!tpu.dma_semaphore, #tpu.memory_space<semaphore_mem>>) src(%dma_wait3A_239 : memref<224x128xf32, #tpu.memory_space<hbm>>) dst(%dma_wait3A_237 : memref<224x128xf32, #tpu.memory_space<vmem>>)
        %mul3A_240 = arith.constant 224 : i32
        %mul3A_241 = arith.muli %scan3A_155, %mul3A_240 : i32
        %add3A_242 = arith.addi %min3A_3, %mul3A_241 : i32
        %dma_start3A_243 = arith.constant 0 : i32
        %dma_start3A_244 = arith.constant 0 : i32
        %dma_start3A_245 = arith.constant 0 : i32
        %dma_start3A_246 = tpu.memref_slice %arg13[%dma_start3A_243, %dma_start3A_244, %dma_start3A_245] : memref<2x224x128xf32, #tpu.memory_space<vmem>> -> memref<1x224x128xf32, #tpu.memory_space<vmem>>
        %dma_start3A_247 = tpu.memref_squeeze %dma_start3A_246 : memref<1x224x128xf32, #tpu.memory_space<vmem>> -> memref<224x128xf32, #tpu.memory_space<vmem>>
        %dma_start3A_248 = arith.constant 0 : i32
        %dma_start3A_249 = tpu.memref_slice %arg4[%add3A_242, %dma_start3A_248] : memref<100000x128xf32, #tpu.memory_space<hbm>> -> memref<224x128xf32, #tpu.memory_space<hbm>>
        %dma_start3A_250 = arith.constant 0 : i32
        %dma_start3A_251 = tpu.memref_slice %arg4[%add3A_242, %dma_start3A_250] : memref<100000x128xf32, #tpu.memory_space<hbm>> -> memref<224x128xf32, #tpu.memory_space<hbm>>
        %dma_start3A_252 = arith.constant 0 : i32
        %dma_start3A_253 = arith.constant 0 : i32
        %dma_start3A_254 = tpu.memref_slice %arg13[%dma_start3A_243, %dma_start3A_252, %dma_start3A_253] : memref<2x224x128xf32, #tpu.memory_space<vmem>> -> memref<1x224x128xf32, #tpu.memory_space<vmem>>
        %dma_start3A_255 = tpu.memref_squeeze %dma_start3A_254 : memref<1x224x128xf32, #tpu.memory_space<vmem>> -> memref<224x128xf32, #tpu.memory_space<vmem>>
        tpu.enqueue_dma source(%dma_start3A_255 : memref<224x128xf32, #tpu.memory_space<vmem>>) target(%dma_start3A_251 : memref<224x128xf32, #tpu.memory_space<hbm>>) target_semaphore(%arg16 : memref<!tpu.dma_semaphore, #tpu.memory_space<semaphore_mem>>)
      } else {
      }
      %jit3A_170 = arith.constant 2 : i32
      %eq3A_171 = arith.constant 0 : i32
      %eq3A_172 = arith.cmpi eq, %jit3A_170, %eq3A_171 : i32
      %jit3A_173 = arith.constant 1 : i32
      %select_n3A_174 = arith.select %eq3A_172, %jit3A_173, %jit3A_170 : i32
      %rem3A_175 = arith.remsi %scan3A_155, %select_n3A_174 : i32
      %ne3A_176 = arith.constant 0 : i32
      %ne3A_177 = arith.cmpi ne, %rem3A_175, %ne3A_176 : i32
      %lt3A_178 = arith.constant 0 : i32
      %lt3A_179 = arith.cmpi slt, %rem3A_175, %lt3A_178 : i32
      %lt3A_180 = arith.constant 0 : i32
      %lt3A_181 = arith.cmpi slt, %select_n3A_174, %lt3A_180 : i32
      %ne3A_182 = arith.xori %lt3A_179, %lt3A_181 : i1
      %and3A_183 = arith.andi %ne3A_182, %ne3A_177 : i1
      %add3A_184 = arith.addi %rem3A_175, %select_n3A_174 : i32
      %select_n3A_185 = arith.select %and3A_183, %add3A_184, %rem3A_175 : i32
      %eq3A_186 = arith.constant 1 : i32
      %eq3A_187 = arith.cmpi eq, %select_n3A_185, %eq3A_186 : i32
      %convert_element_type3A_188 = arith.extui %eq3A_187 : i1 to i32
      %cond3A_189 = arith.constant 0 : i32
      %cond3A_190 = arith.cmpi ne, %convert_element_type3A_188, %cond3A_189 : i32
      scf.if %cond3A_190 {
        %ge3A = arith.constant 2 : i32
        %ge3A_192 = arith.cmpi sge, %scan3A_155, %ge3A : i32
        %convert_element_type3A_193 = arith.extui %ge3A_192 : i1 to i32
        %cond3A_194 = arith.constant 0 : i32
        %cond3A_195 = arith.cmpi ne, %convert_element_type3A_193, %cond3A_194 : i32
        scf.if %cond3A_195 {
          %sub3A_256 = arith.constant 2 : i32
          %sub3A_257 = arith.subi %scan3A_155, %sub3A_256 : i32
          %mul3A_258 = arith.constant 224 : i32
          %mul3A_259 = arith.muli %sub3A_257, %mul3A_258 : i32
          %add3A_260 = arith.addi %min3A_3, %mul3A_259 : i32
          %dma_wait3A_261 = arith.constant 1 : i32
          %dma_wait3A_262 = arith.constant 0 : i32
          %dma_wait3A_263 = arith.constant 0 : i32
          %dma_wait3A_264 = tpu.memref_slice %arg13[%dma_wait3A_261, %dma_wait3A_262, %dma_wait3A_263] : memref<2x224x128xf32, #tpu.memory_space<vmem>> -> memref<1x224x128xf32, #tpu.memory_space<vmem>>
          %dma_wait3A_265 = tpu.memref_squeeze %dma_wait3A_264 : memref<1x224x128xf32, #tpu.memory_space<vmem>> -> memref<224x128xf32, #tpu.memory_space<vmem>>
          %dma_wait3A_266 = arith.constant 0 : i32
          %dma_wait3A_267 = tpu.memref_slice %arg4[%add3A_260, %dma_wait3A_266] : memref<100000x128xf32, #tpu.memory_space<hbm>> -> memref<224x128xf32, #tpu.memory_space<hbm>>
          %dma_wait3A_268 = arith.constant 0 : i32
          %dma_wait3A_269 = tpu.memref_slice %arg4[%add3A_260, %dma_wait3A_268] : memref<100000x128xf32, #tpu.memory_space<hbm>> -> memref<224x128xf32, #tpu.memory_space<hbm>>
          %dma_wait3A_270 = arith.constant 0 : i32
          %dma_wait3A_271 = arith.constant 0 : i32
          %dma_wait3A_272 = tpu.memref_slice %arg13[%dma_wait3A_261, %dma_wait3A_270, %dma_wait3A_271] : memref<2x224x128xf32, #tpu.memory_space<vmem>> -> memref<1x224x128xf32, #tpu.memory_space<vmem>>
          %dma_wait3A_273 = tpu.memref_squeeze %dma_wait3A_272 : memref<1x224x128xf32, #tpu.memory_space<vmem>> -> memref<224x128xf32, #tpu.memory_space<vmem>>
          tpu.wait_dma2 semaphore(%arg17 : memref<!tpu.dma_semaphore, #tpu.memory_space<semaphore_mem>>) src(%dma_wait3A_273 : memref<224x128xf32, #tpu.memory_space<vmem>>) dst(%dma_wait3A_269 : memref<224x128xf32, #tpu.memory_space<hbm>>)
        } else {
        }
        %mul3A_196 = arith.constant 224 : i32
        %mul3A_197 = arith.muli %scan3A_155, %mul3A_196 : i32
        %add3A_198 = arith.addi %min3A_3, %mul3A_197 : i32
        %dma_start3A = arith.constant 1 : i32
        %dma_start3A_199 = arith.constant 0 : i32
        %dma_start3A_200 = arith.constant 0 : i32
        %dma_start3A_201 = tpu.memref_slice %arg13[%dma_start3A, %dma_start3A_199, %dma_start3A_200] : memref<2x224x128xf32, #tpu.memory_space<vmem>> -> memref<1x224x128xf32, #tpu.memory_space<vmem>>
        %dma_start3A_202 = tpu.memref_squeeze %dma_start3A_201 : memref<1x224x128xf32, #tpu.memory_space<vmem>> -> memref<224x128xf32, #tpu.memory_space<vmem>>
        %dma_start3A_203 = arith.constant 0 : i32
        %dma_start3A_204 = tpu.memref_slice %arg2[%add3A_198, %dma_start3A_203] : memref<100000x128xf32, #tpu.memory_space<hbm>> -> memref<224x128xf32, #tpu.memory_space<hbm>>
        %dma_start3A_205 = arith.constant 0 : i32
        %dma_start3A_206 = arith.constant 0 : i32
        %dma_start3A_207 = tpu.memref_slice %arg13[%dma_start3A, %dma_start3A_205, %dma_start3A_206] : memref<2x224x128xf32, #tpu.memory_space<vmem>> -> memref<1x224x128xf32, #tpu.memory_space<vmem>>
        %dma_start3A_208 = tpu.memref_squeeze %dma_start3A_207 : memref<1x224x128xf32, #tpu.memory_space<vmem>> -> memref<224x128xf32, #tpu.memory_space<vmem>>
        %dma_start3A_209 = arith.constant 0 : i32
        %dma_start3A_210 = tpu.memref_slice %arg2[%add3A_198, %dma_start3A_209] : memref<100000x128xf32, #tpu.memory_space<hbm>> -> memref<224x128xf32, #tpu.memory_space<hbm>>
        tpu.enqueue_dma source(%dma_start3A_210 : memref<224x128xf32, #tpu.memory_space<hbm>>) target(%dma_start3A_208 : memref<224x128xf32, #tpu.memory_space<vmem>>) target_semaphore(%arg15 : memref<!tpu.dma_semaphore, #tpu.memory_space<semaphore_mem>>)
        %mul3A_211 = arith.constant 74 : i32
        %mul3A_212 = arith.muli %scan3A_155, %mul3A_211 : i32
        %add3A_213 = arith.constant 1 : i32
        %add3A_214 = arith.addi %scan3A_155, %add3A_213 : i32
        %mul3A_215 = arith.constant 74 : i32
        %mul3A_216 = arith.muli %add3A_214, %mul3A_215 : i32
        %while3A = arith.constant 0 : i32
        %while3A_217 = arith.subi %mul3A_216, %mul3A_212 : i32
        %while3A_218 = arith.addi %mul3A_212, %while3A_217 : i32
        %while3A_219 = arith.constant 1 : i32
        %while3A_220 = arith.divsi %while3A_217, %while3A_219 : i32
        %while3A_221 = arith.muli %while3A_220, %while3A_219 : i32
        %while3A_222 = arith.addi %mul3A_212, %while3A_221 : i32
        %while3A_223 = arith.constant 1 : i32
        %while3A_224 = scf.for %while3A_256 = %mul3A_212 to %while3A_222 step %while3A_223 iter_args(%while3A_257 = %while3A) -> (i32)  : i32 {
          %mul3A_258 = arith.constant 16 : i32
          %mul3A_259 = arith.muli %while3A_256, %mul3A_258 : i32
          %get3A_260 = arith.index_cast %mul3A_259 : i32 to index
          %get3A_261 = tpu.vector_load %arg8[%get3A_260] {strides = array<i32>} : memref<16576xi32, #tpu.memory_space<vmem>>, vector<16xi32>,
          %sub3A_262 = vector.broadcast %min3A_3 : i32 to vector<16xi32>
          %sub3A_263 = arith.subi %get3A_261, %sub3A_262 : vector<16xi32>
          %ge3A_264 = arith.constant 0 : i32
          %ge3A_265 = vector.broadcast %ge3A_264 : i32 to vector<16xi32>
          %ge3A_266 = arith.cmpi sge, %sub3A_263, %ge3A_265 : vector<16xi32>
          %lt3A_267 = arith.constant 3136 : i32
          %lt3A_268 = vector.broadcast %lt3A_267 : i32 to vector<16xi32>
          %lt3A_269 = arith.cmpi slt, %sub3A_263, %lt3A_268 : vector<16xi32>
          %and3A_270 = arith.andi %ge3A_266, %lt3A_269 : vector<16xi1>
          %mul3A_271 = arith.constant 16 : i32
          %mul3A_272 = arith.muli %while3A_256, %mul3A_271 : i32
          %add3A_273 = vector.broadcast %mul3A_272 : i32 to vector<16xi32>
          %add3A_274 = arith.addi %iota3A, %add3A_273 : vector<16xi32>
          tpu.vector_store_idx %arg9[%sub3A_263], %add3A_274 masked %and3A_270 : memref<3136xi32, #tpu.memory_space<vmem>>[vector<16xi32>], vector<16xi32>, vector<16xi1>
          %gather3A_275 = tpu.vector_load_idx %arg9[%sub3A_263] masked %and3A_270 : memref<3136xi32, #tpu.memory_space<vmem>>[vector<16xi32>], vector<16xi32>, vector<16xi1>
          %ne3A_276 = arith.cmpi ne, %gather3A_275, %add3A_274 : vector<16xi32>
          %and3A_277 = arith.andi %and3A_270, %ne3A_276 : vector<16xi1>
          %all_reduce_population_count3A = tpu.all_reduce %and3A_277 {dim = 0 : i64, kind = #tpu.reduction_kind<sum>} : vector<16xi1> -> vector<16xi32>
          %slice3A = vector.extract_strided_slice %all_reduce_population_count3A {offsets = [0], sizes = [1], strides = [1]} : vector<16xi32> to vector<1xi32>
          %squeeze3A = vector.extract %slice3A[0] : i32 from vector<1xi32>
          %gt3A = arith.constant 0 : i32
          %gt3A_278 = arith.cmpi sgt, %squeeze3A, %gt3A : i32
          %convert_element_type3A_279 = arith.extui %gt3A_278 : i1 to i32
          %cond3A_280 = arith.constant 0 : i32
          %cond3A_281 = arith.cmpi ne, %convert_element_type3A_279, %cond3A_280 : i32
          scf.if %cond3A_281 {
            %add3A_283 = arith.constant 1 : i32
            %add3A_284 = vector.broadcast %add3A_283 : i32 to vector<16xi32>
            %add3A_285 = arith.addi %iota3A, %add3A_284 : vector<16xi32>
            %min3A_286 = arith.constant 15 : i32
            %min3A_287 = vector.broadcast %min3A_286 : i32 to vector<16xi32>
            %min3A_288 = arith.minsi %add3A_285, %min3A_287 : vector<16xi32>
            %broadcast_in_dim3A_289 = vector.shape_cast %min3A_288 : vector<16xi32> to vector<16x1xi32>
            %gather3A_290 = vector.shape_cast %broadcast_in_dim3A_289 : vector<16x1xi32> to vector<16xi32>
            %gather3A_291 = tpu.dynamic_gather %sub3A_263[%gather3A_290] in [0] : vector<16xi32>, vector<16xi32> -> vector<16xi32>
            %add3A_292 = arith.constant 1 : i32
            %add3A_293 = vector.broadcast %add3A_292 : i32 to vector<16xi32>
            %add3A_294 = arith.addi %iota3A, %add3A_293 : vector<16xi32>
            %lt3A_295 = arith.constant 16 : i32
            %lt3A_296 = vector.broadcast %lt3A_295 : i32 to vector<16xi32>
            %lt3A_297 = arith.cmpi slt, %add3A_294, %lt3A_296 : vector<16xi32>
            %eq3A_298 = arith.cmpi eq, %gather3A_291, %sub3A_263 : vector<16xi32>
            %and3A_299 = arith.andi %lt3A_297, %eq3A_298 : vector<16xi1>
            %not3A = arith.constant dense<true> : vector<16xi1>
            %not3A_300 = arith.xori %and3A_299, %not3A : vector<16xi1>
            %and3A_301 = arith.andi %and3A_270, %not3A_300 : vector<16xi1>
            %add3A_302 = arith.constant 2 : i32
            %add3A_303 = vector.broadcast %add3A_302 : i32 to vector<16xi32>
            %add3A_304 = arith.addi %iota3A, %add3A_303 : vector<16xi32>
            %min3A_305 = arith.constant 15 : i32
            %min3A_306 = vector.broadcast %min3A_305 : i32 to vector<16xi32>
            %min3A_307 = arith.minsi %add3A_304, %min3A_306 : vector<16xi32>
            %broadcast_in_dim3A_308 = vector.shape_cast %min3A_307 : vector<16xi32> to vector<16x1xi32>
            %gather3A_309 = vector.shape_cast %broadcast_in_dim3A_308 : vector<16x1xi32> to vector<16xi32>
            %gather3A_310 = tpu.dynamic_gather %sub3A_263[%gather3A_309] in [0] : vector<16xi32>, vector<16xi32> -> vector<16xi32>
            %add3A_311 = arith.constant 2 : i32
            %add3A_312 = vector.broadcast %add3A_311 : i32 to vector<16xi32>
            %add3A_313 = arith.addi %iota3A, %add3A_312 : vector<16xi32>
            %lt3A_314 = arith.constant 16 : i32
            %lt3A_315 = vector.broadcast %lt3A_314 : i32 to vector<16xi32>
            %lt3A_316 = arith.cmpi slt, %add3A_313, %lt3A_315 : vector<16xi32>
            %eq3A_317 = arith.cmpi eq, %gather3A_310, %sub3A_263 : vector<16xi32>
            %and3A_318 = arith.andi %lt3A_316, %eq3A_317 : vector<16xi1>
            %not3A_319 = arith.constant dense<true> : vector<16xi1>
            %not3A_320 = arith.xori %and3A_318, %not3A_319 : vector<16xi1>
            %and3A_321 = arith.andi %and3A_301, %not3A_320 : vector<16xi1>
            %add3A_322 = arith.constant 3 : i32
            %add3A_323 = vector.broadcast %add3A_322 : i32 to vector<16xi32>
            %add3A_324 = arith.addi %iota3A, %add3A_323 : vector<16xi32>
            %min3A_325 = arith.constant 15 : i32
            %min3A_326 = vector.broadcast %min3A_325 : i32 to vector<16xi32>
            %min3A_327 = arith.minsi %add3A_324, %min3A_326 : vector<16xi32>
            %broadcast_in_dim3A_328 = vector.shape_cast %min3A_327 : vector<16xi32> to vector<16x1xi32>
            %gather3A_329 = vector.shape_cast %broadcast_in_dim3A_328 : vector<16x1xi32> to vector<16xi32>
            %gather3A_330 = tpu.dynamic_gather %sub3A_263[%gather3A_329] in [0] : vector<16xi32>, vector<16xi32> -> vector<16xi32>
            %add3A_331 = arith.constant 3 : i32
            %add3A_332 = vector.broadcast %add3A_331 : i32 to vector<16xi32>
            %add3A_333 = arith.addi %iota3A, %add3A_332 : vector<16xi32>
            %lt3A_334 = arith.constant 16 : i32
            %lt3A_335 = vector.broadcast %lt3A_334 : i32 to vector<16xi32>
            %lt3A_336 = arith.cmpi slt, %add3A_333, %lt3A_335 : vector<16xi32>
            %eq3A_337 = arith.cmpi eq, %gather3A_330, %sub3A_263 : vector<16xi32>
            %and3A_338 = arith.andi %lt3A_336, %eq3A_337 : vector<16xi1>
            %not3A_339 = arith.constant dense<true> : vector<16xi1>
            %not3A_340 = arith.xori %and3A_338, %not3A_339 : vector<16xi1>
            %and3A_341 = arith.andi %and3A_321, %not3A_340 : vector<16xi1>
            %add3A_342 = arith.constant 4 : i32
            %add3A_343 = vector.broadcast %add3A_342 : i32 to vector<16xi32>
            %add3A_344 = arith.addi %iota3A, %add3A_343 : vector<16xi32>
            %min3A_345 = arith.constant 15 : i32
            %min3A_346 = vector.broadcast %min3A_345 : i32 to vector<16xi32>
            %min3A_347 = arith.minsi %add3A_344, %min3A_346 : vector<16xi32>
            %broadcast_in_dim3A_348 = vector.shape_cast %min3A_347 : vector<16xi32> to vector<16x1xi32>
            %gather3A_349 = vector.shape_cast %broadcast_in_dim3A_348 : vector<16x1xi32> to vector<16xi32>
            %gather3A_350 = tpu.dynamic_gather %sub3A_263[%gather3A_349] in [0] : vector<16xi32>, vector<16xi32> -> vector<16xi32>
            %add3A_351 = arith.constant 4 : i32
            %add3A_352 = vector.broadcast %add3A_351 : i32 to vector<16xi32>
            %add3A_353 = arith.addi %iota3A, %add3A_352 : vector<16xi32>
            %lt3A_354 = arith.constant 16 : i32
            %lt3A_355 = vector.broadcast %lt3A_354 : i32 to vector<16xi32>
            %lt3A_356 = arith.cmpi slt, %add3A_353, %lt3A_355 : vector<16xi32>
            %eq3A_357 = arith.cmpi eq, %gather3A_350, %sub3A_263 : vector<16xi32>
            %and3A_358 = arith.andi %lt3A_356, %eq3A_357 : vector<16xi1>
            %not3A_359 = arith.constant dense<true> : vector<16xi1>
            %not3A_360 = arith.xori %and3A_358, %not3A_359 : vector<16xi1>
            %and3A_361 = arith.andi %and3A_341, %not3A_360 : vector<16xi1>
            %add3A_362 = arith.constant 5 : i32
            %add3A_363 = vector.broadcast %add3A_362 : i32 to vector<16xi32>
            %add3A_364 = arith.addi %iota3A, %add3A_363 : vector<16xi32>
            %min3A_365 = arith.constant 15 : i32
            %min3A_366 = vector.broadcast %min3A_365 : i32 to vector<16xi32>
            %min3A_367 = arith.minsi %add3A_364, %min3A_366 : vector<16xi32>
            %broadcast_in_dim3A_368 = vector.shape_cast %min3A_367 : vector<16xi32> to vector<16x1xi32>
            %gather3A_369 = vector.shape_cast %broadcast_in_dim3A_368 : vector<16x1xi32> to vector<16xi32>
            %gather3A_370 = tpu.dynamic_gather %sub3A_263[%gather3A_369] in [0] : vector<16xi32>, vector<16xi32> -> vector<16xi32>
            %add3A_371 = arith.constant 5 : i32
            %add3A_372 = vector.broadcast %add3A_371 : i32 to vector<16xi32>
            %add3A_373 = arith.addi %iota3A, %add3A_372 : vector<16xi32>
            %lt3A_374 = arith.constant 16 : i32
            %lt3A_375 = vector.broadcast %lt3A_374 : i32 to vector<16xi32>
            %lt3A_376 = arith.cmpi slt, %add3A_373, %lt3A_375 : vector<16xi32>
            %eq3A_377 = arith.cmpi eq, %gather3A_370, %sub3A_263 : vector<16xi32>
            %and3A_378 = arith.andi %lt3A_376, %eq3A_377 : vector<16xi1>
            %not3A_379 = arith.constant dense<true> : vector<16xi1>
            %not3A_380 = arith.xori %and3A_378, %not3A_379 : vector<16xi1>
            %and3A_381 = arith.andi %and3A_361, %not3A_380 : vector<16xi1>
            %add3A_382 = arith.constant 6 : i32
            %add3A_383 = vector.broadcast %add3A_382 : i32 to vector<16xi32>
            %add3A_384 = arith.addi %iota3A, %add3A_383 : vector<16xi32>
            %min3A_385 = arith.constant 15 : i32
            %min3A_386 = vector.broadcast %min3A_385 : i32 to vector<16xi32>
            %min3A_387 = arith.minsi %add3A_384, %min3A_386 : vector<16xi32>
            %broadcast_in_dim3A_388 = vector.shape_cast %min3A_387 : vector<16xi32> to vector<16x1xi32>
            %gather3A_389 = vector.shape_cast %broadcast_in_dim3A_388 : vector<16x1xi32> to vector<16xi32>
            %gather3A_390 = tpu.dynamic_gather %sub3A_263[%gather3A_389] in [0] : vector<16xi32>, vector<16xi32> -> vector<16xi32>
            %add3A_391 = arith.constant 6 : i32
            %add3A_392 = vector.broadcast %add3A_391 : i32 to vector<16xi32>
            %add3A_393 = arith.addi %iota3A, %add3A_392 : vector<16xi32>
            %lt3A_394 = arith.constant 16 : i32
            %lt3A_395 = vector.broadcast %lt3A_394 : i32 to vector<16xi32>
            %lt3A_396 = arith.cmpi slt, %add3A_393, %lt3A_395 : vector<16xi32>
            %eq3A_397 = arith.cmpi eq, %gather3A_390, %sub3A_263 : vector<16xi32>
            %and3A_398 = arith.andi %lt3A_396, %eq3A_397 : vector<16xi1>
            %not3A_399 = arith.constant dense<true> : vector<16xi1>
            %not3A_400 = arith.xori %and3A_398, %not3A_399 : vector<16xi1>
            %and3A_401 = arith.andi %and3A_381, %not3A_400 : vector<16xi1>
            %add3A_402 = arith.constant 7 : i32
            %add3A_403 = vector.broadcast %add3A_402 : i32 to vector<16xi32>
            %add3A_404 = arith.addi %iota3A, %add3A_403 : vector<16xi32>
            %min3A_405 = arith.constant 15 : i32
            %min3A_406 = vector.broadcast %min3A_405 : i32 to vector<16xi32>
            %min3A_407 = arith.minsi %add3A_404, %min3A_406 : vector<16xi32>
            %broadcast_in_dim3A_408 = vector.shape_cast %min3A_407 : vector<16xi32> to vector<16x1xi32>
            %gather3A_409 = vector.shape_cast %broadcast_in_dim3A_408 : vector<16x1xi32> to vector<16xi32>
            %gather3A_410 = tpu.dynamic_gather %sub3A_263[%gather3A_409] in [0] : vector<16xi32>, vector<16xi32> -> vector<16xi32>
            %add3A_411 = arith.constant 7 : i32
            %add3A_412 = vector.broadcast %add3A_411 : i32 to vector<16xi32>
            %add3A_413 = arith.addi %iota3A, %add3A_412 : vector<16xi32>
            %lt3A_414 = arith.constant 16 : i32
            %lt3A_415 = vector.broadcast %lt3A_414 : i32 to vector<16xi32>
            %lt3A_416 = arith.cmpi slt, %add3A_413, %lt3A_415 : vector<16xi32>
            %eq3A_417 = arith.cmpi eq, %gather3A_410, %sub3A_263 : vector<16xi32>
            %and3A_418 = arith.andi %lt3A_416, %eq3A_417 : vector<16xi1>
            %not3A_419 = arith.constant dense<true> : vector<16xi1>
            %not3A_420 = arith.xori %and3A_418, %not3A_419 : vector<16xi1>
            %and3A_421 = arith.andi %and3A_401, %not3A_420 : vector<16xi1>
            %add3A_422 = arith.constant 8 : i32
            %add3A_423 = vector.broadcast %add3A_422 : i32 to vector<16xi32>
            %add3A_424 = arith.addi %iota3A, %add3A_423 : vector<16xi32>
            %min3A_425 = arith.constant 15 : i32
            %min3A_426 = vector.broadcast %min3A_425 : i32 to vector<16xi32>
            %min3A_427 = arith.minsi %add3A_424, %min3A_426 : vector<16xi32>
            %broadcast_in_dim3A_428 = vector.shape_cast %min3A_427 : vector<16xi32> to vector<16x1xi32>
            %gather3A_429 = vector.shape_cast %broadcast_in_dim3A_428 : vector<16x1xi32> to vector<16xi32>
            %gather3A_430 = tpu.dynamic_gather %sub3A_263[%gather3A_429] in [0] : vector<16xi32>, vector<16xi32> -> vector<16xi32>
            %add3A_431 = arith.constant 8 : i32
            %add3A_432 = vector.broadcast %add3A_431 : i32 to vector<16xi32>
            %add3A_433 = arith.addi %iota3A, %add3A_432 : vector<16xi32>
            %lt3A_434 = arith.constant 16 : i32
            %lt3A_435 = vector.broadcast %lt3A_434 : i32 to vector<16xi32>
            %lt3A_436 = arith.cmpi slt, %add3A_433, %lt3A_435 : vector<16xi32>
            %eq3A_437 = arith.cmpi eq, %gather3A_430, %sub3A_263 : vector<16xi32>
            %and3A_438 = arith.andi %lt3A_436, %eq3A_437 : vector<16xi1>
            %not3A_439 = arith.constant dense<true> : vector<16xi1>
            %not3A_440 = arith.xori %and3A_438, %not3A_439 : vector<16xi1>
            %and3A_441 = arith.andi %and3A_421, %not3A_440 : vector<16xi1>
            %add3A_442 = arith.constant 9 : i32
            %add3A_443 = vector.broadcast %add3A_442 : i32 to vector<16xi32>
            %add3A_444 = arith.addi %iota3A, %add3A_443 : vector<16xi32>
            %min3A_445 = arith.constant 15 : i32
            %min3A_446 = vector.broadcast %min3A_445 : i32 to vector<16xi32>
            %min3A_447 = arith.minsi %add3A_444, %min3A_446 : vector<16xi32>
            %broadcast_in_dim3A_448 = vector.shape_cast %min3A_447 : vector<16xi32> to vector<16x1xi32>
            %gather3A_449 = vector.shape_cast %broadcast_in_dim3A_448 : vector<16x1xi32> to vector<16xi32>
            %gather3A_450 = tpu.dynamic_gather %sub3A_263[%gather3A_449] in [0] : vector<16xi32>, vector<16xi32> -> vector<16xi32>
            %add3A_451 = arith.constant 9 : i32
            %add3A_452 = vector.broadcast %add3A_451 : i32 to vector<16xi32>
            %add3A_453 = arith.addi %iota3A, %add3A_452 : vector<16xi32>
            %lt3A_454 = arith.constant 16 : i32
            %lt3A_455 = vector.broadcast %lt3A_454 : i32 to vector<16xi32>
            %lt3A_456 = arith.cmpi slt, %add3A_453, %lt3A_455 : vector<16xi32>
            %eq3A_457 = arith.cmpi eq, %gather3A_450, %sub3A_263 : vector<16xi32>
            %and3A_458 = arith.andi %lt3A_456, %eq3A_457 : vector<16xi1>
            %not3A_459 = arith.constant dense<true> : vector<16xi1>
            %not3A_460 = arith.xori %and3A_458, %not3A_459 : vector<16xi1>
            %and3A_461 = arith.andi %and3A_441, %not3A_460 : vector<16xi1>
            %add3A_462 = arith.constant 10 : i32
            %add3A_463 = vector.broadcast %add3A_462 : i32 to vector<16xi32>
            %add3A_464 = arith.addi %iota3A, %add3A_463 : vector<16xi32>
            %min3A_465 = arith.constant 15 : i32
            %min3A_466 = vector.broadcast %min3A_465 : i32 to vector<16xi32>
            %min3A_467 = arith.minsi %add3A_464, %min3A_466 : vector<16xi32>
            %broadcast_in_dim3A_468 = vector.shape_cast %min3A_467 : vector<16xi32> to vector<16x1xi32>
            %gather3A_469 = vector.shape_cast %broadcast_in_dim3A_468 : vector<16x1xi32> to vector<16xi32>
            %gather3A_470 = tpu.dynamic_gather %sub3A_263[%gather3A_469] in [0] : vector<16xi32>, vector<16xi32> -> vector<16xi32>
            %add3A_471 = arith.constant 10 : i32
            %add3A_472 = vector.broadcast %add3A_471 : i32 to vector<16xi32>
            %add3A_473 = arith.addi %iota3A, %add3A_472 : vector<16xi32>
            %lt3A_474 = arith.constant 16 : i32
            %lt3A_475 = vector.broadcast %lt3A_474 : i32 to vector<16xi32>
            %lt3A_476 = arith.cmpi slt, %add3A_473, %lt3A_475 : vector<16xi32>
            %eq3A_477 = arith.cmpi eq, %gather3A_470, %sub3A_263 : vector<16xi32>
            %and3A_478 = arith.andi %lt3A_476, %eq3A_477 : vector<16xi1>
            %not3A_479 = arith.constant dense<true> : vector<16xi1>
            %not3A_480 = arith.xori %and3A_478, %not3A_479 : vector<16xi1>
            %and3A_481 = arith.andi %and3A_461, %not3A_480 : vector<16xi1>
            %add3A_482 = arith.constant 11 : i32
            %add3A_483 = vector.broadcast %add3A_482 : i32 to vector<16xi32>
            %add3A_484 = arith.addi %iota3A, %add3A_483 : vector<16xi32>
            %min3A_485 = arith.constant 15 : i32
            %min3A_486 = vector.broadcast %min3A_485 : i32 to vector<16xi32>
            %min3A_487 = arith.minsi %add3A_484, %min3A_486 : vector<16xi32>
            %broadcast_in_dim3A_488 = vector.shape_cast %min3A_487 : vector<16xi32> to vector<16x1xi32>
            %gather3A_489 = vector.shape_cast %broadcast_in_dim3A_488 : vector<16x1xi32> to vector<16xi32>
            %gather3A_490 = tpu.dynamic_gather %sub3A_263[%gather3A_489] in [0] : vector<16xi32>, vector<16xi32> -> vector<16xi32>
            %add3A_491 = arith.constant 11 : i32
            %add3A_492 = vector.broadcast %add3A_491 : i32 to vector<16xi32>
            %add3A_493 = arith.addi %iota3A, %add3A_492 : vector<16xi32>
            %lt3A_494 = arith.constant 16 : i32
            %lt3A_495 = vector.broadcast %lt3A_494 : i32 to vector<16xi32>
            %lt3A_496 = arith.cmpi slt, %add3A_493, %lt3A_495 : vector<16xi32>
            %eq3A_497 = arith.cmpi eq, %gather3A_490, %sub3A_263 : vector<16xi32>
            %and3A_498 = arith.andi %lt3A_496, %eq3A_497 : vector<16xi1>
            %not3A_499 = arith.constant dense<true> : vector<16xi1>
            %not3A_500 = arith.xori %and3A_498, %not3A_499 : vector<16xi1>
            %and3A_501 = arith.andi %and3A_481, %not3A_500 : vector<16xi1>
            %add3A_502 = arith.constant 12 : i32
            %add3A_503 = vector.broadcast %add3A_502 : i32 to vector<16xi32>
            %add3A_504 = arith.addi %iota3A, %add3A_503 : vector<16xi32>
            %min3A_505 = arith.constant 15 : i32
            %min3A_506 = vector.broadcast %min3A_505 : i32 to vector<16xi32>
            %min3A_507 = arith.minsi %add3A_504, %min3A_506 : vector<16xi32>
            %broadcast_in_dim3A_508 = vector.shape_cast %min3A_507 : vector<16xi32> to vector<16x1xi32>
            %gather3A_509 = vector.shape_cast %broadcast_in_dim3A_508 : vector<16x1xi32> to vector<16xi32>
            %gather3A_510 = tpu.dynamic_gather %sub3A_263[%gather3A_509] in [0] : vector<16xi32>, vector<16xi32> -> vector<16xi32>
            %add3A_511 = arith.constant 12 : i32
            %add3A_512 = vector.broadcast %add3A_511 : i32 to vector<16xi32>
            %add3A_513 = arith.addi %iota3A, %add3A_512 : vector<16xi32>
            %lt3A_514 = arith.constant 16 : i32
            %lt3A_515 = vector.broadcast %lt3A_514 : i32 to vector<16xi32>
            %lt3A_516 = arith.cmpi slt, %add3A_513, %lt3A_515 : vector<16xi32>
            %eq3A_517 = arith.cmpi eq, %gather3A_510, %sub3A_263 : vector<16xi32>
            %and3A_518 = arith.andi %lt3A_516, %eq3A_517 : vector<16xi1>
            %not3A_519 = arith.constant dense<true> : vector<16xi1>
            %not3A_520 = arith.xori %and3A_518, %not3A_519 : vector<16xi1>
            %and3A_521 = arith.andi %and3A_501, %not3A_520 : vector<16xi1>
            %add3A_522 = arith.constant 13 : i32
            %add3A_523 = vector.broadcast %add3A_522 : i32 to vector<16xi32>
            %add3A_524 = arith.addi %iota3A, %add3A_523 : vector<16xi32>
            %min3A_525 = arith.constant 15 : i32
            %min3A_526 = vector.broadcast %min3A_525 : i32 to vector<16xi32>
            %min3A_527 = arith.minsi %add3A_524, %min3A_526 : vector<16xi32>
            %broadcast_in_dim3A_528 = vector.shape_cast %min3A_527 : vector<16xi32> to vector<16x1xi32>
            %gather3A_529 = vector.shape_cast %broadcast_in_dim3A_528 : vector<16x1xi32> to vector<16xi32>
            %gather3A_530 = tpu.dynamic_gather %sub3A_263[%gather3A_529] in [0] : vector<16xi32>, vector<16xi32> -> vector<16xi32>
            %add3A_531 = arith.constant 13 : i32
            %add3A_532 = vector.broadcast %add3A_531 : i32 to vector<16xi32>
            %add3A_533 = arith.addi %iota3A, %add3A_532 : vector<16xi32>
            %lt3A_534 = arith.constant 16 : i32
            %lt3A_535 = vector.broadcast %lt3A_534 : i32 to vector<16xi32>
            %lt3A_536 = arith.cmpi slt, %add3A_533, %lt3A_535 : vector<16xi32>
            %eq3A_537 = arith.cmpi eq, %gather3A_530, %sub3A_263 : vector<16xi32>
            %and3A_538 = arith.andi %lt3A_536, %eq3A_537 : vector<16xi1>
            %not3A_539 = arith.constant dense<true> : vector<16xi1>
            %not3A_540 = arith.xori %and3A_538, %not3A_539 : vector<16xi1>
            %and3A_541 = arith.andi %and3A_521, %not3A_540 : vector<16xi1>
            %add3A_542 = arith.constant 14 : i32
            %add3A_543 = vector.broadcast %add3A_542 : i32 to vector<16xi32>
            %add3A_544 = arith.addi %iota3A, %add3A_543 : vector<16xi32>
            %min3A_545 = arith.constant 15 : i32
            %min3A_546 = vector.broadcast %min3A_545 : i32 to vector<16xi32>
            %min3A_547 = arith.minsi %add3A_544, %min3A_546 : vector<16xi32>
            %broadcast_in_dim3A_548 = vector.shape_cast %min3A_547 : vector<16xi32> to vector<16x1xi32>
            %gather3A_549 = vector.shape_cast %broadcast_in_dim3A_548 : vector<16x1xi32> to vector<16xi32>
            %gather3A_550 = tpu.dynamic_gather %sub3A_263[%gather3A_549] in [0] : vector<16xi32>, vector<16xi32> -> vector<16xi32>
            %add3A_551 = arith.constant 14 : i32
            %add3A_552 = vector.broadcast %add3A_551 : i32 to vector<16xi32>
            %add3A_553 = arith.addi %iota3A, %add3A_552 : vector<16xi32>
            %lt3A_554 = arith.constant 16 : i32
            %lt3A_555 = vector.broadcast %lt3A_554 : i32 to vector<16xi32>
            %lt3A_556 = arith.cmpi slt, %add3A_553, %lt3A_555 : vector<16xi32>
            %eq3A_557 = arith.cmpi eq, %gather3A_550, %sub3A_263 : vector<16xi32>
            %and3A_558 = arith.andi %lt3A_556, %eq3A_557 : vector<16xi1>
            %not3A_559 = arith.constant dense<true> : vector<16xi1>
            %not3A_560 = arith.xori %and3A_558, %not3A_559 : vector<16xi1>
            %and3A_561 = arith.andi %and3A_541, %not3A_560 : vector<16xi1>
            %add3A_562 = arith.constant 15 : i32
            %add3A_563 = vector.broadcast %add3A_562 : i32 to vector<16xi32>
            %add3A_564 = arith.addi %iota3A, %add3A_563 : vector<16xi32>
            %min3A_565 = arith.constant 15 : i32
            %min3A_566 = vector.broadcast %min3A_565 : i32 to vector<16xi32>
            %min3A_567 = arith.minsi %add3A_564, %min3A_566 : vector<16xi32>
            %broadcast_in_dim3A_568 = vector.shape_cast %min3A_567 : vector<16xi32> to vector<16x1xi32>
            %gather3A_569 = vector.shape_cast %broadcast_in_dim3A_568 : vector<16x1xi32> to vector<16xi32>
            %gather3A_570 = tpu.dynamic_gather %sub3A_263[%gather3A_569] in [0] : vector<16xi32>, vector<16xi32> -> vector<16xi32>
            %add3A_571 = arith.constant 15 : i32
            %add3A_572 = vector.broadcast %add3A_571 : i32 to vector<16xi32>
            %add3A_573 = arith.addi %iota3A, %add3A_572 : vector<16xi32>
            %lt3A_574 = arith.constant 16 : i32
            %lt3A_575 = vector.broadcast %lt3A_574 : i32 to vector<16xi32>
            %lt3A_576 = arith.cmpi slt, %add3A_573, %lt3A_575 : vector<16xi32>
            %eq3A_577 = arith.cmpi eq, %gather3A_570, %sub3A_263 : vector<16xi32>
            %and3A_578 = arith.andi %lt3A_576, %eq3A_577 : vector<16xi1>
            %not3A_579 = arith.constant dense<true> : vector<16xi1>
            %not3A_580 = arith.xori %and3A_578, %not3A_579 : vector<16xi1>
            %and3A_581 = arith.andi %and3A_561, %not3A_580 : vector<16xi1>
            tpu.vector_store_idx %arg9[%sub3A_263], %add3A_274 masked %and3A_581 : memref<3136xi32, #tpu.memory_space<vmem>>[vector<16xi32>], vector<16xi32>, vector<16xi1>
          } else {
          }
          %while3A_282 = arith.constant 0 : i32
          scf.yield %while3A_282 : i32
        }
        %while3A_225 = arith.constant 1 : i32
        %while3A_226 = scf.for %while3A_256 = %while3A_222 to %while3A_218 step %while3A_225 iter_args(%while3A_257 = %while3A_224) -> (i32)  : i32 {
          %mul3A_258 = arith.constant 16 : i32
          %mul3A_259 = arith.muli %while3A_256, %mul3A_258 : i32
          %get3A_260 = arith.index_cast %mul3A_259 : i32 to index
          %get3A_261 = tpu.vector_load %arg8[%get3A_260] {strides = array<i32>} : memref<16576xi32, #tpu.memory_space<vmem>>, vector<16xi32>,
          %sub3A_262 = vector.broadcast %min3A_3 : i32 to vector<16xi32>
          %sub3A_263 = arith.subi %get3A_261, %sub3A_262 : vector<16xi32>
          %ge3A_264 = arith.constant 0 : i32
          %ge3A_265 = vector.broadcast %ge3A_264 : i32 to vector<16xi32>
          %ge3A_266 = arith.cmpi sge, %sub3A_263, %ge3A_265 : vector<16xi32>
          %lt3A_267 = arith.constant 3136 : i32
          %lt3A_268 = vector.broadcast %lt3A_267 : i32 to vector<16xi32>
          %lt3A_269 = arith.cmpi slt, %sub3A_263, %lt3A_268 : vector<16xi32>
          %and3A_270 = arith.andi %ge3A_266, %lt3A_269 : vector<16xi1>
          %mul3A_271 = arith.constant 16 : i32
          %mul3A_272 = arith.muli %while3A_256, %mul3A_271 : i32
          %add3A_273 = vector.broadcast %mul3A_272 : i32 to vector<16xi32>
          %add3A_274 = arith.addi %iota3A, %add3A_273 : vector<16xi32>
          tpu.vector_store_idx %arg9[%sub3A_263], %add3A_274 masked %and3A_270 : memref<3136xi32, #tpu.memory_space<vmem>>[vector<16xi32>], vector<16xi32>, vector<16xi1>
          %gather3A_275 = tpu.vector_load_idx %arg9[%sub3A_263] masked %and3A_270 : memref<3136xi32, #tpu.memory_space<vmem>>[vector<16xi32>], vector<16xi32>, vector<16xi1>
          %ne3A_276 = arith.cmpi ne, %gather3A_275, %add3A_274 : vector<16xi32>
          %and3A_277 = arith.andi %and3A_270, %ne3A_276 : vector<16xi1>
          %all_reduce_population_count3A = tpu.all_reduce %and3A_277 {dim = 0 : i64, kind = #tpu.reduction_kind<sum>} : vector<16xi1> -> vector<16xi32>
          %slice3A = vector.extract_strided_slice %all_reduce_population_count3A {offsets = [0], sizes = [1], strides = [1]} : vector<16xi32> to vector<1xi32>
          %squeeze3A = vector.extract %slice3A[0] : i32 from vector<1xi32>
          %gt3A = arith.constant 0 : i32
          %gt3A_278 = arith.cmpi sgt, %squeeze3A, %gt3A : i32
          %convert_element_type3A_279 = arith.extui %gt3A_278 : i1 to i32
          %cond3A_280 = arith.constant 0 : i32
          %cond3A_281 = arith.cmpi ne, %convert_element_type3A_279, %cond3A_280 : i32
          scf.if %cond3A_281 {
            %add3A_283 = arith.constant 1 : i32
            %add3A_284 = vector.broadcast %add3A_283 : i32 to vector<16xi32>
            %add3A_285 = arith.addi %iota3A, %add3A_284 : vector<16xi32>
            %min3A_286 = arith.constant 15 : i32
            %min3A_287 = vector.broadcast %min3A_286 : i32 to vector<16xi32>
            %min3A_288 = arith.minsi %add3A_285, %min3A_287 : vector<16xi32>
            %broadcast_in_dim3A_289 = vector.shape_cast %min3A_288 : vector<16xi32> to vector<16x1xi32>
            %gather3A_290 = vector.shape_cast %broadcast_in_dim3A_289 : vector<16x1xi32> to vector<16xi32>
            %gather3A_291 = tpu.dynamic_gather %sub3A_263[%gather3A_290] in [0] : vector<16xi32>, vector<16xi32> -> vector<16xi32>
            %add3A_292 = arith.constant 1 : i32
            %add3A_293 = vector.broadcast %add3A_292 : i32 to vector<16xi32>
            %add3A_294 = arith.addi %iota3A, %add3A_293 : vector<16xi32>
            %lt3A_295 = arith.constant 16 : i32
            %lt3A_296 = vector.broadcast %lt3A_295 : i32 to vector<16xi32>
            %lt3A_297 = arith.cmpi slt, %add3A_294, %lt3A_296 : vector<16xi32>
            %eq3A_298 = arith.cmpi eq, %gather3A_291, %sub3A_263 : vector<16xi32>
            %and3A_299 = arith.andi %lt3A_297, %eq3A_298 : vector<16xi1>
            %not3A = arith.constant dense<true> : vector<16xi1>
            %not3A_300 = arith.xori %and3A_299, %not3A : vector<16xi1>
            %and3A_301 = arith.andi %and3A_270, %not3A_300 : vector<16xi1>
            %add3A_302 = arith.constant 2 : i32
            %add3A_303 = vector.broadcast %add3A_302 : i32 to vector<16xi32>
            %add3A_304 = arith.addi %iota3A, %add3A_303 : vector<16xi32>
            %min3A_305 = arith.constant 15 : i32
            %min3A_306 = vector.broadcast %min3A_305 : i32 to vector<16xi32>
            %min3A_307 = arith.minsi %add3A_304, %min3A_306 : vector<16xi32>
            %broadcast_in_dim3A_308 = vector.shape_cast %min3A_307 : vector<16xi32> to vector<16x1xi32>
            %gather3A_309 = vector.shape_cast %broadcast_in_dim3A_308 : vector<16x1xi32> to vector<16xi32>
            %gather3A_310 = tpu.dynamic_gather %sub3A_263[%gather3A_309] in [0] : vector<16xi32>, vector<16xi32> -> vector<16xi32>
            %add3A_311 = arith.constant 2 : i32
            %add3A_312 = vector.broadcast %add3A_311 : i32 to vector<16xi32>
            %add3A_313 = arith.addi %iota3A, %add3A_312 : vector<16xi32>
            %lt3A_314 = arith.constant 16 : i32
            %lt3A_315 = vector.broadcast %lt3A_314 : i32 to vector<16xi32>
            %lt3A_316 = arith.cmpi slt, %add3A_313, %lt3A_315 : vector<16xi32>
            %eq3A_317 = arith.cmpi eq, %gather3A_310, %sub3A_263 : vector<16xi32>
            %and3A_318 = arith.andi %lt3A_316, %eq3A_317 : vector<16xi1>
            %not3A_319 = arith.constant dense<true> : vector<16xi1>
            %not3A_320 = arith.xori %and3A_318, %not3A_319 : vector<16xi1>
            %and3A_321 = arith.andi %and3A_301, %not3A_320 : vector<16xi1>
            %add3A_322 = arith.constant 3 : i32
            %add3A_323 = vector.broadcast %add3A_322 : i32 to vector<16xi32>
            %add3A_324 = arith.addi %iota3A, %add3A_323 : vector<16xi32>
            %min3A_325 = arith.constant 15 : i32
            %min3A_326 = vector.broadcast %min3A_325 : i32 to vector<16xi32>
            %min3A_327 = arith.minsi %add3A_324, %min3A_326 : vector<16xi32>
            %broadcast_in_dim3A_328 = vector.shape_cast %min3A_327 : vector<16xi32> to vector<16x1xi32>
            %gather3A_329 = vector.shape_cast %broadcast_in_dim3A_328 : vector<16x1xi32> to vector<16xi32>
            %gather3A_330 = tpu.dynamic_gather %sub3A_263[%gather3A_329] in [0] : vector<16xi32>, vector<16xi32> -> vector<16xi32>
            %add3A_331 = arith.constant 3 : i32
            %add3A_332 = vector.broadcast %add3A_331 : i32 to vector<16xi32>
            %add3A_333 = arith.addi %iota3A, %add3A_332 : vector<16xi32>
            %lt3A_334 = arith.constant 16 : i32
            %lt3A_335 = vector.broadcast %lt3A_334 : i32 to vector<16xi32>
            %lt3A_336 = arith.cmpi slt, %add3A_333, %lt3A_335 : vector<16xi32>
            %eq3A_337 = arith.cmpi eq, %gather3A_330, %sub3A_263 : vector<16xi32>
            %and3A_338 = arith.andi %lt3A_336, %eq3A_337 : vector<16xi1>
            %not3A_339 = arith.constant dense<true> : vector<16xi1>
            %not3A_340 = arith.xori %and3A_338, %not3A_339 : vector<16xi1>
            %and3A_341 = arith.andi %and3A_321, %not3A_340 : vector<16xi1>
            %add3A_342 = arith.constant 4 : i32
            %add3A_343 = vector.broadcast %add3A_342 : i32 to vector<16xi32>
            %add3A_344 = arith.addi %iota3A, %add3A_343 : vector<16xi32>
            %min3A_345 = arith.constant 15 : i32
            %min3A_346 = vector.broadcast %min3A_345 : i32 to vector<16xi32>
            %min3A_347 = arith.minsi %add3A_344, %min3A_346 : vector<16xi32>
            %broadcast_in_dim3A_348 = vector.shape_cast %min3A_347 : vector<16xi32> to vector<16x1xi32>
            %gather3A_349 = vector.shape_cast %broadcast_in_dim3A_348 : vector<16x1xi32> to vector<16xi32>
            %gather3A_350 = tpu.dynamic_gather %sub3A_263[%gather3A_349] in [0] : vector<16xi32>, vector<16xi32> -> vector<16xi32>
            %add3A_351 = arith.constant 4 : i32
            %add3A_352 = vector.broadcast %add3A_351 : i32 to vector<16xi32>
            %add3A_353 = arith.addi %iota3A, %add3A_352 : vector<16xi32>
            %lt3A_354 = arith.constant 16 : i32
            %lt3A_355 = vector.broadcast %lt3A_354 : i32 to vector<16xi32>
            %lt3A_356 = arith.cmpi slt, %add3A_353, %lt3A_355 : vector<16xi32>
            %eq3A_357 = arith.cmpi eq, %gather3A_350, %sub3A_263 : vector<16xi32>
            %and3A_358 = arith.andi %lt3A_356, %eq3A_357 : vector<16xi1>
            %not3A_359 = arith.constant dense<true> : vector<16xi1>
            %not3A_360 = arith.xori %and3A_358, %not3A_359 : vector<16xi1>
            %and3A_361 = arith.andi %and3A_341, %not3A_360 : vector<16xi1>
            %add3A_362 = arith.constant 5 : i32
            %add3A_363 = vector.broadcast %add3A_362 : i32 to vector<16xi32>
            %add3A_364 = arith.addi %iota3A, %add3A_363 : vector<16xi32>
            %min3A_365 = arith.constant 15 : i32
            %min3A_366 = vector.broadcast %min3A_365 : i32 to vector<16xi32>
            %min3A_367 = arith.minsi %add3A_364, %min3A_366 : vector<16xi32>
            %broadcast_in_dim3A_368 = vector.shape_cast %min3A_367 : vector<16xi32> to vector<16x1xi32>
            %gather3A_369 = vector.shape_cast %broadcast_in_dim3A_368 : vector<16x1xi32> to vector<16xi32>
            %gather3A_370 = tpu.dynamic_gather %sub3A_263[%gather3A_369] in [0] : vector<16xi32>, vector<16xi32> -> vector<16xi32>
            %add3A_371 = arith.constant 5 : i32
            %add3A_372 = vector.broadcast %add3A_371 : i32 to vector<16xi32>
            %add3A_373 = arith.addi %iota3A, %add3A_372 : vector<16xi32>
            %lt3A_374 = arith.constant 16 : i32
            %lt3A_375 = vector.broadcast %lt3A_374 : i32 to vector<16xi32>
            %lt3A_376 = arith.cmpi slt, %add3A_373, %lt3A_375 : vector<16xi32>
            %eq3A_377 = arith.cmpi eq, %gather3A_370, %sub3A_263 : vector<16xi32>
            %and3A_378 = arith.andi %lt3A_376, %eq3A_377 : vector<16xi1>
            %not3A_379 = arith.constant dense<true> : vector<16xi1>
            %not3A_380 = arith.xori %and3A_378, %not3A_379 : vector<16xi1>
            %and3A_381 = arith.andi %and3A_361, %not3A_380 : vector<16xi1>
            %add3A_382 = arith.constant 6 : i32
            %add3A_383 = vector.broadcast %add3A_382 : i32 to vector<16xi32>
            %add3A_384 = arith.addi %iota3A, %add3A_383 : vector<16xi32>
            %min3A_385 = arith.constant 15 : i32
            %min3A_386 = vector.broadcast %min3A_385 : i32 to vector<16xi32>
            %min3A_387 = arith.minsi %add3A_384, %min3A_386 : vector<16xi32>
            %broadcast_in_dim3A_388 = vector.shape_cast %min3A_387 : vector<16xi32> to vector<16x1xi32>
            %gather3A_389 = vector.shape_cast %broadcast_in_dim3A_388 : vector<16x1xi32> to vector<16xi32>
            %gather3A_390 = tpu.dynamic_gather %sub3A_263[%gather3A_389] in [0] : vector<16xi32>, vector<16xi32> -> vector<16xi32>
            %add3A_391 = arith.constant 6 : i32
            %add3A_392 = vector.broadcast %add3A_391 : i32 to vector<16xi32>
            %add3A_393 = arith.addi %iota3A, %add3A_392 : vector<16xi32>
            %lt3A_394 = arith.constant 16 : i32
            %lt3A_395 = vector.broadcast %lt3A_394 : i32 to vector<16xi32>
            %lt3A_396 = arith.cmpi slt, %add3A_393, %lt3A_395 : vector<16xi32>
            %eq3A_397 = arith.cmpi eq, %gather3A_390, %sub3A_263 : vector<16xi32>
            %and3A_398 = arith.andi %lt3A_396, %eq3A_397 : vector<16xi1>
            %not3A_399 = arith.constant dense<true> : vector<16xi1>
            %not3A_400 = arith.xori %and3A_398, %not3A_399 : vector<16xi1>
            %and3A_401 = arith.andi %and3A_381, %not3A_400 : vector<16xi1>
            %add3A_402 = arith.constant 7 : i32
            %add3A_403 = vector.broadcast %add3A_402 : i32 to vector<16xi32>
            %add3A_404 = arith.addi %iota3A, %add3A_403 : vector<16xi32>
            %min3A_405 = arith.constant 15 : i32
            %min3A_406 = vector.broadcast %min3A_405 : i32 to vector<16xi32>
            %min3A_407 = arith.minsi %add3A_404, %min3A_406 : vector<16xi32>
            %broadcast_in_dim3A_408 = vector.shape_cast %min3A_407 : vector<16xi32> to vector<16x1xi32>
            %gather3A_409 = vector.shape_cast %broadcast_in_dim3A_408 : vector<16x1xi32> to vector<16xi32>
            %gather3A_410 = tpu.dynamic_gather %sub3A_263[%gather3A_409] in [0] : vector<16xi32>, vector<16xi32> -> vector<16xi32>
            %add3A_411 = arith.constant 7 : i32
            %add3A_412 = vector.broadcast %add3A_411 : i32 to vector<16xi32>
            %add3A_413 = arith.addi %iota3A, %add3A_412 : vector<16xi32>
            %lt3A_414 = arith.constant 16 : i32
            %lt3A_415 = vector.broadcast %lt3A_414 : i32 to vector<16xi32>
            %lt3A_416 = arith.cmpi slt, %add3A_413, %lt3A_415 : vector<16xi32>
            %eq3A_417 = arith.cmpi eq, %gather3A_410, %sub3A_263 : vector<16xi32>
            %and3A_418 = arith.andi %lt3A_416, %eq3A_417 : vector<16xi1>
            %not3A_419 = arith.constant dense<true> : vector<16xi1>
            %not3A_420 = arith.xori %and3A_418, %not3A_419 : vector<16xi1>
            %and3A_421 = arith.andi %and3A_401, %not3A_420 : vector<16xi1>
            %add3A_422 = arith.constant 8 : i32
            %add3A_423 = vector.broadcast %add3A_422 : i32 to vector<16xi32>
            %add3A_424 = arith.addi %iota3A, %add3A_423 : vector<16xi32>
            %min3A_425 = arith.constant 15 : i32
            %min3A_426 = vector.broadcast %min3A_425 : i32 to vector<16xi32>
            %min3A_427 = arith.minsi %add3A_424, %min3A_426 : vector<16xi32>
            %broadcast_in_dim3A_428 = vector.shape_cast %min3A_427 : vector<16xi32> to vector<16x1xi32>
            %gather3A_429 = vector.shape_cast %broadcast_in_dim3A_428 : vector<16x1xi32> to vector<16xi32>
            %gather3A_430 = tpu.dynamic_gather %sub3A_263[%gather3A_429] in [0] : vector<16xi32>, vector<16xi32> -> vector<16xi32>
            %add3A_431 = arith.constant 8 : i32
            %add3A_432 = vector.broadcast %add3A_431 : i32 to vector<16xi32>
            %add3A_433 = arith.addi %iota3A, %add3A_432 : vector<16xi32>
            %lt3A_434 = arith.constant 16 : i32
            %lt3A_435 = vector.broadcast %lt3A_434 : i32 to vector<16xi32>
            %lt3A_436 = arith.cmpi slt, %add3A_433, %lt3A_435 : vector<16xi32>
            %eq3A_437 = arith.cmpi eq, %gather3A_430, %sub3A_263 : vector<16xi32>
            %and3A_438 = arith.andi %lt3A_436, %eq3A_437 : vector<16xi1>
            %not3A_439 = arith.constant dense<true> : vector<16xi1>
            %not3A_440 = arith.xori %and3A_438, %not3A_439 : vector<16xi1>
            %and3A_441 = arith.andi %and3A_421, %not3A_440 : vector<16xi1>
            %add3A_442 = arith.constant 9 : i32
            %add3A_443 = vector.broadcast %add3A_442 : i32 to vector<16xi32>
            %add3A_444 = arith.addi %iota3A, %add3A_443 : vector<16xi32>
            %min3A_445 = arith.constant 15 : i32
            %min3A_446 = vector.broadcast %min3A_445 : i32 to vector<16xi32>
            %min3A_447 = arith.minsi %add3A_444, %min3A_446 : vector<16xi32>
            %broadcast_in_dim3A_448 = vector.shape_cast %min3A_447 : vector<16xi32> to vector<16x1xi32>
            %gather3A_449 = vector.shape_cast %broadcast_in_dim3A_448 : vector<16x1xi32> to vector<16xi32>
            %gather3A_450 = tpu.dynamic_gather %sub3A_263[%gather3A_449] in [0] : vector<16xi32>, vector<16xi32> -> vector<16xi32>
            %add3A_451 = arith.constant 9 : i32
            %add3A_452 = vector.broadcast %add3A_451 : i32 to vector<16xi32>
            %add3A_453 = arith.addi %iota3A, %add3A_452 : vector<16xi32>
            %lt3A_454 = arith.constant 16 : i32
            %lt3A_455 = vector.broadcast %lt3A_454 : i32 to vector<16xi32>
            %lt3A_456 = arith.cmpi slt, %add3A_453, %lt3A_455 : vector<16xi32>
            %eq3A_457 = arith.cmpi eq, %gather3A_450, %sub3A_263 : vector<16xi32>
            %and3A_458 = arith.andi %lt3A_456, %eq3A_457 : vector<16xi1>
            %not3A_459 = arith.constant dense<true> : vector<16xi1>
            %not3A_460 = arith.xori %and3A_458, %not3A_459 : vector<16xi1>
            %and3A_461 = arith.andi %and3A_441, %not3A_460 : vector<16xi1>
            %add3A_462 = arith.constant 10 : i32
            %add3A_463 = vector.broadcast %add3A_462 : i32 to vector<16xi32>
            %add3A_464 = arith.addi %iota3A, %add3A_463 : vector<16xi32>
            %min3A_465 = arith.constant 15 : i32
            %min3A_466 = vector.broadcast %min3A_465 : i32 to vector<16xi32>
            %min3A_467 = arith.minsi %add3A_464, %min3A_466 : vector<16xi32>
            %broadcast_in_dim3A_468 = vector.shape_cast %min3A_467 : vector<16xi32> to vector<16x1xi32>
            %gather3A_469 = vector.shape_cast %broadcast_in_dim3A_468 : vector<16x1xi32> to vector<16xi32>
            %gather3A_470 = tpu.dynamic_gather %sub3A_263[%gather3A_469] in [0] : vector<16xi32>, vector<16xi32> -> vector<16xi32>
            %add3A_471 = arith.constant 10 : i32
            %add3A_472 = vector.broadcast %add3A_471 : i32 to vector<16xi32>
            %add3A_473 = arith.addi %iota3A, %add3A_472 : vector<16xi32>
            %lt3A_474 = arith.constant 16 : i32
            %lt3A_475 = vector.broadcast %lt3A_474 : i32 to vector<16xi32>
            %lt3A_476 = arith.cmpi slt, %add3A_473, %lt3A_475 : vector<16xi32>
            %eq3A_477 = arith.cmpi eq, %gather3A_470, %sub3A_263 : vector<16xi32>
            %and3A_478 = arith.andi %lt3A_476, %eq3A_477 : vector<16xi1>
            %not3A_479 = arith.constant dense<true> : vector<16xi1>
            %not3A_480 = arith.xori %and3A_478, %not3A_479 : vector<16xi1>
            %and3A_481 = arith.andi %and3A_461, %not3A_480 : vector<16xi1>
            %add3A_482 = arith.constant 11 : i32
            %add3A_483 = vector.broadcast %add3A_482 : i32 to vector<16xi32>
            %add3A_484 = arith.addi %iota3A, %add3A_483 : vector<16xi32>
            %min3A_485 = arith.constant 15 : i32
            %min3A_486 = vector.broadcast %min3A_485 : i32 to vector<16xi32>
            %min3A_487 = arith.minsi %add3A_484, %min3A_486 : vector<16xi32>
            %broadcast_in_dim3A_488 = vector.shape_cast %min3A_487 : vector<16xi32> to vector<16x1xi32>
            %gather3A_489 = vector.shape_cast %broadcast_in_dim3A_488 : vector<16x1xi32> to vector<16xi32>
            %gather3A_490 = tpu.dynamic_gather %sub3A_263[%gather3A_489] in [0] : vector<16xi32>, vector<16xi32> -> vector<16xi32>
            %add3A_491 = arith.constant 11 : i32
            %add3A_492 = vector.broadcast %add3A_491 : i32 to vector<16xi32>
            %add3A_493 = arith.addi %iota3A, %add3A_492 : vector<16xi32>
            %lt3A_494 = arith.constant 16 : i32
            %lt3A_495 = vector.broadcast %lt3A_494 : i32 to vector<16xi32>
            %lt3A_496 = arith.cmpi slt, %add3A_493, %lt3A_495 : vector<16xi32>
            %eq3A_497 = arith.cmpi eq, %gather3A_490, %sub3A_263 : vector<16xi32>
            %and3A_498 = arith.andi %lt3A_496, %eq3A_497 : vector<16xi1>
            %not3A_499 = arith.constant dense<true> : vector<16xi1>
            %not3A_500 = arith.xori %and3A_498, %not3A_499 : vector<16xi1>
            %and3A_501 = arith.andi %and3A_481, %not3A_500 : vector<16xi1>
            %add3A_502 = arith.constant 12 : i32
            %add3A_503 = vector.broadcast %add3A_502 : i32 to vector<16xi32>
            %add3A_504 = arith.addi %iota3A, %add3A_503 : vector<16xi32>
            %min3A_505 = arith.constant 15 : i32
            %min3A_506 = vector.broadcast %min3A_505 : i32 to vector<16xi32>
            %min3A_507 = arith.minsi %add3A_504, %min3A_506 : vector<16xi32>
            %broadcast_in_dim3A_508 = vector.shape_cast %min3A_507 : vector<16xi32> to vector<16x1xi32>
            %gather3A_509 = vector.shape_cast %broadcast_in_dim3A_508 : vector<16x1xi32> to vector<16xi32>
            %gather3A_510 = tpu.dynamic_gather %sub3A_263[%gather3A_509] in [0] : vector<16xi32>, vector<16xi32> -> vector<16xi32>
            %add3A_511 = arith.constant 12 : i32
            %add3A_512 = vector.broadcast %add3A_511 : i32 to vector<16xi32>
            %add3A_513 = arith.addi %iota3A, %add3A_512 : vector<16xi32>
            %lt3A_514 = arith.constant 16 : i32
            %lt3A_515 = vector.broadcast %lt3A_514 : i32 to vector<16xi32>
            %lt3A_516 = arith.cmpi slt, %add3A_513, %lt3A_515 : vector<16xi32>
            %eq3A_517 = arith.cmpi eq, %gather3A_510, %sub3A_263 : vector<16xi32>
            %and3A_518 = arith.andi %lt3A_516, %eq3A_517 : vector<16xi1>
            %not3A_519 = arith.constant dense<true> : vector<16xi1>
            %not3A_520 = arith.xori %and3A_518, %not3A_519 : vector<16xi1>
            %and3A_521 = arith.andi %and3A_501, %not3A_520 : vector<16xi1>
            %add3A_522 = arith.constant 13 : i32
            %add3A_523 = vector.broadcast %add3A_522 : i32 to vector<16xi32>
            %add3A_524 = arith.addi %iota3A, %add3A_523 : vector<16xi32>
            %min3A_525 = arith.constant 15 : i32
            %min3A_526 = vector.broadcast %min3A_525 : i32 to vector<16xi32>
            %min3A_527 = arith.minsi %add3A_524, %min3A_526 : vector<16xi32>
            %broadcast_in_dim3A_528 = vector.shape_cast %min3A_527 : vector<16xi32> to vector<16x1xi32>
            %gather3A_529 = vector.shape_cast %broadcast_in_dim3A_528 : vector<16x1xi32> to vector<16xi32>
            %gather3A_530 = tpu.dynamic_gather %sub3A_263[%gather3A_529] in [0] : vector<16xi32>, vector<16xi32> -> vector<16xi32>
            %add3A_531 = arith.constant 13 : i32
            %add3A_532 = vector.broadcast %add3A_531 : i32 to vector<16xi32>
            %add3A_533 = arith.addi %iota3A, %add3A_532 : vector<16xi32>
            %lt3A_534 = arith.constant 16 : i32
            %lt3A_535 = vector.broadcast %lt3A_534 : i32 to vector<16xi32>
            %lt3A_536 = arith.cmpi slt, %add3A_533, %lt3A_535 : vector<16xi32>
            %eq3A_537 = arith.cmpi eq, %gather3A_530, %sub3A_263 : vector<16xi32>
            %and3A_538 = arith.andi %lt3A_536, %eq3A_537 : vector<16xi1>
            %not3A_539 = arith.constant dense<true> : vector<16xi1>
            %not3A_540 = arith.xori %and3A_538, %not3A_539 : vector<16xi1>
            %and3A_541 = arith.andi %and3A_521, %not3A_540 : vector<16xi1>
            %add3A_542 = arith.constant 14 : i32
            %add3A_543 = vector.broadcast %add3A_542 : i32 to vector<16xi32>
            %add3A_544 = arith.addi %iota3A, %add3A_543 : vector<16xi32>
            %min3A_545 = arith.constant 15 : i32
            %min3A_546 = vector.broadcast %min3A_545 : i32 to vector<16xi32>
            %min3A_547 = arith.minsi %add3A_544, %min3A_546 : vector<16xi32>
            %broadcast_in_dim3A_548 = vector.shape_cast %min3A_547 : vector<16xi32> to vector<16x1xi32>
            %gather3A_549 = vector.shape_cast %broadcast_in_dim3A_548 : vector<16x1xi32> to vector<16xi32>
            %gather3A_550 = tpu.dynamic_gather %sub3A_263[%gather3A_549] in [0] : vector<16xi32>, vector<16xi32> -> vector<16xi32>
            %add3A_551 = arith.constant 14 : i32
            %add3A_552 = vector.broadcast %add3A_551 : i32 to vector<16xi32>
            %add3A_553 = arith.addi %iota3A, %add3A_552 : vector<16xi32>
            %lt3A_554 = arith.constant 16 : i32
            %lt3A_555 = vector.broadcast %lt3A_554 : i32 to vector<16xi32>
            %lt3A_556 = arith.cmpi slt, %add3A_553, %lt3A_555 : vector<16xi32>
            %eq3A_557 = arith.cmpi eq, %gather3A_550, %sub3A_263 : vector<16xi32>
            %and3A_558 = arith.andi %lt3A_556, %eq3A_557 : vector<16xi1>
            %not3A_559 = arith.constant dense<true> : vector<16xi1>
            %not3A_560 = arith.xori %and3A_558, %not3A_559 : vector<16xi1>
            %and3A_561 = arith.andi %and3A_541, %not3A_560 : vector<16xi1>
            %add3A_562 = arith.constant 15 : i32
            %add3A_563 = vector.broadcast %add3A_562 : i32 to vector<16xi32>
            %add3A_564 = arith.addi %iota3A, %add3A_563 : vector<16xi32>
            %min3A_565 = arith.constant 15 : i32
            %min3A_566 = vector.broadcast %min3A_565 : i32 to vector<16xi32>
            %min3A_567 = arith.minsi %add3A_564, %min3A_566 : vector<16xi32>
            %broadcast_in_dim3A_568 = vector.shape_cast %min3A_567 : vector<16xi32> to vector<16x1xi32>
            %gather3A_569 = vector.shape_cast %broadcast_in_dim3A_568 : vector<16x1xi32> to vector<16xi32>
            %gather3A_570 = tpu.dynamic_gather %sub3A_263[%gather3A_569] in [0] : vector<16xi32>, vector<16xi32> -> vector<16xi32>
            %add3A_571 = arith.constant 15 : i32
            %add3A_572 = vector.broadcast %add3A_571 : i32 to vector<16xi32>
            %add3A_573 = arith.addi %iota3A, %add3A_572 : vector<16xi32>
            %lt3A_574 = arith.constant 16 : i32
            %lt3A_575 = vector.broadcast %lt3A_574 : i32 to vector<16xi32>
            %lt3A_576 = arith.cmpi slt, %add3A_573, %lt3A_575 : vector<16xi32>
            %eq3A_577 = arith.cmpi eq, %gather3A_570, %sub3A_263 : vector<16xi32>
            %and3A_578 = arith.andi %lt3A_576, %eq3A_577 : vector<16xi1>
            %not3A_579 = arith.constant dense<true> : vector<16xi1>
            %not3A_580 = arith.xori %and3A_578, %not3A_579 : vector<16xi1>
            %and3A_581 = arith.andi %and3A_561, %not3A_580 : vector<16xi1>
            tpu.vector_store_idx %arg9[%sub3A_263], %add3A_274 masked %and3A_581 : memref<3136xi32, #tpu.memory_space<vmem>>[vector<16xi32>], vector<16xi32>, vector<16xi1>
          } else {
          }
          %while3A_282 = arith.constant 0 : i32
          scf.yield %while3A_282 : i32
        }
        %dma_wait3A_227 = arith.constant 1 : i32
        %dma_wait3A_228 = arith.constant 0 : i32
        %dma_wait3A_229 = arith.constant 0 : i32
        %dma_wait3A_230 = tpu.memref_slice %arg13[%dma_wait3A_227, %dma_wait3A_228, %dma_wait3A_229] : memref<2x224x128xf32, #tpu.memory_space<vmem>> -> memref<1x224x128xf32, #tpu.memory_space<vmem>>
        %dma_wait3A_231 = tpu.memref_squeeze %dma_wait3A_230 : memref<1x224x128xf32, #tpu.memory_space<vmem>> -> memref<224x128xf32, #tpu.memory_space<vmem>>
        %dma_wait3A_232 = arith.constant 0 : i32
        %dma_wait3A_233 = tpu.memref_slice %arg2[%add3A_198, %dma_wait3A_232] : memref<100000x128xf32, #tpu.memory_space<hbm>> -> memref<224x128xf32, #tpu.memory_space<hbm>>
        %dma_wait3A_234 = arith.constant 0 : i32
        %dma_wait3A_235 = arith.constant 0 : i32
        %dma_wait3A_236 = tpu.memref_slice %arg13[%dma_wait3A_227, %dma_wait3A_234, %dma_wait3A_235] : memref<2x224x128xf32, #tpu.memory_space<vmem>> -> memref<1x224x128xf32, #tpu.memory_space<vmem>>
        %dma_wait3A_237 = tpu.memref_squeeze %dma_wait3A_236 : memref<1x224x128xf32, #tpu.memory_space<vmem>> -> memref<224x128xf32, #tpu.memory_space<vmem>>
        %dma_wait3A_238 = arith.constant 0 : i32
        %dma_wait3A_239 = tpu.memref_slice %arg2[%add3A_198, %dma_wait3A_238] : memref<100000x128xf32, #tpu.memory_space<hbm>> -> memref<224x128xf32, #tpu.memory_space<hbm>>
        tpu.wait_dma2 semaphore(%arg15 : memref<!tpu.dma_semaphore, #tpu.memory_space<semaphore_mem>>) src(%dma_wait3A_239 : memref<224x128xf32, #tpu.memory_space<hbm>>) dst(%dma_wait3A_237 : memref<224x128xf32, #tpu.memory_space<vmem>>)
        %mul3A_240 = arith.constant 224 : i32
        %mul3A_241 = arith.muli %scan3A_155, %mul3A_240 : i32
        %add3A_242 = arith.addi %min3A_3, %mul3A_241 : i32
        %dma_start3A_243 = arith.constant 1 : i32
        %dma_start3A_244 = arith.constant 0 : i32
        %dma_start3A_245 = arith.constant 0 : i32
        %dma_start3A_246 = tpu.memref_slice %arg13[%dma_start3A_243, %dma_start3A_244, %dma_start3A_245] : memref<2x224x128xf32, #tpu.memory_space<vmem>> -> memref<1x224x128xf32, #tpu.memory_space<vmem>>
        %dma_start3A_247 = tpu.memref_squeeze %dma_start3A_246 : memref<1x224x128xf32, #tpu.memory_space<vmem>> -> memref<224x128xf32, #tpu.memory_space<vmem>>
        %dma_start3A_248 = arith.constant 0 : i32
        %dma_start3A_249 = tpu.memref_slice %arg4[%add3A_242, %dma_start3A_248] : memref<100000x128xf32, #tpu.memory_space<hbm>> -> memref<224x128xf32, #tpu.memory_space<hbm>>
        %dma_start3A_250 = arith.constant 0 : i32
        %dma_start3A_251 = tpu.memref_slice %arg4[%add3A_242, %dma_start3A_250] : memref<100000x128xf32, #tpu.memory_space<hbm>> -> memref<224x128xf32, #tpu.memory_space<hbm>>
        %dma_start3A_252 = arith.constant 0 : i32
        %dma_start3A_253 = arith.constant 0 : i32
        %dma_start3A_254 = tpu.memref_slice %arg13[%dma_start3A_243, %dma_start3A_252, %dma_start3A_253] : memref<2x224x128xf32, #tpu.memory_space<vmem>> -> memref<1x224x128xf32, #tpu.memory_space<vmem>>
        %dma_start3A_255 = tpu.memref_squeeze %dma_start3A_254 : memref<1x224x128xf32, #tpu.memory_space<vmem>> -> memref<224x128xf32, #tpu.memory_space<vmem>>
        tpu.enqueue_dma source(%dma_start3A_255 : memref<224x128xf32, #tpu.memory_space<vmem>>) target(%dma_start3A_251 : memref<224x128xf32, #tpu.memory_space<hbm>>) target_semaphore(%arg17 : memref<!tpu.dma_semaphore, #tpu.memory_space<semaphore_mem>>)
      } else {
      }
      %scan3A_191 = arith.constant 0 : i32
      scf.yield %scan3A_191 : i32
    }
    %scan3A_62 = arith.constant 14 : i32
    %add3A_63 = arith.constant 2688 : i32
    %add3A_64 = arith.addi %min3A_3, %add3A_63 : i32
    %dma_wait3A = arith.constant 0 : i32
    %dma_wait3A_65 = arith.constant 0 : i32
    %dma_wait3A_66 = arith.constant 0 : i32
    %dma_wait3A_67 = tpu.memref_slice %arg13[%dma_wait3A, %dma_wait3A_65, %dma_wait3A_66] : memref<2x224x128xf32, #tpu.memory_space<vmem>> -> memref<1x224x128xf32, #tpu.memory_space<vmem>>
    %dma_wait3A_68 = tpu.memref_squeeze %dma_wait3A_67 : memref<1x224x128xf32, #tpu.memory_space<vmem>> -> memref<224x128xf32, #tpu.memory_space<vmem>>
    %dma_wait3A_69 = arith.constant 0 : i32
    %dma_wait3A_70 = tpu.memref_slice %arg4[%add3A_64, %dma_wait3A_69] : memref<100000x128xf32, #tpu.memory_space<hbm>> -> memref<224x128xf32, #tpu.memory_space<hbm>>
    %dma_wait3A_71 = arith.constant 0 : i32
    %dma_wait3A_72 = tpu.memref_slice %arg4[%add3A_64, %dma_wait3A_71] : memref<100000x128xf32, #tpu.memory_space<hbm>> -> memref<224x128xf32, #tpu.memory_space<hbm>>
    %dma_wait3A_73 = arith.constant 0 : i32
    %dma_wait3A_74 = arith.constant 0 : i32
    %dma_wait3A_75 = tpu.memref_slice %arg13[%dma_wait3A, %dma_wait3A_73, %dma_wait3A_74] : memref<2x224x128xf32, #tpu.memory_space<vmem>> -> memref<1x224x128xf32, #tpu.memory_space<vmem>>
    %dma_wait3A_76 = tpu.memref_squeeze %dma_wait3A_75 : memref<1x224x128xf32, #tpu.memory_space<vmem>> -> memref<224x128xf32, #tpu.memory_space<vmem>>
    tpu.wait_dma2 semaphore(%arg16 : memref<!tpu.dma_semaphore, #tpu.memory_space<semaphore_mem>>) src(%dma_wait3A_76 : memref<224x128xf32, #tpu.memory_space<vmem>>) dst(%dma_wait3A_72 : memref<224x128xf32, #tpu.memory_space<hbm>>)
    %add3A_77 = arith.constant 2912 : i32
    %add3A_78 = arith.addi %min3A_3, %add3A_77 : i32
    %dma_wait3A_79 = arith.constant 1 : i32
    %dma_wait3A_80 = arith.constant 0 : i32
    %dma_wait3A_81 = arith.constant 0 : i32
    %dma_wait3A_82 = tpu.memref_slice %arg13[%dma_wait3A_79, %dma_wait3A_80, %dma_wait3A_81] : memref<2x224x128xf32, #tpu.memory_space<vmem>> -> memref<1x224x128xf32, #tpu.memory_space<vmem>>
    %dma_wait3A_83 = tpu.memref_squeeze %dma_wait3A_82 : memref<1x224x128xf32, #tpu.memory_space<vmem>> -> memref<224x128xf32, #tpu.memory_space<vmem>>
    %dma_wait3A_84 = arith.constant 0 : i32
    %dma_wait3A_85 = tpu.memref_slice %arg4[%add3A_78, %dma_wait3A_84] : memref<100000x128xf32, #tpu.memory_space<hbm>> -> memref<224x128xf32, #tpu.memory_space<hbm>>
    %dma_wait3A_86 = arith.constant 0 : i32
    %dma_wait3A_87 = tpu.memref_slice %arg4[%add3A_78, %dma_wait3A_86] : memref<100000x128xf32, #tpu.memory_space<hbm>> -> memref<224x128xf32, #tpu.memory_space<hbm>>
    %dma_wait3A_88 = arith.constant 0 : i32
    %dma_wait3A_89 = arith.constant 0 : i32
    %dma_wait3A_90 = tpu.memref_slice %arg13[%dma_wait3A_79, %dma_wait3A_88, %dma_wait3A_89] : memref<2x224x128xf32, #tpu.memory_space<vmem>> -> memref<1x224x128xf32, #tpu.memory_space<vmem>>
    %dma_wait3A_91 = tpu.memref_squeeze %dma_wait3A_90 : memref<1x224x128xf32, #tpu.memory_space<vmem>> -> memref<224x128xf32, #tpu.memory_space<vmem>>
    tpu.wait_dma2 semaphore(%arg17 : memref<!tpu.dma_semaphore, #tpu.memory_space<semaphore_mem>>) src(%dma_wait3A_91 : memref<224x128xf32, #tpu.memory_space<vmem>>) dst(%dma_wait3A_87 : memref<224x128xf32, #tpu.memory_space<hbm>>)
    %scan3A_92 = arith.constant 0 : i32
    %scan3A_93 = arith.constant 0 : i32
    %scan3A_94 = arith.constant 196 : i32
    %scan3A_95 = arith.addi %scan3A_93, %scan3A_94 : i32
    %scan3A_96 = arith.constant 1 : i32
    %scan3A_97 = scf.for %scan3A_155 = %scan3A_93 to %scan3A_95 step %scan3A_96 iter_args(%scan3A_156 = %scan3A_92) -> (i32)  : i32 {
      %mul3A_157 = arith.constant 16 : i32
      %mul3A_158 = arith.muli %scan3A_155, %mul3A_157 : i32
      %get3A_159 = arith.index_cast %mul3A_158 : i32 to index
      %get3A_160 = tpu.vector_load %arg9[%get3A_159] {strides = array<i32>} : memref<3136xi32, #tpu.memory_space<vmem>>, vector<16xi32>,
      %ge3A = arith.constant 0 : i32
      %ge3A_161 = vector.broadcast %ge3A : i32 to vector<16xi32>
      %ge3A_162 = arith.cmpi sge, %get3A_160, %ge3A_161 : vector<16xi32>
      %convert_element_type3A = arith.extui %ge3A_162 : vector<16xi1> to vector<16xi32>
      %cumsum3A = arith.constant true
      %cumsum3A_163 = vector.broadcast %cumsum3A : i1 to vector<16xi1>
      %cumsum3A_164 = tpu.scan <sum>, %convert_element_type3A masked %cumsum3A_163 : vector<16xi32>, vector<16xi1> -> vector<16xi32>
      %add3A_165 = vector.broadcast %scan3A_156 : i32 to vector<16xi32>
      %add3A_166 = arith.addi %add3A_165, %cumsum3A_164 : vector<16xi32>
      %sub3A_167 = arith.constant 1 : i32
      %sub3A_168 = vector.broadcast %sub3A_167 : i32 to vector<16xi32>
      %sub3A_169 = arith.subi %add3A_166, %sub3A_168 : vector<16xi32>
      %mul3A_170 = arith.constant 16 : i32
      %mul3A_171 = arith.muli %scan3A_155, %mul3A_170 : i32
      %add3A_172 = vector.broadcast %mul3A_171 : i32 to vector<16xi32>
      %add3A_173 = arith.addi %iota3A, %add3A_172 : vector<16xi32>
      tpu.vector_store_idx %arg10[%sub3A_169], %add3A_173 masked %ge3A_162 : memref<3200xi32, #tpu.memory_space<vmem>>[vector<16xi32>], vector<16xi32>, vector<16xi1>
      tpu.vector_store_idx %arg11[%sub3A_169], %get3A_160 masked %ge3A_162 : memref<3200xi32, #tpu.memory_space<vmem>>[vector<16xi32>], vector<16xi32>, vector<16xi1>
      %all_reduce_population_count3A = tpu.all_reduce %ge3A_162 {dim = 0 : i64, kind = #tpu.reduction_kind<sum>} : vector<16xi1> -> vector<16xi32>
      %slice3A = vector.extract_strided_slice %all_reduce_population_count3A {offsets = [0], sizes = [1], strides = [1]} : vector<16xi32> to vector<1xi32>
      %squeeze3A = vector.extract %slice3A[0] : i32 from vector<1xi32>
      %add3A_174 = arith.addi %scan3A_156, %squeeze3A : i32
      scf.yield %add3A_174 : i32
    }
    %scan3A_98 = arith.constant 196 : i32
    %sub3A = arith.constant 1 : i32
    %sub3A_99 = arith.subi %scan3A_97, %sub3A : i32
    %max3A = arith.constant 0 : i32
    %max3A_100 = arith.maxsi %sub3A_99, %max3A : i32
    %rem3A = arith.constant 16 : i32
    %rem3A_101 = arith.remsi %max3A_100, %rem3A : i32
    %sub3A_102 = arith.subi %max3A_100, %rem3A_101 : i32
    %broadcast_in_dim3A_103 = vector.broadcast %rem3A_101 : i32 to vector<16xi32>
    %get3A = arith.index_cast %sub3A_102 : i32 to index
    %get3A_104 = tpu.vector_load %arg10[%get3A] {strides = array<i32>} : memref<3200xi32, #tpu.memory_space<vmem>>, vector<16xi32>,
    %broadcast_in_dim3A_105 = vector.shape_cast %broadcast_in_dim3A_103 : vector<16xi32> to vector<16x1xi32>
    %gather3A = vector.shape_cast %broadcast_in_dim3A_105 : vector<16x1xi32> to vector<16xi32>
    %gather3A_106 = tpu.dynamic_gather %get3A_104[%gather3A] in [0] : vector<16xi32>, vector<16xi32> -> vector<16xi32>
    %get3A_107 = arith.index_cast %sub3A_102 : i32 to index
    %get3A_108 = tpu.vector_load %arg11[%get3A_107] {strides = array<i32>} : memref<3200xi32, #tpu.memory_space<vmem>>, vector<16xi32>,
    %broadcast_in_dim3A_109 = vector.shape_cast %broadcast_in_dim3A_103 : vector<16xi32> to vector<16x1xi32>
    %gather3A_110 = vector.shape_cast %broadcast_in_dim3A_109 : vector<16x1xi32> to vector<16xi32>
    %gather3A_111 = tpu.dynamic_gather %get3A_108[%gather3A_110] in [0] : vector<16xi32>, vector<16xi32> -> vector<16xi32>
    %add3A_112 = vector.broadcast %scan3A_97 : i32 to vector<16xi32>
    %add3A_113 = arith.addi %add3A_112, %iota3A : vector<16xi32>
    %add3A_114 = arith.constant 0 : i32
    %add3A_115 = vector.broadcast %add3A_114 : i32 to vector<16xi32>
    %add3A_116 = arith.addi %add3A_113, %add3A_115 : vector<16xi32>
    tpu.vector_store_idx %arg10[%add3A_116], %gather3A_106 : memref<3200xi32, #tpu.memory_space<vmem>>[vector<16xi32>], vector<16xi32>,
    %add3A_117 = vector.broadcast %scan3A_97 : i32 to vector<16xi32>
    %add3A_118 = arith.addi %add3A_117, %iota3A : vector<16xi32>
    %add3A_119 = arith.constant 0 : i32
    %add3A_120 = vector.broadcast %add3A_119 : i32 to vector<16xi32>
    %add3A_121 = arith.addi %add3A_118, %add3A_120 : vector<16xi32>
    tpu.vector_store_idx %arg11[%add3A_121], %gather3A_111 : memref<3200xi32, #tpu.memory_space<vmem>>[vector<16xi32>], vector<16xi32>,
    %add3A_122 = vector.broadcast %scan3A_97 : i32 to vector<16xi32>
    %add3A_123 = arith.addi %add3A_122, %iota3A : vector<16xi32>
    %add3A_124 = arith.constant 16 : i32
    %add3A_125 = vector.broadcast %add3A_124 : i32 to vector<16xi32>
    %add3A_126 = arith.addi %add3A_123, %add3A_125 : vector<16xi32>
    tpu.vector_store_idx %arg10[%add3A_126], %gather3A_106 : memref<3200xi32, #tpu.memory_space<vmem>>[vector<16xi32>], vector<16xi32>,
    %add3A_127 = vector.broadcast %scan3A_97 : i32 to vector<16xi32>
    %add3A_128 = arith.addi %add3A_127, %iota3A : vector<16xi32>
    %add3A_129 = arith.constant 16 : i32
    %add3A_130 = vector.broadcast %add3A_129 : i32 to vector<16xi32>
    %add3A_131 = arith.addi %add3A_128, %add3A_130 : vector<16xi32>
    tpu.vector_store_idx %arg11[%add3A_131], %gather3A_111 : memref<3200xi32, #tpu.memory_space<vmem>>[vector<16xi32>], vector<16xi32>,
    %add3A_132 = vector.broadcast %scan3A_97 : i32 to vector<16xi32>
    %add3A_133 = arith.addi %add3A_132, %iota3A : vector<16xi32>
    %add3A_134 = arith.constant 32 : i32
    %add3A_135 = vector.broadcast %add3A_134 : i32 to vector<16xi32>
    %add3A_136 = arith.addi %add3A_133, %add3A_135 : vector<16xi32>
    tpu.vector_store_idx %arg10[%add3A_136], %gather3A_106 : memref<3200xi32, #tpu.memory_space<vmem>>[vector<16xi32>], vector<16xi32>,
    %add3A_137 = vector.broadcast %scan3A_97 : i32 to vector<16xi32>
    %add3A_138 = arith.addi %add3A_137, %iota3A : vector<16xi32>
    %add3A_139 = arith.constant 32 : i32
    %add3A_140 = vector.broadcast %add3A_139 : i32 to vector<16xi32>
    %add3A_141 = arith.addi %add3A_138, %add3A_140 : vector<16xi32>
    tpu.vector_store_idx %arg11[%add3A_141], %gather3A_111 : memref<3200xi32, #tpu.memory_space<vmem>>[vector<16xi32>], vector<16xi32>,
    %add3A_142 = vector.broadcast %scan3A_97 : i32 to vector<16xi32>
    %add3A_143 = arith.addi %add3A_142, %iota3A : vector<16xi32>
    %add3A_144 = arith.constant 48 : i32
    %add3A_145 = vector.broadcast %add3A_144 : i32 to vector<16xi32>
    %add3A_146 = arith.addi %add3A_143, %add3A_145 : vector<16xi32>
    tpu.vector_store_idx %arg10[%add3A_146], %gather3A_106 : memref<3200xi32, #tpu.memory_space<vmem>>[vector<16xi32>], vector<16xi32>,
    %add3A_147 = vector.broadcast %scan3A_97 : i32 to vector<16xi32>
    %add3A_148 = arith.addi %add3A_147, %iota3A : vector<16xi32>
    %add3A_149 = arith.constant 48 : i32
    %add3A_150 = vector.broadcast %add3A_149 : i32 to vector<16xi32>
    %add3A_151 = arith.addi %add3A_148, %add3A_150 : vector<16xi32>
    tpu.vector_store_idx %arg11[%add3A_151], %gather3A_111 : memref<3200xi32, #tpu.memory_space<vmem>>[vector<16xi32>], vector<16xi32>,
    "tpu.region"() ({
      %run_scoped3A = tpu.sem_alloc : memref<!tpu.dma_semaphore, #tpu.memory_space<semaphore_mem>>
      %dma_start3A = arith.constant 0 : i32
      %dma_start3A_155 = tpu.memref_slice %arg5[%add3A, %dma_start3A] : memref<32x3200xi32, #tpu.memory_space<hbm>> -> memref<1x3200xi32, #tpu.memory_space<hbm>>
      %dma_start3A_156 = tpu.memref_squeeze %dma_start3A_155 : memref<1x3200xi32, #tpu.memory_space<hbm>> -> memref<3200xi32, #tpu.memory_space<hbm>>
      %dma_start3A_157 = arith.constant 0 : i32
      %dma_start3A_158 = tpu.memref_slice %arg5[%add3A, %dma_start3A_157] : memref<32x3200xi32, #tpu.memory_space<hbm>> -> memref<1x3200xi32, #tpu.memory_space<hbm>>
      %dma_start3A_159 = tpu.memref_squeeze %dma_start3A_158 : memref<1x3200xi32, #tpu.memory_space<hbm>> -> memref<3200xi32, #tpu.memory_space<hbm>>
      tpu.enqueue_dma source(%arg10 : memref<3200xi32, #tpu.memory_space<vmem>>) target(%dma_start3A_159 : memref<3200xi32, #tpu.memory_space<hbm>>) target_semaphore(%run_scoped3A : memref<!tpu.dma_semaphore, #tpu.memory_space<semaphore_mem>>)
      %dma_wait3A_160 = arith.constant 0 : i32
      %dma_wait3A_161 = tpu.memref_slice %arg5[%add3A, %dma_wait3A_160] : memref<32x3200xi32, #tpu.memory_space<hbm>> -> memref<1x3200xi32, #tpu.memory_space<hbm>>
      %dma_wait3A_162 = tpu.memref_squeeze %dma_wait3A_161 : memref<1x3200xi32, #tpu.memory_space<hbm>> -> memref<3200xi32, #tpu.memory_space<hbm>>
      %dma_wait3A_163 = arith.constant 0 : i32
      %dma_wait3A_164 = tpu.memref_slice %arg5[%add3A, %dma_wait3A_163] : memref<32x3200xi32, #tpu.memory_space<hbm>> -> memref<1x3200xi32, #tpu.memory_space<hbm>>
      %dma_wait3A_165 = tpu.memref_squeeze %dma_wait3A_164 : memref<1x3200xi32, #tpu.memory_space<hbm>> -> memref<3200xi32, #tpu.memory_space<hbm>>
      tpu.wait_dma2 semaphore(%run_scoped3A : memref<!tpu.dma_semaphore, #tpu.memory_space<semaphore_mem>>) src(%arg10 : memref<3200xi32, #tpu.memory_space<vmem>>) dst(%dma_wait3A_165 : memref<3200xi32, #tpu.memory_space<hbm>>)
      tpu.yield
    }) : () -> ()
    "tpu.region"() ({
      %run_scoped3A = tpu.sem_alloc : memref<!tpu.dma_semaphore, #tpu.memory_space<semaphore_mem>>
      %dma_start3A = arith.constant 0 : i32
      %dma_start3A_155 = tpu.memref_slice %arg6[%add3A, %dma_start3A] : memref<32x3200xi32, #tpu.memory_space<hbm>> -> memref<1x3200xi32, #tpu.memory_space<hbm>>
      %dma_start3A_156 = tpu.memref_squeeze %dma_start3A_155 : memref<1x3200xi32, #tpu.memory_space<hbm>> -> memref<3200xi32, #tpu.memory_space<hbm>>
      %dma_start3A_157 = arith.constant 0 : i32
      %dma_start3A_158 = tpu.memref_slice %arg6[%add3A, %dma_start3A_157] : memref<32x3200xi32, #tpu.memory_space<hbm>> -> memref<1x3200xi32, #tpu.memory_space<hbm>>
      %dma_start3A_159 = tpu.memref_squeeze %dma_start3A_158 : memref<1x3200xi32, #tpu.memory_space<hbm>> -> memref<3200xi32, #tpu.memory_space<hbm>>
      tpu.enqueue_dma source(%arg11 : memref<3200xi32, #tpu.memory_space<vmem>>) target(%dma_start3A_159 : memref<3200xi32, #tpu.memory_space<hbm>>) target_semaphore(%run_scoped3A : memref<!tpu.dma_semaphore, #tpu.memory_space<semaphore_mem>>)
      %dma_wait3A_160 = arith.constant 0 : i32
      %dma_wait3A_161 = tpu.memref_slice %arg6[%add3A, %dma_wait3A_160] : memref<32x3200xi32, #tpu.memory_space<hbm>> -> memref<1x3200xi32, #tpu.memory_space<hbm>>
      %dma_wait3A_162 = tpu.memref_squeeze %dma_wait3A_161 : memref<1x3200xi32, #tpu.memory_space<hbm>> -> memref<3200xi32, #tpu.memory_space<hbm>>
      %dma_wait3A_163 = arith.constant 0 : i32
      %dma_wait3A_164 = tpu.memref_slice %arg6[%add3A, %dma_wait3A_163] : memref<32x3200xi32, #tpu.memory_space<hbm>> -> memref<1x3200xi32, #tpu.memory_space<hbm>>
      %dma_wait3A_165 = tpu.memref_squeeze %dma_wait3A_164 : memref<1x3200xi32, #tpu.memory_space<hbm>> -> memref<3200xi32, #tpu.memory_space<hbm>>
      tpu.wait_dma2 semaphore(%run_scoped3A : memref<!tpu.dma_semaphore, #tpu.memory_space<semaphore_mem>>) src(%arg11 : memref<3200xi32, #tpu.memory_space<vmem>>) dst(%dma_wait3A_165 : memref<3200xi32, #tpu.memory_space<hbm>>)
      tpu.yield
    }) : () -> ()
    %broadcast_in_dim3A_152 = vector.broadcast %scan3A_97 : i32 to vector<16xi32>
    %swap3A_153 = arith.constant 0 : index
    %swap3A_154 = tpu.vector_load %arg12[%swap3A_153] {strides = array<i32>} : memref<16xi32, #tpu.memory_space<vmem>>, vector<16xi32>,
    tpu.vector_store %arg12[%swap3A_153], %broadcast_in_dim3A_152 {strides = array<i32>} : memref<16xi32, #tpu.memory_space<vmem>>, vector<16xi32>,
    "tpu.region"() ({
      %run_scoped3A = tpu.sem_alloc : memref<!tpu.dma_semaphore, #tpu.memory_space<semaphore_mem>>
      %dma_start3A = arith.constant 0 : i32
      %dma_start3A_155 = tpu.memref_slice %arg7[%add3A, %dma_start3A] : memref<32x16xi32, #tpu.memory_space<hbm>> -> memref<1x16xi32, #tpu.memory_space<hbm>>
      %dma_start3A_156 = tpu.memref_squeeze %dma_start3A_155 : memref<1x16xi32, #tpu.memory_space<hbm>> -> memref<16xi32, #tpu.memory_space<hbm>>
      %dma_start3A_157 = arith.constant 0 : i32
      %dma_start3A_158 = tpu.memref_slice %arg7[%add3A, %dma_start3A_157] : memref<32x16xi32, #tpu.memory_space<hbm>> -> memref<1x16xi32, #tpu.memory_space<hbm>>
      %dma_start3A_159 = tpu.memref_squeeze %dma_start3A_158 : memref<1x16xi32, #tpu.memory_space<hbm>> -> memref<16xi32, #tpu.memory_space<hbm>>
      tpu.enqueue_dma source(%arg12 : memref<16xi32, #tpu.memory_space<vmem>>) target(%dma_start3A_159 : memref<16xi32, #tpu.memory_space<hbm>>) target_semaphore(%run_scoped3A : memref<!tpu.dma_semaphore, #tpu.memory_space<semaphore_mem>>)
      %dma_wait3A_160 = arith.constant 0 : i32
      %dma_wait3A_161 = tpu.memref_slice %arg7[%add3A, %dma_wait3A_160] : memref<32x16xi32, #tpu.memory_space<hbm>> -> memref<1x16xi32, #tpu.memory_space<hbm>>
      %dma_wait3A_162 = tpu.memref_squeeze %dma_wait3A_161 : memref<1x16xi32, #tpu.memory_space<hbm>> -> memref<16xi32, #tpu.memory_space<hbm>>
      %dma_wait3A_163 = arith.constant 0 : i32
      %dma_wait3A_164 = tpu.memref_slice %arg7[%add3A, %dma_wait3A_163] : memref<32x16xi32, #tpu.memory_space<hbm>> -> memref<1x16xi32, #tpu.memory_space<hbm>>
      %dma_wait3A_165 = tpu.memref_squeeze %dma_wait3A_164 : memref<1x16xi32, #tpu.memory_space<hbm>> -> memref<16xi32, #tpu.memory_space<hbm>>
      tpu.wait_dma2 semaphore(%run_scoped3A : memref<!tpu.dma_semaphore, #tpu.memory_space<semaphore_mem>>) src(%arg12 : memref<16xi32, #tpu.memory_space<vmem>>) dst(%dma_wait3A_165 : memref<16xi32, #tpu.memory_space<hbm>>)
      tpu.yield
    }) : () -> ()
    return
  }
}

#map = affine_map<(d0, d1) -> (0, 0)>
#map1 = affine_map<(d0, d1) -> (0)>
module attributes {stable_mosaic.version = 14 : i64} {
  func.func @new_body(%arg0: i32, %arg1: i32, %arg2: memref<100000x128xf32, #tpu.memory_space<hbm>>, %arg3: memref<16384x128xf32, #tpu.memory_space<hbm>>, %arg4: memref<16384xf32, #tpu.memory_space<hbm>>, %arg5: memref<32x3200xi32, #tpu.memory_space<hbm>>, %arg6: memref<32x3200xi32, #tpu.memory_space<hbm>>, %arg7: memref<32x16xi32, #tpu.memory_space<hbm>>, %arg8: memref<100000x128xf32, #tpu.memory_space<hbm>>, %arg9: memref<3200xi32, #tpu.memory_space<vmem>>, %arg10: memref<3200xi32, #tpu.memory_space<vmem>>, %arg11: memref<16xi32, #tpu.memory_space<vmem>>, %arg12: memref<16384xf32, #tpu.memory_space<vmem>>, %arg13: memref<2x64xf32, #tpu.memory_space<vmem>>, %arg14: memref<2x64x128xf32, #tpu.memory_space<vmem>>, %arg15: memref<2x64x128xf32, #tpu.memory_space<vmem>>, %arg16: memref<!tpu.dma_semaphore, #tpu.memory_space<semaphore_mem>>, %arg17: memref<!tpu.dma_semaphore, #tpu.memory_space<semaphore_mem>>, %arg18: memref<!tpu.dma_semaphore, #tpu.memory_space<semaphore_mem>>, %arg19: memref<!tpu.dma_semaphore, #tpu.memory_space<semaphore_mem>>) attributes {dimension_semantics = [#tpu.dimension_semantics<core_parallel>, #tpu.dimension_semantics<subcore_parallel>], iteration_bounds = array<i64: 2, 16>, scalar_prefetch = 0 : i64, scratch_operands = 11 : i64, tpu.core_type = #tpu.core_type<sc_vector_subcore>, window_params = [{transform_indices = #map}, {transform_indices = #map}, {transform_indices = #map1}, {transform_indices = #map}, {transform_indices = #map}, {transform_indices = #map}, {transform_indices = #map}]} {
    %mul3A = arith.constant 16 : i32
    %mul3A_0 = arith.muli %arg0, %mul3A : i32
    %add3A = arith.addi %mul3A_0, %arg1 : i32
    %mul3A_1 = arith.constant 3136 : i32
    %mul3A_2 = arith.muli %add3A, %mul3A_1 : i32
    %min3A = arith.constant 96864 : i32
    %min3A_3 = arith.minsi %mul3A_2, %min3A : i32
    tpu.enqueue_dma source(%arg4 : memref<16384xf32, #tpu.memory_space<hbm>>) target(%arg12 : memref<16384xf32, #tpu.memory_space<vmem>>) target_semaphore(%arg17 : memref<!tpu.dma_semaphore, #tpu.memory_space<semaphore_mem>>)
    "tpu.region"() ({
      %run_scoped3A = tpu.sem_alloc : memref<!tpu.dma_semaphore, #tpu.memory_space<semaphore_mem>>
      %dma_start3A = arith.constant 0 : i32
      %dma_start3A_46 = tpu.memref_slice %arg5[%add3A, %dma_start3A] : memref<32x3200xi32, #tpu.memory_space<hbm>> -> memref<1x3200xi32, #tpu.memory_space<hbm>>
      %dma_start3A_47 = tpu.memref_squeeze %dma_start3A_46 : memref<1x3200xi32, #tpu.memory_space<hbm>> -> memref<3200xi32, #tpu.memory_space<hbm>>
      %dma_start3A_48 = arith.constant 0 : i32
      %dma_start3A_49 = tpu.memref_slice %arg5[%add3A, %dma_start3A_48] : memref<32x3200xi32, #tpu.memory_space<hbm>> -> memref<1x3200xi32, #tpu.memory_space<hbm>>
      %dma_start3A_50 = tpu.memref_squeeze %dma_start3A_49 : memref<1x3200xi32, #tpu.memory_space<hbm>> -> memref<3200xi32, #tpu.memory_space<hbm>>
      tpu.enqueue_dma source(%dma_start3A_50 : memref<3200xi32, #tpu.memory_space<hbm>>) target(%arg9 : memref<3200xi32, #tpu.memory_space<vmem>>) target_semaphore(%run_scoped3A : memref<!tpu.dma_semaphore, #tpu.memory_space<semaphore_mem>>)
      %dma_wait3A = arith.constant 0 : i32
      %dma_wait3A_51 = tpu.memref_slice %arg5[%add3A, %dma_wait3A] : memref<32x3200xi32, #tpu.memory_space<hbm>> -> memref<1x3200xi32, #tpu.memory_space<hbm>>
      %dma_wait3A_52 = tpu.memref_squeeze %dma_wait3A_51 : memref<1x3200xi32, #tpu.memory_space<hbm>> -> memref<3200xi32, #tpu.memory_space<hbm>>
      %dma_wait3A_53 = arith.constant 0 : i32
      %dma_wait3A_54 = tpu.memref_slice %arg5[%add3A, %dma_wait3A_53] : memref<32x3200xi32, #tpu.memory_space<hbm>> -> memref<1x3200xi32, #tpu.memory_space<hbm>>
      %dma_wait3A_55 = tpu.memref_squeeze %dma_wait3A_54 : memref<1x3200xi32, #tpu.memory_space<hbm>> -> memref<3200xi32, #tpu.memory_space<hbm>>
      tpu.wait_dma2 semaphore(%run_scoped3A : memref<!tpu.dma_semaphore, #tpu.memory_space<semaphore_mem>>) src(%dma_wait3A_55 : memref<3200xi32, #tpu.memory_space<hbm>>) dst(%arg9 : memref<3200xi32, #tpu.memory_space<vmem>>)
      tpu.yield
    }) : () -> ()
    "tpu.region"() ({
      %run_scoped3A = tpu.sem_alloc : memref<!tpu.dma_semaphore, #tpu.memory_space<semaphore_mem>>
      %dma_start3A = arith.constant 0 : i32
      %dma_start3A_46 = tpu.memref_slice %arg6[%add3A, %dma_start3A] : memref<32x3200xi32, #tpu.memory_space<hbm>> -> memref<1x3200xi32, #tpu.memory_space<hbm>>
      %dma_start3A_47 = tpu.memref_squeeze %dma_start3A_46 : memref<1x3200xi32, #tpu.memory_space<hbm>> -> memref<3200xi32, #tpu.memory_space<hbm>>
      %dma_start3A_48 = arith.constant 0 : i32
      %dma_start3A_49 = tpu.memref_slice %arg6[%add3A, %dma_start3A_48] : memref<32x3200xi32, #tpu.memory_space<hbm>> -> memref<1x3200xi32, #tpu.memory_space<hbm>>
      %dma_start3A_50 = tpu.memref_squeeze %dma_start3A_49 : memref<1x3200xi32, #tpu.memory_space<hbm>> -> memref<3200xi32, #tpu.memory_space<hbm>>
      tpu.enqueue_dma source(%dma_start3A_50 : memref<3200xi32, #tpu.memory_space<hbm>>) target(%arg10 : memref<3200xi32, #tpu.memory_space<vmem>>) target_semaphore(%run_scoped3A : memref<!tpu.dma_semaphore, #tpu.memory_space<semaphore_mem>>)
      %dma_wait3A = arith.constant 0 : i32
      %dma_wait3A_51 = tpu.memref_slice %arg6[%add3A, %dma_wait3A] : memref<32x3200xi32, #tpu.memory_space<hbm>> -> memref<1x3200xi32, #tpu.memory_space<hbm>>
      %dma_wait3A_52 = tpu.memref_squeeze %dma_wait3A_51 : memref<1x3200xi32, #tpu.memory_space<hbm>> -> memref<3200xi32, #tpu.memory_space<hbm>>
      %dma_wait3A_53 = arith.constant 0 : i32
      %dma_wait3A_54 = tpu.memref_slice %arg6[%add3A, %dma_wait3A_53] : memref<32x3200xi32, #tpu.memory_space<hbm>> -> memref<1x3200xi32, #tpu.memory_space<hbm>>
      %dma_wait3A_55 = tpu.memref_squeeze %dma_wait3A_54 : memref<1x3200xi32, #tpu.memory_space<hbm>> -> memref<3200xi32, #tpu.memory_space<hbm>>
      tpu.wait_dma2 semaphore(%run_scoped3A : memref<!tpu.dma_semaphore, #tpu.memory_space<semaphore_mem>>) src(%dma_wait3A_55 : memref<3200xi32, #tpu.memory_space<hbm>>) dst(%arg10 : memref<3200xi32, #tpu.memory_space<vmem>>)
      tpu.yield
    }) : () -> ()
    "tpu.region"() ({
      %run_scoped3A = tpu.sem_alloc : memref<!tpu.dma_semaphore, #tpu.memory_space<semaphore_mem>>
      %dma_start3A = arith.constant 0 : i32
      %dma_start3A_46 = tpu.memref_slice %arg7[%add3A, %dma_start3A] : memref<32x16xi32, #tpu.memory_space<hbm>> -> memref<1x16xi32, #tpu.memory_space<hbm>>
      %dma_start3A_47 = tpu.memref_squeeze %dma_start3A_46 : memref<1x16xi32, #tpu.memory_space<hbm>> -> memref<16xi32, #tpu.memory_space<hbm>>
      %dma_start3A_48 = arith.constant 0 : i32
      %dma_start3A_49 = tpu.memref_slice %arg7[%add3A, %dma_start3A_48] : memref<32x16xi32, #tpu.memory_space<hbm>> -> memref<1x16xi32, #tpu.memory_space<hbm>>
      %dma_start3A_50 = tpu.memref_squeeze %dma_start3A_49 : memref<1x16xi32, #tpu.memory_space<hbm>> -> memref<16xi32, #tpu.memory_space<hbm>>
      tpu.enqueue_dma source(%dma_start3A_50 : memref<16xi32, #tpu.memory_space<hbm>>) target(%arg11 : memref<16xi32, #tpu.memory_space<vmem>>) target_semaphore(%run_scoped3A : memref<!tpu.dma_semaphore, #tpu.memory_space<semaphore_mem>>)
      %dma_wait3A = arith.constant 0 : i32
      %dma_wait3A_51 = tpu.memref_slice %arg7[%add3A, %dma_wait3A] : memref<32x16xi32, #tpu.memory_space<hbm>> -> memref<1x16xi32, #tpu.memory_space<hbm>>
      %dma_wait3A_52 = tpu.memref_squeeze %dma_wait3A_51 : memref<1x16xi32, #tpu.memory_space<hbm>> -> memref<16xi32, #tpu.memory_space<hbm>>
      %dma_wait3A_53 = arith.constant 0 : i32
      %dma_wait3A_54 = tpu.memref_slice %arg7[%add3A, %dma_wait3A_53] : memref<32x16xi32, #tpu.memory_space<hbm>> -> memref<1x16xi32, #tpu.memory_space<hbm>>
      %dma_wait3A_55 = tpu.memref_squeeze %dma_wait3A_54 : memref<1x16xi32, #tpu.memory_space<hbm>> -> memref<16xi32, #tpu.memory_space<hbm>>
      tpu.wait_dma2 semaphore(%run_scoped3A : memref<!tpu.dma_semaphore, #tpu.memory_space<semaphore_mem>>) src(%dma_wait3A_55 : memref<16xi32, #tpu.memory_space<hbm>>) dst(%arg11 : memref<16xi32, #tpu.memory_space<vmem>>)
      tpu.yield
    }) : () -> ()
    tpu.wait_dma2 semaphore(%arg17 : memref<!tpu.dma_semaphore, #tpu.memory_space<semaphore_mem>>) src(%arg4 : memref<16384xf32, #tpu.memory_space<hbm>>) dst(%arg12 : memref<16384xf32, #tpu.memory_space<vmem>>)
    %get3A = arith.constant 0 : index
    %get3A_4 = tpu.vector_load %arg11[%get3A] {strides = array<i32>} : memref<16xi32, #tpu.memory_space<vmem>>, vector<16xi32>,
    %slice3A = vector.extract_strided_slice %get3A_4 {offsets = [0], sizes = [1], strides = [1]} : vector<16xi32> to vector<1xi32>
    %squeeze3A = vector.extract %slice3A[0] : i32 from vector<1xi32>
    %add3A_5 = arith.constant 64 : i32
    %add3A_6 = arith.addi %squeeze3A, %add3A_5 : i32
    %sub3A = arith.constant 1 : i32
    %sub3A_7 = arith.subi %add3A_6, %sub3A : i32
    %jit3A = arith.constant 64 : i32
    %div3A = arith.divsi %sub3A_7, %jit3A : i32
    %sign3A = arith.constant 0 : i32
    %sign3A_8 = arith.cmpi sgt, %sub3A_7, %sign3A : i32
    %sign3A_9 = arith.extui %sign3A_8 : i1 to i32
    %sign3A_10 = arith.constant 0 : i32
    %sign3A_11 = arith.cmpi slt, %sub3A_7, %sign3A_10 : i32
    %sign3A_12 = arith.extui %sign3A_11 : i1 to i32
    %sign3A_13 = arith.subi %sign3A_9, %sign3A_12 : i32
    %sign3A_14 = arith.constant 0 : i32
    %sign3A_15 = arith.cmpi sgt, %jit3A, %sign3A_14 : i32
    %sign3A_16 = arith.extui %sign3A_15 : i1 to i32
    %sign3A_17 = arith.constant 0 : i32
    %sign3A_18 = arith.cmpi slt, %jit3A, %sign3A_17 : i32
    %sign3A_19 = arith.extui %sign3A_18 : i1 to i32
    %sign3A_20 = arith.subi %sign3A_16, %sign3A_19 : i32
    %ne3A = arith.cmpi ne, %sign3A_13, %sign3A_20 : i32
    %rem3A = arith.remsi %sub3A_7, %jit3A : i32
    %ne3A_21 = arith.constant 0 : i32
    %ne3A_22 = arith.cmpi ne, %rem3A, %ne3A_21 : i32
    %and3A = arith.andi %ne3A, %ne3A_22 : i1
    %sub3A_23 = arith.constant 1 : i32
    %sub3A_24 = arith.subi %div3A, %sub3A_23 : i32
    %select_n3A = arith.select %and3A, %sub3A_24, %div3A : i32
    %gt3A = arith.constant 0 : i32
    %gt3A_25 = arith.cmpi sgt, %select_n3A, %gt3A : i32
    %convert_element_type3A = arith.extui %gt3A_25 : i1 to i32
    %cond3A = arith.constant 0 : i32
    %cond3A_26 = arith.cmpi ne, %convert_element_type3A, %cond3A : i32
    scf.if %cond3A_26 {
      %dma_start3A = arith.constant 0 : i32
      %dma_start3A_46 = arith.constant 0 : i32
      %dma_start3A_47 = arith.constant 0 : i32
      %dma_start3A_48 = tpu.memref_slice %arg14[%dma_start3A, %dma_start3A_46, %dma_start3A_47] : memref<2x64x128xf32, #tpu.memory_space<vmem>> -> memref<1x64x128xf32, #tpu.memory_space<vmem>>
      %dma_start3A_49 = tpu.memref_squeeze %dma_start3A_48 : memref<1x64x128xf32, #tpu.memory_space<vmem>> -> memref<64x128xf32, #tpu.memory_space<vmem>>
      %dma_start3A_50 = arith.constant 0 : i32
      %dma_start3A_51 = tpu.memref_slice %arg10[%dma_start3A_50] : memref<3200xi32, #tpu.memory_space<vmem>> -> memref<64xi32, #tpu.memory_space<vmem>>
      %dma_start3A_52 = arith.constant 0 : i32
      %dma_start3A_53 = arith.constant 0 : i32
      %dma_start3A_54 = tpu.memref_slice %arg3[%dma_start3A_52, %dma_start3A_53] : memref<16384x128xf32, #tpu.memory_space<hbm>> -> memref<16384x128xf32, #tpu.memory_space<hbm>>
      tpu.enqueue_indirect_dma source(%dma_start3A_54 : memref<16384x128xf32, #tpu.memory_space<hbm>>) target(%dma_start3A_49 : memref<64x128xf32, #tpu.memory_space<vmem>>) offsets(%dma_start3A_51 : memref<64xi32, #tpu.memory_space<vmem>>) semaphore(%arg16 : memref<!tpu.dma_semaphore, #tpu.memory_space<semaphore_mem>>)
    } else {
    }
    %while3A = arith.constant 0 : i32
    %while3A_27 = arith.constant 0 : i32
    %while3A_28 = arith.subi %select_n3A, %while3A : i32
    %while3A_29 = arith.addi %while3A, %while3A_28 : i32
    %while3A_30 = arith.constant 1 : i32
    %while3A_31 = arith.divsi %while3A_28, %while3A_30 : i32
    %while3A_32 = arith.muli %while3A_31, %while3A_30 : i32
    %while3A_33 = arith.addi %while3A, %while3A_32 : i32
    %while3A_34 = arith.constant 1 : i32
    %while3A_35 = scf.for %while3A_46 = %while3A to %while3A_33 step %while3A_34 iter_args(%while3A_47 = %while3A_27) -> (i32)  : i32 {
      %jit3A_48 = arith.constant 2 : i32
      %eq3A_49 = arith.constant 0 : i32
      %eq3A_50 = arith.cmpi eq, %jit3A_48, %eq3A_49 : i32
      %jit3A_51 = arith.constant 1 : i32
      %select_n3A_52 = arith.select %eq3A_50, %jit3A_51, %jit3A_48 : i32
      %rem3A_53 = arith.remsi %while3A_46, %select_n3A_52 : i32
      %ne3A_54 = arith.constant 0 : i32
      %ne3A_55 = arith.cmpi ne, %rem3A_53, %ne3A_54 : i32
      %lt3A = arith.constant 0 : i32
      %lt3A_56 = arith.cmpi slt, %rem3A_53, %lt3A : i32
      %lt3A_57 = arith.constant 0 : i32
      %lt3A_58 = arith.cmpi slt, %select_n3A_52, %lt3A_57 : i32
      %ne3A_59 = arith.xori %lt3A_56, %lt3A_58 : i1
      %and3A_60 = arith.andi %ne3A_59, %ne3A_55 : i1
      %add3A_61 = arith.addi %rem3A_53, %select_n3A_52 : i32
      %select_n3A_62 = arith.select %and3A_60, %add3A_61, %rem3A_53 : i32
      %eq3A_63 = arith.constant 0 : i32
      %eq3A_64 = arith.cmpi eq, %select_n3A_62, %eq3A_63 : i32
      %convert_element_type3A_65 = arith.extui %eq3A_64 : i1 to i32
      %cond3A_66 = arith.constant 0 : i32
      %cond3A_67 = arith.cmpi ne, %convert_element_type3A_65, %cond3A_66 : i32
      scf.if %cond3A_67 {
        %add3A_90 = arith.constant 1 : i32
        %add3A_91 = arith.addi %while3A_46, %add3A_90 : i32
        %lt3A_92 = arith.cmpi slt, %add3A_91, %select_n3A : i32
        %convert_element_type3A_93 = arith.extui %lt3A_92 : i1 to i32
        %cond3A_94 = arith.constant 0 : i32
        %cond3A_95 = arith.cmpi ne, %convert_element_type3A_93, %cond3A_94 : i32
        scf.if %cond3A_95 {
          %add3A_222 = arith.constant 1 : i32
          %add3A_223 = arith.addi %while3A_46, %add3A_222 : i32
          %mul3A_224 = arith.constant 64 : i32
          %mul3A_225 = arith.muli %add3A_223, %mul3A_224 : i32
          %dma_start3A_226 = arith.constant 1 : i32
          %dma_start3A_227 = arith.constant 0 : i32
          %dma_start3A_228 = arith.constant 0 : i32
          %dma_start3A_229 = tpu.memref_slice %arg14[%dma_start3A_226, %dma_start3A_227, %dma_start3A_228] : memref<2x64x128xf32, #tpu.memory_space<vmem>> -> memref<1x64x128xf32, #tpu.memory_space<vmem>>
          %dma_start3A_230 = tpu.memref_squeeze %dma_start3A_229 : memref<1x64x128xf32, #tpu.memory_space<vmem>> -> memref<64x128xf32, #tpu.memory_space<vmem>>
          %dma_start3A_231 = tpu.memref_slice %arg10[%mul3A_225] : memref<3200xi32, #tpu.memory_space<vmem>> -> memref<64xi32, #tpu.memory_space<vmem>>
          %dma_start3A_232 = arith.constant 0 : i32
          %dma_start3A_233 = arith.constant 0 : i32
          %dma_start3A_234 = tpu.memref_slice %arg3[%dma_start3A_232, %dma_start3A_233] : memref<16384x128xf32, #tpu.memory_space<hbm>> -> memref<16384x128xf32, #tpu.memory_space<hbm>>
          tpu.enqueue_indirect_dma source(%dma_start3A_234 : memref<16384x128xf32, #tpu.memory_space<hbm>>) target(%dma_start3A_230 : memref<64x128xf32, #tpu.memory_space<vmem>>) offsets(%dma_start3A_231 : memref<64xi32, #tpu.memory_space<vmem>>) semaphore(%arg17 : memref<!tpu.dma_semaphore, #tpu.memory_space<semaphore_mem>>)
        } else {
        }
        %mul3A_96 = arith.constant 64 : i32
        %mul3A_97 = arith.muli %while3A_46, %mul3A_96 : i32
        %add3A_98 = arith.constant 0 : i32
        %add3A_99 = arith.addi %mul3A_97, %add3A_98 : i32
        %get3A_100 = arith.index_cast %add3A_99 : i32 to index
        %get3A_101 = tpu.vector_load %arg10[%get3A_100] {strides = array<i32>} : memref<3200xi32, #tpu.memory_space<vmem>>, vector<16xi32>,
        %gather3A = tpu.vector_load_idx %arg12[%get3A_101] : memref<16384xf32, #tpu.memory_space<vmem>>[vector<16xi32>], vector<16xf32>,
        %swap3A = arith.constant 0 : i32
        %swap3A_102 = arith.index_cast %swap3A : i32 to index
        %swap3A_103 = arith.constant 0 : index
        %swap3A_104 = tpu.vector_load %arg13[%swap3A_102, %swap3A_103] {strides = array<i32>} : memref<2x64xf32, #tpu.memory_space<vmem>>, vector<16xf32>,
        tpu.vector_store %arg13[%swap3A_102, %swap3A_103], %gather3A {strides = array<i32>} : memref<2x64xf32, #tpu.memory_space<vmem>>, vector<16xf32>,
        %mul3A_105 = arith.constant 64 : i32
        %mul3A_106 = arith.muli %while3A_46, %mul3A_105 : i32
        %add3A_107 = arith.constant 16 : i32
        %add3A_108 = arith.addi %mul3A_106, %add3A_107 : i32
        %get3A_109 = arith.index_cast %add3A_108 : i32 to index
        %get3A_110 = tpu.vector_load %arg10[%get3A_109] {strides = array<i32>} : memref<3200xi32, #tpu.memory_space<vmem>>, vector<16xi32>,
        %gather3A_111 = tpu.vector_load_idx %arg12[%get3A_110] : memref<16384xf32, #tpu.memory_space<vmem>>[vector<16xi32>], vector<16xf32>,
        %swap3A_112 = arith.constant 0 : i32
        %swap3A_113 = arith.index_cast %swap3A_112 : i32 to index
        %swap3A_114 = arith.constant 16 : index
        %swap3A_115 = tpu.vector_load %arg13[%swap3A_113, %swap3A_114] {strides = array<i32>} : memref<2x64xf32, #tpu.memory_space<vmem>>, vector<16xf32>,
        tpu.vector_store %arg13[%swap3A_113, %swap3A_114], %gather3A_111 {strides = array<i32>} : memref<2x64xf32, #tpu.memory_space<vmem>>, vector<16xf32>,
        %mul3A_116 = arith.constant 64 : i32
        %mul3A_117 = arith.muli %while3A_46, %mul3A_116 : i32
        %add3A_118 = arith.constant 32 : i32
        %add3A_119 = arith.addi %mul3A_117, %add3A_118 : i32
        %get3A_120 = arith.index_cast %add3A_119 : i32 to index
        %get3A_121 = tpu.vector_load %arg10[%get3A_120] {strides = array<i32>} : memref<3200xi32, #tpu.memory_space<vmem>>, vector<16xi32>,
        %gather3A_122 = tpu.vector_load_idx %arg12[%get3A_121] : memref<16384xf32, #tpu.memory_space<vmem>>[vector<16xi32>], vector<16xf32>,
        %swap3A_123 = arith.constant 0 : i32
        %swap3A_124 = arith.index_cast %swap3A_123 : i32 to index
        %swap3A_125 = arith.constant 32 : index
        %swap3A_126 = tpu.vector_load %arg13[%swap3A_124, %swap3A_125] {strides = array<i32>} : memref<2x64xf32, #tpu.memory_space<vmem>>, vector<16xf32>,
        tpu.vector_store %arg13[%swap3A_124, %swap3A_125], %gather3A_122 {strides = array<i32>} : memref<2x64xf32, #tpu.memory_space<vmem>>, vector<16xf32>,
        %mul3A_127 = arith.constant 64 : i32
        %mul3A_128 = arith.muli %while3A_46, %mul3A_127 : i32
        %add3A_129 = arith.constant 48 : i32
        %add3A_130 = arith.addi %mul3A_128, %add3A_129 : i32
        %get3A_131 = arith.index_cast %add3A_130 : i32 to index
        %get3A_132 = tpu.vector_load %arg10[%get3A_131] {strides = array<i32>} : memref<3200xi32, #tpu.memory_space<vmem>>, vector<16xi32>,
        %gather3A_133 = tpu.vector_load_idx %arg12[%get3A_132] : memref<16384xf32, #tpu.memory_space<vmem>>[vector<16xi32>], vector<16xf32>,
        %swap3A_134 = arith.constant 0 : i32
        %swap3A_135 = arith.index_cast %swap3A_134 : i32 to index
        %swap3A_136 = arith.constant 48 : index
        %swap3A_137 = tpu.vector_load %arg13[%swap3A_135, %swap3A_136] {strides = array<i32>} : memref<2x64xf32, #tpu.memory_space<vmem>>, vector<16xf32>,
        tpu.vector_store %arg13[%swap3A_135, %swap3A_136], %gather3A_133 {strides = array<i32>} : memref<2x64xf32, #tpu.memory_space<vmem>>, vector<16xf32>,
        %mul3A_138 = arith.constant 64 : i32
        %mul3A_139 = arith.muli %while3A_46, %mul3A_138 : i32
        %dma_wait3A = arith.constant 0 : i32
        %dma_wait3A_140 = arith.constant 0 : i32
        %dma_wait3A_141 = arith.constant 0 : i32
        %dma_wait3A_142 = tpu.memref_slice %arg14[%dma_wait3A, %dma_wait3A_140, %dma_wait3A_141] : memref<2x64x128xf32, #tpu.memory_space<vmem>> -> memref<1x64x128xf32, #tpu.memory_space<vmem>>
        %dma_wait3A_143 = tpu.memref_squeeze %dma_wait3A_142 : memref<1x64x128xf32, #tpu.memory_space<vmem>> -> memref<64x128xf32, #tpu.memory_space<vmem>>
        %dma_wait3A_144 = tpu.memref_slice %arg10[%mul3A_139] : memref<3200xi32, #tpu.memory_space<vmem>> -> memref<64xi32, #tpu.memory_space<vmem>>
        %dma_wait3A_145 = arith.constant 0 : i32
        %dma_wait3A_146 = arith.constant 0 : i32
        %dma_wait3A_147 = tpu.memref_slice %arg3[%dma_wait3A_145, %dma_wait3A_146] : memref<16384x128xf32, #tpu.memory_space<hbm>> -> memref<16384x128xf32, #tpu.memory_space<hbm>>
        tpu.wait_indirect_dma semaphore(%arg16 : memref<!tpu.dma_semaphore, #tpu.memory_space<semaphore_mem>>) src(%dma_wait3A_147 : memref<16384x128xf32, #tpu.memory_space<hbm>>) dst(%dma_wait3A_143 : memref<64x128xf32, #tpu.memory_space<vmem>>)
        %ge3A_148 = arith.constant 2 : i32
        %ge3A_149 = arith.cmpi sge, %while3A_46, %ge3A_148 : i32
        %convert_element_type3A_150 = arith.extui %ge3A_149 : i1 to i32
        %cond3A_151 = arith.constant 0 : i32
        %cond3A_152 = arith.cmpi ne, %convert_element_type3A_150, %cond3A_151 : i32
        scf.if %cond3A_152 {
          %sub3A_222 = arith.constant 2 : i32
          %sub3A_223 = arith.subi %while3A_46, %sub3A_222 : i32
          %mul3A_224 = arith.constant 64 : i32
          %mul3A_225 = arith.muli %sub3A_223, %mul3A_224 : i32
          %add3A_226 = arith.constant 0 : i32
          %add3A_227 = arith.addi %mul3A_225, %add3A_226 : i32
          %get3A_228 = arith.index_cast %add3A_227 : i32 to index
          %get3A_229 = tpu.vector_load %arg9[%get3A_228] {strides = array<i32>} : memref<3200xi32, #tpu.memory_space<vmem>>, vector<16xi32>,
          %add3A_230 = vector.broadcast %min3A_3 : i32 to vector<16xi32>
          %add3A_231 = arith.addi %get3A_229, %add3A_230 : vector<16xi32>
          %mul3A_232 = arith.constant 64 : i32
          %mul3A_233 = arith.muli %sub3A_223, %mul3A_232 : i32
          %add3A_234 = arith.constant 16 : i32
          %add3A_235 = arith.addi %mul3A_233, %add3A_234 : i32
          %get3A_236 = arith.index_cast %add3A_235 : i32 to index
          %get3A_237 = tpu.vector_load %arg9[%get3A_236] {strides = array<i32>} : memref<3200xi32, #tpu.memory_space<vmem>>, vector<16xi32>,
          %add3A_238 = vector.broadcast %min3A_3 : i32 to vector<16xi32>
          %add3A_239 = arith.addi %get3A_237, %add3A_238 : vector<16xi32>
          %mul3A_240 = arith.constant 64 : i32
          %mul3A_241 = arith.muli %sub3A_223, %mul3A_240 : i32
          %add3A_242 = arith.constant 32 : i32
          %add3A_243 = arith.addi %mul3A_241, %add3A_242 : i32
          %get3A_244 = arith.index_cast %add3A_243 : i32 to index
          %get3A_245 = tpu.vector_load %arg9[%get3A_244] {strides = array<i32>} : memref<3200xi32, #tpu.memory_space<vmem>>, vector<16xi32>,
          %add3A_246 = vector.broadcast %min3A_3 : i32 to vector<16xi32>
          %add3A_247 = arith.addi %get3A_245, %add3A_246 : vector<16xi32>
          %mul3A_248 = arith.constant 64 : i32
          %mul3A_249 = arith.muli %sub3A_223, %mul3A_248 : i32
          %add3A_250 = arith.constant 48 : i32
          %add3A_251 = arith.addi %mul3A_249, %add3A_250 : i32
          %get3A_252 = arith.index_cast %add3A_251 : i32 to index
          %get3A_253 = tpu.vector_load %arg9[%get3A_252] {strides = array<i32>} : memref<3200xi32, #tpu.memory_space<vmem>>, vector<16xi32>,
          %add3A_254 = vector.broadcast %min3A_3 : i32 to vector<16xi32>
          %add3A_255 = arith.addi %get3A_253, %add3A_254 : vector<16xi32>
          %dma_wait3A_256 = arith.constant 0 : i32
          %dma_wait3A_257 = arith.constant 0 : i32
          %dma_wait3A_258 = arith.constant 0 : i32
          %dma_wait3A_259 = tpu.memref_slice %arg15[%dma_wait3A_256, %dma_wait3A_257, %dma_wait3A_258] : memref<2x64x128xf32, #tpu.memory_space<vmem>> -> memref<1x16x128xf32, #tpu.memory_space<vmem>>
          %dma_wait3A_260 = tpu.memref_squeeze %dma_wait3A_259 : memref<1x16x128xf32, #tpu.memory_space<vmem>> -> memref<16x128xf32, #tpu.memory_space<vmem>>
          %dma_wait3A_261 = arith.constant 0 : i32
          %dma_wait3A_262 = arith.constant 0 : i32
          %dma_wait3A_263 = tpu.memref_slice %arg2[%dma_wait3A_261, %dma_wait3A_262] : memref<100000x128xf32, #tpu.memory_space<hbm>> -> memref<100000x128xf32, #tpu.memory_space<hbm>>
          tpu.wait_indirect_dma semaphore(%arg18 : memref<!tpu.dma_semaphore, #tpu.memory_space<semaphore_mem>>) src(%dma_wait3A_260 : memref<16x128xf32, #tpu.memory_space<vmem>>) dst(%dma_wait3A_263 : memref<100000x128xf32, #tpu.memory_space<hbm>>)
          %dma_wait3A_264 = arith.constant 0 : i32
          %dma_wait3A_265 = arith.constant 16 : i32
          %dma_wait3A_266 = arith.constant 0 : i32
          %dma_wait3A_267 = tpu.memref_slice %arg15[%dma_wait3A_264, %dma_wait3A_265, %dma_wait3A_266] : memref<2x64x128xf32, #tpu.memory_space<vmem>> -> memref<1x16x128xf32, #tpu.memory_space<vmem>>
          %dma_wait3A_268 = tpu.memref_squeeze %dma_wait3A_267 : memref<1x16x128xf32, #tpu.memory_space<vmem>> -> memref<16x128xf32, #tpu.memory_space<vmem>>
          %dma_wait3A_269 = arith.constant 0 : i32
          %dma_wait3A_270 = arith.constant 0 : i32
          %dma_wait3A_271 = tpu.memref_slice %arg2[%dma_wait3A_269, %dma_wait3A_270] : memref<100000x128xf32, #tpu.memory_space<hbm>> -> memref<100000x128xf32, #tpu.memory_space<hbm>>
          tpu.wait_indirect_dma semaphore(%arg18 : memref<!tpu.dma_semaphore, #tpu.memory_space<semaphore_mem>>) src(%dma_wait3A_268 : memref<16x128xf32, #tpu.memory_space<vmem>>) dst(%dma_wait3A_271 : memref<100000x128xf32, #tpu.memory_space<hbm>>)
          %dma_wait3A_272 = arith.constant 0 : i32
          %dma_wait3A_273 = arith.constant 32 : i32
          %dma_wait3A_274 = arith.constant 0 : i32
          %dma_wait3A_275 = tpu.memref_slice %arg15[%dma_wait3A_272, %dma_wait3A_273, %dma_wait3A_274] : memref<2x64x128xf32, #tpu.memory_space<vmem>> -> memref<1x16x128xf32, #tpu.memory_space<vmem>>
          %dma_wait3A_276 = tpu.memref_squeeze %dma_wait3A_275 : memref<1x16x128xf32, #tpu.memory_space<vmem>> -> memref<16x128xf32, #tpu.memory_space<vmem>>
          %dma_wait3A_277 = arith.constant 0 : i32
          %dma_wait3A_278 = arith.constant 0 : i32
          %dma_wait3A_279 = tpu.memref_slice %arg2[%dma_wait3A_277, %dma_wait3A_278] : memref<100000x128xf32, #tpu.memory_space<hbm>> -> memref<100000x128xf32, #tpu.memory_space<hbm>>
          tpu.wait_indirect_dma semaphore(%arg18 : memref<!tpu.dma_semaphore, #tpu.memory_space<semaphore_mem>>) src(%dma_wait3A_276 : memref<16x128xf32, #tpu.memory_space<vmem>>) dst(%dma_wait3A_279 : memref<100000x128xf32, #tpu.memory_space<hbm>>)
          %dma_wait3A_280 = arith.constant 0 : i32
          %dma_wait3A_281 = arith.constant 48 : i32
          %dma_wait3A_282 = arith.constant 0 : i32
          %dma_wait3A_283 = tpu.memref_slice %arg15[%dma_wait3A_280, %dma_wait3A_281, %dma_wait3A_282] : memref<2x64x128xf32, #tpu.memory_space<vmem>> -> memref<1x16x128xf32, #tpu.memory_space<vmem>>
          %dma_wait3A_284 = tpu.memref_squeeze %dma_wait3A_283 : memref<1x16x128xf32, #tpu.memory_space<vmem>> -> memref<16x128xf32, #tpu.memory_space<vmem>>
          %dma_wait3A_285 = arith.constant 0 : i32
          %dma_wait3A_286 = arith.constant 0 : i32
          %dma_wait3A_287 = tpu.memref_slice %arg2[%dma_wait3A_285, %dma_wait3A_286] : memref<100000x128xf32, #tpu.memory_space<hbm>> -> memref<100000x128xf32, #tpu.memory_space<hbm>>
          tpu.wait_indirect_dma semaphore(%arg18 : memref<!tpu.dma_semaphore, #tpu.memory_space<semaphore_mem>>) src(%dma_wait3A_284 : memref<16x128xf32, #tpu.memory_space<vmem>>) dst(%dma_wait3A_287 : memref<100000x128xf32, #tpu.memory_space<hbm>>)
        } else {
        }
        %scan3A = arith.constant 0 : i32
        %scan3A_153 = arith.constant 0 : i32
        %scan3A_154 = arith.constant 64 : i32
        %scan3A_155 = arith.addi %scan3A_153, %scan3A_154 : i32
        %scan3A_156 = arith.constant 1 : i32
        %scan3A_157 = scf.for %scan3A_222 = %scan3A_153 to %scan3A_155 step %scan3A_156 iter_args(%scan3A_223 = %scan3A) -> (i32)  : i32 {
          %rem3A_224 = arith.constant 16 : i32
          %rem3A_225 = arith.remsi %scan3A_222, %rem3A_224 : i32
          %sub3A_226 = arith.subi %scan3A_222, %rem3A_225 : i32
          %get3A_227 = arith.constant 0 : i32
          %get3A_228 = arith.index_cast %get3A_227 : i32 to index
          %get3A_229 = arith.index_cast %sub3A_226 : i32 to index
          %get3A_230 = tpu.vector_load %arg13[%get3A_228, %get3A_229] {strides = array<i32>} : memref<2x64xf32, #tpu.memory_space<vmem>>, vector<16xf32>,
          %broadcast_in_dim3A = vector.broadcast %rem3A_225 : i32 to vector<16xi32>
          %broadcast_in_dim3A_231 = vector.shape_cast %broadcast_in_dim3A : vector<16xi32> to vector<16x1xi32>
          %gather3A_232 = vector.shape_cast %broadcast_in_dim3A_231 : vector<16x1xi32> to vector<16xi32>
          %gather3A_233 = tpu.dynamic_gather %get3A_230[%gather3A_232] in [0] : vector<16xf32>, vector<16xi32> -> vector<16xf32>
          %div3A_234 = arith.constant 1.000000e+00 : f32
          %div3A_235 = vector.broadcast %div3A_234 : f32 to vector<16xf32>
          %div3A_236 = arith.divf %div3A_235, %gather3A_233 : vector<16xf32>
          %get3A_237 = arith.constant 0 : i32
          %get3A_238 = arith.index_cast %get3A_237 : i32 to index
          %get3A_239 = arith.index_cast %scan3A_222 : i32 to index
          %get3A_240 = arith.constant 0 : index
          %get3A_241 = tpu.vector_load %arg14[%get3A_238, %get3A_239, %get3A_240] {strides = array<i32>} : memref<2x64x128xf32, #tpu.memory_space<vmem>>, vector<16xf32>,
          %mul3A_242 = arith.mulf %get3A_241, %div3A_236 : vector<16xf32>
          %swap3A_243 = arith.constant 0 : i32
          %swap3A_244 = arith.index_cast %swap3A_243 : i32 to index
          %swap3A_245 = arith.index_cast %scan3A_222 : i32 to index
          %swap3A_246 = arith.constant 0 : index
          %swap3A_247 = tpu.vector_load %arg15[%swap3A_244, %swap3A_245, %swap3A_246] {strides = array<i32>} : memref<2x64x128xf32, #tpu.memory_space<vmem>>, vector<16xf32>,
          tpu.vector_store %arg15[%swap3A_244, %swap3A_245, %swap3A_246], %mul3A_242 {strides = array<i32>} : memref<2x64x128xf32, #tpu.memory_space<vmem>>, vector<16xf32>,
          %get3A_248 = arith.constant 0 : i32
          %get3A_249 = arith.index_cast %get3A_248 : i32 to index
          %get3A_250 = arith.index_cast %scan3A_222 : i32 to index
          %get3A_251 = arith.constant 16 : index
          %get3A_252 = tpu.vector_load %arg14[%get3A_249, %get3A_250, %get3A_251] {strides = array<i32>} : memref<2x64x128xf32, #tpu.memory_space<vmem>>, vector<16xf32>,
          %mul3A_253 = arith.mulf %get3A_252, %div3A_236 : vector<16xf32>
          %swap3A_254 = arith.constant 0 : i32
          %swap3A_255 = arith.index_cast %swap3A_254 : i32 to index
          %swap3A_256 = arith.index_cast %scan3A_222 : i32 to index
          %swap3A_257 = arith.constant 16 : index
          %swap3A_258 = tpu.vector_load %arg15[%swap3A_255, %swap3A_256, %swap3A_257] {strides = array<i32>} : memref<2x64x128xf32, #tpu.memory_space<vmem>>, vector<16xf32>,
          tpu.vector_store %arg15[%swap3A_255, %swap3A_256, %swap3A_257], %mul3A_253 {strides = array<i32>} : memref<2x64x128xf32, #tpu.memory_space<vmem>>, vector<16xf32>,
          %get3A_259 = arith.constant 0 : i32
          %get3A_260 = arith.index_cast %get3A_259 : i32 to index
          %get3A_261 = arith.index_cast %scan3A_222 : i32 to index
          %get3A_262 = arith.constant 32 : index
          %get3A_263 = tpu.vector_load %arg14[%get3A_260, %get3A_261, %get3A_262] {strides = array<i32>} : memref<2x64x128xf32, #tpu.memory_space<vmem>>, vector<16xf32>,
          %mul3A_264 = arith.mulf %get3A_263, %div3A_236 : vector<16xf32>
          %swap3A_265 = arith.constant 0 : i32
          %swap3A_266 = arith.index_cast %swap3A_265 : i32 to index
          %swap3A_267 = arith.index_cast %scan3A_222 : i32 to index
          %swap3A_268 = arith.constant 32 : index
          %swap3A_269 = tpu.vector_load %arg15[%swap3A_266, %swap3A_267, %swap3A_268] {strides = array<i32>} : memref<2x64x128xf32, #tpu.memory_space<vmem>>, vector<16xf32>,
          tpu.vector_store %arg15[%swap3A_266, %swap3A_267, %swap3A_268], %mul3A_264 {strides = array<i32>} : memref<2x64x128xf32, #tpu.memory_space<vmem>>, vector<16xf32>,
          %get3A_270 = arith.constant 0 : i32
          %get3A_271 = arith.index_cast %get3A_270 : i32 to index
          %get3A_272 = arith.index_cast %scan3A_222 : i32 to index
          %get3A_273 = arith.constant 48 : index
          %get3A_274 = tpu.vector_load %arg14[%get3A_271, %get3A_272, %get3A_273] {strides = array<i32>} : memref<2x64x128xf32, #tpu.memory_space<vmem>>, vector<16xf32>,
          %mul3A_275 = arith.mulf %get3A_274, %div3A_236 : vector<16xf32>
          %swap3A_276 = arith.constant 0 : i32
          %swap3A_277 = arith.index_cast %swap3A_276 : i32 to index
          %swap3A_278 = arith.index_cast %scan3A_222 : i32 to index
          %swap3A_279 = arith.constant 48 : index
          %swap3A_280 = tpu.vector_load %arg15[%swap3A_277, %swap3A_278, %swap3A_279] {strides = array<i32>} : memref<2x64x128xf32, #tpu.memory_space<vmem>>, vector<16xf32>,
          tpu.vector_store %arg15[%swap3A_277, %swap3A_278, %swap3A_279], %mul3A_275 {strides = array<i32>} : memref<2x64x128xf32, #tpu.memory_space<vmem>>, vector<16xf32>,
          %get3A_281 = arith.constant 0 : i32
          %get3A_282 = arith.index_cast %get3A_281 : i32 to index
          %get3A_283 = arith.index_cast %scan3A_222 : i32 to index
          %get3A_284 = arith.constant 64 : index
          %get3A_285 = tpu.vector_load %arg14[%get3A_282, %get3A_283, %get3A_284] {strides = array<i32>} : memref<2x64x128xf32, #tpu.memory_space<vmem>>, vector<16xf32>,
          %mul3A_286 = arith.mulf %get3A_285, %div3A_236 : vector<16xf32>
          %swap3A_287 = arith.constant 0 : i32
          %swap3A_288 = arith.index_cast %swap3A_287 : i32 to index
          %swap3A_289 = arith.index_cast %scan3A_222 : i32 to index
          %swap3A_290 = arith.constant 64 : index
          %swap3A_291 = tpu.vector_load %arg15[%swap3A_288, %swap3A_289, %swap3A_290] {strides = array<i32>} : memref<2x64x128xf32, #tpu.memory_space<vmem>>, vector<16xf32>,
          tpu.vector_store %arg15[%swap3A_288, %swap3A_289, %swap3A_290], %mul3A_286 {strides = array<i32>} : memref<2x64x128xf32, #tpu.memory_space<vmem>>, vector<16xf32>,
          %get3A_292 = arith.constant 0 : i32
          %get3A_293 = arith.index_cast %get3A_292 : i32 to index
          %get3A_294 = arith.index_cast %scan3A_222 : i32 to index
          %get3A_295 = arith.constant 80 : index
          %get3A_296 = tpu.vector_load %arg14[%get3A_293, %get3A_294, %get3A_295] {strides = array<i32>} : memref<2x64x128xf32, #tpu.memory_space<vmem>>, vector<16xf32>,
          %mul3A_297 = arith.mulf %get3A_296, %div3A_236 : vector<16xf32>
          %swap3A_298 = arith.constant 0 : i32
          %swap3A_299 = arith.index_cast %swap3A_298 : i32 to index
          %swap3A_300 = arith.index_cast %scan3A_222 : i32 to index
          %swap3A_301 = arith.constant 80 : index
          %swap3A_302 = tpu.vector_load %arg15[%swap3A_299, %swap3A_300, %swap3A_301] {strides = array<i32>} : memref<2x64x128xf32, #tpu.memory_space<vmem>>, vector<16xf32>,
          tpu.vector_store %arg15[%swap3A_299, %swap3A_300, %swap3A_301], %mul3A_297 {strides = array<i32>} : memref<2x64x128xf32, #tpu.memory_space<vmem>>, vector<16xf32>,
          %get3A_303 = arith.constant 0 : i32
          %get3A_304 = arith.index_cast %get3A_303 : i32 to index
          %get3A_305 = arith.index_cast %scan3A_222 : i32 to index
          %get3A_306 = arith.constant 96 : index
          %get3A_307 = tpu.vector_load %arg14[%get3A_304, %get3A_305, %get3A_306] {strides = array<i32>} : memref<2x64x128xf32, #tpu.memory_space<vmem>>, vector<16xf32>,
          %mul3A_308 = arith.mulf %get3A_307, %div3A_236 : vector<16xf32>
          %swap3A_309 = arith.constant 0 : i32
          %swap3A_310 = arith.index_cast %swap3A_309 : i32 to index
          %swap3A_311 = arith.index_cast %scan3A_222 : i32 to index
          %swap3A_312 = arith.constant 96 : index
          %swap3A_313 = tpu.vector_load %arg15[%swap3A_310, %swap3A_311, %swap3A_312] {strides = array<i32>} : memref<2x64x128xf32, #tpu.memory_space<vmem>>, vector<16xf32>,
          tpu.vector_store %arg15[%swap3A_310, %swap3A_311, %swap3A_312], %mul3A_308 {strides = array<i32>} : memref<2x64x128xf32, #tpu.memory_space<vmem>>, vector<16xf32>,
          %get3A_314 = arith.constant 0 : i32
          %get3A_315 = arith.index_cast %get3A_314 : i32 to index
          %get3A_316 = arith.index_cast %scan3A_222 : i32 to index
          %get3A_317 = arith.constant 112 : index
          %get3A_318 = tpu.vector_load %arg14[%get3A_315, %get3A_316, %get3A_317] {strides = array<i32>} : memref<2x64x128xf32, #tpu.memory_space<vmem>>, vector<16xf32>,
          %mul3A_319 = arith.mulf %get3A_318, %div3A_236 : vector<16xf32>
          %swap3A_320 = arith.constant 0 : i32
          %swap3A_321 = arith.index_cast %swap3A_320 : i32 to index
          %swap3A_322 = arith.index_cast %scan3A_222 : i32 to index
          %swap3A_323 = arith.constant 112 : index
          %swap3A_324 = tpu.vector_load %arg15[%swap3A_321, %swap3A_322, %swap3A_323] {strides = array<i32>} : memref<2x64x128xf32, #tpu.memory_space<vmem>>, vector<16xf32>,
          tpu.vector_store %arg15[%swap3A_321, %swap3A_322, %swap3A_323], %mul3A_319 {strides = array<i32>} : memref<2x64x128xf32, #tpu.memory_space<vmem>>, vector<16xf32>,
          %scan3A_325 = arith.constant 0 : i32
          scf.yield %scan3A_325 : i32
        }
        %scan3A_158 = arith.constant 64 : i32
        %mul3A_159 = arith.constant 64 : i32
        %mul3A_160 = arith.muli %while3A_46, %mul3A_159 : i32
        %add3A_161 = arith.constant 0 : i32
        %add3A_162 = arith.addi %mul3A_160, %add3A_161 : i32
        %get3A_163 = arith.index_cast %add3A_162 : i32 to index
        %get3A_164 = tpu.vector_load %arg9[%get3A_163] {strides = array<i32>} : memref<3200xi32, #tpu.memory_space<vmem>>, vector<16xi32>,
        %add3A_165 = vector.broadcast %min3A_3 : i32 to vector<16xi32>
        %add3A_166 = arith.addi %get3A_164, %add3A_165 : vector<16xi32>
        %mul3A_167 = arith.constant 64 : i32
        %mul3A_168 = arith.muli %while3A_46, %mul3A_167 : i32
        %add3A_169 = arith.constant 16 : i32
        %add3A_170 = arith.addi %mul3A_168, %add3A_169 : i32
        %get3A_171 = arith.index_cast %add3A_170 : i32 to index
        %get3A_172 = tpu.vector_load %arg9[%get3A_171] {strides = array<i32>} : memref<3200xi32, #tpu.memory_space<vmem>>, vector<16xi32>,
        %add3A_173 = vector.broadcast %min3A_3 : i32 to vector<16xi32>
        %add3A_174 = arith.addi %get3A_172, %add3A_173 : vector<16xi32>
        %mul3A_175 = arith.constant 64 : i32
        %mul3A_176 = arith.muli %while3A_46, %mul3A_175 : i32
        %add3A_177 = arith.constant 32 : i32
        %add3A_178 = arith.addi %mul3A_176, %add3A_177 : i32
        %get3A_179 = arith.index_cast %add3A_178 : i32 to index
        %get3A_180 = tpu.vector_load %arg9[%get3A_179] {strides = array<i32>} : memref<3200xi32, #tpu.memory_space<vmem>>, vector<16xi32>,
        %add3A_181 = vector.broadcast %min3A_3 : i32 to vector<16xi32>
        %add3A_182 = arith.addi %get3A_180, %add3A_181 : vector<16xi32>
        %mul3A_183 = arith.constant 64 : i32
        %mul3A_184 = arith.muli %while3A_46, %mul3A_183 : i32
        %add3A_185 = arith.constant 48 : i32
        %add3A_186 = arith.addi %mul3A_184, %add3A_185 : i32
        %get3A_187 = arith.index_cast %add3A_186 : i32 to index
        %get3A_188 = tpu.vector_load %arg9[%get3A_187] {strides = array<i32>} : memref<3200xi32, #tpu.memory_space<vmem>>, vector<16xi32>,
        %add3A_189 = vector.broadcast %min3A_3 : i32 to vector<16xi32>
        %add3A_190 = arith.addi %get3A_188, %add3A_189 : vector<16xi32>
        %dma_start3A = arith.constant 0 : i32
        %dma_start3A_191 = arith.constant 0 : i32
        %dma_start3A_192 = arith.constant 0 : i32
        %dma_start3A_193 = tpu.memref_slice %arg15[%dma_start3A, %dma_start3A_191, %dma_start3A_192] : memref<2x64x128xf32, #tpu.memory_space<vmem>> -> memref<1x16x128xf32, #tpu.memory_space<vmem>>
        %dma_start3A_194 = tpu.memref_squeeze %dma_start3A_193 : memref<1x16x128xf32, #tpu.memory_space<vmem>> -> memref<16x128xf32, #tpu.memory_space<vmem>>
        %dma_start3A_195 = arith.constant 0 : i32
        %dma_start3A_196 = arith.constant 0 : i32
        %dma_start3A_197 = tpu.memref_slice %arg2[%dma_start3A_195, %dma_start3A_196] : memref<100000x128xf32, #tpu.memory_space<hbm>> -> memref<100000x128xf32, #tpu.memory_space<hbm>>
        tpu.enqueue_indirect_dma source(%dma_start3A_194 : memref<16x128xf32, #tpu.memory_space<vmem>>) target(%dma_start3A_197 : memref<100000x128xf32, #tpu.memory_space<hbm>>) offsets(%add3A_166 : vector<16xi32>) semaphore(%arg18 : memref<!tpu.dma_semaphore, #tpu.memory_space<semaphore_mem>>)
        %dma_start3A_198 = arith.constant 0 : i32
        %dma_start3A_199 = arith.constant 16 : i32
        %dma_start3A_200 = arith.constant 0 : i32
        %dma_start3A_201 = tpu.memref_slice %arg15[%dma_start3A_198, %dma_start3A_199, %dma_start3A_200] : memref<2x64x128xf32, #tpu.memory_space<vmem>> -> memref<1x16x128xf32, #tpu.memory_space<vmem>>
        %dma_start3A_202 = tpu.memref_squeeze %dma_start3A_201 : memref<1x16x128xf32, #tpu.memory_space<vmem>> -> memref<16x128xf32, #tpu.memory_space<vmem>>
        %dma_start3A_203 = arith.constant 0 : i32
        %dma_start3A_204 = arith.constant 0 : i32
        %dma_start3A_205 = tpu.memref_slice %arg2[%dma_start3A_203, %dma_start3A_204] : memref<100000x128xf32, #tpu.memory_space<hbm>> -> memref<100000x128xf32, #tpu.memory_space<hbm>>
        tpu.enqueue_indirect_dma source(%dma_start3A_202 : memref<16x128xf32, #tpu.memory_space<vmem>>) target(%dma_start3A_205 : memref<100000x128xf32, #tpu.memory_space<hbm>>) offsets(%add3A_174 : vector<16xi32>) semaphore(%arg18 : memref<!tpu.dma_semaphore, #tpu.memory_space<semaphore_mem>>)
        %dma_start3A_206 = arith.constant 0 : i32
        %dma_start3A_207 = arith.constant 32 : i32
        %dma_start3A_208 = arith.constant 0 : i32
        %dma_start3A_209 = tpu.memref_slice %arg15[%dma_start3A_206, %dma_start3A_207, %dma_start3A_208] : memref<2x64x128xf32, #tpu.memory_space<vmem>> -> memref<1x16x128xf32, #tpu.memory_space<vmem>>
        %dma_start3A_210 = tpu.memref_squeeze %dma_start3A_209 : memref<1x16x128xf32, #tpu.memory_space<vmem>> -> memref<16x128xf32, #tpu.memory_space<vmem>>
        %dma_start3A_211 = arith.constant 0 : i32
        %dma_start3A_212 = arith.constant 0 : i32
        %dma_start3A_213 = tpu.memref_slice %arg2[%dma_start3A_211, %dma_start3A_212] : memref<100000x128xf32, #tpu.memory_space<hbm>> -> memref<100000x128xf32, #tpu.memory_space<hbm>>
        tpu.enqueue_indirect_dma source(%dma_start3A_210 : memref<16x128xf32, #tpu.memory_space<vmem>>) target(%dma_start3A_213 : memref<100000x128xf32, #tpu.memory_space<hbm>>) offsets(%add3A_182 : vector<16xi32>) semaphore(%arg18 : memref<!tpu.dma_semaphore, #tpu.memory_space<semaphore_mem>>)
        %dma_start3A_214 = arith.constant 0 : i32
        %dma_start3A_215 = arith.constant 48 : i32
        %dma_start3A_216 = arith.constant 0 : i32
        %dma_start3A_217 = tpu.memref_slice %arg15[%dma_start3A_214, %dma_start3A_215, %dma_start3A_216] : memref<2x64x128xf32, #tpu.memory_space<vmem>> -> memref<1x16x128xf32, #tpu.memory_space<vmem>>
        %dma_start3A_218 = tpu.memref_squeeze %dma_start3A_217 : memref<1x16x128xf32, #tpu.memory_space<vmem>> -> memref<16x128xf32, #tpu.memory_space<vmem>>
        %dma_start3A_219 = arith.constant 0 : i32
        %dma_start3A_220 = arith.constant 0 : i32
        %dma_start3A_221 = tpu.memref_slice %arg2[%dma_start3A_219, %dma_start3A_220] : memref<100000x128xf32, #tpu.memory_space<hbm>> -> memref<100000x128xf32, #tpu.memory_space<hbm>>
        tpu.enqueue_indirect_dma source(%dma_start3A_218 : memref<16x128xf32, #tpu.memory_space<vmem>>) target(%dma_start3A_221 : memref<100000x128xf32, #tpu.memory_space<hbm>>) offsets(%add3A_190 : vector<16xi32>) semaphore(%arg18 : memref<!tpu.dma_semaphore, #tpu.memory_space<semaphore_mem>>)
      } else {
      }
      %jit3A_68 = arith.constant 2 : i32
      %eq3A_69 = arith.constant 0 : i32
      %eq3A_70 = arith.cmpi eq, %jit3A_68, %eq3A_69 : i32
      %jit3A_71 = arith.constant 1 : i32
      %select_n3A_72 = arith.select %eq3A_70, %jit3A_71, %jit3A_68 : i32
      %rem3A_73 = arith.remsi %while3A_46, %select_n3A_72 : i32
      %ne3A_74 = arith.constant 0 : i32
      %ne3A_75 = arith.cmpi ne, %rem3A_73, %ne3A_74 : i32
      %lt3A_76 = arith.constant 0 : i32
      %lt3A_77 = arith.cmpi slt, %rem3A_73, %lt3A_76 : i32
      %lt3A_78 = arith.constant 0 : i32
      %lt3A_79 = arith.cmpi slt, %select_n3A_72, %lt3A_78 : i32
      %ne3A_80 = arith.xori %lt3A_77, %lt3A_79 : i1
      %and3A_81 = arith.andi %ne3A_80, %ne3A_75 : i1
      %add3A_82 = arith.addi %rem3A_73, %select_n3A_72 : i32
      %select_n3A_83 = arith.select %and3A_81, %add3A_82, %rem3A_73 : i32
      %eq3A_84 = arith.constant 1 : i32
      %eq3A_85 = arith.cmpi eq, %select_n3A_83, %eq3A_84 : i32
      %convert_element_type3A_86 = arith.extui %eq3A_85 : i1 to i32
      %cond3A_87 = arith.constant 0 : i32
      %cond3A_88 = arith.cmpi ne, %convert_element_type3A_86, %cond3A_87 : i32
      scf.if %cond3A_88 {
        %add3A_90 = arith.constant 1 : i32
        %add3A_91 = arith.addi %while3A_46, %add3A_90 : i32
        %lt3A_92 = arith.cmpi slt, %add3A_91, %select_n3A : i32
        %convert_element_type3A_93 = arith.extui %lt3A_92 : i1 to i32
        %cond3A_94 = arith.constant 0 : i32
        %cond3A_95 = arith.cmpi ne, %convert_element_type3A_93, %cond3A_94 : i32
        scf.if %cond3A_95 {
          %add3A_222 = arith.constant 1 : i32
          %add3A_223 = arith.addi %while3A_46, %add3A_222 : i32
          %mul3A_224 = arith.constant 64 : i32
          %mul3A_225 = arith.muli %add3A_223, %mul3A_224 : i32
          %dma_start3A_226 = arith.constant 0 : i32
          %dma_start3A_227 = arith.constant 0 : i32
          %dma_start3A_228 = arith.constant 0 : i32
          %dma_start3A_229 = tpu.memref_slice %arg14[%dma_start3A_226, %dma_start3A_227, %dma_start3A_228] : memref<2x64x128xf32, #tpu.memory_space<vmem>> -> memref<1x64x128xf32, #tpu.memory_space<vmem>>
          %dma_start3A_230 = tpu.memref_squeeze %dma_start3A_229 : memref<1x64x128xf32, #tpu.memory_space<vmem>> -> memref<64x128xf32, #tpu.memory_space<vmem>>
          %dma_start3A_231 = tpu.memref_slice %arg10[%mul3A_225] : memref<3200xi32, #tpu.memory_space<vmem>> -> memref<64xi32, #tpu.memory_space<vmem>>
          %dma_start3A_232 = arith.constant 0 : i32
          %dma_start3A_233 = arith.constant 0 : i32
          %dma_start3A_234 = tpu.memref_slice %arg3[%dma_start3A_232, %dma_start3A_233] : memref<16384x128xf32, #tpu.memory_space<hbm>> -> memref<16384x128xf32, #tpu.memory_space<hbm>>
          tpu.enqueue_indirect_dma source(%dma_start3A_234 : memref<16384x128xf32, #tpu.memory_space<hbm>>) target(%dma_start3A_230 : memref<64x128xf32, #tpu.memory_space<vmem>>) offsets(%dma_start3A_231 : memref<64xi32, #tpu.memory_space<vmem>>) semaphore(%arg16 : memref<!tpu.dma_semaphore, #tpu.memory_space<semaphore_mem>>)
        } else {
        }
        %mul3A_96 = arith.constant 64 : i32
        %mul3A_97 = arith.muli %while3A_46, %mul3A_96 : i32
        %add3A_98 = arith.constant 0 : i32
        %add3A_99 = arith.addi %mul3A_97, %add3A_98 : i32
        %get3A_100 = arith.index_cast %add3A_99 : i32 to index
        %get3A_101 = tpu.vector_load %arg10[%get3A_100] {strides = array<i32>} : memref<3200xi32, #tpu.memory_space<vmem>>, vector<16xi32>,
        %gather3A = tpu.vector_load_idx %arg12[%get3A_101] : memref<16384xf32, #tpu.memory_space<vmem>>[vector<16xi32>], vector<16xf32>,
        %swap3A = arith.constant 1 : i32
        %swap3A_102 = arith.index_cast %swap3A : i32 to index
        %swap3A_103 = arith.constant 0 : index
        %swap3A_104 = tpu.vector_load %arg13[%swap3A_102, %swap3A_103] {strides = array<i32>} : memref<2x64xf32, #tpu.memory_space<vmem>>, vector<16xf32>,
        tpu.vector_store %arg13[%swap3A_102, %swap3A_103], %gather3A {strides = array<i32>} : memref<2x64xf32, #tpu.memory_space<vmem>>, vector<16xf32>,
        %mul3A_105 = arith.constant 64 : i32
        %mul3A_106 = arith.muli %while3A_46, %mul3A_105 : i32
        %add3A_107 = arith.constant 16 : i32
        %add3A_108 = arith.addi %mul3A_106, %add3A_107 : i32
        %get3A_109 = arith.index_cast %add3A_108 : i32 to index
        %get3A_110 = tpu.vector_load %arg10[%get3A_109] {strides = array<i32>} : memref<3200xi32, #tpu.memory_space<vmem>>, vector<16xi32>,
        %gather3A_111 = tpu.vector_load_idx %arg12[%get3A_110] : memref<16384xf32, #tpu.memory_space<vmem>>[vector<16xi32>], vector<16xf32>,
        %swap3A_112 = arith.constant 1 : i32
        %swap3A_113 = arith.index_cast %swap3A_112 : i32 to index
        %swap3A_114 = arith.constant 16 : index
        %swap3A_115 = tpu.vector_load %arg13[%swap3A_113, %swap3A_114] {strides = array<i32>} : memref<2x64xf32, #tpu.memory_space<vmem>>, vector<16xf32>,
        tpu.vector_store %arg13[%swap3A_113, %swap3A_114], %gather3A_111 {strides = array<i32>} : memref<2x64xf32, #tpu.memory_space<vmem>>, vector<16xf32>,
        %mul3A_116 = arith.constant 64 : i32
        %mul3A_117 = arith.muli %while3A_46, %mul3A_116 : i32
        %add3A_118 = arith.constant 32 : i32
        %add3A_119 = arith.addi %mul3A_117, %add3A_118 : i32
        %get3A_120 = arith.index_cast %add3A_119 : i32 to index
        %get3A_121 = tpu.vector_load %arg10[%get3A_120] {strides = array<i32>} : memref<3200xi32, #tpu.memory_space<vmem>>, vector<16xi32>,
        %gather3A_122 = tpu.vector_load_idx %arg12[%get3A_121] : memref<16384xf32, #tpu.memory_space<vmem>>[vector<16xi32>], vector<16xf32>,
        %swap3A_123 = arith.constant 1 : i32
        %swap3A_124 = arith.index_cast %swap3A_123 : i32 to index
        %swap3A_125 = arith.constant 32 : index
        %swap3A_126 = tpu.vector_load %arg13[%swap3A_124, %swap3A_125] {strides = array<i32>} : memref<2x64xf32, #tpu.memory_space<vmem>>, vector<16xf32>,
        tpu.vector_store %arg13[%swap3A_124, %swap3A_125], %gather3A_122 {strides = array<i32>} : memref<2x64xf32, #tpu.memory_space<vmem>>, vector<16xf32>,
        %mul3A_127 = arith.constant 64 : i32
        %mul3A_128 = arith.muli %while3A_46, %mul3A_127 : i32
        %add3A_129 = arith.constant 48 : i32
        %add3A_130 = arith.addi %mul3A_128, %add3A_129 : i32
        %get3A_131 = arith.index_cast %add3A_130 : i32 to index
        %get3A_132 = tpu.vector_load %arg10[%get3A_131] {strides = array<i32>} : memref<3200xi32, #tpu.memory_space<vmem>>, vector<16xi32>,
        %gather3A_133 = tpu.vector_load_idx %arg12[%get3A_132] : memref<16384xf32, #tpu.memory_space<vmem>>[vector<16xi32>], vector<16xf32>,
        %swap3A_134 = arith.constant 1 : i32
        %swap3A_135 = arith.index_cast %swap3A_134 : i32 to index
        %swap3A_136 = arith.constant 48 : index
        %swap3A_137 = tpu.vector_load %arg13[%swap3A_135, %swap3A_136] {strides = array<i32>} : memref<2x64xf32, #tpu.memory_space<vmem>>, vector<16xf32>,
        tpu.vector_store %arg13[%swap3A_135, %swap3A_136], %gather3A_133 {strides = array<i32>} : memref<2x64xf32, #tpu.memory_space<vmem>>, vector<16xf32>,
        %mul3A_138 = arith.constant 64 : i32
        %mul3A_139 = arith.muli %while3A_46, %mul3A_138 : i32
        %dma_wait3A = arith.constant 1 : i32
        %dma_wait3A_140 = arith.constant 0 : i32
        %dma_wait3A_141 = arith.constant 0 : i32
        %dma_wait3A_142 = tpu.memref_slice %arg14[%dma_wait3A, %dma_wait3A_140, %dma_wait3A_141] : memref<2x64x128xf32, #tpu.memory_space<vmem>> -> memref<1x64x128xf32, #tpu.memory_space<vmem>>
        %dma_wait3A_143 = tpu.memref_squeeze %dma_wait3A_142 : memref<1x64x128xf32, #tpu.memory_space<vmem>> -> memref<64x128xf32, #tpu.memory_space<vmem>>
        %dma_wait3A_144 = tpu.memref_slice %arg10[%mul3A_139] : memref<3200xi32, #tpu.memory_space<vmem>> -> memref<64xi32, #tpu.memory_space<vmem>>
        %dma_wait3A_145 = arith.constant 0 : i32
        %dma_wait3A_146 = arith.constant 0 : i32
        %dma_wait3A_147 = tpu.memref_slice %arg3[%dma_wait3A_145, %dma_wait3A_146] : memref<16384x128xf32, #tpu.memory_space<hbm>> -> memref<16384x128xf32, #tpu.memory_space<hbm>>
        tpu.wait_indirect_dma semaphore(%arg17 : memref<!tpu.dma_semaphore, #tpu.memory_space<semaphore_mem>>) src(%dma_wait3A_147 : memref<16384x128xf32, #tpu.memory_space<hbm>>) dst(%dma_wait3A_143 : memref<64x128xf32, #tpu.memory_space<vmem>>)
        %ge3A_148 = arith.constant 2 : i32
        %ge3A_149 = arith.cmpi sge, %while3A_46, %ge3A_148 : i32
        %convert_element_type3A_150 = arith.extui %ge3A_149 : i1 to i32
        %cond3A_151 = arith.constant 0 : i32
        %cond3A_152 = arith.cmpi ne, %convert_element_type3A_150, %cond3A_151 : i32
        scf.if %cond3A_152 {
          %sub3A_222 = arith.constant 2 : i32
          %sub3A_223 = arith.subi %while3A_46, %sub3A_222 : i32
          %mul3A_224 = arith.constant 64 : i32
          %mul3A_225 = arith.muli %sub3A_223, %mul3A_224 : i32
          %add3A_226 = arith.constant 0 : i32
          %add3A_227 = arith.addi %mul3A_225, %add3A_226 : i32
          %get3A_228 = arith.index_cast %add3A_227 : i32 to index
          %get3A_229 = tpu.vector_load %arg9[%get3A_228] {strides = array<i32>} : memref<3200xi32, #tpu.memory_space<vmem>>, vector<16xi32>,
          %add3A_230 = vector.broadcast %min3A_3 : i32 to vector<16xi32>
          %add3A_231 = arith.addi %get3A_229, %add3A_230 : vector<16xi32>
          %mul3A_232 = arith.constant 64 : i32
          %mul3A_233 = arith.muli %sub3A_223, %mul3A_232 : i32
          %add3A_234 = arith.constant 16 : i32
          %add3A_235 = arith.addi %mul3A_233, %add3A_234 : i32
          %get3A_236 = arith.index_cast %add3A_235 : i32 to index
          %get3A_237 = tpu.vector_load %arg9[%get3A_236] {strides = array<i32>} : memref<3200xi32, #tpu.memory_space<vmem>>, vector<16xi32>,
          %add3A_238 = vector.broadcast %min3A_3 : i32 to vector<16xi32>
          %add3A_239 = arith.addi %get3A_237, %add3A_238 : vector<16xi32>
          %mul3A_240 = arith.constant 64 : i32
          %mul3A_241 = arith.muli %sub3A_223, %mul3A_240 : i32
          %add3A_242 = arith.constant 32 : i32
          %add3A_243 = arith.addi %mul3A_241, %add3A_242 : i32
          %get3A_244 = arith.index_cast %add3A_243 : i32 to index
          %get3A_245 = tpu.vector_load %arg9[%get3A_244] {strides = array<i32>} : memref<3200xi32, #tpu.memory_space<vmem>>, vector<16xi32>,
          %add3A_246 = vector.broadcast %min3A_3 : i32 to vector<16xi32>
          %add3A_247 = arith.addi %get3A_245, %add3A_246 : vector<16xi32>
          %mul3A_248 = arith.constant 64 : i32
          %mul3A_249 = arith.muli %sub3A_223, %mul3A_248 : i32
          %add3A_250 = arith.constant 48 : i32
          %add3A_251 = arith.addi %mul3A_249, %add3A_250 : i32
          %get3A_252 = arith.index_cast %add3A_251 : i32 to index
          %get3A_253 = tpu.vector_load %arg9[%get3A_252] {strides = array<i32>} : memref<3200xi32, #tpu.memory_space<vmem>>, vector<16xi32>,
          %add3A_254 = vector.broadcast %min3A_3 : i32 to vector<16xi32>
          %add3A_255 = arith.addi %get3A_253, %add3A_254 : vector<16xi32>
          %dma_wait3A_256 = arith.constant 1 : i32
          %dma_wait3A_257 = arith.constant 0 : i32
          %dma_wait3A_258 = arith.constant 0 : i32
          %dma_wait3A_259 = tpu.memref_slice %arg15[%dma_wait3A_256, %dma_wait3A_257, %dma_wait3A_258] : memref<2x64x128xf32, #tpu.memory_space<vmem>> -> memref<1x16x128xf32, #tpu.memory_space<vmem>>
          %dma_wait3A_260 = tpu.memref_squeeze %dma_wait3A_259 : memref<1x16x128xf32, #tpu.memory_space<vmem>> -> memref<16x128xf32, #tpu.memory_space<vmem>>
          %dma_wait3A_261 = arith.constant 0 : i32
          %dma_wait3A_262 = arith.constant 0 : i32
          %dma_wait3A_263 = tpu.memref_slice %arg2[%dma_wait3A_261, %dma_wait3A_262] : memref<100000x128xf32, #tpu.memory_space<hbm>> -> memref<100000x128xf32, #tpu.memory_space<hbm>>
          tpu.wait_indirect_dma semaphore(%arg19 : memref<!tpu.dma_semaphore, #tpu.memory_space<semaphore_mem>>) src(%dma_wait3A_260 : memref<16x128xf32, #tpu.memory_space<vmem>>) dst(%dma_wait3A_263 : memref<100000x128xf32, #tpu.memory_space<hbm>>)
          %dma_wait3A_264 = arith.constant 1 : i32
          %dma_wait3A_265 = arith.constant 16 : i32
          %dma_wait3A_266 = arith.constant 0 : i32
          %dma_wait3A_267 = tpu.memref_slice %arg15[%dma_wait3A_264, %dma_wait3A_265, %dma_wait3A_266] : memref<2x64x128xf32, #tpu.memory_space<vmem>> -> memref<1x16x128xf32, #tpu.memory_space<vmem>>
          %dma_wait3A_268 = tpu.memref_squeeze %dma_wait3A_267 : memref<1x16x128xf32, #tpu.memory_space<vmem>> -> memref<16x128xf32, #tpu.memory_space<vmem>>
          %dma_wait3A_269 = arith.constant 0 : i32
          %dma_wait3A_270 = arith.constant 0 : i32
          %dma_wait3A_271 = tpu.memref_slice %arg2[%dma_wait3A_269, %dma_wait3A_270] : memref<100000x128xf32, #tpu.memory_space<hbm>> -> memref<100000x128xf32, #tpu.memory_space<hbm>>
          tpu.wait_indirect_dma semaphore(%arg19 : memref<!tpu.dma_semaphore, #tpu.memory_space<semaphore_mem>>) src(%dma_wait3A_268 : memref<16x128xf32, #tpu.memory_space<vmem>>) dst(%dma_wait3A_271 : memref<100000x128xf32, #tpu.memory_space<hbm>>)
          %dma_wait3A_272 = arith.constant 1 : i32
          %dma_wait3A_273 = arith.constant 32 : i32
          %dma_wait3A_274 = arith.constant 0 : i32
          %dma_wait3A_275 = tpu.memref_slice %arg15[%dma_wait3A_272, %dma_wait3A_273, %dma_wait3A_274] : memref<2x64x128xf32, #tpu.memory_space<vmem>> -> memref<1x16x128xf32, #tpu.memory_space<vmem>>
          %dma_wait3A_276 = tpu.memref_squeeze %dma_wait3A_275 : memref<1x16x128xf32, #tpu.memory_space<vmem>> -> memref<16x128xf32, #tpu.memory_space<vmem>>
          %dma_wait3A_277 = arith.constant 0 : i32
          %dma_wait3A_278 = arith.constant 0 : i32
          %dma_wait3A_279 = tpu.memref_slice %arg2[%dma_wait3A_277, %dma_wait3A_278] : memref<100000x128xf32, #tpu.memory_space<hbm>> -> memref<100000x128xf32, #tpu.memory_space<hbm>>
          tpu.wait_indirect_dma semaphore(%arg19 : memref<!tpu.dma_semaphore, #tpu.memory_space<semaphore_mem>>) src(%dma_wait3A_276 : memref<16x128xf32, #tpu.memory_space<vmem>>) dst(%dma_wait3A_279 : memref<100000x128xf32, #tpu.memory_space<hbm>>)
          %dma_wait3A_280 = arith.constant 1 : i32
          %dma_wait3A_281 = arith.constant 48 : i32
          %dma_wait3A_282 = arith.constant 0 : i32
          %dma_wait3A_283 = tpu.memref_slice %arg15[%dma_wait3A_280, %dma_wait3A_281, %dma_wait3A_282] : memref<2x64x128xf32, #tpu.memory_space<vmem>> -> memref<1x16x128xf32, #tpu.memory_space<vmem>>
          %dma_wait3A_284 = tpu.memref_squeeze %dma_wait3A_283 : memref<1x16x128xf32, #tpu.memory_space<vmem>> -> memref<16x128xf32, #tpu.memory_space<vmem>>
          %dma_wait3A_285 = arith.constant 0 : i32
          %dma_wait3A_286 = arith.constant 0 : i32
          %dma_wait3A_287 = tpu.memref_slice %arg2[%dma_wait3A_285, %dma_wait3A_286] : memref<100000x128xf32, #tpu.memory_space<hbm>> -> memref<100000x128xf32, #tpu.memory_space<hbm>>
          tpu.wait_indirect_dma semaphore(%arg19 : memref<!tpu.dma_semaphore, #tpu.memory_space<semaphore_mem>>) src(%dma_wait3A_284 : memref<16x128xf32, #tpu.memory_space<vmem>>) dst(%dma_wait3A_287 : memref<100000x128xf32, #tpu.memory_space<hbm>>)
        } else {
        }
        %scan3A = arith.constant 0 : i32
        %scan3A_153 = arith.constant 0 : i32
        %scan3A_154 = arith.constant 64 : i32
        %scan3A_155 = arith.addi %scan3A_153, %scan3A_154 : i32
        %scan3A_156 = arith.constant 1 : i32
        %scan3A_157 = scf.for %scan3A_222 = %scan3A_153 to %scan3A_155 step %scan3A_156 iter_args(%scan3A_223 = %scan3A) -> (i32)  : i32 {
          %rem3A_224 = arith.constant 16 : i32
          %rem3A_225 = arith.remsi %scan3A_222, %rem3A_224 : i32
          %sub3A_226 = arith.subi %scan3A_222, %rem3A_225 : i32
          %get3A_227 = arith.constant 1 : i32
          %get3A_228 = arith.index_cast %get3A_227 : i32 to index
          %get3A_229 = arith.index_cast %sub3A_226 : i32 to index
          %get3A_230 = tpu.vector_load %arg13[%get3A_228, %get3A_229] {strides = array<i32>} : memref<2x64xf32, #tpu.memory_space<vmem>>, vector<16xf32>,
          %broadcast_in_dim3A = vector.broadcast %rem3A_225 : i32 to vector<16xi32>
          %broadcast_in_dim3A_231 = vector.shape_cast %broadcast_in_dim3A : vector<16xi32> to vector<16x1xi32>
          %gather3A_232 = vector.shape_cast %broadcast_in_dim3A_231 : vector<16x1xi32> to vector<16xi32>
          %gather3A_233 = tpu.dynamic_gather %get3A_230[%gather3A_232] in [0] : vector<16xf32>, vector<16xi32> -> vector<16xf32>
          %div3A_234 = arith.constant 1.000000e+00 : f32
          %div3A_235 = vector.broadcast %div3A_234 : f32 to vector<16xf32>
          %div3A_236 = arith.divf %div3A_235, %gather3A_233 : vector<16xf32>
          %get3A_237 = arith.constant 1 : i32
          %get3A_238 = arith.index_cast %get3A_237 : i32 to index
          %get3A_239 = arith.index_cast %scan3A_222 : i32 to index
          %get3A_240 = arith.constant 0 : index
          %get3A_241 = tpu.vector_load %arg14[%get3A_238, %get3A_239, %get3A_240] {strides = array<i32>} : memref<2x64x128xf32, #tpu.memory_space<vmem>>, vector<16xf32>,
          %mul3A_242 = arith.mulf %get3A_241, %div3A_236 : vector<16xf32>
          %swap3A_243 = arith.constant 1 : i32
          %swap3A_244 = arith.index_cast %swap3A_243 : i32 to index
          %swap3A_245 = arith.index_cast %scan3A_222 : i32 to index
          %swap3A_246 = arith.constant 0 : index
          %swap3A_247 = tpu.vector_load %arg15[%swap3A_244, %swap3A_245, %swap3A_246] {strides = array<i32>} : memref<2x64x128xf32, #tpu.memory_space<vmem>>, vector<16xf32>,
          tpu.vector_store %arg15[%swap3A_244, %swap3A_245, %swap3A_246], %mul3A_242 {strides = array<i32>} : memref<2x64x128xf32, #tpu.memory_space<vmem>>, vector<16xf32>,
          %get3A_248 = arith.constant 1 : i32
          %get3A_249 = arith.index_cast %get3A_248 : i32 to index
          %get3A_250 = arith.index_cast %scan3A_222 : i32 to index
          %get3A_251 = arith.constant 16 : index
          %get3A_252 = tpu.vector_load %arg14[%get3A_249, %get3A_250, %get3A_251] {strides = array<i32>} : memref<2x64x128xf32, #tpu.memory_space<vmem>>, vector<16xf32>,
          %mul3A_253 = arith.mulf %get3A_252, %div3A_236 : vector<16xf32>
          %swap3A_254 = arith.constant 1 : i32
          %swap3A_255 = arith.index_cast %swap3A_254 : i32 to index
          %swap3A_256 = arith.index_cast %scan3A_222 : i32 to index
          %swap3A_257 = arith.constant 16 : index
          %swap3A_258 = tpu.vector_load %arg15[%swap3A_255, %swap3A_256, %swap3A_257] {strides = array<i32>} : memref<2x64x128xf32, #tpu.memory_space<vmem>>, vector<16xf32>,
          tpu.vector_store %arg15[%swap3A_255, %swap3A_256, %swap3A_257], %mul3A_253 {strides = array<i32>} : memref<2x64x128xf32, #tpu.memory_space<vmem>>, vector<16xf32>,
          %get3A_259 = arith.constant 1 : i32
          %get3A_260 = arith.index_cast %get3A_259 : i32 to index
          %get3A_261 = arith.index_cast %scan3A_222 : i32 to index
          %get3A_262 = arith.constant 32 : index
          %get3A_263 = tpu.vector_load %arg14[%get3A_260, %get3A_261, %get3A_262] {strides = array<i32>} : memref<2x64x128xf32, #tpu.memory_space<vmem>>, vector<16xf32>,
          %mul3A_264 = arith.mulf %get3A_263, %div3A_236 : vector<16xf32>
          %swap3A_265 = arith.constant 1 : i32
          %swap3A_266 = arith.index_cast %swap3A_265 : i32 to index
          %swap3A_267 = arith.index_cast %scan3A_222 : i32 to index
          %swap3A_268 = arith.constant 32 : index
          %swap3A_269 = tpu.vector_load %arg15[%swap3A_266, %swap3A_267, %swap3A_268] {strides = array<i32>} : memref<2x64x128xf32, #tpu.memory_space<vmem>>, vector<16xf32>,
          tpu.vector_store %arg15[%swap3A_266, %swap3A_267, %swap3A_268], %mul3A_264 {strides = array<i32>} : memref<2x64x128xf32, #tpu.memory_space<vmem>>, vector<16xf32>,
          %get3A_270 = arith.constant 1 : i32
          %get3A_271 = arith.index_cast %get3A_270 : i32 to index
          %get3A_272 = arith.index_cast %scan3A_222 : i32 to index
          %get3A_273 = arith.constant 48 : index
          %get3A_274 = tpu.vector_load %arg14[%get3A_271, %get3A_272, %get3A_273] {strides = array<i32>} : memref<2x64x128xf32, #tpu.memory_space<vmem>>, vector<16xf32>,
          %mul3A_275 = arith.mulf %get3A_274, %div3A_236 : vector<16xf32>
          %swap3A_276 = arith.constant 1 : i32
          %swap3A_277 = arith.index_cast %swap3A_276 : i32 to index
          %swap3A_278 = arith.index_cast %scan3A_222 : i32 to index
          %swap3A_279 = arith.constant 48 : index
          %swap3A_280 = tpu.vector_load %arg15[%swap3A_277, %swap3A_278, %swap3A_279] {strides = array<i32>} : memref<2x64x128xf32, #tpu.memory_space<vmem>>, vector<16xf32>,
          tpu.vector_store %arg15[%swap3A_277, %swap3A_278, %swap3A_279], %mul3A_275 {strides = array<i32>} : memref<2x64x128xf32, #tpu.memory_space<vmem>>, vector<16xf32>,
          %get3A_281 = arith.constant 1 : i32
          %get3A_282 = arith.index_cast %get3A_281 : i32 to index
          %get3A_283 = arith.index_cast %scan3A_222 : i32 to index
          %get3A_284 = arith.constant 64 : index
          %get3A_285 = tpu.vector_load %arg14[%get3A_282, %get3A_283, %get3A_284] {strides = array<i32>} : memref<2x64x128xf32, #tpu.memory_space<vmem>>, vector<16xf32>,
          %mul3A_286 = arith.mulf %get3A_285, %div3A_236 : vector<16xf32>
          %swap3A_287 = arith.constant 1 : i32
          %swap3A_288 = arith.index_cast %swap3A_287 : i32 to index
          %swap3A_289 = arith.index_cast %scan3A_222 : i32 to index
          %swap3A_290 = arith.constant 64 : index
          %swap3A_291 = tpu.vector_load %arg15[%swap3A_288, %swap3A_289, %swap3A_290] {strides = array<i32>} : memref<2x64x128xf32, #tpu.memory_space<vmem>>, vector<16xf32>,
          tpu.vector_store %arg15[%swap3A_288, %swap3A_289, %swap3A_290], %mul3A_286 {strides = array<i32>} : memref<2x64x128xf32, #tpu.memory_space<vmem>>, vector<16xf32>,
          %get3A_292 = arith.constant 1 : i32
          %get3A_293 = arith.index_cast %get3A_292 : i32 to index
          %get3A_294 = arith.index_cast %scan3A_222 : i32 to index
          %get3A_295 = arith.constant 80 : index
          %get3A_296 = tpu.vector_load %arg14[%get3A_293, %get3A_294, %get3A_295] {strides = array<i32>} : memref<2x64x128xf32, #tpu.memory_space<vmem>>, vector<16xf32>,
          %mul3A_297 = arith.mulf %get3A_296, %div3A_236 : vector<16xf32>
          %swap3A_298 = arith.constant 1 : i32
          %swap3A_299 = arith.index_cast %swap3A_298 : i32 to index
          %swap3A_300 = arith.index_cast %scan3A_222 : i32 to index
          %swap3A_301 = arith.constant 80 : index
          %swap3A_302 = tpu.vector_load %arg15[%swap3A_299, %swap3A_300, %swap3A_301] {strides = array<i32>} : memref<2x64x128xf32, #tpu.memory_space<vmem>>, vector<16xf32>,
          tpu.vector_store %arg15[%swap3A_299, %swap3A_300, %swap3A_301], %mul3A_297 {strides = array<i32>} : memref<2x64x128xf32, #tpu.memory_space<vmem>>, vector<16xf32>,
          %get3A_303 = arith.constant 1 : i32
          %get3A_304 = arith.index_cast %get3A_303 : i32 to index
          %get3A_305 = arith.index_cast %scan3A_222 : i32 to index
          %get3A_306 = arith.constant 96 : index
          %get3A_307 = tpu.vector_load %arg14[%get3A_304, %get3A_305, %get3A_306] {strides = array<i32>} : memref<2x64x128xf32, #tpu.memory_space<vmem>>, vector<16xf32>,
          %mul3A_308 = arith.mulf %get3A_307, %div3A_236 : vector<16xf32>
          %swap3A_309 = arith.constant 1 : i32
          %swap3A_310 = arith.index_cast %swap3A_309 : i32 to index
          %swap3A_311 = arith.index_cast %scan3A_222 : i32 to index
          %swap3A_312 = arith.constant 96 : index
          %swap3A_313 = tpu.vector_load %arg15[%swap3A_310, %swap3A_311, %swap3A_312] {strides = array<i32>} : memref<2x64x128xf32, #tpu.memory_space<vmem>>, vector<16xf32>,
          tpu.vector_store %arg15[%swap3A_310, %swap3A_311, %swap3A_312], %mul3A_308 {strides = array<i32>} : memref<2x64x128xf32, #tpu.memory_space<vmem>>, vector<16xf32>,
          %get3A_314 = arith.constant 1 : i32
          %get3A_315 = arith.index_cast %get3A_314 : i32 to index
          %get3A_316 = arith.index_cast %scan3A_222 : i32 to index
          %get3A_317 = arith.constant 112 : index
          %get3A_318 = tpu.vector_load %arg14[%get3A_315, %get3A_316, %get3A_317] {strides = array<i32>} : memref<2x64x128xf32, #tpu.memory_space<vmem>>, vector<16xf32>,
          %mul3A_319 = arith.mulf %get3A_318, %div3A_236 : vector<16xf32>
          %swap3A_320 = arith.constant 1 : i32
          %swap3A_321 = arith.index_cast %swap3A_320 : i32 to index
          %swap3A_322 = arith.index_cast %scan3A_222 : i32 to index
          %swap3A_323 = arith.constant 112 : index
          %swap3A_324 = tpu.vector_load %arg15[%swap3A_321, %swap3A_322, %swap3A_323] {strides = array<i32>} : memref<2x64x128xf32, #tpu.memory_space<vmem>>, vector<16xf32>,
          tpu.vector_store %arg15[%swap3A_321, %swap3A_322, %swap3A_323], %mul3A_319 {strides = array<i32>} : memref<2x64x128xf32, #tpu.memory_space<vmem>>, vector<16xf32>,
          %scan3A_325 = arith.constant 0 : i32
          scf.yield %scan3A_325 : i32
        }
        %scan3A_158 = arith.constant 64 : i32
        %mul3A_159 = arith.constant 64 : i32
        %mul3A_160 = arith.muli %while3A_46, %mul3A_159 : i32
        %add3A_161 = arith.constant 0 : i32
        %add3A_162 = arith.addi %mul3A_160, %add3A_161 : i32
        %get3A_163 = arith.index_cast %add3A_162 : i32 to index
        %get3A_164 = tpu.vector_load %arg9[%get3A_163] {strides = array<i32>} : memref<3200xi32, #tpu.memory_space<vmem>>, vector<16xi32>,
        %add3A_165 = vector.broadcast %min3A_3 : i32 to vector<16xi32>
        %add3A_166 = arith.addi %get3A_164, %add3A_165 : vector<16xi32>
        %mul3A_167 = arith.constant 64 : i32
        %mul3A_168 = arith.muli %while3A_46, %mul3A_167 : i32
        %add3A_169 = arith.constant 16 : i32
        %add3A_170 = arith.addi %mul3A_168, %add3A_169 : i32
        %get3A_171 = arith.index_cast %add3A_170 : i32 to index
        %get3A_172 = tpu.vector_load %arg9[%get3A_171] {strides = array<i32>} : memref<3200xi32, #tpu.memory_space<vmem>>, vector<16xi32>,
        %add3A_173 = vector.broadcast %min3A_3 : i32 to vector<16xi32>
        %add3A_174 = arith.addi %get3A_172, %add3A_173 : vector<16xi32>
        %mul3A_175 = arith.constant 64 : i32
        %mul3A_176 = arith.muli %while3A_46, %mul3A_175 : i32
        %add3A_177 = arith.constant 32 : i32
        %add3A_178 = arith.addi %mul3A_176, %add3A_177 : i32
        %get3A_179 = arith.index_cast %add3A_178 : i32 to index
        %get3A_180 = tpu.vector_load %arg9[%get3A_179] {strides = array<i32>} : memref<3200xi32, #tpu.memory_space<vmem>>, vector<16xi32>,
        %add3A_181 = vector.broadcast %min3A_3 : i32 to vector<16xi32>
        %add3A_182 = arith.addi %get3A_180, %add3A_181 : vector<16xi32>
        %mul3A_183 = arith.constant 64 : i32
        %mul3A_184 = arith.muli %while3A_46, %mul3A_183 : i32
        %add3A_185 = arith.constant 48 : i32
        %add3A_186 = arith.addi %mul3A_184, %add3A_185 : i32
        %get3A_187 = arith.index_cast %add3A_186 : i32 to index
        %get3A_188 = tpu.vector_load %arg9[%get3A_187] {strides = array<i32>} : memref<3200xi32, #tpu.memory_space<vmem>>, vector<16xi32>,
        %add3A_189 = vector.broadcast %min3A_3 : i32 to vector<16xi32>
        %add3A_190 = arith.addi %get3A_188, %add3A_189 : vector<16xi32>
        %dma_start3A = arith.constant 1 : i32
        %dma_start3A_191 = arith.constant 0 : i32
        %dma_start3A_192 = arith.constant 0 : i32
        %dma_start3A_193 = tpu.memref_slice %arg15[%dma_start3A, %dma_start3A_191, %dma_start3A_192] : memref<2x64x128xf32, #tpu.memory_space<vmem>> -> memref<1x16x128xf32, #tpu.memory_space<vmem>>
        %dma_start3A_194 = tpu.memref_squeeze %dma_start3A_193 : memref<1x16x128xf32, #tpu.memory_space<vmem>> -> memref<16x128xf32, #tpu.memory_space<vmem>>
        %dma_start3A_195 = arith.constant 0 : i32
        %dma_start3A_196 = arith.constant 0 : i32
        %dma_start3A_197 = tpu.memref_slice %arg2[%dma_start3A_195, %dma_start3A_196] : memref<100000x128xf32, #tpu.memory_space<hbm>> -> memref<100000x128xf32, #tpu.memory_space<hbm>>
        tpu.enqueue_indirect_dma source(%dma_start3A_194 : memref<16x128xf32, #tpu.memory_space<vmem>>) target(%dma_start3A_197 : memref<100000x128xf32, #tpu.memory_space<hbm>>) offsets(%add3A_166 : vector<16xi32>) semaphore(%arg19 : memref<!tpu.dma_semaphore, #tpu.memory_space<semaphore_mem>>)
        %dma_start3A_198 = arith.constant 1 : i32
        %dma_start3A_199 = arith.constant 16 : i32
        %dma_start3A_200 = arith.constant 0 : i32
        %dma_start3A_201 = tpu.memref_slice %arg15[%dma_start3A_198, %dma_start3A_199, %dma_start3A_200] : memref<2x64x128xf32, #tpu.memory_space<vmem>> -> memref<1x16x128xf32, #tpu.memory_space<vmem>>
        %dma_start3A_202 = tpu.memref_squeeze %dma_start3A_201 : memref<1x16x128xf32, #tpu.memory_space<vmem>> -> memref<16x128xf32, #tpu.memory_space<vmem>>
        %dma_start3A_203 = arith.constant 0 : i32
        %dma_start3A_204 = arith.constant 0 : i32
        %dma_start3A_205 = tpu.memref_slice %arg2[%dma_start3A_203, %dma_start3A_204] : memref<100000x128xf32, #tpu.memory_space<hbm>> -> memref<100000x128xf32, #tpu.memory_space<hbm>>
        tpu.enqueue_indirect_dma source(%dma_start3A_202 : memref<16x128xf32, #tpu.memory_space<vmem>>) target(%dma_start3A_205 : memref<100000x128xf32, #tpu.memory_space<hbm>>) offsets(%add3A_174 : vector<16xi32>) semaphore(%arg19 : memref<!tpu.dma_semaphore, #tpu.memory_space<semaphore_mem>>)
        %dma_start3A_206 = arith.constant 1 : i32
        %dma_start3A_207 = arith.constant 32 : i32
        %dma_start3A_208 = arith.constant 0 : i32
        %dma_start3A_209 = tpu.memref_slice %arg15[%dma_start3A_206, %dma_start3A_207, %dma_start3A_208] : memref<2x64x128xf32, #tpu.memory_space<vmem>> -> memref<1x16x128xf32, #tpu.memory_space<vmem>>
        %dma_start3A_210 = tpu.memref_squeeze %dma_start3A_209 : memref<1x16x128xf32, #tpu.memory_space<vmem>> -> memref<16x128xf32, #tpu.memory_space<vmem>>
        %dma_start3A_211 = arith.constant 0 : i32
        %dma_start3A_212 = arith.constant 0 : i32
        %dma_start3A_213 = tpu.memref_slice %arg2[%dma_start3A_211, %dma_start3A_212] : memref<100000x128xf32, #tpu.memory_space<hbm>> -> memref<100000x128xf32, #tpu.memory_space<hbm>>
        tpu.enqueue_indirect_dma source(%dma_start3A_210 : memref<16x128xf32, #tpu.memory_space<vmem>>) target(%dma_start3A_213 : memref<100000x128xf32, #tpu.memory_space<hbm>>) offsets(%add3A_182 : vector<16xi32>) semaphore(%arg19 : memref<!tpu.dma_semaphore, #tpu.memory_space<semaphore_mem>>)
        %dma_start3A_214 = arith.constant 1 : i32
        %dma_start3A_215 = arith.constant 48 : i32
        %dma_start3A_216 = arith.constant 0 : i32
        %dma_start3A_217 = tpu.memref_slice %arg15[%dma_start3A_214, %dma_start3A_215, %dma_start3A_216] : memref<2x64x128xf32, #tpu.memory_space<vmem>> -> memref<1x16x128xf32, #tpu.memory_space<vmem>>
        %dma_start3A_218 = tpu.memref_squeeze %dma_start3A_217 : memref<1x16x128xf32, #tpu.memory_space<vmem>> -> memref<16x128xf32, #tpu.memory_space<vmem>>
        %dma_start3A_219 = arith.constant 0 : i32
        %dma_start3A_220 = arith.constant 0 : i32
        %dma_start3A_221 = tpu.memref_slice %arg2[%dma_start3A_219, %dma_start3A_220] : memref<100000x128xf32, #tpu.memory_space<hbm>> -> memref<100000x128xf32, #tpu.memory_space<hbm>>
        tpu.enqueue_indirect_dma source(%dma_start3A_218 : memref<16x128xf32, #tpu.memory_space<vmem>>) target(%dma_start3A_221 : memref<100000x128xf32, #tpu.memory_space<hbm>>) offsets(%add3A_190 : vector<16xi32>) semaphore(%arg19 : memref<!tpu.dma_semaphore, #tpu.memory_space<semaphore_mem>>)
      } else {
      }
      %while3A_89 = arith.constant 0 : i32
      scf.yield %while3A_89 : i32
    }
    %while3A_36 = arith.constant 1 : i32
    %while3A_37 = scf.for %while3A_46 = %while3A_33 to %while3A_29 step %while3A_36 iter_args(%while3A_47 = %while3A_35) -> (i32)  : i32 {
      %jit3A_48 = arith.constant 2 : i32
      %eq3A_49 = arith.constant 0 : i32
      %eq3A_50 = arith.cmpi eq, %jit3A_48, %eq3A_49 : i32
      %jit3A_51 = arith.constant 1 : i32
      %select_n3A_52 = arith.select %eq3A_50, %jit3A_51, %jit3A_48 : i32
      %rem3A_53 = arith.remsi %while3A_46, %select_n3A_52 : i32
      %ne3A_54 = arith.constant 0 : i32
      %ne3A_55 = arith.cmpi ne, %rem3A_53, %ne3A_54 : i32
      %lt3A = arith.constant 0 : i32
      %lt3A_56 = arith.cmpi slt, %rem3A_53, %lt3A : i32
      %lt3A_57 = arith.constant 0 : i32
      %lt3A_58 = arith.cmpi slt, %select_n3A_52, %lt3A_57 : i32
      %ne3A_59 = arith.xori %lt3A_56, %lt3A_58 : i1
      %and3A_60 = arith.andi %ne3A_59, %ne3A_55 : i1
      %add3A_61 = arith.addi %rem3A_53, %select_n3A_52 : i32
      %select_n3A_62 = arith.select %and3A_60, %add3A_61, %rem3A_53 : i32
      %eq3A_63 = arith.constant 0 : i32
      %eq3A_64 = arith.cmpi eq, %select_n3A_62, %eq3A_63 : i32
      %convert_element_type3A_65 = arith.extui %eq3A_64 : i1 to i32
      %cond3A_66 = arith.constant 0 : i32
      %cond3A_67 = arith.cmpi ne, %convert_element_type3A_65, %cond3A_66 : i32
      scf.if %cond3A_67 {
        %add3A_90 = arith.constant 1 : i32
        %add3A_91 = arith.addi %while3A_46, %add3A_90 : i32
        %lt3A_92 = arith.cmpi slt, %add3A_91, %select_n3A : i32
        %convert_element_type3A_93 = arith.extui %lt3A_92 : i1 to i32
        %cond3A_94 = arith.constant 0 : i32
        %cond3A_95 = arith.cmpi ne, %convert_element_type3A_93, %cond3A_94 : i32
        scf.if %cond3A_95 {
          %add3A_222 = arith.constant 1 : i32
          %add3A_223 = arith.addi %while3A_46, %add3A_222 : i32
          %mul3A_224 = arith.constant 64 : i32
          %mul3A_225 = arith.muli %add3A_223, %mul3A_224 : i32
          %dma_start3A_226 = arith.constant 1 : i32
          %dma_start3A_227 = arith.constant 0 : i32
          %dma_start3A_228 = arith.constant 0 : i32
          %dma_start3A_229 = tpu.memref_slice %arg14[%dma_start3A_226, %dma_start3A_227, %dma_start3A_228] : memref<2x64x128xf32, #tpu.memory_space<vmem>> -> memref<1x64x128xf32, #tpu.memory_space<vmem>>
          %dma_start3A_230 = tpu.memref_squeeze %dma_start3A_229 : memref<1x64x128xf32, #tpu.memory_space<vmem>> -> memref<64x128xf32, #tpu.memory_space<vmem>>
          %dma_start3A_231 = tpu.memref_slice %arg10[%mul3A_225] : memref<3200xi32, #tpu.memory_space<vmem>> -> memref<64xi32, #tpu.memory_space<vmem>>
          %dma_start3A_232 = arith.constant 0 : i32
          %dma_start3A_233 = arith.constant 0 : i32
          %dma_start3A_234 = tpu.memref_slice %arg3[%dma_start3A_232, %dma_start3A_233] : memref<16384x128xf32, #tpu.memory_space<hbm>> -> memref<16384x128xf32, #tpu.memory_space<hbm>>
          tpu.enqueue_indirect_dma source(%dma_start3A_234 : memref<16384x128xf32, #tpu.memory_space<hbm>>) target(%dma_start3A_230 : memref<64x128xf32, #tpu.memory_space<vmem>>) offsets(%dma_start3A_231 : memref<64xi32, #tpu.memory_space<vmem>>) semaphore(%arg17 : memref<!tpu.dma_semaphore, #tpu.memory_space<semaphore_mem>>)
        } else {
        }
        %mul3A_96 = arith.constant 64 : i32
        %mul3A_97 = arith.muli %while3A_46, %mul3A_96 : i32
        %add3A_98 = arith.constant 0 : i32
        %add3A_99 = arith.addi %mul3A_97, %add3A_98 : i32
        %get3A_100 = arith.index_cast %add3A_99 : i32 to index
        %get3A_101 = tpu.vector_load %arg10[%get3A_100] {strides = array<i32>} : memref<3200xi32, #tpu.memory_space<vmem>>, vector<16xi32>,
        %gather3A = tpu.vector_load_idx %arg12[%get3A_101] : memref<16384xf32, #tpu.memory_space<vmem>>[vector<16xi32>], vector<16xf32>,
        %swap3A = arith.constant 0 : i32
        %swap3A_102 = arith.index_cast %swap3A : i32 to index
        %swap3A_103 = arith.constant 0 : index
        %swap3A_104 = tpu.vector_load %arg13[%swap3A_102, %swap3A_103] {strides = array<i32>} : memref<2x64xf32, #tpu.memory_space<vmem>>, vector<16xf32>,
        tpu.vector_store %arg13[%swap3A_102, %swap3A_103], %gather3A {strides = array<i32>} : memref<2x64xf32, #tpu.memory_space<vmem>>, vector<16xf32>,
        %mul3A_105 = arith.constant 64 : i32
        %mul3A_106 = arith.muli %while3A_46, %mul3A_105 : i32
        %add3A_107 = arith.constant 16 : i32
        %add3A_108 = arith.addi %mul3A_106, %add3A_107 : i32
        %get3A_109 = arith.index_cast %add3A_108 : i32 to index
        %get3A_110 = tpu.vector_load %arg10[%get3A_109] {strides = array<i32>} : memref<3200xi32, #tpu.memory_space<vmem>>, vector<16xi32>,
        %gather3A_111 = tpu.vector_load_idx %arg12[%get3A_110] : memref<16384xf32, #tpu.memory_space<vmem>>[vector<16xi32>], vector<16xf32>,
        %swap3A_112 = arith.constant 0 : i32
        %swap3A_113 = arith.index_cast %swap3A_112 : i32 to index
        %swap3A_114 = arith.constant 16 : index
        %swap3A_115 = tpu.vector_load %arg13[%swap3A_113, %swap3A_114] {strides = array<i32>} : memref<2x64xf32, #tpu.memory_space<vmem>>, vector<16xf32>,
        tpu.vector_store %arg13[%swap3A_113, %swap3A_114], %gather3A_111 {strides = array<i32>} : memref<2x64xf32, #tpu.memory_space<vmem>>, vector<16xf32>,
        %mul3A_116 = arith.constant 64 : i32
        %mul3A_117 = arith.muli %while3A_46, %mul3A_116 : i32
        %add3A_118 = arith.constant 32 : i32
        %add3A_119 = arith.addi %mul3A_117, %add3A_118 : i32
        %get3A_120 = arith.index_cast %add3A_119 : i32 to index
        %get3A_121 = tpu.vector_load %arg10[%get3A_120] {strides = array<i32>} : memref<3200xi32, #tpu.memory_space<vmem>>, vector<16xi32>,
        %gather3A_122 = tpu.vector_load_idx %arg12[%get3A_121] : memref<16384xf32, #tpu.memory_space<vmem>>[vector<16xi32>], vector<16xf32>,
        %swap3A_123 = arith.constant 0 : i32
        %swap3A_124 = arith.index_cast %swap3A_123 : i32 to index
        %swap3A_125 = arith.constant 32 : index
        %swap3A_126 = tpu.vector_load %arg13[%swap3A_124, %swap3A_125] {strides = array<i32>} : memref<2x64xf32, #tpu.memory_space<vmem>>, vector<16xf32>,
        tpu.vector_store %arg13[%swap3A_124, %swap3A_125], %gather3A_122 {strides = array<i32>} : memref<2x64xf32, #tpu.memory_space<vmem>>, vector<16xf32>,
        %mul3A_127 = arith.constant 64 : i32
        %mul3A_128 = arith.muli %while3A_46, %mul3A_127 : i32
        %add3A_129 = arith.constant 48 : i32
        %add3A_130 = arith.addi %mul3A_128, %add3A_129 : i32
        %get3A_131 = arith.index_cast %add3A_130 : i32 to index
        %get3A_132 = tpu.vector_load %arg10[%get3A_131] {strides = array<i32>} : memref<3200xi32, #tpu.memory_space<vmem>>, vector<16xi32>,
        %gather3A_133 = tpu.vector_load_idx %arg12[%get3A_132] : memref<16384xf32, #tpu.memory_space<vmem>>[vector<16xi32>], vector<16xf32>,
        %swap3A_134 = arith.constant 0 : i32
        %swap3A_135 = arith.index_cast %swap3A_134 : i32 to index
        %swap3A_136 = arith.constant 48 : index
        %swap3A_137 = tpu.vector_load %arg13[%swap3A_135, %swap3A_136] {strides = array<i32>} : memref<2x64xf32, #tpu.memory_space<vmem>>, vector<16xf32>,
        tpu.vector_store %arg13[%swap3A_135, %swap3A_136], %gather3A_133 {strides = array<i32>} : memref<2x64xf32, #tpu.memory_space<vmem>>, vector<16xf32>,
        %mul3A_138 = arith.constant 64 : i32
        %mul3A_139 = arith.muli %while3A_46, %mul3A_138 : i32
        %dma_wait3A = arith.constant 0 : i32
        %dma_wait3A_140 = arith.constant 0 : i32
        %dma_wait3A_141 = arith.constant 0 : i32
        %dma_wait3A_142 = tpu.memref_slice %arg14[%dma_wait3A, %dma_wait3A_140, %dma_wait3A_141] : memref<2x64x128xf32, #tpu.memory_space<vmem>> -> memref<1x64x128xf32, #tpu.memory_space<vmem>>
        %dma_wait3A_143 = tpu.memref_squeeze %dma_wait3A_142 : memref<1x64x128xf32, #tpu.memory_space<vmem>> -> memref<64x128xf32, #tpu.memory_space<vmem>>
        %dma_wait3A_144 = tpu.memref_slice %arg10[%mul3A_139] : memref<3200xi32, #tpu.memory_space<vmem>> -> memref<64xi32, #tpu.memory_space<vmem>>
        %dma_wait3A_145 = arith.constant 0 : i32
        %dma_wait3A_146 = arith.constant 0 : i32
        %dma_wait3A_147 = tpu.memref_slice %arg3[%dma_wait3A_145, %dma_wait3A_146] : memref<16384x128xf32, #tpu.memory_space<hbm>> -> memref<16384x128xf32, #tpu.memory_space<hbm>>
        tpu.wait_indirect_dma semaphore(%arg16 : memref<!tpu.dma_semaphore, #tpu.memory_space<semaphore_mem>>) src(%dma_wait3A_147 : memref<16384x128xf32, #tpu.memory_space<hbm>>) dst(%dma_wait3A_143 : memref<64x128xf32, #tpu.memory_space<vmem>>)
        %ge3A_148 = arith.constant 2 : i32
        %ge3A_149 = arith.cmpi sge, %while3A_46, %ge3A_148 : i32
        %convert_element_type3A_150 = arith.extui %ge3A_149 : i1 to i32
        %cond3A_151 = arith.constant 0 : i32
        %cond3A_152 = arith.cmpi ne, %convert_element_type3A_150, %cond3A_151 : i32
        scf.if %cond3A_152 {
          %sub3A_222 = arith.constant 2 : i32
          %sub3A_223 = arith.subi %while3A_46, %sub3A_222 : i32
          %mul3A_224 = arith.constant 64 : i32
          %mul3A_225 = arith.muli %sub3A_223, %mul3A_224 : i32
          %add3A_226 = arith.constant 0 : i32
          %add3A_227 = arith.addi %mul3A_225, %add3A_226 : i32
          %get3A_228 = arith.index_cast %add3A_227 : i32 to index
          %get3A_229 = tpu.vector_load %arg9[%get3A_228] {strides = array<i32>} : memref<3200xi32, #tpu.memory_space<vmem>>, vector<16xi32>,
          %add3A_230 = vector.broadcast %min3A_3 : i32 to vector<16xi32>
          %add3A_231 = arith.addi %get3A_229, %add3A_230 : vector<16xi32>
          %mul3A_232 = arith.constant 64 : i32
          %mul3A_233 = arith.muli %sub3A_223, %mul3A_232 : i32
          %add3A_234 = arith.constant 16 : i32
          %add3A_235 = arith.addi %mul3A_233, %add3A_234 : i32
          %get3A_236 = arith.index_cast %add3A_235 : i32 to index
          %get3A_237 = tpu.vector_load %arg9[%get3A_236] {strides = array<i32>} : memref<3200xi32, #tpu.memory_space<vmem>>, vector<16xi32>,
          %add3A_238 = vector.broadcast %min3A_3 : i32 to vector<16xi32>
          %add3A_239 = arith.addi %get3A_237, %add3A_238 : vector<16xi32>
          %mul3A_240 = arith.constant 64 : i32
          %mul3A_241 = arith.muli %sub3A_223, %mul3A_240 : i32
          %add3A_242 = arith.constant 32 : i32
          %add3A_243 = arith.addi %mul3A_241, %add3A_242 : i32
          %get3A_244 = arith.index_cast %add3A_243 : i32 to index
          %get3A_245 = tpu.vector_load %arg9[%get3A_244] {strides = array<i32>} : memref<3200xi32, #tpu.memory_space<vmem>>, vector<16xi32>,
          %add3A_246 = vector.broadcast %min3A_3 : i32 to vector<16xi32>
          %add3A_247 = arith.addi %get3A_245, %add3A_246 : vector<16xi32>
          %mul3A_248 = arith.constant 64 : i32
          %mul3A_249 = arith.muli %sub3A_223, %mul3A_248 : i32
          %add3A_250 = arith.constant 48 : i32
          %add3A_251 = arith.addi %mul3A_249, %add3A_250 : i32
          %get3A_252 = arith.index_cast %add3A_251 : i32 to index
          %get3A_253 = tpu.vector_load %arg9[%get3A_252] {strides = array<i32>} : memref<3200xi32, #tpu.memory_space<vmem>>, vector<16xi32>,
          %add3A_254 = vector.broadcast %min3A_3 : i32 to vector<16xi32>
          %add3A_255 = arith.addi %get3A_253, %add3A_254 : vector<16xi32>
          %dma_wait3A_256 = arith.constant 0 : i32
          %dma_wait3A_257 = arith.constant 0 : i32
          %dma_wait3A_258 = arith.constant 0 : i32
          %dma_wait3A_259 = tpu.memref_slice %arg15[%dma_wait3A_256, %dma_wait3A_257, %dma_wait3A_258] : memref<2x64x128xf32, #tpu.memory_space<vmem>> -> memref<1x16x128xf32, #tpu.memory_space<vmem>>
          %dma_wait3A_260 = tpu.memref_squeeze %dma_wait3A_259 : memref<1x16x128xf32, #tpu.memory_space<vmem>> -> memref<16x128xf32, #tpu.memory_space<vmem>>
          %dma_wait3A_261 = arith.constant 0 : i32
          %dma_wait3A_262 = arith.constant 0 : i32
          %dma_wait3A_263 = tpu.memref_slice %arg2[%dma_wait3A_261, %dma_wait3A_262] : memref<100000x128xf32, #tpu.memory_space<hbm>> -> memref<100000x128xf32, #tpu.memory_space<hbm>>
          tpu.wait_indirect_dma semaphore(%arg18 : memref<!tpu.dma_semaphore, #tpu.memory_space<semaphore_mem>>) src(%dma_wait3A_260 : memref<16x128xf32, #tpu.memory_space<vmem>>) dst(%dma_wait3A_263 : memref<100000x128xf32, #tpu.memory_space<hbm>>)
          %dma_wait3A_264 = arith.constant 0 : i32
          %dma_wait3A_265 = arith.constant 16 : i32
          %dma_wait3A_266 = arith.constant 0 : i32
          %dma_wait3A_267 = tpu.memref_slice %arg15[%dma_wait3A_264, %dma_wait3A_265, %dma_wait3A_266] : memref<2x64x128xf32, #tpu.memory_space<vmem>> -> memref<1x16x128xf32, #tpu.memory_space<vmem>>
          %dma_wait3A_268 = tpu.memref_squeeze %dma_wait3A_267 : memref<1x16x128xf32, #tpu.memory_space<vmem>> -> memref<16x128xf32, #tpu.memory_space<vmem>>
          %dma_wait3A_269 = arith.constant 0 : i32
          %dma_wait3A_270 = arith.constant 0 : i32
          %dma_wait3A_271 = tpu.memref_slice %arg2[%dma_wait3A_269, %dma_wait3A_270] : memref<100000x128xf32, #tpu.memory_space<hbm>> -> memref<100000x128xf32, #tpu.memory_space<hbm>>
          tpu.wait_indirect_dma semaphore(%arg18 : memref<!tpu.dma_semaphore, #tpu.memory_space<semaphore_mem>>) src(%dma_wait3A_268 : memref<16x128xf32, #tpu.memory_space<vmem>>) dst(%dma_wait3A_271 : memref<100000x128xf32, #tpu.memory_space<hbm>>)
          %dma_wait3A_272 = arith.constant 0 : i32
          %dma_wait3A_273 = arith.constant 32 : i32
          %dma_wait3A_274 = arith.constant 0 : i32
          %dma_wait3A_275 = tpu.memref_slice %arg15[%dma_wait3A_272, %dma_wait3A_273, %dma_wait3A_274] : memref<2x64x128xf32, #tpu.memory_space<vmem>> -> memref<1x16x128xf32, #tpu.memory_space<vmem>>
          %dma_wait3A_276 = tpu.memref_squeeze %dma_wait3A_275 : memref<1x16x128xf32, #tpu.memory_space<vmem>> -> memref<16x128xf32, #tpu.memory_space<vmem>>
          %dma_wait3A_277 = arith.constant 0 : i32
          %dma_wait3A_278 = arith.constant 0 : i32
          %dma_wait3A_279 = tpu.memref_slice %arg2[%dma_wait3A_277, %dma_wait3A_278] : memref<100000x128xf32, #tpu.memory_space<hbm>> -> memref<100000x128xf32, #tpu.memory_space<hbm>>
          tpu.wait_indirect_dma semaphore(%arg18 : memref<!tpu.dma_semaphore, #tpu.memory_space<semaphore_mem>>) src(%dma_wait3A_276 : memref<16x128xf32, #tpu.memory_space<vmem>>) dst(%dma_wait3A_279 : memref<100000x128xf32, #tpu.memory_space<hbm>>)
          %dma_wait3A_280 = arith.constant 0 : i32
          %dma_wait3A_281 = arith.constant 48 : i32
          %dma_wait3A_282 = arith.constant 0 : i32
          %dma_wait3A_283 = tpu.memref_slice %arg15[%dma_wait3A_280, %dma_wait3A_281, %dma_wait3A_282] : memref<2x64x128xf32, #tpu.memory_space<vmem>> -> memref<1x16x128xf32, #tpu.memory_space<vmem>>
          %dma_wait3A_284 = tpu.memref_squeeze %dma_wait3A_283 : memref<1x16x128xf32, #tpu.memory_space<vmem>> -> memref<16x128xf32, #tpu.memory_space<vmem>>
          %dma_wait3A_285 = arith.constant 0 : i32
          %dma_wait3A_286 = arith.constant 0 : i32
          %dma_wait3A_287 = tpu.memref_slice %arg2[%dma_wait3A_285, %dma_wait3A_286] : memref<100000x128xf32, #tpu.memory_space<hbm>> -> memref<100000x128xf32, #tpu.memory_space<hbm>>
          tpu.wait_indirect_dma semaphore(%arg18 : memref<!tpu.dma_semaphore, #tpu.memory_space<semaphore_mem>>) src(%dma_wait3A_284 : memref<16x128xf32, #tpu.memory_space<vmem>>) dst(%dma_wait3A_287 : memref<100000x128xf32, #tpu.memory_space<hbm>>)
        } else {
        }
        %scan3A = arith.constant 0 : i32
        %scan3A_153 = arith.constant 0 : i32
        %scan3A_154 = arith.constant 64 : i32
        %scan3A_155 = arith.addi %scan3A_153, %scan3A_154 : i32
        %scan3A_156 = arith.constant 1 : i32
        %scan3A_157 = scf.for %scan3A_222 = %scan3A_153 to %scan3A_155 step %scan3A_156 iter_args(%scan3A_223 = %scan3A) -> (i32)  : i32 {
          %rem3A_224 = arith.constant 16 : i32
          %rem3A_225 = arith.remsi %scan3A_222, %rem3A_224 : i32
          %sub3A_226 = arith.subi %scan3A_222, %rem3A_225 : i32
          %get3A_227 = arith.constant 0 : i32
          %get3A_228 = arith.index_cast %get3A_227 : i32 to index
          %get3A_229 = arith.index_cast %sub3A_226 : i32 to index
          %get3A_230 = tpu.vector_load %arg13[%get3A_228, %get3A_229] {strides = array<i32>} : memref<2x64xf32, #tpu.memory_space<vmem>>, vector<16xf32>,
          %broadcast_in_dim3A = vector.broadcast %rem3A_225 : i32 to vector<16xi32>
          %broadcast_in_dim3A_231 = vector.shape_cast %broadcast_in_dim3A : vector<16xi32> to vector<16x1xi32>
          %gather3A_232 = vector.shape_cast %broadcast_in_dim3A_231 : vector<16x1xi32> to vector<16xi32>
          %gather3A_233 = tpu.dynamic_gather %get3A_230[%gather3A_232] in [0] : vector<16xf32>, vector<16xi32> -> vector<16xf32>
          %div3A_234 = arith.constant 1.000000e+00 : f32
          %div3A_235 = vector.broadcast %div3A_234 : f32 to vector<16xf32>
          %div3A_236 = arith.divf %div3A_235, %gather3A_233 : vector<16xf32>
          %get3A_237 = arith.constant 0 : i32
          %get3A_238 = arith.index_cast %get3A_237 : i32 to index
          %get3A_239 = arith.index_cast %scan3A_222 : i32 to index
          %get3A_240 = arith.constant 0 : index
          %get3A_241 = tpu.vector_load %arg14[%get3A_238, %get3A_239, %get3A_240] {strides = array<i32>} : memref<2x64x128xf32, #tpu.memory_space<vmem>>, vector<16xf32>,
          %mul3A_242 = arith.mulf %get3A_241, %div3A_236 : vector<16xf32>
          %swap3A_243 = arith.constant 0 : i32
          %swap3A_244 = arith.index_cast %swap3A_243 : i32 to index
          %swap3A_245 = arith.index_cast %scan3A_222 : i32 to index
          %swap3A_246 = arith.constant 0 : index
          %swap3A_247 = tpu.vector_load %arg15[%swap3A_244, %swap3A_245, %swap3A_246] {strides = array<i32>} : memref<2x64x128xf32, #tpu.memory_space<vmem>>, vector<16xf32>,
          tpu.vector_store %arg15[%swap3A_244, %swap3A_245, %swap3A_246], %mul3A_242 {strides = array<i32>} : memref<2x64x128xf32, #tpu.memory_space<vmem>>, vector<16xf32>,
          %get3A_248 = arith.constant 0 : i32
          %get3A_249 = arith.index_cast %get3A_248 : i32 to index
          %get3A_250 = arith.index_cast %scan3A_222 : i32 to index
          %get3A_251 = arith.constant 16 : index
          %get3A_252 = tpu.vector_load %arg14[%get3A_249, %get3A_250, %get3A_251] {strides = array<i32>} : memref<2x64x128xf32, #tpu.memory_space<vmem>>, vector<16xf32>,
          %mul3A_253 = arith.mulf %get3A_252, %div3A_236 : vector<16xf32>
          %swap3A_254 = arith.constant 0 : i32
          %swap3A_255 = arith.index_cast %swap3A_254 : i32 to index
          %swap3A_256 = arith.index_cast %scan3A_222 : i32 to index
          %swap3A_257 = arith.constant 16 : index
          %swap3A_258 = tpu.vector_load %arg15[%swap3A_255, %swap3A_256, %swap3A_257] {strides = array<i32>} : memref<2x64x128xf32, #tpu.memory_space<vmem>>, vector<16xf32>,
          tpu.vector_store %arg15[%swap3A_255, %swap3A_256, %swap3A_257], %mul3A_253 {strides = array<i32>} : memref<2x64x128xf32, #tpu.memory_space<vmem>>, vector<16xf32>,
          %get3A_259 = arith.constant 0 : i32
          %get3A_260 = arith.index_cast %get3A_259 : i32 to index
          %get3A_261 = arith.index_cast %scan3A_222 : i32 to index
          %get3A_262 = arith.constant 32 : index
          %get3A_263 = tpu.vector_load %arg14[%get3A_260, %get3A_261, %get3A_262] {strides = array<i32>} : memref<2x64x128xf32, #tpu.memory_space<vmem>>, vector<16xf32>,
          %mul3A_264 = arith.mulf %get3A_263, %div3A_236 : vector<16xf32>
          %swap3A_265 = arith.constant 0 : i32
          %swap3A_266 = arith.index_cast %swap3A_265 : i32 to index
          %swap3A_267 = arith.index_cast %scan3A_222 : i32 to index
          %swap3A_268 = arith.constant 32 : index
          %swap3A_269 = tpu.vector_load %arg15[%swap3A_266, %swap3A_267, %swap3A_268] {strides = array<i32>} : memref<2x64x128xf32, #tpu.memory_space<vmem>>, vector<16xf32>,
          tpu.vector_store %arg15[%swap3A_266, %swap3A_267, %swap3A_268], %mul3A_264 {strides = array<i32>} : memref<2x64x128xf32, #tpu.memory_space<vmem>>, vector<16xf32>,
          %get3A_270 = arith.constant 0 : i32
          %get3A_271 = arith.index_cast %get3A_270 : i32 to index
          %get3A_272 = arith.index_cast %scan3A_222 : i32 to index
          %get3A_273 = arith.constant 48 : index
          %get3A_274 = tpu.vector_load %arg14[%get3A_271, %get3A_272, %get3A_273] {strides = array<i32>} : memref<2x64x128xf32, #tpu.memory_space<vmem>>, vector<16xf32>,
          %mul3A_275 = arith.mulf %get3A_274, %div3A_236 : vector<16xf32>
          %swap3A_276 = arith.constant 0 : i32
          %swap3A_277 = arith.index_cast %swap3A_276 : i32 to index
          %swap3A_278 = arith.index_cast %scan3A_222 : i32 to index
          %swap3A_279 = arith.constant 48 : index
          %swap3A_280 = tpu.vector_load %arg15[%swap3A_277, %swap3A_278, %swap3A_279] {strides = array<i32>} : memref<2x64x128xf32, #tpu.memory_space<vmem>>, vector<16xf32>,
          tpu.vector_store %arg15[%swap3A_277, %swap3A_278, %swap3A_279], %mul3A_275 {strides = array<i32>} : memref<2x64x128xf32, #tpu.memory_space<vmem>>, vector<16xf32>,
          %get3A_281 = arith.constant 0 : i32
          %get3A_282 = arith.index_cast %get3A_281 : i32 to index
          %get3A_283 = arith.index_cast %scan3A_222 : i32 to index
          %get3A_284 = arith.constant 64 : index
          %get3A_285 = tpu.vector_load %arg14[%get3A_282, %get3A_283, %get3A_284] {strides = array<i32>} : memref<2x64x128xf32, #tpu.memory_space<vmem>>, vector<16xf32>,
          %mul3A_286 = arith.mulf %get3A_285, %div3A_236 : vector<16xf32>
          %swap3A_287 = arith.constant 0 : i32
          %swap3A_288 = arith.index_cast %swap3A_287 : i32 to index
          %swap3A_289 = arith.index_cast %scan3A_222 : i32 to index
          %swap3A_290 = arith.constant 64 : index
          %swap3A_291 = tpu.vector_load %arg15[%swap3A_288, %swap3A_289, %swap3A_290] {strides = array<i32>} : memref<2x64x128xf32, #tpu.memory_space<vmem>>, vector<16xf32>,
          tpu.vector_store %arg15[%swap3A_288, %swap3A_289, %swap3A_290], %mul3A_286 {strides = array<i32>} : memref<2x64x128xf32, #tpu.memory_space<vmem>>, vector<16xf32>,
          %get3A_292 = arith.constant 0 : i32
          %get3A_293 = arith.index_cast %get3A_292 : i32 to index
          %get3A_294 = arith.index_cast %scan3A_222 : i32 to index
          %get3A_295 = arith.constant 80 : index
          %get3A_296 = tpu.vector_load %arg14[%get3A_293, %get3A_294, %get3A_295] {strides = array<i32>} : memref<2x64x128xf32, #tpu.memory_space<vmem>>, vector<16xf32>,
          %mul3A_297 = arith.mulf %get3A_296, %div3A_236 : vector<16xf32>
          %swap3A_298 = arith.constant 0 : i32
          %swap3A_299 = arith.index_cast %swap3A_298 : i32 to index
          %swap3A_300 = arith.index_cast %scan3A_222 : i32 to index
          %swap3A_301 = arith.constant 80 : index
          %swap3A_302 = tpu.vector_load %arg15[%swap3A_299, %swap3A_300, %swap3A_301] {strides = array<i32>} : memref<2x64x128xf32, #tpu.memory_space<vmem>>, vector<16xf32>,
          tpu.vector_store %arg15[%swap3A_299, %swap3A_300, %swap3A_301], %mul3A_297 {strides = array<i32>} : memref<2x64x128xf32, #tpu.memory_space<vmem>>, vector<16xf32>,
          %get3A_303 = arith.constant 0 : i32
          %get3A_304 = arith.index_cast %get3A_303 : i32 to index
          %get3A_305 = arith.index_cast %scan3A_222 : i32 to index
          %get3A_306 = arith.constant 96 : index
          %get3A_307 = tpu.vector_load %arg14[%get3A_304, %get3A_305, %get3A_306] {strides = array<i32>} : memref<2x64x128xf32, #tpu.memory_space<vmem>>, vector<16xf32>,
          %mul3A_308 = arith.mulf %get3A_307, %div3A_236 : vector<16xf32>
          %swap3A_309 = arith.constant 0 : i32
          %swap3A_310 = arith.index_cast %swap3A_309 : i32 to index
          %swap3A_311 = arith.index_cast %scan3A_222 : i32 to index
          %swap3A_312 = arith.constant 96 : index
          %swap3A_313 = tpu.vector_load %arg15[%swap3A_310, %swap3A_311, %swap3A_312] {strides = array<i32>} : memref<2x64x128xf32, #tpu.memory_space<vmem>>, vector<16xf32>,
          tpu.vector_store %arg15[%swap3A_310, %swap3A_311, %swap3A_312], %mul3A_308 {strides = array<i32>} : memref<2x64x128xf32, #tpu.memory_space<vmem>>, vector<16xf32>,
          %get3A_314 = arith.constant 0 : i32
          %get3A_315 = arith.index_cast %get3A_314 : i32 to index
          %get3A_316 = arith.index_cast %scan3A_222 : i32 to index
          %get3A_317 = arith.constant 112 : index
          %get3A_318 = tpu.vector_load %arg14[%get3A_315, %get3A_316, %get3A_317] {strides = array<i32>} : memref<2x64x128xf32, #tpu.memory_space<vmem>>, vector<16xf32>,
          %mul3A_319 = arith.mulf %get3A_318, %div3A_236 : vector<16xf32>
          %swap3A_320 = arith.constant 0 : i32
          %swap3A_321 = arith.index_cast %swap3A_320 : i32 to index
          %swap3A_322 = arith.index_cast %scan3A_222 : i32 to index
          %swap3A_323 = arith.constant 112 : index
          %swap3A_324 = tpu.vector_load %arg15[%swap3A_321, %swap3A_322, %swap3A_323] {strides = array<i32>} : memref<2x64x128xf32, #tpu.memory_space<vmem>>, vector<16xf32>,
          tpu.vector_store %arg15[%swap3A_321, %swap3A_322, %swap3A_323], %mul3A_319 {strides = array<i32>} : memref<2x64x128xf32, #tpu.memory_space<vmem>>, vector<16xf32>,
          %scan3A_325 = arith.constant 0 : i32
          scf.yield %scan3A_325 : i32
        }
        %scan3A_158 = arith.constant 64 : i32
        %mul3A_159 = arith.constant 64 : i32
        %mul3A_160 = arith.muli %while3A_46, %mul3A_159 : i32
        %add3A_161 = arith.constant 0 : i32
        %add3A_162 = arith.addi %mul3A_160, %add3A_161 : i32
        %get3A_163 = arith.index_cast %add3A_162 : i32 to index
        %get3A_164 = tpu.vector_load %arg9[%get3A_163] {strides = array<i32>} : memref<3200xi32, #tpu.memory_space<vmem>>, vector<16xi32>,
        %add3A_165 = vector.broadcast %min3A_3 : i32 to vector<16xi32>
        %add3A_166 = arith.addi %get3A_164, %add3A_165 : vector<16xi32>
        %mul3A_167 = arith.constant 64 : i32
        %mul3A_168 = arith.muli %while3A_46, %mul3A_167 : i32
        %add3A_169 = arith.constant 16 : i32
        %add3A_170 = arith.addi %mul3A_168, %add3A_169 : i32
        %get3A_171 = arith.index_cast %add3A_170 : i32 to index
        %get3A_172 = tpu.vector_load %arg9[%get3A_171] {strides = array<i32>} : memref<3200xi32, #tpu.memory_space<vmem>>, vector<16xi32>,
        %add3A_173 = vector.broadcast %min3A_3 : i32 to vector<16xi32>
        %add3A_174 = arith.addi %get3A_172, %add3A_173 : vector<16xi32>
        %mul3A_175 = arith.constant 64 : i32
        %mul3A_176 = arith.muli %while3A_46, %mul3A_175 : i32
        %add3A_177 = arith.constant 32 : i32
        %add3A_178 = arith.addi %mul3A_176, %add3A_177 : i32
        %get3A_179 = arith.index_cast %add3A_178 : i32 to index
        %get3A_180 = tpu.vector_load %arg9[%get3A_179] {strides = array<i32>} : memref<3200xi32, #tpu.memory_space<vmem>>, vector<16xi32>,
        %add3A_181 = vector.broadcast %min3A_3 : i32 to vector<16xi32>
        %add3A_182 = arith.addi %get3A_180, %add3A_181 : vector<16xi32>
        %mul3A_183 = arith.constant 64 : i32
        %mul3A_184 = arith.muli %while3A_46, %mul3A_183 : i32
        %add3A_185 = arith.constant 48 : i32
        %add3A_186 = arith.addi %mul3A_184, %add3A_185 : i32
        %get3A_187 = arith.index_cast %add3A_186 : i32 to index
        %get3A_188 = tpu.vector_load %arg9[%get3A_187] {strides = array<i32>} : memref<3200xi32, #tpu.memory_space<vmem>>, vector<16xi32>,
        %add3A_189 = vector.broadcast %min3A_3 : i32 to vector<16xi32>
        %add3A_190 = arith.addi %get3A_188, %add3A_189 : vector<16xi32>
        %dma_start3A = arith.constant 0 : i32
        %dma_start3A_191 = arith.constant 0 : i32
        %dma_start3A_192 = arith.constant 0 : i32
        %dma_start3A_193 = tpu.memref_slice %arg15[%dma_start3A, %dma_start3A_191, %dma_start3A_192] : memref<2x64x128xf32, #tpu.memory_space<vmem>> -> memref<1x16x128xf32, #tpu.memory_space<vmem>>
        %dma_start3A_194 = tpu.memref_squeeze %dma_start3A_193 : memref<1x16x128xf32, #tpu.memory_space<vmem>> -> memref<16x128xf32, #tpu.memory_space<vmem>>
        %dma_start3A_195 = arith.constant 0 : i32
        %dma_start3A_196 = arith.constant 0 : i32
        %dma_start3A_197 = tpu.memref_slice %arg2[%dma_start3A_195, %dma_start3A_196] : memref<100000x128xf32, #tpu.memory_space<hbm>> -> memref<100000x128xf32, #tpu.memory_space<hbm>>
        tpu.enqueue_indirect_dma source(%dma_start3A_194 : memref<16x128xf32, #tpu.memory_space<vmem>>) target(%dma_start3A_197 : memref<100000x128xf32, #tpu.memory_space<hbm>>) offsets(%add3A_166 : vector<16xi32>) semaphore(%arg18 : memref<!tpu.dma_semaphore, #tpu.memory_space<semaphore_mem>>)
        %dma_start3A_198 = arith.constant 0 : i32
        %dma_start3A_199 = arith.constant 16 : i32
        %dma_start3A_200 = arith.constant 0 : i32
        %dma_start3A_201 = tpu.memref_slice %arg15[%dma_start3A_198, %dma_start3A_199, %dma_start3A_200] : memref<2x64x128xf32, #tpu.memory_space<vmem>> -> memref<1x16x128xf32, #tpu.memory_space<vmem>>
        %dma_start3A_202 = tpu.memref_squeeze %dma_start3A_201 : memref<1x16x128xf32, #tpu.memory_space<vmem>> -> memref<16x128xf32, #tpu.memory_space<vmem>>
        %dma_start3A_203 = arith.constant 0 : i32
        %dma_start3A_204 = arith.constant 0 : i32
        %dma_start3A_205 = tpu.memref_slice %arg2[%dma_start3A_203, %dma_start3A_204] : memref<100000x128xf32, #tpu.memory_space<hbm>> -> memref<100000x128xf32, #tpu.memory_space<hbm>>
        tpu.enqueue_indirect_dma source(%dma_start3A_202 : memref<16x128xf32, #tpu.memory_space<vmem>>) target(%dma_start3A_205 : memref<100000x128xf32, #tpu.memory_space<hbm>>) offsets(%add3A_174 : vector<16xi32>) semaphore(%arg18 : memref<!tpu.dma_semaphore, #tpu.memory_space<semaphore_mem>>)
        %dma_start3A_206 = arith.constant 0 : i32
        %dma_start3A_207 = arith.constant 32 : i32
        %dma_start3A_208 = arith.constant 0 : i32
        %dma_start3A_209 = tpu.memref_slice %arg15[%dma_start3A_206, %dma_start3A_207, %dma_start3A_208] : memref<2x64x128xf32, #tpu.memory_space<vmem>> -> memref<1x16x128xf32, #tpu.memory_space<vmem>>
        %dma_start3A_210 = tpu.memref_squeeze %dma_start3A_209 : memref<1x16x128xf32, #tpu.memory_space<vmem>> -> memref<16x128xf32, #tpu.memory_space<vmem>>
        %dma_start3A_211 = arith.constant 0 : i32
        %dma_start3A_212 = arith.constant 0 : i32
        %dma_start3A_213 = tpu.memref_slice %arg2[%dma_start3A_211, %dma_start3A_212] : memref<100000x128xf32, #tpu.memory_space<hbm>> -> memref<100000x128xf32, #tpu.memory_space<hbm>>
        tpu.enqueue_indirect_dma source(%dma_start3A_210 : memref<16x128xf32, #tpu.memory_space<vmem>>) target(%dma_start3A_213 : memref<100000x128xf32, #tpu.memory_space<hbm>>) offsets(%add3A_182 : vector<16xi32>) semaphore(%arg18 : memref<!tpu.dma_semaphore, #tpu.memory_space<semaphore_mem>>)
        %dma_start3A_214 = arith.constant 0 : i32
        %dma_start3A_215 = arith.constant 48 : i32
        %dma_start3A_216 = arith.constant 0 : i32
        %dma_start3A_217 = tpu.memref_slice %arg15[%dma_start3A_214, %dma_start3A_215, %dma_start3A_216] : memref<2x64x128xf32, #tpu.memory_space<vmem>> -> memref<1x16x128xf32, #tpu.memory_space<vmem>>
        %dma_start3A_218 = tpu.memref_squeeze %dma_start3A_217 : memref<1x16x128xf32, #tpu.memory_space<vmem>> -> memref<16x128xf32, #tpu.memory_space<vmem>>
        %dma_start3A_219 = arith.constant 0 : i32
        %dma_start3A_220 = arith.constant 0 : i32
        %dma_start3A_221 = tpu.memref_slice %arg2[%dma_start3A_219, %dma_start3A_220] : memref<100000x128xf32, #tpu.memory_space<hbm>> -> memref<100000x128xf32, #tpu.memory_space<hbm>>
        tpu.enqueue_indirect_dma source(%dma_start3A_218 : memref<16x128xf32, #tpu.memory_space<vmem>>) target(%dma_start3A_221 : memref<100000x128xf32, #tpu.memory_space<hbm>>) offsets(%add3A_190 : vector<16xi32>) semaphore(%arg18 : memref<!tpu.dma_semaphore, #tpu.memory_space<semaphore_mem>>)
      } else {
      }
      %jit3A_68 = arith.constant 2 : i32
      %eq3A_69 = arith.constant 0 : i32
      %eq3A_70 = arith.cmpi eq, %jit3A_68, %eq3A_69 : i32
      %jit3A_71 = arith.constant 1 : i32
      %select_n3A_72 = arith.select %eq3A_70, %jit3A_71, %jit3A_68 : i32
      %rem3A_73 = arith.remsi %while3A_46, %select_n3A_72 : i32
      %ne3A_74 = arith.constant 0 : i32
      %ne3A_75 = arith.cmpi ne, %rem3A_73, %ne3A_74 : i32
      %lt3A_76 = arith.constant 0 : i32
      %lt3A_77 = arith.cmpi slt, %rem3A_73, %lt3A_76 : i32
      %lt3A_78 = arith.constant 0 : i32
      %lt3A_79 = arith.cmpi slt, %select_n3A_72, %lt3A_78 : i32
      %ne3A_80 = arith.xori %lt3A_77, %lt3A_79 : i1
      %and3A_81 = arith.andi %ne3A_80, %ne3A_75 : i1
      %add3A_82 = arith.addi %rem3A_73, %select_n3A_72 : i32
      %select_n3A_83 = arith.select %and3A_81, %add3A_82, %rem3A_73 : i32
      %eq3A_84 = arith.constant 1 : i32
      %eq3A_85 = arith.cmpi eq, %select_n3A_83, %eq3A_84 : i32
      %convert_element_type3A_86 = arith.extui %eq3A_85 : i1 to i32
      %cond3A_87 = arith.constant 0 : i32
      %cond3A_88 = arith.cmpi ne, %convert_element_type3A_86, %cond3A_87 : i32
      scf.if %cond3A_88 {
        %add3A_90 = arith.constant 1 : i32
        %add3A_91 = arith.addi %while3A_46, %add3A_90 : i32
        %lt3A_92 = arith.cmpi slt, %add3A_91, %select_n3A : i32
        %convert_element_type3A_93 = arith.extui %lt3A_92 : i1 to i32
        %cond3A_94 = arith.constant 0 : i32
        %cond3A_95 = arith.cmpi ne, %convert_element_type3A_93, %cond3A_94 : i32
        scf.if %cond3A_95 {
          %add3A_222 = arith.constant 1 : i32
          %add3A_223 = arith.addi %while3A_46, %add3A_222 : i32
          %mul3A_224 = arith.constant 64 : i32
          %mul3A_225 = arith.muli %add3A_223, %mul3A_224 : i32
          %dma_start3A_226 = arith.constant 0 : i32
          %dma_start3A_227 = arith.constant 0 : i32
          %dma_start3A_228 = arith.constant 0 : i32
          %dma_start3A_229 = tpu.memref_slice %arg14[%dma_start3A_226, %dma_start3A_227, %dma_start3A_228] : memref<2x64x128xf32, #tpu.memory_space<vmem>> -> memref<1x64x128xf32, #tpu.memory_space<vmem>>
          %dma_start3A_230 = tpu.memref_squeeze %dma_start3A_229 : memref<1x64x128xf32, #tpu.memory_space<vmem>> -> memref<64x128xf32, #tpu.memory_space<vmem>>
          %dma_start3A_231 = tpu.memref_slice %arg10[%mul3A_225] : memref<3200xi32, #tpu.memory_space<vmem>> -> memref<64xi32, #tpu.memory_space<vmem>>
          %dma_start3A_232 = arith.constant 0 : i32
          %dma_start3A_233 = arith.constant 0 : i32
          %dma_start3A_234 = tpu.memref_slice %arg3[%dma_start3A_232, %dma_start3A_233] : memref<16384x128xf32, #tpu.memory_space<hbm>> -> memref<16384x128xf32, #tpu.memory_space<hbm>>
          tpu.enqueue_indirect_dma source(%dma_start3A_234 : memref<16384x128xf32, #tpu.memory_space<hbm>>) target(%dma_start3A_230 : memref<64x128xf32, #tpu.memory_space<vmem>>) offsets(%dma_start3A_231 : memref<64xi32, #tpu.memory_space<vmem>>) semaphore(%arg16 : memref<!tpu.dma_semaphore, #tpu.memory_space<semaphore_mem>>)
        } else {
        }
        %mul3A_96 = arith.constant 64 : i32
        %mul3A_97 = arith.muli %while3A_46, %mul3A_96 : i32
        %add3A_98 = arith.constant 0 : i32
        %add3A_99 = arith.addi %mul3A_97, %add3A_98 : i32
        %get3A_100 = arith.index_cast %add3A_99 : i32 to index
        %get3A_101 = tpu.vector_load %arg10[%get3A_100] {strides = array<i32>} : memref<3200xi32, #tpu.memory_space<vmem>>, vector<16xi32>,
        %gather3A = tpu.vector_load_idx %arg12[%get3A_101] : memref<16384xf32, #tpu.memory_space<vmem>>[vector<16xi32>], vector<16xf32>,
        %swap3A = arith.constant 1 : i32
        %swap3A_102 = arith.index_cast %swap3A : i32 to index
        %swap3A_103 = arith.constant 0 : index
        %swap3A_104 = tpu.vector_load %arg13[%swap3A_102, %swap3A_103] {strides = array<i32>} : memref<2x64xf32, #tpu.memory_space<vmem>>, vector<16xf32>,
        tpu.vector_store %arg13[%swap3A_102, %swap3A_103], %gather3A {strides = array<i32>} : memref<2x64xf32, #tpu.memory_space<vmem>>, vector<16xf32>,
        %mul3A_105 = arith.constant 64 : i32
        %mul3A_106 = arith.muli %while3A_46, %mul3A_105 : i32
        %add3A_107 = arith.constant 16 : i32
        %add3A_108 = arith.addi %mul3A_106, %add3A_107 : i32
        %get3A_109 = arith.index_cast %add3A_108 : i32 to index
        %get3A_110 = tpu.vector_load %arg10[%get3A_109] {strides = array<i32>} : memref<3200xi32, #tpu.memory_space<vmem>>, vector<16xi32>,
        %gather3A_111 = tpu.vector_load_idx %arg12[%get3A_110] : memref<16384xf32, #tpu.memory_space<vmem>>[vector<16xi32>], vector<16xf32>,
        %swap3A_112 = arith.constant 1 : i32
        %swap3A_113 = arith.index_cast %swap3A_112 : i32 to index
        %swap3A_114 = arith.constant 16 : index
        %swap3A_115 = tpu.vector_load %arg13[%swap3A_113, %swap3A_114] {strides = array<i32>} : memref<2x64xf32, #tpu.memory_space<vmem>>, vector<16xf32>,
        tpu.vector_store %arg13[%swap3A_113, %swap3A_114], %gather3A_111 {strides = array<i32>} : memref<2x64xf32, #tpu.memory_space<vmem>>, vector<16xf32>,
        %mul3A_116 = arith.constant 64 : i32
        %mul3A_117 = arith.muli %while3A_46, %mul3A_116 : i32
        %add3A_118 = arith.constant 32 : i32
        %add3A_119 = arith.addi %mul3A_117, %add3A_118 : i32
        %get3A_120 = arith.index_cast %add3A_119 : i32 to index
        %get3A_121 = tpu.vector_load %arg10[%get3A_120] {strides = array<i32>} : memref<3200xi32, #tpu.memory_space<vmem>>, vector<16xi32>,
        %gather3A_122 = tpu.vector_load_idx %arg12[%get3A_121] : memref<16384xf32, #tpu.memory_space<vmem>>[vector<16xi32>], vector<16xf32>,
        %swap3A_123 = arith.constant 1 : i32
        %swap3A_124 = arith.index_cast %swap3A_123 : i32 to index
        %swap3A_125 = arith.constant 32 : index
        %swap3A_126 = tpu.vector_load %arg13[%swap3A_124, %swap3A_125] {strides = array<i32>} : memref<2x64xf32, #tpu.memory_space<vmem>>, vector<16xf32>,
        tpu.vector_store %arg13[%swap3A_124, %swap3A_125], %gather3A_122 {strides = array<i32>} : memref<2x64xf32, #tpu.memory_space<vmem>>, vector<16xf32>,
        %mul3A_127 = arith.constant 64 : i32
        %mul3A_128 = arith.muli %while3A_46, %mul3A_127 : i32
        %add3A_129 = arith.constant 48 : i32
        %add3A_130 = arith.addi %mul3A_128, %add3A_129 : i32
        %get3A_131 = arith.index_cast %add3A_130 : i32 to index
        %get3A_132 = tpu.vector_load %arg10[%get3A_131] {strides = array<i32>} : memref<3200xi32, #tpu.memory_space<vmem>>, vector<16xi32>,
        %gather3A_133 = tpu.vector_load_idx %arg12[%get3A_132] : memref<16384xf32, #tpu.memory_space<vmem>>[vector<16xi32>], vector<16xf32>,
        %swap3A_134 = arith.constant 1 : i32
        %swap3A_135 = arith.index_cast %swap3A_134 : i32 to index
        %swap3A_136 = arith.constant 48 : index
        %swap3A_137 = tpu.vector_load %arg13[%swap3A_135, %swap3A_136] {strides = array<i32>} : memref<2x64xf32, #tpu.memory_space<vmem>>, vector<16xf32>,
        tpu.vector_store %arg13[%swap3A_135, %swap3A_136], %gather3A_133 {strides = array<i32>} : memref<2x64xf32, #tpu.memory_space<vmem>>, vector<16xf32>,
        %mul3A_138 = arith.constant 64 : i32
        %mul3A_139 = arith.muli %while3A_46, %mul3A_138 : i32
        %dma_wait3A = arith.constant 1 : i32
        %dma_wait3A_140 = arith.constant 0 : i32
        %dma_wait3A_141 = arith.constant 0 : i32
        %dma_wait3A_142 = tpu.memref_slice %arg14[%dma_wait3A, %dma_wait3A_140, %dma_wait3A_141] : memref<2x64x128xf32, #tpu.memory_space<vmem>> -> memref<1x64x128xf32, #tpu.memory_space<vmem>>
        %dma_wait3A_143 = tpu.memref_squeeze %dma_wait3A_142 : memref<1x64x128xf32, #tpu.memory_space<vmem>> -> memref<64x128xf32, #tpu.memory_space<vmem>>
        %dma_wait3A_144 = tpu.memref_slice %arg10[%mul3A_139] : memref<3200xi32, #tpu.memory_space<vmem>> -> memref<64xi32, #tpu.memory_space<vmem>>
        %dma_wait3A_145 = arith.constant 0 : i32
        %dma_wait3A_146 = arith.constant 0 : i32
        %dma_wait3A_147 = tpu.memref_slice %arg3[%dma_wait3A_145, %dma_wait3A_146] : memref<16384x128xf32, #tpu.memory_space<hbm>> -> memref<16384x128xf32, #tpu.memory_space<hbm>>
        tpu.wait_indirect_dma semaphore(%arg17 : memref<!tpu.dma_semaphore, #tpu.memory_space<semaphore_mem>>) src(%dma_wait3A_147 : memref<16384x128xf32, #tpu.memory_space<hbm>>) dst(%dma_wait3A_143 : memref<64x128xf32, #tpu.memory_space<vmem>>)
        %ge3A_148 = arith.constant 2 : i32
        %ge3A_149 = arith.cmpi sge, %while3A_46, %ge3A_148 : i32
        %convert_element_type3A_150 = arith.extui %ge3A_149 : i1 to i32
        %cond3A_151 = arith.constant 0 : i32
        %cond3A_152 = arith.cmpi ne, %convert_element_type3A_150, %cond3A_151 : i32
        scf.if %cond3A_152 {
          %sub3A_222 = arith.constant 2 : i32
          %sub3A_223 = arith.subi %while3A_46, %sub3A_222 : i32
          %mul3A_224 = arith.constant 64 : i32
          %mul3A_225 = arith.muli %sub3A_223, %mul3A_224 : i32
          %add3A_226 = arith.constant 0 : i32
          %add3A_227 = arith.addi %mul3A_225, %add3A_226 : i32
          %get3A_228 = arith.index_cast %add3A_227 : i32 to index
          %get3A_229 = tpu.vector_load %arg9[%get3A_228] {strides = array<i32>} : memref<3200xi32, #tpu.memory_space<vmem>>, vector<16xi32>,
          %add3A_230 = vector.broadcast %min3A_3 : i32 to vector<16xi32>
          %add3A_231 = arith.addi %get3A_229, %add3A_230 : vector<16xi32>
          %mul3A_232 = arith.constant 64 : i32
          %mul3A_233 = arith.muli %sub3A_223, %mul3A_232 : i32
          %add3A_234 = arith.constant 16 : i32
          %add3A_235 = arith.addi %mul3A_233, %add3A_234 : i32
          %get3A_236 = arith.index_cast %add3A_235 : i32 to index
          %get3A_237 = tpu.vector_load %arg9[%get3A_236] {strides = array<i32>} : memref<3200xi32, #tpu.memory_space<vmem>>, vector<16xi32>,
          %add3A_238 = vector.broadcast %min3A_3 : i32 to vector<16xi32>
          %add3A_239 = arith.addi %get3A_237, %add3A_238 : vector<16xi32>
          %mul3A_240 = arith.constant 64 : i32
          %mul3A_241 = arith.muli %sub3A_223, %mul3A_240 : i32
          %add3A_242 = arith.constant 32 : i32
          %add3A_243 = arith.addi %mul3A_241, %add3A_242 : i32
          %get3A_244 = arith.index_cast %add3A_243 : i32 to index
          %get3A_245 = tpu.vector_load %arg9[%get3A_244] {strides = array<i32>} : memref<3200xi32, #tpu.memory_space<vmem>>, vector<16xi32>,
          %add3A_246 = vector.broadcast %min3A_3 : i32 to vector<16xi32>
          %add3A_247 = arith.addi %get3A_245, %add3A_246 : vector<16xi32>
          %mul3A_248 = arith.constant 64 : i32
          %mul3A_249 = arith.muli %sub3A_223, %mul3A_248 : i32
          %add3A_250 = arith.constant 48 : i32
          %add3A_251 = arith.addi %mul3A_249, %add3A_250 : i32
          %get3A_252 = arith.index_cast %add3A_251 : i32 to index
          %get3A_253 = tpu.vector_load %arg9[%get3A_252] {strides = array<i32>} : memref<3200xi32, #tpu.memory_space<vmem>>, vector<16xi32>,
          %add3A_254 = vector.broadcast %min3A_3 : i32 to vector<16xi32>
          %add3A_255 = arith.addi %get3A_253, %add3A_254 : vector<16xi32>
          %dma_wait3A_256 = arith.constant 1 : i32
          %dma_wait3A_257 = arith.constant 0 : i32
          %dma_wait3A_258 = arith.constant 0 : i32
          %dma_wait3A_259 = tpu.memref_slice %arg15[%dma_wait3A_256, %dma_wait3A_257, %dma_wait3A_258] : memref<2x64x128xf32, #tpu.memory_space<vmem>> -> memref<1x16x128xf32, #tpu.memory_space<vmem>>
          %dma_wait3A_260 = tpu.memref_squeeze %dma_wait3A_259 : memref<1x16x128xf32, #tpu.memory_space<vmem>> -> memref<16x128xf32, #tpu.memory_space<vmem>>
          %dma_wait3A_261 = arith.constant 0 : i32
          %dma_wait3A_262 = arith.constant 0 : i32
          %dma_wait3A_263 = tpu.memref_slice %arg2[%dma_wait3A_261, %dma_wait3A_262] : memref<100000x128xf32, #tpu.memory_space<hbm>> -> memref<100000x128xf32, #tpu.memory_space<hbm>>
          tpu.wait_indirect_dma semaphore(%arg19 : memref<!tpu.dma_semaphore, #tpu.memory_space<semaphore_mem>>) src(%dma_wait3A_260 : memref<16x128xf32, #tpu.memory_space<vmem>>) dst(%dma_wait3A_263 : memref<100000x128xf32, #tpu.memory_space<hbm>>)
          %dma_wait3A_264 = arith.constant 1 : i32
          %dma_wait3A_265 = arith.constant 16 : i32
          %dma_wait3A_266 = arith.constant 0 : i32
          %dma_wait3A_267 = tpu.memref_slice %arg15[%dma_wait3A_264, %dma_wait3A_265, %dma_wait3A_266] : memref<2x64x128xf32, #tpu.memory_space<vmem>> -> memref<1x16x128xf32, #tpu.memory_space<vmem>>
          %dma_wait3A_268 = tpu.memref_squeeze %dma_wait3A_267 : memref<1x16x128xf32, #tpu.memory_space<vmem>> -> memref<16x128xf32, #tpu.memory_space<vmem>>
          %dma_wait3A_269 = arith.constant 0 : i32
          %dma_wait3A_270 = arith.constant 0 : i32
          %dma_wait3A_271 = tpu.memref_slice %arg2[%dma_wait3A_269, %dma_wait3A_270] : memref<100000x128xf32, #tpu.memory_space<hbm>> -> memref<100000x128xf32, #tpu.memory_space<hbm>>
          tpu.wait_indirect_dma semaphore(%arg19 : memref<!tpu.dma_semaphore, #tpu.memory_space<semaphore_mem>>) src(%dma_wait3A_268 : memref<16x128xf32, #tpu.memory_space<vmem>>) dst(%dma_wait3A_271 : memref<100000x128xf32, #tpu.memory_space<hbm>>)
          %dma_wait3A_272 = arith.constant 1 : i32
          %dma_wait3A_273 = arith.constant 32 : i32
          %dma_wait3A_274 = arith.constant 0 : i32
          %dma_wait3A_275 = tpu.memref_slice %arg15[%dma_wait3A_272, %dma_wait3A_273, %dma_wait3A_274] : memref<2x64x128xf32, #tpu.memory_space<vmem>> -> memref<1x16x128xf32, #tpu.memory_space<vmem>>
          %dma_wait3A_276 = tpu.memref_squeeze %dma_wait3A_275 : memref<1x16x128xf32, #tpu.memory_space<vmem>> -> memref<16x128xf32, #tpu.memory_space<vmem>>
          %dma_wait3A_277 = arith.constant 0 : i32
          %dma_wait3A_278 = arith.constant 0 : i32
          %dma_wait3A_279 = tpu.memref_slice %arg2[%dma_wait3A_277, %dma_wait3A_278] : memref<100000x128xf32, #tpu.memory_space<hbm>> -> memref<100000x128xf32, #tpu.memory_space<hbm>>
          tpu.wait_indirect_dma semaphore(%arg19 : memref<!tpu.dma_semaphore, #tpu.memory_space<semaphore_mem>>) src(%dma_wait3A_276 : memref<16x128xf32, #tpu.memory_space<vmem>>) dst(%dma_wait3A_279 : memref<100000x128xf32, #tpu.memory_space<hbm>>)
          %dma_wait3A_280 = arith.constant 1 : i32
          %dma_wait3A_281 = arith.constant 48 : i32
          %dma_wait3A_282 = arith.constant 0 : i32
          %dma_wait3A_283 = tpu.memref_slice %arg15[%dma_wait3A_280, %dma_wait3A_281, %dma_wait3A_282] : memref<2x64x128xf32, #tpu.memory_space<vmem>> -> memref<1x16x128xf32, #tpu.memory_space<vmem>>
          %dma_wait3A_284 = tpu.memref_squeeze %dma_wait3A_283 : memref<1x16x128xf32, #tpu.memory_space<vmem>> -> memref<16x128xf32, #tpu.memory_space<vmem>>
          %dma_wait3A_285 = arith.constant 0 : i32
          %dma_wait3A_286 = arith.constant 0 : i32
          %dma_wait3A_287 = tpu.memref_slice %arg2[%dma_wait3A_285, %dma_wait3A_286] : memref<100000x128xf32, #tpu.memory_space<hbm>> -> memref<100000x128xf32, #tpu.memory_space<hbm>>
          tpu.wait_indirect_dma semaphore(%arg19 : memref<!tpu.dma_semaphore, #tpu.memory_space<semaphore_mem>>) src(%dma_wait3A_284 : memref<16x128xf32, #tpu.memory_space<vmem>>) dst(%dma_wait3A_287 : memref<100000x128xf32, #tpu.memory_space<hbm>>)
        } else {
        }
        %scan3A = arith.constant 0 : i32
        %scan3A_153 = arith.constant 0 : i32
        %scan3A_154 = arith.constant 64 : i32
        %scan3A_155 = arith.addi %scan3A_153, %scan3A_154 : i32
        %scan3A_156 = arith.constant 1 : i32
        %scan3A_157 = scf.for %scan3A_222 = %scan3A_153 to %scan3A_155 step %scan3A_156 iter_args(%scan3A_223 = %scan3A) -> (i32)  : i32 {
          %rem3A_224 = arith.constant 16 : i32
          %rem3A_225 = arith.remsi %scan3A_222, %rem3A_224 : i32
          %sub3A_226 = arith.subi %scan3A_222, %rem3A_225 : i32
          %get3A_227 = arith.constant 1 : i32
          %get3A_228 = arith.index_cast %get3A_227 : i32 to index
          %get3A_229 = arith.index_cast %sub3A_226 : i32 to index
          %get3A_230 = tpu.vector_load %arg13[%get3A_228, %get3A_229] {strides = array<i32>} : memref<2x64xf32, #tpu.memory_space<vmem>>, vector<16xf32>,
          %broadcast_in_dim3A = vector.broadcast %rem3A_225 : i32 to vector<16xi32>
          %broadcast_in_dim3A_231 = vector.shape_cast %broadcast_in_dim3A : vector<16xi32> to vector<16x1xi32>
          %gather3A_232 = vector.shape_cast %broadcast_in_dim3A_231 : vector<16x1xi32> to vector<16xi32>
          %gather3A_233 = tpu.dynamic_gather %get3A_230[%gather3A_232] in [0] : vector<16xf32>, vector<16xi32> -> vector<16xf32>
          %div3A_234 = arith.constant 1.000000e+00 : f32
          %div3A_235 = vector.broadcast %div3A_234 : f32 to vector<16xf32>
          %div3A_236 = arith.divf %div3A_235, %gather3A_233 : vector<16xf32>
          %get3A_237 = arith.constant 1 : i32
          %get3A_238 = arith.index_cast %get3A_237 : i32 to index
          %get3A_239 = arith.index_cast %scan3A_222 : i32 to index
          %get3A_240 = arith.constant 0 : index
          %get3A_241 = tpu.vector_load %arg14[%get3A_238, %get3A_239, %get3A_240] {strides = array<i32>} : memref<2x64x128xf32, #tpu.memory_space<vmem>>, vector<16xf32>,
          %mul3A_242 = arith.mulf %get3A_241, %div3A_236 : vector<16xf32>
          %swap3A_243 = arith.constant 1 : i32
          %swap3A_244 = arith.index_cast %swap3A_243 : i32 to index
          %swap3A_245 = arith.index_cast %scan3A_222 : i32 to index
          %swap3A_246 = arith.constant 0 : index
          %swap3A_247 = tpu.vector_load %arg15[%swap3A_244, %swap3A_245, %swap3A_246] {strides = array<i32>} : memref<2x64x128xf32, #tpu.memory_space<vmem>>, vector<16xf32>,
          tpu.vector_store %arg15[%swap3A_244, %swap3A_245, %swap3A_246], %mul3A_242 {strides = array<i32>} : memref<2x64x128xf32, #tpu.memory_space<vmem>>, vector<16xf32>,
          %get3A_248 = arith.constant 1 : i32
          %get3A_249 = arith.index_cast %get3A_248 : i32 to index
          %get3A_250 = arith.index_cast %scan3A_222 : i32 to index
          %get3A_251 = arith.constant 16 : index
          %get3A_252 = tpu.vector_load %arg14[%get3A_249, %get3A_250, %get3A_251] {strides = array<i32>} : memref<2x64x128xf32, #tpu.memory_space<vmem>>, vector<16xf32>,
          %mul3A_253 = arith.mulf %get3A_252, %div3A_236 : vector<16xf32>
          %swap3A_254 = arith.constant 1 : i32
          %swap3A_255 = arith.index_cast %swap3A_254 : i32 to index
          %swap3A_256 = arith.index_cast %scan3A_222 : i32 to index
          %swap3A_257 = arith.constant 16 : index
          %swap3A_258 = tpu.vector_load %arg15[%swap3A_255, %swap3A_256, %swap3A_257] {strides = array<i32>} : memref<2x64x128xf32, #tpu.memory_space<vmem>>, vector<16xf32>,
          tpu.vector_store %arg15[%swap3A_255, %swap3A_256, %swap3A_257], %mul3A_253 {strides = array<i32>} : memref<2x64x128xf32, #tpu.memory_space<vmem>>, vector<16xf32>,
          %get3A_259 = arith.constant 1 : i32
          %get3A_260 = arith.index_cast %get3A_259 : i32 to index
          %get3A_261 = arith.index_cast %scan3A_222 : i32 to index
          %get3A_262 = arith.constant 32 : index
          %get3A_263 = tpu.vector_load %arg14[%get3A_260, %get3A_261, %get3A_262] {strides = array<i32>} : memref<2x64x128xf32, #tpu.memory_space<vmem>>, vector<16xf32>,
          %mul3A_264 = arith.mulf %get3A_263, %div3A_236 : vector<16xf32>
          %swap3A_265 = arith.constant 1 : i32
          %swap3A_266 = arith.index_cast %swap3A_265 : i32 to index
          %swap3A_267 = arith.index_cast %scan3A_222 : i32 to index
          %swap3A_268 = arith.constant 32 : index
          %swap3A_269 = tpu.vector_load %arg15[%swap3A_266, %swap3A_267, %swap3A_268] {strides = array<i32>} : memref<2x64x128xf32, #tpu.memory_space<vmem>>, vector<16xf32>,
          tpu.vector_store %arg15[%swap3A_266, %swap3A_267, %swap3A_268], %mul3A_264 {strides = array<i32>} : memref<2x64x128xf32, #tpu.memory_space<vmem>>, vector<16xf32>,
          %get3A_270 = arith.constant 1 : i32
          %get3A_271 = arith.index_cast %get3A_270 : i32 to index
          %get3A_272 = arith.index_cast %scan3A_222 : i32 to index
          %get3A_273 = arith.constant 48 : index
          %get3A_274 = tpu.vector_load %arg14[%get3A_271, %get3A_272, %get3A_273] {strides = array<i32>} : memref<2x64x128xf32, #tpu.memory_space<vmem>>, vector<16xf32>,
          %mul3A_275 = arith.mulf %get3A_274, %div3A_236 : vector<16xf32>
          %swap3A_276 = arith.constant 1 : i32
          %swap3A_277 = arith.index_cast %swap3A_276 : i32 to index
          %swap3A_278 = arith.index_cast %scan3A_222 : i32 to index
          %swap3A_279 = arith.constant 48 : index
          %swap3A_280 = tpu.vector_load %arg15[%swap3A_277, %swap3A_278, %swap3A_279] {strides = array<i32>} : memref<2x64x128xf32, #tpu.memory_space<vmem>>, vector<16xf32>,
          tpu.vector_store %arg15[%swap3A_277, %swap3A_278, %swap3A_279], %mul3A_275 {strides = array<i32>} : memref<2x64x128xf32, #tpu.memory_space<vmem>>, vector<16xf32>,
          %get3A_281 = arith.constant 1 : i32
          %get3A_282 = arith.index_cast %get3A_281 : i32 to index
          %get3A_283 = arith.index_cast %scan3A_222 : i32 to index
          %get3A_284 = arith.constant 64 : index
          %get3A_285 = tpu.vector_load %arg14[%get3A_282, %get3A_283, %get3A_284] {strides = array<i32>} : memref<2x64x128xf32, #tpu.memory_space<vmem>>, vector<16xf32>,
          %mul3A_286 = arith.mulf %get3A_285, %div3A_236 : vector<16xf32>
          %swap3A_287 = arith.constant 1 : i32
          %swap3A_288 = arith.index_cast %swap3A_287 : i32 to index
          %swap3A_289 = arith.index_cast %scan3A_222 : i32 to index
          %swap3A_290 = arith.constant 64 : index
          %swap3A_291 = tpu.vector_load %arg15[%swap3A_288, %swap3A_289, %swap3A_290] {strides = array<i32>} : memref<2x64x128xf32, #tpu.memory_space<vmem>>, vector<16xf32>,
          tpu.vector_store %arg15[%swap3A_288, %swap3A_289, %swap3A_290], %mul3A_286 {strides = array<i32>} : memref<2x64x128xf32, #tpu.memory_space<vmem>>, vector<16xf32>,
          %get3A_292 = arith.constant 1 : i32
          %get3A_293 = arith.index_cast %get3A_292 : i32 to index
          %get3A_294 = arith.index_cast %scan3A_222 : i32 to index
          %get3A_295 = arith.constant 80 : index
          %get3A_296 = tpu.vector_load %arg14[%get3A_293, %get3A_294, %get3A_295] {strides = array<i32>} : memref<2x64x128xf32, #tpu.memory_space<vmem>>, vector<16xf32>,
          %mul3A_297 = arith.mulf %get3A_296, %div3A_236 : vector<16xf32>
          %swap3A_298 = arith.constant 1 : i32
          %swap3A_299 = arith.index_cast %swap3A_298 : i32 to index
          %swap3A_300 = arith.index_cast %scan3A_222 : i32 to index
          %swap3A_301 = arith.constant 80 : index
          %swap3A_302 = tpu.vector_load %arg15[%swap3A_299, %swap3A_300, %swap3A_301] {strides = array<i32>} : memref<2x64x128xf32, #tpu.memory_space<vmem>>, vector<16xf32>,
          tpu.vector_store %arg15[%swap3A_299, %swap3A_300, %swap3A_301], %mul3A_297 {strides = array<i32>} : memref<2x64x128xf32, #tpu.memory_space<vmem>>, vector<16xf32>,
          %get3A_303 = arith.constant 1 : i32
          %get3A_304 = arith.index_cast %get3A_303 : i32 to index
          %get3A_305 = arith.index_cast %scan3A_222 : i32 to index
          %get3A_306 = arith.constant 96 : index
          %get3A_307 = tpu.vector_load %arg14[%get3A_304, %get3A_305, %get3A_306] {strides = array<i32>} : memref<2x64x128xf32, #tpu.memory_space<vmem>>, vector<16xf32>,
          %mul3A_308 = arith.mulf %get3A_307, %div3A_236 : vector<16xf32>
          %swap3A_309 = arith.constant 1 : i32
          %swap3A_310 = arith.index_cast %swap3A_309 : i32 to index
          %swap3A_311 = arith.index_cast %scan3A_222 : i32 to index
          %swap3A_312 = arith.constant 96 : index
          %swap3A_313 = tpu.vector_load %arg15[%swap3A_310, %swap3A_311, %swap3A_312] {strides = array<i32>} : memref<2x64x128xf32, #tpu.memory_space<vmem>>, vector<16xf32>,
          tpu.vector_store %arg15[%swap3A_310, %swap3A_311, %swap3A_312], %mul3A_308 {strides = array<i32>} : memref<2x64x128xf32, #tpu.memory_space<vmem>>, vector<16xf32>,
          %get3A_314 = arith.constant 1 : i32
          %get3A_315 = arith.index_cast %get3A_314 : i32 to index
          %get3A_316 = arith.index_cast %scan3A_222 : i32 to index
          %get3A_317 = arith.constant 112 : index
          %get3A_318 = tpu.vector_load %arg14[%get3A_315, %get3A_316, %get3A_317] {strides = array<i32>} : memref<2x64x128xf32, #tpu.memory_space<vmem>>, vector<16xf32>,
          %mul3A_319 = arith.mulf %get3A_318, %div3A_236 : vector<16xf32>
          %swap3A_320 = arith.constant 1 : i32
          %swap3A_321 = arith.index_cast %swap3A_320 : i32 to index
          %swap3A_322 = arith.index_cast %scan3A_222 : i32 to index
          %swap3A_323 = arith.constant 112 : index
          %swap3A_324 = tpu.vector_load %arg15[%swap3A_321, %swap3A_322, %swap3A_323] {strides = array<i32>} : memref<2x64x128xf32, #tpu.memory_space<vmem>>, vector<16xf32>,
          tpu.vector_store %arg15[%swap3A_321, %swap3A_322, %swap3A_323], %mul3A_319 {strides = array<i32>} : memref<2x64x128xf32, #tpu.memory_space<vmem>>, vector<16xf32>,
          %scan3A_325 = arith.constant 0 : i32
          scf.yield %scan3A_325 : i32
        }
        %scan3A_158 = arith.constant 64 : i32
        %mul3A_159 = arith.constant 64 : i32
        %mul3A_160 = arith.muli %while3A_46, %mul3A_159 : i32
        %add3A_161 = arith.constant 0 : i32
        %add3A_162 = arith.addi %mul3A_160, %add3A_161 : i32
        %get3A_163 = arith.index_cast %add3A_162 : i32 to index
        %get3A_164 = tpu.vector_load %arg9[%get3A_163] {strides = array<i32>} : memref<3200xi32, #tpu.memory_space<vmem>>, vector<16xi32>,
        %add3A_165 = vector.broadcast %min3A_3 : i32 to vector<16xi32>
        %add3A_166 = arith.addi %get3A_164, %add3A_165 : vector<16xi32>
        %mul3A_167 = arith.constant 64 : i32
        %mul3A_168 = arith.muli %while3A_46, %mul3A_167 : i32
        %add3A_169 = arith.constant 16 : i32
        %add3A_170 = arith.addi %mul3A_168, %add3A_169 : i32
        %get3A_171 = arith.index_cast %add3A_170 : i32 to index
        %get3A_172 = tpu.vector_load %arg9[%get3A_171] {strides = array<i32>} : memref<3200xi32, #tpu.memory_space<vmem>>, vector<16xi32>,
        %add3A_173 = vector.broadcast %min3A_3 : i32 to vector<16xi32>
        %add3A_174 = arith.addi %get3A_172, %add3A_173 : vector<16xi32>
        %mul3A_175 = arith.constant 64 : i32
        %mul3A_176 = arith.muli %while3A_46, %mul3A_175 : i32
        %add3A_177 = arith.constant 32 : i32
        %add3A_178 = arith.addi %mul3A_176, %add3A_177 : i32
        %get3A_179 = arith.index_cast %add3A_178 : i32 to index
        %get3A_180 = tpu.vector_load %arg9[%get3A_179] {strides = array<i32>} : memref<3200xi32, #tpu.memory_space<vmem>>, vector<16xi32>,
        %add3A_181 = vector.broadcast %min3A_3 : i32 to vector<16xi32>
        %add3A_182 = arith.addi %get3A_180, %add3A_181 : vector<16xi32>
        %mul3A_183 = arith.constant 64 : i32
        %mul3A_184 = arith.muli %while3A_46, %mul3A_183 : i32
        %add3A_185 = arith.constant 48 : i32
        %add3A_186 = arith.addi %mul3A_184, %add3A_185 : i32
        %get3A_187 = arith.index_cast %add3A_186 : i32 to index
        %get3A_188 = tpu.vector_load %arg9[%get3A_187] {strides = array<i32>} : memref<3200xi32, #tpu.memory_space<vmem>>, vector<16xi32>,
        %add3A_189 = vector.broadcast %min3A_3 : i32 to vector<16xi32>
        %add3A_190 = arith.addi %get3A_188, %add3A_189 : vector<16xi32>
        %dma_start3A = arith.constant 1 : i32
        %dma_start3A_191 = arith.constant 0 : i32
        %dma_start3A_192 = arith.constant 0 : i32
        %dma_start3A_193 = tpu.memref_slice %arg15[%dma_start3A, %dma_start3A_191, %dma_start3A_192] : memref<2x64x128xf32, #tpu.memory_space<vmem>> -> memref<1x16x128xf32, #tpu.memory_space<vmem>>
        %dma_start3A_194 = tpu.memref_squeeze %dma_start3A_193 : memref<1x16x128xf32, #tpu.memory_space<vmem>> -> memref<16x128xf32, #tpu.memory_space<vmem>>
        %dma_start3A_195 = arith.constant 0 : i32
        %dma_start3A_196 = arith.constant 0 : i32
        %dma_start3A_197 = tpu.memref_slice %arg2[%dma_start3A_195, %dma_start3A_196] : memref<100000x128xf32, #tpu.memory_space<hbm>> -> memref<100000x128xf32, #tpu.memory_space<hbm>>
        tpu.enqueue_indirect_dma source(%dma_start3A_194 : memref<16x128xf32, #tpu.memory_space<vmem>>) target(%dma_start3A_197 : memref<100000x128xf32, #tpu.memory_space<hbm>>) offsets(%add3A_166 : vector<16xi32>) semaphore(%arg19 : memref<!tpu.dma_semaphore, #tpu.memory_space<semaphore_mem>>)
        %dma_start3A_198 = arith.constant 1 : i32
        %dma_start3A_199 = arith.constant 16 : i32
        %dma_start3A_200 = arith.constant 0 : i32
        %dma_start3A_201 = tpu.memref_slice %arg15[%dma_start3A_198, %dma_start3A_199, %dma_start3A_200] : memref<2x64x128xf32, #tpu.memory_space<vmem>> -> memref<1x16x128xf32, #tpu.memory_space<vmem>>
        %dma_start3A_202 = tpu.memref_squeeze %dma_start3A_201 : memref<1x16x128xf32, #tpu.memory_space<vmem>> -> memref<16x128xf32, #tpu.memory_space<vmem>>
        %dma_start3A_203 = arith.constant 0 : i32
        %dma_start3A_204 = arith.constant 0 : i32
        %dma_start3A_205 = tpu.memref_slice %arg2[%dma_start3A_203, %dma_start3A_204] : memref<100000x128xf32, #tpu.memory_space<hbm>> -> memref<100000x128xf32, #tpu.memory_space<hbm>>
        tpu.enqueue_indirect_dma source(%dma_start3A_202 : memref<16x128xf32, #tpu.memory_space<vmem>>) target(%dma_start3A_205 : memref<100000x128xf32, #tpu.memory_space<hbm>>) offsets(%add3A_174 : vector<16xi32>) semaphore(%arg19 : memref<!tpu.dma_semaphore, #tpu.memory_space<semaphore_mem>>)
        %dma_start3A_206 = arith.constant 1 : i32
        %dma_start3A_207 = arith.constant 32 : i32
        %dma_start3A_208 = arith.constant 0 : i32
        %dma_start3A_209 = tpu.memref_slice %arg15[%dma_start3A_206, %dma_start3A_207, %dma_start3A_208] : memref<2x64x128xf32, #tpu.memory_space<vmem>> -> memref<1x16x128xf32, #tpu.memory_space<vmem>>
        %dma_start3A_210 = tpu.memref_squeeze %dma_start3A_209 : memref<1x16x128xf32, #tpu.memory_space<vmem>> -> memref<16x128xf32, #tpu.memory_space<vmem>>
        %dma_start3A_211 = arith.constant 0 : i32
        %dma_start3A_212 = arith.constant 0 : i32
        %dma_start3A_213 = tpu.memref_slice %arg2[%dma_start3A_211, %dma_start3A_212] : memref<100000x128xf32, #tpu.memory_space<hbm>> -> memref<100000x128xf32, #tpu.memory_space<hbm>>
        tpu.enqueue_indirect_dma source(%dma_start3A_210 : memref<16x128xf32, #tpu.memory_space<vmem>>) target(%dma_start3A_213 : memref<100000x128xf32, #tpu.memory_space<hbm>>) offsets(%add3A_182 : vector<16xi32>) semaphore(%arg19 : memref<!tpu.dma_semaphore, #tpu.memory_space<semaphore_mem>>)
        %dma_start3A_214 = arith.constant 1 : i32
        %dma_start3A_215 = arith.constant 48 : i32
        %dma_start3A_216 = arith.constant 0 : i32
        %dma_start3A_217 = tpu.memref_slice %arg15[%dma_start3A_214, %dma_start3A_215, %dma_start3A_216] : memref<2x64x128xf32, #tpu.memory_space<vmem>> -> memref<1x16x128xf32, #tpu.memory_space<vmem>>
        %dma_start3A_218 = tpu.memref_squeeze %dma_start3A_217 : memref<1x16x128xf32, #tpu.memory_space<vmem>> -> memref<16x128xf32, #tpu.memory_space<vmem>>
        %dma_start3A_219 = arith.constant 0 : i32
        %dma_start3A_220 = arith.constant 0 : i32
        %dma_start3A_221 = tpu.memref_slice %arg2[%dma_start3A_219, %dma_start3A_220] : memref<100000x128xf32, #tpu.memory_space<hbm>> -> memref<100000x128xf32, #tpu.memory_space<hbm>>
        tpu.enqueue_indirect_dma source(%dma_start3A_218 : memref<16x128xf32, #tpu.memory_space<vmem>>) target(%dma_start3A_221 : memref<100000x128xf32, #tpu.memory_space<hbm>>) offsets(%add3A_190 : vector<16xi32>) semaphore(%arg19 : memref<!tpu.dma_semaphore, #tpu.memory_space<semaphore_mem>>)
      } else {
      }
      %while3A_89 = arith.constant 0 : i32
      scf.yield %while3A_89 : i32
    }
    %ge3A = arith.constant 2 : i32
    %ge3A_38 = arith.cmpi sge, %select_n3A, %ge3A : i32
    %convert_element_type3A_39 = arith.extui %ge3A_38 : i1 to i32
    %cond3A_40 = arith.constant 0 : i32
    %cond3A_41 = arith.cmpi ne, %convert_element_type3A_39, %cond3A_40 : i32
    scf.if %cond3A_41 {
      %get3A_46 = arith.constant 0 : index
      %get3A_47 = tpu.vector_load %arg9[%get3A_46] {strides = array<i32>} : memref<3200xi32, #tpu.memory_space<vmem>>, vector<16xi32>,
      %add3A_48 = vector.broadcast %min3A_3 : i32 to vector<16xi32>
      %add3A_49 = arith.addi %get3A_47, %add3A_48 : vector<16xi32>
      %dma_wait3A = arith.constant 0 : i32
      %dma_wait3A_50 = arith.constant 0 : i32
      %dma_wait3A_51 = arith.constant 0 : i32
      %dma_wait3A_52 = tpu.memref_slice %arg15[%dma_wait3A, %dma_wait3A_50, %dma_wait3A_51] : memref<2x64x128xf32, #tpu.memory_space<vmem>> -> memref<1x16x128xf32, #tpu.memory_space<vmem>>
      %dma_wait3A_53 = tpu.memref_squeeze %dma_wait3A_52 : memref<1x16x128xf32, #tpu.memory_space<vmem>> -> memref<16x128xf32, #tpu.memory_space<vmem>>
      %dma_wait3A_54 = arith.constant 0 : i32
      %dma_wait3A_55 = arith.constant 0 : i32
      %dma_wait3A_56 = tpu.memref_slice %arg2[%dma_wait3A_54, %dma_wait3A_55] : memref<100000x128xf32, #tpu.memory_space<hbm>> -> memref<100000x128xf32, #tpu.memory_space<hbm>>
      tpu.wait_indirect_dma semaphore(%arg18 : memref<!tpu.dma_semaphore, #tpu.memory_space<semaphore_mem>>) src(%dma_wait3A_53 : memref<16x128xf32, #tpu.memory_space<vmem>>) dst(%dma_wait3A_56 : memref<100000x128xf32, #tpu.memory_space<hbm>>)
      %get3A_57 = arith.constant 16 : index
      %get3A_58 = tpu.vector_load %arg9[%get3A_57] {strides = array<i32>} : memref<3200xi32, #tpu.memory_space<vmem>>, vector<16xi32>,
      %add3A_59 = vector.broadcast %min3A_3 : i32 to vector<16xi32>
      %add3A_60 = arith.addi %get3A_58, %add3A_59 : vector<16xi32>
      %dma_wait3A_61 = arith.constant 0 : i32
      %dma_wait3A_62 = arith.constant 16 : i32
      %dma_wait3A_63 = arith.constant 0 : i32
      %dma_wait3A_64 = tpu.memref_slice %arg15[%dma_wait3A_61, %dma_wait3A_62, %dma_wait3A_63] : memref<2x64x128xf32, #tpu.memory_space<vmem>> -> memref<1x16x128xf32, #tpu.memory_space<vmem>>
      %dma_wait3A_65 = tpu.memref_squeeze %dma_wait3A_64 : memref<1x16x128xf32, #tpu.memory_space<vmem>> -> memref<16x128xf32, #tpu.memory_space<vmem>>
      %dma_wait3A_66 = arith.constant 0 : i32
      %dma_wait3A_67 = arith.constant 0 : i32
      %dma_wait3A_68 = tpu.memref_slice %arg2[%dma_wait3A_66, %dma_wait3A_67] : memref<100000x128xf32, #tpu.memory_space<hbm>> -> memref<100000x128xf32, #tpu.memory_space<hbm>>
      tpu.wait_indirect_dma semaphore(%arg18 : memref<!tpu.dma_semaphore, #tpu.memory_space<semaphore_mem>>) src(%dma_wait3A_65 : memref<16x128xf32, #tpu.memory_space<vmem>>) dst(%dma_wait3A_68 : memref<100000x128xf32, #tpu.memory_space<hbm>>)
      %get3A_69 = arith.constant 32 : index
      %get3A_70 = tpu.vector_load %arg9[%get3A_69] {strides = array<i32>} : memref<3200xi32, #tpu.memory_space<vmem>>, vector<16xi32>,
      %add3A_71 = vector.broadcast %min3A_3 : i32 to vector<16xi32>
      %add3A_72 = arith.addi %get3A_70, %add3A_71 : vector<16xi32>
      %dma_wait3A_73 = arith.constant 0 : i32
      %dma_wait3A_74 = arith.constant 32 : i32
      %dma_wait3A_75 = arith.constant 0 : i32
      %dma_wait3A_76 = tpu.memref_slice %arg15[%dma_wait3A_73, %dma_wait3A_74, %dma_wait3A_75] : memref<2x64x128xf32, #tpu.memory_space<vmem>> -> memref<1x16x128xf32, #tpu.memory_space<vmem>>
      %dma_wait3A_77 = tpu.memref_squeeze %dma_wait3A_76 : memref<1x16x128xf32, #tpu.memory_space<vmem>> -> memref<16x128xf32, #tpu.memory_space<vmem>>
      %dma_wait3A_78 = arith.constant 0 : i32
      %dma_wait3A_79 = arith.constant 0 : i32
      %dma_wait3A_80 = tpu.memref_slice %arg2[%dma_wait3A_78, %dma_wait3A_79] : memref<100000x128xf32, #tpu.memory_space<hbm>> -> memref<100000x128xf32, #tpu.memory_space<hbm>>
      tpu.wait_indirect_dma semaphore(%arg18 : memref<!tpu.dma_semaphore, #tpu.memory_space<semaphore_mem>>) src(%dma_wait3A_77 : memref<16x128xf32, #tpu.memory_space<vmem>>) dst(%dma_wait3A_80 : memref<100000x128xf32, #tpu.memory_space<hbm>>)
      %get3A_81 = arith.constant 48 : index
      %get3A_82 = tpu.vector_load %arg9[%get3A_81] {strides = array<i32>} : memref<3200xi32, #tpu.memory_space<vmem>>, vector<16xi32>,
      %add3A_83 = vector.broadcast %min3A_3 : i32 to vector<16xi32>
      %add3A_84 = arith.addi %get3A_82, %add3A_83 : vector<16xi32>
      %dma_wait3A_85 = arith.constant 0 : i32
      %dma_wait3A_86 = arith.constant 48 : i32
      %dma_wait3A_87 = arith.constant 0 : i32
      %dma_wait3A_88 = tpu.memref_slice %arg15[%dma_wait3A_85, %dma_wait3A_86, %dma_wait3A_87] : memref<2x64x128xf32, #tpu.memory_space<vmem>> -> memref<1x16x128xf32, #tpu.memory_space<vmem>>
      %dma_wait3A_89 = tpu.memref_squeeze %dma_wait3A_88 : memref<1x16x128xf32, #tpu.memory_space<vmem>> -> memref<16x128xf32, #tpu.memory_space<vmem>>
      %dma_wait3A_90 = arith.constant 0 : i32
      %dma_wait3A_91 = arith.constant 0 : i32
      %dma_wait3A_92 = tpu.memref_slice %arg2[%dma_wait3A_90, %dma_wait3A_91] : memref<100000x128xf32, #tpu.memory_space<hbm>> -> memref<100000x128xf32, #tpu.memory_space<hbm>>
      tpu.wait_indirect_dma semaphore(%arg18 : memref<!tpu.dma_semaphore, #tpu.memory_space<semaphore_mem>>) src(%dma_wait3A_89 : memref<16x128xf32, #tpu.memory_space<vmem>>) dst(%dma_wait3A_92 : memref<100000x128xf32, #tpu.memory_space<hbm>>)
      %get3A_93 = arith.constant 0 : index
      %get3A_94 = tpu.vector_load %arg9[%get3A_93] {strides = array<i32>} : memref<3200xi32, #tpu.memory_space<vmem>>, vector<16xi32>,
      %add3A_95 = vector.broadcast %min3A_3 : i32 to vector<16xi32>
      %add3A_96 = arith.addi %get3A_94, %add3A_95 : vector<16xi32>
      %dma_wait3A_97 = arith.constant 0 : i32
      %dma_wait3A_98 = arith.constant 0 : i32
      %dma_wait3A_99 = arith.constant 0 : i32
      %dma_wait3A_100 = tpu.memref_slice %arg15[%dma_wait3A_97, %dma_wait3A_98, %dma_wait3A_99] : memref<2x64x128xf32, #tpu.memory_space<vmem>> -> memref<1x16x128xf32, #tpu.memory_space<vmem>>
      %dma_wait3A_101 = tpu.memref_squeeze %dma_wait3A_100 : memref<1x16x128xf32, #tpu.memory_space<vmem>> -> memref<16x128xf32, #tpu.memory_space<vmem>>
      %dma_wait3A_102 = arith.constant 0 : i32
      %dma_wait3A_103 = arith.constant 0 : i32
      %dma_wait3A_104 = tpu.memref_slice %arg2[%dma_wait3A_102, %dma_wait3A_103] : memref<100000x128xf32, #tpu.memory_space<hbm>> -> memref<100000x128xf32, #tpu.memory_space<hbm>>
      tpu.wait_indirect_dma semaphore(%arg19 : memref<!tpu.dma_semaphore, #tpu.memory_space<semaphore_mem>>) src(%dma_wait3A_101 : memref<16x128xf32, #tpu.memory_space<vmem>>) dst(%dma_wait3A_104 : memref<100000x128xf32, #tpu.memory_space<hbm>>)
      %get3A_105 = arith.constant 16 : index
      %get3A_106 = tpu.vector_load %arg9[%get3A_105] {strides = array<i32>} : memref<3200xi32, #tpu.memory_space<vmem>>, vector<16xi32>,
      %add3A_107 = vector.broadcast %min3A_3 : i32 to vector<16xi32>
      %add3A_108 = arith.addi %get3A_106, %add3A_107 : vector<16xi32>
      %dma_wait3A_109 = arith.constant 0 : i32
      %dma_wait3A_110 = arith.constant 16 : i32
      %dma_wait3A_111 = arith.constant 0 : i32
      %dma_wait3A_112 = tpu.memref_slice %arg15[%dma_wait3A_109, %dma_wait3A_110, %dma_wait3A_111] : memref<2x64x128xf32, #tpu.memory_space<vmem>> -> memref<1x16x128xf32, #tpu.memory_space<vmem>>
      %dma_wait3A_113 = tpu.memref_squeeze %dma_wait3A_112 : memref<1x16x128xf32, #tpu.memory_space<vmem>> -> memref<16x128xf32, #tpu.memory_space<vmem>>
      %dma_wait3A_114 = arith.constant 0 : i32
      %dma_wait3A_115 = arith.constant 0 : i32
      %dma_wait3A_116 = tpu.memref_slice %arg2[%dma_wait3A_114, %dma_wait3A_115] : memref<100000x128xf32, #tpu.memory_space<hbm>> -> memref<100000x128xf32, #tpu.memory_space<hbm>>
      tpu.wait_indirect_dma semaphore(%arg19 : memref<!tpu.dma_semaphore, #tpu.memory_space<semaphore_mem>>) src(%dma_wait3A_113 : memref<16x128xf32, #tpu.memory_space<vmem>>) dst(%dma_wait3A_116 : memref<100000x128xf32, #tpu.memory_space<hbm>>)
      %get3A_117 = arith.constant 32 : index
      %get3A_118 = tpu.vector_load %arg9[%get3A_117] {strides = array<i32>} : memref<3200xi32, #tpu.memory_space<vmem>>, vector<16xi32>,
      %add3A_119 = vector.broadcast %min3A_3 : i32 to vector<16xi32>
      %add3A_120 = arith.addi %get3A_118, %add3A_119 : vector<16xi32>
      %dma_wait3A_121 = arith.constant 0 : i32
      %dma_wait3A_122 = arith.constant 32 : i32
      %dma_wait3A_123 = arith.constant 0 : i32
      %dma_wait3A_124 = tpu.memref_slice %arg15[%dma_wait3A_121, %dma_wait3A_122, %dma_wait3A_123] : memref<2x64x128xf32, #tpu.memory_space<vmem>> -> memref<1x16x128xf32, #tpu.memory_space<vmem>>
      %dma_wait3A_125 = tpu.memref_squeeze %dma_wait3A_124 : memref<1x16x128xf32, #tpu.memory_space<vmem>> -> memref<16x128xf32, #tpu.memory_space<vmem>>
      %dma_wait3A_126 = arith.constant 0 : i32
      %dma_wait3A_127 = arith.constant 0 : i32
      %dma_wait3A_128 = tpu.memref_slice %arg2[%dma_wait3A_126, %dma_wait3A_127] : memref<100000x128xf32, #tpu.memory_space<hbm>> -> memref<100000x128xf32, #tpu.memory_space<hbm>>
      tpu.wait_indirect_dma semaphore(%arg19 : memref<!tpu.dma_semaphore, #tpu.memory_space<semaphore_mem>>) src(%dma_wait3A_125 : memref<16x128xf32, #tpu.memory_space<vmem>>) dst(%dma_wait3A_128 : memref<100000x128xf32, #tpu.memory_space<hbm>>)
      %get3A_129 = arith.constant 48 : index
      %get3A_130 = tpu.vector_load %arg9[%get3A_129] {strides = array<i32>} : memref<3200xi32, #tpu.memory_space<vmem>>, vector<16xi32>,
      %add3A_131 = vector.broadcast %min3A_3 : i32 to vector<16xi32>
      %add3A_132 = arith.addi %get3A_130, %add3A_131 : vector<16xi32>
      %dma_wait3A_133 = arith.constant 0 : i32
      %dma_wait3A_134 = arith.constant 48 : i32
      %dma_wait3A_135 = arith.constant 0 : i32
      %dma_wait3A_136 = tpu.memref_slice %arg15[%dma_wait3A_133, %dma_wait3A_134, %dma_wait3A_135] : memref<2x64x128xf32, #tpu.memory_space<vmem>> -> memref<1x16x128xf32, #tpu.memory_space<vmem>>
      %dma_wait3A_137 = tpu.memref_squeeze %dma_wait3A_136 : memref<1x16x128xf32, #tpu.memory_space<vmem>> -> memref<16x128xf32, #tpu.memory_space<vmem>>
      %dma_wait3A_138 = arith.constant 0 : i32
      %dma_wait3A_139 = arith.constant 0 : i32
      %dma_wait3A_140 = tpu.memref_slice %arg2[%dma_wait3A_138, %dma_wait3A_139] : memref<100000x128xf32, #tpu.memory_space<hbm>> -> memref<100000x128xf32, #tpu.memory_space<hbm>>
      tpu.wait_indirect_dma semaphore(%arg19 : memref<!tpu.dma_semaphore, #tpu.memory_space<semaphore_mem>>) src(%dma_wait3A_137 : memref<16x128xf32, #tpu.memory_space<vmem>>) dst(%dma_wait3A_140 : memref<100000x128xf32, #tpu.memory_space<hbm>>)
    } else {
    }
    %eq3A = arith.constant 1 : i32
    %eq3A_42 = arith.cmpi eq, %select_n3A, %eq3A : i32
    %convert_element_type3A_43 = arith.extui %eq3A_42 : i1 to i32
    %cond3A_44 = arith.constant 0 : i32
    %cond3A_45 = arith.cmpi ne, %convert_element_type3A_43, %cond3A_44 : i32
    scf.if %cond3A_45 {
      %get3A_46 = arith.constant 0 : index
      %get3A_47 = tpu.vector_load %arg9[%get3A_46] {strides = array<i32>} : memref<3200xi32, #tpu.memory_space<vmem>>, vector<16xi32>,
      %add3A_48 = vector.broadcast %min3A_3 : i32 to vector<16xi32>
      %add3A_49 = arith.addi %get3A_47, %add3A_48 : vector<16xi32>
      %dma_wait3A = arith.constant 0 : i32
      %dma_wait3A_50 = arith.constant 0 : i32
      %dma_wait3A_51 = arith.constant 0 : i32
      %dma_wait3A_52 = tpu.memref_slice %arg15[%dma_wait3A, %dma_wait3A_50, %dma_wait3A_51] : memref<2x64x128xf32, #tpu.memory_space<vmem>> -> memref<1x16x128xf32, #tpu.memory_space<vmem>>
      %dma_wait3A_53 = tpu.memref_squeeze %dma_wait3A_52 : memref<1x16x128xf32, #tpu.memory_space<vmem>> -> memref<16x128xf32, #tpu.memory_space<vmem>>
      %dma_wait3A_54 = arith.constant 0 : i32
      %dma_wait3A_55 = arith.constant 0 : i32
      %dma_wait3A_56 = tpu.memref_slice %arg2[%dma_wait3A_54, %dma_wait3A_55] : memref<100000x128xf32, #tpu.memory_space<hbm>> -> memref<100000x128xf32, #tpu.memory_space<hbm>>
      tpu.wait_indirect_dma semaphore(%arg18 : memref<!tpu.dma_semaphore, #tpu.memory_space<semaphore_mem>>) src(%dma_wait3A_53 : memref<16x128xf32, #tpu.memory_space<vmem>>) dst(%dma_wait3A_56 : memref<100000x128xf32, #tpu.memory_space<hbm>>)
      %get3A_57 = arith.constant 16 : index
      %get3A_58 = tpu.vector_load %arg9[%get3A_57] {strides = array<i32>} : memref<3200xi32, #tpu.memory_space<vmem>>, vector<16xi32>,
      %add3A_59 = vector.broadcast %min3A_3 : i32 to vector<16xi32>
      %add3A_60 = arith.addi %get3A_58, %add3A_59 : vector<16xi32>
      %dma_wait3A_61 = arith.constant 0 : i32
      %dma_wait3A_62 = arith.constant 16 : i32
      %dma_wait3A_63 = arith.constant 0 : i32
      %dma_wait3A_64 = tpu.memref_slice %arg15[%dma_wait3A_61, %dma_wait3A_62, %dma_wait3A_63] : memref<2x64x128xf32, #tpu.memory_space<vmem>> -> memref<1x16x128xf32, #tpu.memory_space<vmem>>
      %dma_wait3A_65 = tpu.memref_squeeze %dma_wait3A_64 : memref<1x16x128xf32, #tpu.memory_space<vmem>> -> memref<16x128xf32, #tpu.memory_space<vmem>>
      %dma_wait3A_66 = arith.constant 0 : i32
      %dma_wait3A_67 = arith.constant 0 : i32
      %dma_wait3A_68 = tpu.memref_slice %arg2[%dma_wait3A_66, %dma_wait3A_67] : memref<100000x128xf32, #tpu.memory_space<hbm>> -> memref<100000x128xf32, #tpu.memory_space<hbm>>
      tpu.wait_indirect_dma semaphore(%arg18 : memref<!tpu.dma_semaphore, #tpu.memory_space<semaphore_mem>>) src(%dma_wait3A_65 : memref<16x128xf32, #tpu.memory_space<vmem>>) dst(%dma_wait3A_68 : memref<100000x128xf32, #tpu.memory_space<hbm>>)
      %get3A_69 = arith.constant 32 : index
      %get3A_70 = tpu.vector_load %arg9[%get3A_69] {strides = array<i32>} : memref<3200xi32, #tpu.memory_space<vmem>>, vector<16xi32>,
      %add3A_71 = vector.broadcast %min3A_3 : i32 to vector<16xi32>
      %add3A_72 = arith.addi %get3A_70, %add3A_71 : vector<16xi32>
      %dma_wait3A_73 = arith.constant 0 : i32
      %dma_wait3A_74 = arith.constant 32 : i32
      %dma_wait3A_75 = arith.constant 0 : i32
      %dma_wait3A_76 = tpu.memref_slice %arg15[%dma_wait3A_73, %dma_wait3A_74, %dma_wait3A_75] : memref<2x64x128xf32, #tpu.memory_space<vmem>> -> memref<1x16x128xf32, #tpu.memory_space<vmem>>
      %dma_wait3A_77 = tpu.memref_squeeze %dma_wait3A_76 : memref<1x16x128xf32, #tpu.memory_space<vmem>> -> memref<16x128xf32, #tpu.memory_space<vmem>>
      %dma_wait3A_78 = arith.constant 0 : i32
      %dma_wait3A_79 = arith.constant 0 : i32
      %dma_wait3A_80 = tpu.memref_slice %arg2[%dma_wait3A_78, %dma_wait3A_79] : memref<100000x128xf32, #tpu.memory_space<hbm>> -> memref<100000x128xf32, #tpu.memory_space<hbm>>
      tpu.wait_indirect_dma semaphore(%arg18 : memref<!tpu.dma_semaphore, #tpu.memory_space<semaphore_mem>>) src(%dma_wait3A_77 : memref<16x128xf32, #tpu.memory_space<vmem>>) dst(%dma_wait3A_80 : memref<100000x128xf32, #tpu.memory_space<hbm>>)
      %get3A_81 = arith.constant 48 : index
      %get3A_82 = tpu.vector_load %arg9[%get3A_81] {strides = array<i32>} : memref<3200xi32, #tpu.memory_space<vmem>>, vector<16xi32>,
      %add3A_83 = vector.broadcast %min3A_3 : i32 to vector<16xi32>
      %add3A_84 = arith.addi %get3A_82, %add3A_83 : vector<16xi32>
      %dma_wait3A_85 = arith.constant 0 : i32
      %dma_wait3A_86 = arith.constant 48 : i32
      %dma_wait3A_87 = arith.constant 0 : i32
      %dma_wait3A_88 = tpu.memref_slice %arg15[%dma_wait3A_85, %dma_wait3A_86, %dma_wait3A_87] : memref<2x64x128xf32, #tpu.memory_space<vmem>> -> memref<1x16x128xf32, #tpu.memory_space<vmem>>
      %dma_wait3A_89 = tpu.memref_squeeze %dma_wait3A_88 : memref<1x16x128xf32, #tpu.memory_space<vmem>> -> memref<16x128xf32, #tpu.memory_space<vmem>>
      %dma_wait3A_90 = arith.constant 0 : i32
      %dma_wait3A_91 = arith.constant 0 : i32
      %dma_wait3A_92 = tpu.memref_slice %arg2[%dma_wait3A_90, %dma_wait3A_91] : memref<100000x128xf32, #tpu.memory_space<hbm>> -> memref<100000x128xf32, #tpu.memory_space<hbm>>
      tpu.wait_indirect_dma semaphore(%arg18 : memref<!tpu.dma_semaphore, #tpu.memory_space<semaphore_mem>>) src(%dma_wait3A_89 : memref<16x128xf32, #tpu.memory_space<vmem>>) dst(%dma_wait3A_92 : memref<100000x128xf32, #tpu.memory_space<hbm>>)
    } else {
    }
    return
  }
}

module attributes {stable_mosaic.version = 14 : i64} {
  func.func @_dense_body(%arg0: i32, %arg1: memref<1024x128xf32, #tpu.memory_space<vmem>>, %arg2: memref<1024x128xf32, #tpu.memory_space<vmem>>, %arg3: memref<1024x128xf32, #tpu.memory_space<vmem>>, %arg4: memref<1024x128xf32, #tpu.memory_space<vmem>>, %arg5: memref<1024x128xf32, #tpu.memory_space<vmem>>, %arg6: memref<1x1xf32, #tpu.memory_space<vmem>>) attributes {dimension_semantics = [#tpu.dimension_semantics<arbitrary>], iteration_bounds = array<i64: 16>, scalar_prefetch = 0 : i64, scratch_operands = 0 : i64, tpu.core_type = #tpu.core_type<tc>, window_params = [{transform_indices = @transform_0, window_bounds = array<i64: 1024, 128>}, {transform_indices = @transform_1, window_bounds = array<i64: 1024, 128>}, {transform_indices = @transform_2, window_bounds = array<i64: 1024, 128>}, {transform_indices = @transform_3, window_bounds = array<i64: 1024, 128>}, {transform_indices = @transform_4, window_bounds = array<i64: 1024, 128>}, {pipeline_mode = #tpu.pipeline_mode<synchronous>, transform_indices = @transform_5, window_bounds = array<i64: 1, 1>}]} {
    %get3A = arith.constant 0 : index
    %get3A_0 = arith.constant 0 : index
    %get3A_1 = vector.load %arg1[%get3A, %get3A_0] : memref<1024x128xf32, #tpu.memory_space<vmem>>, vector<1024x128xf32>
    %reduce_max3A = arith.constant dense<0xFF800000> : vector<1024xf32>
    %reduce_max3A_2 = vector.multi_reduction <maximumf>, %get3A_1, %reduce_max3A [1] : vector<1024x128xf32> to vector<1024xf32>
    %broadcast_in_dim3A = vector.shape_cast %reduce_max3A_2 : vector<1024xf32> to vector<1024x1xf32>
    %sub3A = vector.broadcast %broadcast_in_dim3A : vector<1024x1xf32> to vector<1024x128xf32>
    %sub3A_3 = arith.subf %get3A_1, %sub3A : vector<1024x128xf32>
    %exp3A = math.exp %sub3A_3 : vector<1024x128xf32>
    %reduce_sum3A = arith.constant dense<0.000000e+00> : vector<1024xf32>
    %reduce_sum3A_4 = vector.multi_reduction <add>, %exp3A, %reduce_sum3A [1] : vector<1024x128xf32> to vector<1024xf32>
    %broadcast_in_dim3A_5 = vector.shape_cast %reduce_sum3A_4 : vector<1024xf32> to vector<1024x1xf32>
    %log3A = math.log %broadcast_in_dim3A_5 : vector<1024x1xf32>
    %add3A = arith.addf %broadcast_in_dim3A, %log3A : vector<1024x1xf32>
    %sub3A_6 = vector.broadcast %add3A : vector<1024x1xf32> to vector<1024x128xf32>
    %sub3A_7 = arith.subf %get3A_1, %sub3A_6 : vector<1024x128xf32>
    %get3A_8 = arith.constant 0 : index
    %get3A_9 = arith.constant 0 : index
    %get3A_10 = vector.load %arg3[%get3A_8, %get3A_9] : memref<1024x128xf32, #tpu.memory_space<vmem>>, vector<1024x128xf32>
    %get3A_11 = arith.constant 0 : index
    %get3A_12 = arith.constant 0 : index
    %get3A_13 = vector.load %arg2[%get3A_11, %get3A_12] : memref<1024x128xf32, #tpu.memory_space<vmem>>, vector<1024x128xf32>
    %mul3A = arith.mulf %get3A_10, %get3A_13 : vector<1024x128xf32>
    %mul3A_14 = arith.mulf %mul3A, %sub3A_7 : vector<1024x128xf32>
    %reduce_sum3A_15 = vector.shape_cast %mul3A_14 : vector<1024x128xf32> to vector<1x1024x128xf32>
    %reduce_sum3A_16 = arith.constant dense<0.000000e+00> : vector<1xf32>
    %reduce_sum3A_17 = vector.multi_reduction <add>, %reduce_sum3A_15, %reduce_sum3A_16 [1, 2] : vector<1x1024x128xf32> to vector<1xf32>
    %reduce_sum3A_18 = vector.shape_cast %reduce_sum3A_17 : vector<1xf32> to vector<1x1x1xf32>
    %reduce_sum3A_19 = vector.extract %reduce_sum3A_18[0, 0, 0] : f32 from vector<1x1x1xf32>
    %get3A_20 = arith.constant 0 : index
    %get3A_21 = arith.constant 0 : index
    %get3A_22 = vector.load %arg4[%get3A_20, %get3A_21] : memref<1024x128xf32, #tpu.memory_space<vmem>>, vector<1024x128xf32>
    %mul3A_23 = arith.mulf %get3A_22, %get3A_1 : vector<1024x128xf32>
    %swap3A = arith.constant 0 : index
    %swap3A_24 = arith.constant 0 : index
    %swap3A_25 = vector.load %arg5[%swap3A, %swap3A_24] : memref<1024x128xf32, #tpu.memory_space<vmem>>, vector<1024x128xf32>
    tpu.vector_store %arg5[%swap3A, %swap3A_24], %mul3A_23 {strides = array<i32>} : memref<1024x128xf32, #tpu.memory_space<vmem>>, vector<1024x128xf32>,
    %eq3A = arith.constant 0 : i32
    %eq3A_26 = arith.cmpi eq, %arg0, %eq3A : i32
    %convert_element_type3A = arith.extui %eq3A_26 : i1 to i32
    %cond3A = arith.constant 0 : i32
    %cond3A_27 = arith.cmpi ne, %convert_element_type3A, %cond3A : i32
    scf.if %cond3A_27 {
      %broadcast_in_dim3A_37 = arith.constant 0.000000e+00 : f32
      %broadcast_in_dim3A_38 = vector.broadcast %broadcast_in_dim3A_37 : f32 to vector<1x1xf32>
      %swap3A_39 = arith.constant 0 : index
      %swap3A_40 = arith.constant 0 : index
      %swap3A_41 = vector.load %arg6[%swap3A_39, %swap3A_40] : memref<1x1xf32, #tpu.memory_space<vmem>>, vector<1x1xf32>
      tpu.vector_store %arg6[%swap3A_39, %swap3A_40], %broadcast_in_dim3A_38 {strides = array<i32>} : memref<1x1xf32, #tpu.memory_space<vmem>>, vector<1x1xf32>,
    } else {
    }
    %get3A_28 = arith.constant 0 : index
    %get3A_29 = arith.constant 0 : index
    %get3A_30 = vector.load %arg6[%get3A_28, %get3A_29] : memref<1x1xf32, #tpu.memory_space<vmem>>, vector<1x1xf32>
    %neg3A = arith.constant 0.000000e+00 : f32
    %neg3A_31 = arith.subf %neg3A, %reduce_sum3A_19 : f32
    %broadcast_in_dim3A_32 = vector.broadcast %neg3A_31 : f32 to vector<1x1xf32>
    %add3A_33 = arith.addf %get3A_30, %broadcast_in_dim3A_32 : vector<1x1xf32>
    %swap3A_34 = arith.constant 0 : index
    %swap3A_35 = arith.constant 0 : index
    %swap3A_36 = vector.load %arg6[%swap3A_34, %swap3A_35] : memref<1x1xf32, #tpu.memory_space<vmem>>, vector<1x1xf32>
    tpu.vector_store %arg6[%swap3A_34, %swap3A_35], %add3A_33 {strides = array<i32>} : memref<1x1xf32, #tpu.memory_space<vmem>>, vector<1x1xf32>,
    return
  }
  func.func @transform_0(%arg0: i32) -> (i32, i32) {
    %c0_i32 = arith.constant 0 : i32
    %c0_i32_0 = arith.constant 0 : i32
    return %arg0, %c0_i32 : i32, i32
  }
  func.func @transform_1(%arg0: i32) -> (i32, i32) {
    %c0_i32 = arith.constant 0 : i32
    %c0_i32_0 = arith.constant 0 : i32
    return %arg0, %c0_i32 : i32, i32
  }
  func.func @transform_2(%arg0: i32) -> (i32, i32) {
    %c0_i32 = arith.constant 0 : i32
    %c0_i32_0 = arith.constant 0 : i32
    return %arg0, %c0_i32 : i32, i32
  }
  func.func @transform_3(%arg0: i32) -> (i32, i32) {
    %c0_i32 = arith.constant 0 : i32
    %c0_i32_0 = arith.constant 0 : i32
    return %arg0, %c0_i32 : i32, i32
  }
  func.func @transform_4(%arg0: i32) -> (i32, i32) {
    %c0_i32 = arith.constant 0 : i32
    %c0_i32_0 = arith.constant 0 : i32
    return %arg0, %c0_i32 : i32, i32
  }
  func.func @transform_5(%arg0: i32) -> (i32, i32) {
    %c0_i32 = arith.constant 0 : i32
    %c0_i32_0 = arith.constant 0 : i32
    %c0_i32_1 = arith.constant 0 : i32
    return %c0_i32, %c0_i32_0 : i32, i32
  }
}

</mosaic_0001>

<sc_bundles>
// kernel: gather_offload_async_start.1
scs
__scs_entry_jumppad:
0x0: {  	(pc) =	sbr.rel $0x88, $3  }
0x1: {  	(tag) =	ssettag $0x0;
	lr =	simm.s32 $0x1  }
0x2: {  	[smem:$0x3F9C] =	sst lr;
	_ =	strace $0xD0000000  }
0x3: {  	_ = 	snop  }
0x4: {  	_ = 	snop  }
0x5: {  	_ = 	snop  }
0x6: {  	_ = 	snop  }
0x7: {  	_ = 	snop  }
__scs_overlays_trampoline_lowered:
0x8: {  	[smem:$0x3FAB] =	sst s0  }
0x9: {  	[smem:$0x3FAC] =	sst s1  }
0xa: {  	[smem:$0x3FAD] =	sst s2  }
0xb: {  	[smem:$0x3FAE] =	sst s3  }
0xc: {  	[smem:$0x3FAF] =	sst s4  }
0xd: {  	[smem:$0x3FB0] =	sst s5  }
0xe: {  	[smem:$0x3FB1] =	sst s6  }
0xf: {  	[smem:$0x3FB2] =	sst s7  }
0x10: {  	[smem:$0x3FB3] =	sst s8  }
0x11: {  	[smem:$0x3FB4] =	sst s9;
	s0 =	simm.s32 @!p0 $0x0  }
0x12: {  	s1 =	sld [smem:$0x3F9A];
	s0 =	simm.s32 @p0 $0x1  }
0x13: {  	[smem:$0x3FB5] =	sst s0;
	s0 =	simm.s32 @!p1 $0x0  }
0x14: {  	s2 =	sld [smem:$0x3F99];
	s0 =	simm.s32 @p1 $0x1  }
0x15: {  	[smem:$0x3FB6] =	sst s0;
	s0 =	simm.s32 @!p2 $0x0  }
0x16: {  	s3 =	sld [smem:$0x3FDB];
	s0 =	simm.s32 @p2 $0x1  }
0x17: {  	s4 =	simm.s32 $0x1BF5;
	[smem:$0x3FB8] =	sst s0  }
0x18: {  	s0 =	sld [smem:$0x3F9B];
	_ =	swait.ge [sflag:s4], $0x0  }
0x19: {  	s7 =	sld [smem:$0x3F9C]  }
0x1a: {  	s8 =	sadd.s32 $0xFFFFE003, lr  }
0x1b: {  	s9 =	sadd.s32 $0xFFFFFEF7, lr;
	s5 =	simm.s32 $0xFFFFFFFF;
	p2 =	slt.u32 s8, $0xFFFFF086  }
0x1c: {  	p1 =	slt.u32 s9, $0xF7A;
	s5 =	simm.s32 @!p2 $0x0  }
0x1d: {  	s5 =	simm.s32 @p1 $0x1;
	p0 =	seq.s32 s7, s2  }
0x1e: {  	s7 =	smul.u32 @!p0 $0xF7A, s2;
	p2 =	seq.s32 @!p0 s5, $0x0  }
0x1f: {  	s9 =	smul.u32 $0xF7A, s1;
	s8 =	simm.s32 @!p0 $0x1BF5;
	p2 =	por !p2, p0  }
0x20: {  	[sflag:s8] =	ssyncset.s32 @!p0 $0xFFFFF086;
	s6 =	sadd.s32 @!p0 s3, s7;
	s7 =	simm.s32 @!p0 $0x108  }
0x21: {  	s3 =	sadd.s32 s3, s9;
	s6 =	sadd.s32 @!p0 $0x88, s6;
	s7 =	simm.s32 @p2 $0x1082  }
0x22: {  	[simem:s7], [sflag:s8] =	dma.local @!p0 [hbm:s6], $0xF7A  }
0x23: {  	s9 =	sor.u32 $0xD0000000, s2;
	s6 =	simm.s32 $0x108;
	_ =	swait.ge @!p0 [sflag:s8], $0x0  }
0x24: {  	s3 =	sadd.s32 $0x88, s3;
	s6 =	simm.s32 @!p1 $0x1082;
	[sflag:s4] =	ssyncset.s32 $0xFFFFF086  }
0x25: {  	[simem:s6], [sflag:s4] =	dma.local [hbm:s3], $0xF7A  }
0x26: {  	[smem:$0x3F9C] =	sst s1;
	(tag) =	ssettag s2;
	_ =	strace s9  }
0x27: {  	s1 =	sld [smem:$0x3FAC]  }
0x28: {  	s2 =	sld [smem:$0x3FAD]  }
0x29: {  	s4 =	sld [smem:$0x3FAF]  }
0x2a: {  	p0 =	seq.s32 s5, $0x0;
	s5 =	sld [smem:$0x3FB0]  }
0x2b: {  	s6 =	sld [smem:$0x3FB1]  }
0x2c: {  	s7 =	sld [smem:$0x3FB2]  }
0x2d: {  	s3 =	simm.s32 $0x108;
	s8 =	sld [smem:$0x3FB3]  }
0x2e: {  	s3 =	simm.s32 @!p0 $0x1082;
	s9 =	sld [smem:$0x3FB4]  }
0x2f: {  	lr =	sadd.s32 s0, s3;
	s0 =	sld [smem:$0x3FAB]  }
0x30: {  	s3 =	sld [smem:$0x3FAE]  }
0x31: {  	[smem:$0x3FB7] =	sst s10  }
0x32: {  	s10 =	sld [smem:$0x3FB5];
	_ =	sdelay $0x3  }
0x33: {  	p0 =	seq.s32 s10, $0x1;
	s10 =	sld [smem:$0x3FB7];
	_ =	sdelay $0x3  }
0x34: {  	[smem:$0x3FB7] =	sst s10  }
0x35: {  	s10 =	sld [smem:$0x3FB6];
	_ =	sdelay $0x3  }
0x36: {  	p1 =	seq.s32 s10, $0x1;
	s10 =	sld [smem:$0x3FB7];
	_ =	sdelay $0x3  }
0x37: {  	[smem:$0x3FB7] =	sst s10  }
0x38: {  	s10 =	sld [smem:$0x3FB8]  }
0x39: {  	_ = 	snop;
	(pc) =	sbr.ind lr, $3  }
0x3a: {  	_ = 	snop  }
0x3b: {  	_ = 	snop  }
0x3c: {  	p2 =	seq.s32 s10, $0x1;
	s10 =	sld [smem:$0x3FB7]  }
0x3d: {  	_ =	shalt  }
0x3e: {  	_ =	shalt  }
0x3f: {  	_ =	shalt  }
0x40: {  	_ =	shalt  }
0x41: {  	_ =	shalt  }
0x42: {  	_ =	shalt  }
0x43: {  	_ =	shalt  }
0x44: {  	_ =	shalt  }
0x45: {  	_ =	shalt  }
0x46: {  	_ =	shalt  }
0x47: {  	_ =	shalt  }
0x48: {  	_ =	shalt  }
0x49: {  	_ =	shalt  }
0x4a: {  	_ =	shalt  }
0x4b: {  	_ =	shalt  }
0x4c: {  	_ =	shalt  }
0x4d: {  	_ =	shalt  }
0x4e: {  	_ =	shalt  }
0x4f: {  	_ =	shalt  }
0x50: {  	_ =	shalt  }
0x51: {  	_ =	shalt  }
0x52: {  	_ =	shalt  }
0x53: {  	_ =	shalt  }
0x54: {  	_ =	shalt  }
0x55: {  	_ =	shalt  }
0x56: {  	_ =	shalt  }
0x57: {  	_ =	shalt  }
0x58: {  	_ =	shalt  }
0x59: {  	_ =	shalt  }
0x5a: {  	_ =	shalt  }
0x5b: {  	_ =	shalt  }
0x5c: {  	_ =	shalt  }
0x5d: {  	_ =	shalt  }
0x5e: {  	_ =	shalt  }
0x5f: {  	_ =	shalt  }
0x60: {  	_ =	shalt  }
0x61: {  	_ =	shalt  }
0x62: {  	_ =	shalt  }
0x63: {  	_ =	shalt  }
0x64: {  	_ =	shalt  }
0x65: {  	_ =	shalt  }
0x66: {  	_ =	shalt  }
0x67: {  	_ =	shalt  }
0x68: {  	_ =	shalt  }
0x69: {  	_ =	shalt  }
0x6a: {  	_ =	shalt  }
0x6b: {  	_ =	shalt  }
0x6c: {  	_ =	shalt  }
0x6d: {  	_ =	shalt  }
0x6e: {  	_ =	shalt  }
0x6f: {  	_ =	shalt  }
0x70: {  	_ =	shalt  }
0x71: {  	_ =	shalt  }
0x72: {  	_ =	shalt  }
0x73: {  	_ =	shalt  }
0x74: {  	_ =	shalt  }
0x75: {  	_ =	shalt  }
0x76: {  	_ =	shalt  }
0x77: {  	_ =	shalt  }
0x78: {  	_ =	shalt  }
0x79: {  	_ =	shalt  }
0x7a: {  	_ =	shalt  }
0x7b: {  	_ =	shalt  }
0x7c: {  	_ =	shalt  }
0x7d: {  	_ =	shalt  }
0x7e: {  	_ =	shalt  }
0x7f: {  	_ =	shalt  }
0x80: {  	_ =	shalt  }
0x81: {  	_ =	shalt  }
0x82: {  	_ =	shalt  }
0x83: {  	_ =	shalt  }
0x84: {  	_ =	shalt  }
0x85: {  	_ =	shalt  }
0x86: {  	_ =	shalt  }
0x87: {  	_ =	shalt  }
.Lfunc_end0:
.L_simem_size_0:
called_computation.1_lowered:
.L_overlay_start_0:
0x88: {  	s2 =	sld [smem:$0x3FD9]  }
0x89: {  	s3 =	sld [smem:$0x3FFE];
	_ =	sdelay $0x1  }
0x8a: {  	s1 =	srdreg.scid  }
0x8b: {  	s0 =	sand.u32 $0x1, s1  }
0x8c: {  	s17 =	sshll.u32 s0, $0xA;
	s2 =	sadd.s32 s3, s2  }
0x8d: {  	s2 =	sadd.s32 s2, s17  }
0x8e: {  	[smem:$0x3FC3] =	sst s2  }
0x8f: {  	_ = 	snop  }
0x90: {  	s2 =	sld [smem:$0x3FC6];
	(tm) =	ssettm $0x1  }
0x91: {  	s18 =	sld [smem:$0x3FFB];
	_ =	sdelay $0x3  }
0x92: {  	_ =	strace s18  }
0x93: {  	s3 =	sld [smem:$0x3FFC];
	_ =	sdelay $0x3  }
0x94: {  	_ =	strace s3  }
0x95: {  	s3 =	sld [smem:$0x3FFD];
	_ =	sdelay $0x3  }
0x96: {  	_ =	strace s3  }
0x97: {  	_ =	strace $0x8FFFFFFF  }
0x98: {  	s19 =	sld [smem:$0x3FDB];
	_ =	sdelay $0x1  }
0x99: {  	s4 =	simm.s32 $_scs_section_size  }
0x9a: {  	s5 =	simm.s32 $_size__tile_overlayer_lowered;
	s6 =	simm.s32 $_tile_overlayer_lowered  }
0x9b: {  	s22 =	simm.s32 $0x1BFF;
	s21 =	sshll.u32 s6, $0x1;
	s3 =	sadd.s32 s4, s19  }
0x9c: {  	s7 =	simm.s32 $0x0;
	s20 =	sshll.u32 s5, $0x1;
	s5 =	sadd.s32 s21, s3  }
0x9d: {  	[timem:s7], [sflag:s22] =	dma.local [hbm:s5], s20  }
0x9e: {  	_ =	swait.ge [sflag:s22], s20  }
0x9f: {  	s4 =	ssub.s32 $0x0, s20;
	[sflag:s22] =	ssyncset.done $0x0  }
0xa0: {  	[sflag:s22] =	ssyncadd.s32 s4;
	_ =	sdelay $0x1  }
0xa1: {  	s23 =	simm.s32 $0x1B8B  }
0xa2: {  	_ =	swait.ge [sflag:s23], $0x1  }
0xa3: {  	[sflag:s23] =	ssyncset.done $0x0  }
0xa4: {  	s25 =	simm.s32 $0x1B8E;
	s24 =	sld [smem:$0x3FFE];
	[sflag:s23] =	ssyncadd.s32 $0xFFFFFFFF  }
0xa5: {  	s26 =	simm.s32 $execute0_lowered;
	[smem:$0x3FD2] =	sst s25  }
0xa6: {  	s5 =	sshll.u32 s26, $0x1;
	_ =	strace $0x80000046;
	[dreg:$0x1] =	wrdreg $0xFFFFFFFF  }
0xa7: {  	s28 =	simm.s32 $_size_execute0_lowered;
	s3 =	sadd.s32 s3, s5;
	[dreg:$0x0] =	wrdreg $0x0  }
0xa8: {  	s5 =	sshll.u32 s28, $0x1;
	[dreg:$0x2] =	wrdreg s3  }
0xa9: {  	[dreg:$0x3] =	wrdreg s5  }
0xaa: {  	[dreg:$0x4] =	wrdreg $0xC0  }
0xab: {  	_ =	task [dreg:s7], $0x5FFFF  }
0xac: {  	[dreg:$0x1] =	wrdreg $0xFFFFFFFF  }
0xad: {  	[dreg:$0x0] =	wrdreg $0x60  }
0xae: {  	[dreg:$0x2] =	wrdreg s2  }
0xaf: {  	[dreg:$0x3] =	wrdreg s24  }
0xb0: {  	[dreg:$0x4] =	wrdreg $0xA  }
0xb1: {  	_ =	task.clear_ibuf [dreg:s7], $0x5FFFF;
	_ =	strace $0x90000046  }
0xb2: {  	s29 =	simm.s32 $0xA;
	_ =	strace $0x80000048  }
0xb3: {  	_ =	swait.ge [sflag:s29], $0x1  }
0xb4: {  	[sflag:s29] =	ssyncadd.s32 $0xFFFFFFFF  }
0xb5: {  	_ =	strace $0x90000048  }
0xb6: {  	_ =	sfence  }
0xb7: {  	s30 =	sld [smem:$0x0];
	_ =	sdelay $0x2  }
0xb8: {  	s31 =	sshll.u32 s1, $0xD;
	s1 =	sshrl.u32 s1, $0x2  }
0xb9: {  	s3 =	sand.u32 $0x4000, s31;
	s1 =	sadd.s32 s1, s30  }
0xba: {  	s0 =	sor.u32 s3, s0;
	s1 =	sshll.u32 s1, $0x11  }
0xbb: {  	s0 =	sor.u32 s1, s0  }
0xbc: {  	s0 =	sadd.s32 $0x8F2B, s0  }
0xbd: {  	[sflag:s0] =	ssyncadd.remote.s32 $0x1  }
0xbe: {  	_ =	sfence.sel $0xFFFF  }
0xbf: {  	[dreg:$0x0] =	wrdreg $0xFFFFFFFF;
	(pc) =	sbr.abs _section_cstart, $3  }
0xc0: {  	[dreg:$0x1] =	wrdreg $0xFFFFFFFF  }
0xc1: {  	_ =	task.clear_ibuf [dreg:s7], $0x2FFFF;
	_ =	strace $0x9FFFFFFF  }
0xc2: {  	(tm) =	ssettm $0x7FFFFFFF  }
0xc3: {  	_ =	shalt  }
tec
execute0_lowered:
.L_overlay_start_1:
0x0: {  	(tag) =	ssettag $0x1  }
0x1: {  	s2 =	rddreg [dreg:$0x0]  }
0x2: {  	s7 =	rddreg [dreg:$0x1]  }
0x3: {  	s0 =	rddreg [dreg:$0x2]  }
0x4: {  	s1 =	srdreg.scid;
	_ =	strace $0x80000047;
	s4 =	simm.s32 $0x1  }
0x5: {  	s9 =	simm.s32 $0x3;
	s11 =	simm.s32 $0x0;
	s5 =	sshll.u32 s1, $0x4  }
.Ltmp0:
0x6: {  	s1 =	stileid.u32;
	s5 =	sand.u32 $0x10, s5;
	(pc) =	sbr.rel .LBB2_1-.Ltmp0, $4  }
0x7: {  	p0 =	por $0x0, $0x0;
	s3 =	sadd.s32 $0x2000, s7;
	s6 =	sor.u32 s1, s5  }
0x8: {  	[sflag:s4] =	ssyncpa.u1 $0x0;
	s5 =	simm.s32 $0x2;
	s6 =	sshll.u32 s6, $0x9  }
0x9: {  	s7 =	sadd.s32 $0x2800, s7;
	[sflag:s5] =	ssyncpa.u1 $0x0;
	s8 =	sadd.s32 $0x200, s6  }
0xa: {  	vm0 =	vmmov $0xff;
	vm1 =	vcmask $0x3F20;
	[sflag:s9] =	ssyncpa.u1 $0x0;
	s10 =	smov.u32 s6;
	s9 =	simm.s32 $0x0  }
.LBB2_7:
0xb: {  	p1 =	slt.u32 s9, $0x2;
	s11 =	sadd.s32 $0x100, s10  }
0xc: {  	s13 =	smov.u32 s6;
	s9 =	sadd.s32 $0x1, s9;
	p2 =	slt.s32 s11, s8  }
0xd: {  	s13 =	smov.u32 @p2 s11;
	p2 =	sne.s32 s9, $0x4  }
.Ltmp1:
0xe: {  	_ = 	snop;
	(pc) =	sbr.rel @!p2 .LBB2_8-.Ltmp1, $4  }
0xf: {  	s12 =	simm.s32 @!p1 $0x3  }
0x10: {  	_ =	swait.ge @!p1 [sflag:s12], $0x8000  }
0x11: {  	p0 =	por !p0, !p0;
	[sflag:s12] =	ssyncset.done @!p1 $0x0  }
0x12: {  	s11 =	smov.u32 s10;
	s10 =	smov.u32 s13;
	[sflag:s12] =	ssyncadd.s32 @!p1 $0xFFFF8000  }
.LBB2_1:
0x13: {  	p1 =	sgt.u32 s9, $0x1  }
0x14: {  	s12 =	sshll.u32 @!p1 s9, $0x8;
	s13 =	sshrl.u32 @!p1 s10, $0x3  }
0x15: {  	s14 =	sand.u32 @!p1 $0x7, s10;
	s12 =	sxor.u32 @!p1 $0x100, s12;
	s13 =	sadd.s32 @!p1 s3, s13  }
0x16: {  	[tilespmem:s12], [sflag:$0x2] =	stream.linear.gather @!p1 [hbm4b:s13+s14], $0x100, $0x38;
	[tilespmem:$0x10200] =	vst v63  }
0x17: {  	p1 =	seq.s32 s9, $0x0  }
0x18: {  	p2 =	seq.s32 @!p1 s9, $0x3  }
0x19: {  	p1 =	por p1, p2  }
.Ltmp2:
0x1a: {  	_ = 	snop;
	(pc) =	sbr.rel @p1 .LBB2_7-.Ltmp2, $1  }
0x1b: {  	_ =	sdelay $0x3  }
0x1c: {  	s12 =	simm.s32 $0x1  }
0x1d: {  	_ =	swait.ge [sflag:s5], $0x100;
	s12 =	simm.s32 @!p0 $0x0  }
0x1e: {  	[sflag:s5] =	ssyncset.done $0x0;
	s14 =	sshll.u32 s12, $0x8  }
0x1f: {  	[sflag:s5] =	ssyncadd.s32 $0xFFFFFF00;
	s13 =	sadd.s32 $0x0, s14  }
0x20: {  	v0 =	vld.msk [tilespmem:s13+$0x0 ss:$0x1], $0xffff;
	_ =	sdelay $0x4  }
0x21: {  	vm2 =	vgt.s32 v0, $0x0  }
0x22: {  	v0 =	vnsel vm2, $0x0, v0  }
0x23: {  	v0 =	vmin.u32 v0, $0x1869F  }
0x24: {  	v0 =	vshll.u32 v0, $0x4;
	_ =	sdelay $0x2  }
0x25: {  	s12 =	sshll.u32 s12, $0xF  }
0x26: {  	s12 =	sor.u32 $0x200, s12  }
0x27: {  	[tilespmem:s12], [sflag:$0x1] =	stream.indirect_vreg.gather [hbm:s2], $0x80, v0, vm0, $0x38;
	[tilespmem:$0x10200] =	vst v63  }
0x28: {  	s15 =	sadd.s32 $0x10, s14;
	s13 =	sadd.s32 $0x400, s12  }
0x29: {  	[tilespmem:s13], [sflag:$0x1] =	stream.indirect_vreg.gather [hbm:s2], $0x80, v0, vm1, $0x38;
	[tilespmem:$0x10200] =	vst v63  }
0x2a: {  	s16 =	simm.s32 $0x80;
	v0 =	vld.msk [tilespmem:s15+$0x0 ss:$0x1], $0xffff;
	s15 =	smov.u32 s12  }
.LBB2_3:
0x2b: {  	p1 =	sne.s32 s16, $0x3C0;
	_ =	sdelay $0x4  }
0x2c: {  	vm2 =	vgt.s32 v0, $0x0  }
0x2d: {  	v0 =	vnsel vm2, $0x0, v0  }
0x2e: {  	v0 =	vmin.u32 v0, $0x1869F  }
0x2f: {  	v0 =	vshll.u32 v0, $0x4;
	_ =	sdelay $0x3  }
.Ltmp3:
0x30: {  	s17 =	sshra.s32 s16, $0x2;
	s15 =	sadd.s32 $0x800, s15;
	(pc) =	sbr.rel @p1 .LBB2_3-.Ltmp3, $4  }
0x31: {  	[tilespmem:s15], [sflag:$0x1] =	stream.indirect_vreg.gather [hbm:s2], $0x80, v0, vm0, $0x38;
	[tilespmem:$0x10200] =	vst v63  }
0x32: {  	s17 =	sadd.s32 s17, s14;
	s18 =	sadd.s32 $0x400, s15  }
0x33: {  	[tilespmem:s18], [sflag:$0x1] =	stream.indirect_vreg.gather [hbm:s2], $0x80, v0, vm1, $0x38;
	[tilespmem:$0x10200] =	vst v63  }
0x34: {  	s16 =	sadd.s32 $0x40, s16;
	v0 =	vld.msk [tilespmem:s17+$0x0 ss:$0x1], $0xffff  }
0x35: {  	_ =	sdelay $0x3  }
0x36: {  	vm2 =	vgt.s32 v0, $0x0  }
0x37: {  	v0 =	vnsel vm2, $0x0, v0  }
0x38: {  	v0 =	vmin.u32 v0, $0x1869F  }
0x39: {  	v0 =	vshll.u32 v0, $0x4;
	_ =	sdelay $0x3  }
0x3a: {  	s14 =	sadd.s32 $0x800, s15  }
0x3b: {  	[tilespmem:s14], [sflag:$0x1] =	stream.indirect_vreg.gather [hbm:s2], $0x80, v0, vm0, $0x38;
	[tilespmem:$0x10200] =	vst v63  }
0x3c: {  	s14 =	sadd.s32 $0x400, s14  }
0x3d: {  	[tilespmem:s14], [sflag:$0x1] =	stream.indirect_vreg.gather [hbm:s2], $0x80, v0, vm1, $0x38;
	[tilespmem:$0x10200] =	vst v63  }
0x3e: {  	s11 =	sshll.u32 s11, $0x4;
	_ =	swait.ge [sflag:s4], $0x8000  }
0x3f: {  	s11 =	sadd.s32 s11, s7;
	[sflag:s4] =	ssyncset.done $0x0  }
0x40: {  	s15 =	sadd.s32 $0x0, s11;
	s14 =	simm.s32 $0x80;
	[sflag:s4] =	ssyncadd.s32 $0xFFFF8000  }
.LBB2_5:
0x41: {  	[hbm:s15] =	stream.linear.scatter [tilespmem:s12], [sflag:$0x3], $0x400, $0x38;
	[tilespmem:$0x10200] =	vst v63  }
0x42: {  	s15 =	smov.u32 s14;
	s12 =	smov.u32 s13;
	p1 =	sne.s32 s14, $0xF80  }
.Ltmp4:
0x43: {  	s14 =	sadd.s32 $0x80, s14;
	(pc) =	sbr.rel @p1 .LBB2_5-.Ltmp4, $2  }
0x44: {  	_ =	sdelay $0x2  }
0x45: {  	s13 =	sadd.s32 $0x400, s13;
	s15 =	sadd.s32 s15, s11  }
.Ltmp5:
0x46: {  	(pc) =	sbr.rel .LBB2_7-.Ltmp5, $2  }
0x47: {  	_ =	sdelay $0x2  }
0x48: {  	[hbm:s15] =	stream.linear.scatter [tilespmem:s12], [sflag:$0x3], $0x400, $0x38;
	[tilespmem:$0x10200] =	vst v63  }
.LBB2_8:
0x49: {  	_ =	sfence.sel $0x180000  }
0x4a: {  	s2 =	simm.s32 $0x2;
	[bflag:$0x0] =	sbarrier.arrive $0xFFFF  }
0x4b: {  	s30 =	simm.s32 $0x3;
	[sflag:s2] =	ssyncpa.u1 $0x1  }
0x4c: {  	s31 =	simm.s32 $0x1;
	[sflag:s30] =	ssyncpa.u1 $0x1  }
0x4d: {  	[sflag:s31] =	ssyncpa.u1 $0x1  }
0x4e: {  	p0 =	sne.s32 s1, $0x0;
	_ =	strace $0x90000047  }
0x4f: {  	s0 =	sadd.s32 @!p0 $0x100000, s0;
	[bflag:$0x2] =	sbarrier.arrive $0xFFFF  }
0x50: {  	[sflag:s0] =	ssyncadd.tile.s32 @!p0 $0x1;
	_ =	shalt  }
.Lfunc_end2:
_tile_overlayer_lowered:
.L_overlay_start_2:
0x51: {  	(tag) =	ssettag $0x2  }
0x52: {  	s0 =	rddreg [dreg:$0x0];
	s2 =	stileid.u32  }
0x53: {  	s1 =	rddreg [dreg:$0x1];
	p0 =	sne.s32 s2, $0x0  }
0x54: {  	s3 =	rddreg [dreg:$0x2];
	[bflag:$0x3] =	sbarrier.arrive $0xFFFF;
	s2 =	simm.s32 @!p0 $0x1C01  }
0x55: {  	[timem:s3], [sflag:s2] =	dma.local @!p0 [hbm:s0], s1  }
0x56: {  	s0 =	simm.s32 @!p0 $0x1  }
0x57: {  	_ =	swait.ge @!p0 [sflag:s0], s1  }
0x58: {  	s1 =	ssub.s32 @!p0 $0x0, s1;
	[sflag:s0] =	ssyncset.done @!p0 $0x0  }
0x59: {  	[sflag:s0] =	ssyncadd.s32 @!p0 s1  }
0x5a: {  	[bflag:$0x3] =	sbarrier.arrive $0xFFFF  }
0x5b: {  	_ =	shalt  }

// kernel: gather_offload_async_start
scs
__scs_entry_jumppad:
0x0: {  	(pc) =	sbr.rel $0x88, $3  }
0x1: {  	(tag) =	ssettag $0x0;
	lr =	simm.s32 $0x1  }
0x2: {  	[smem:$0x3F9C] =	sst lr;
	_ =	strace $0xD0000000  }
0x3: {  	_ = 	snop  }
0x4: {  	_ = 	snop  }
0x5: {  	_ = 	snop  }
0x6: {  	_ = 	snop  }
0x7: {  	_ = 	snop  }
__scs_overlays_trampoline_lowered:
0x8: {  	[smem:$0x3FAB] =	sst s0  }
0x9: {  	[smem:$0x3FAC] =	sst s1  }
0xa: {  	[smem:$0x3FAD] =	sst s2  }
0xb: {  	[smem:$0x3FAE] =	sst s3  }
0xc: {  	[smem:$0x3FAF] =	sst s4  }
0xd: {  	[smem:$0x3FB0] =	sst s5  }
0xe: {  	[smem:$0x3FB1] =	sst s6  }
0xf: {  	[smem:$0x3FB2] =	sst s7  }
0x10: {  	[smem:$0x3FB3] =	sst s8  }
0x11: {  	[smem:$0x3FB4] =	sst s9;
	s0 =	simm.s32 @!p0 $0x0  }
0x12: {  	s1 =	sld [smem:$0x3F9A];
	s0 =	simm.s32 @p0 $0x1  }
0x13: {  	[smem:$0x3FB5] =	sst s0;
	s0 =	simm.s32 @!p1 $0x0  }
0x14: {  	s2 =	sld [smem:$0x3F99];
	s0 =	simm.s32 @p1 $0x1  }
0x15: {  	[smem:$0x3FB6] =	sst s0;
	s0 =	simm.s32 @!p2 $0x0  }
0x16: {  	s3 =	sld [smem:$0x3FDB];
	s0 =	simm.s32 @p2 $0x1  }
0x17: {  	s4 =	simm.s32 $0x1BF5;
	[smem:$0x3FB8] =	sst s0  }
0x18: {  	s0 =	sld [smem:$0x3F9B];
	_ =	swait.ge [sflag:s4], $0x0  }
0x19: {  	s7 =	sld [smem:$0x3F9C]  }
0x1a: {  	s8 =	sadd.s32 $0xFFFFE003, lr  }
0x1b: {  	s9 =	sadd.s32 $0xFFFFFEF7, lr;
	s5 =	simm.s32 $0xFFFFFFFF;
	p2 =	slt.u32 s8, $0xFFFFF086  }
0x1c: {  	p1 =	slt.u32 s9, $0xF7A;
	s5 =	simm.s32 @!p2 $0x0  }
0x1d: {  	s5 =	simm.s32 @p1 $0x1;
	p0 =	seq.s32 s7, s2  }
0x1e: {  	s7 =	smul.u32 @!p0 $0xF7A, s2;
	p2 =	seq.s32 @!p0 s5, $0x0  }
0x1f: {  	s9 =	smul.u32 $0xF7A, s1;
	s8 =	simm.s32 @!p0 $0x1BF5;
	p2 =	por !p2, p0  }
0x20: {  	[sflag:s8] =	ssyncset.s32 @!p0 $0xFFFFF086;
	s6 =	sadd.s32 @!p0 s3, s7;
	s7 =	simm.s32 @!p0 $0x108  }
0x21: {  	s3 =	sadd.s32 s3, s9;
	s6 =	sadd.s32 @!p0 $0x88, s6;
	s7 =	simm.s32 @p2 $0x1082  }
0x22: {  	[simem:s7], [sflag:s8] =	dma.local @!p0 [hbm:s6], $0xF7A  }
0x23: {  	s9 =	sor.u32 $0xD0000000, s2;
	s6 =	simm.s32 $0x108;
	_ =	swait.ge @!p0 [sflag:s8], $0x0  }
0x24: {  	s3 =	sadd.s32 $0x88, s3;
	s6 =	simm.s32 @!p1 $0x1082;
	[sflag:s4] =	ssyncset.s32 $0xFFFFF086  }
0x25: {  	[simem:s6], [sflag:s4] =	dma.local [hbm:s3], $0xF7A  }
0x26: {  	[smem:$0x3F9C] =	sst s1;
	(tag) =	ssettag s2;
	_ =	strace s9  }
0x27: {  	s1 =	sld [smem:$0x3FAC]  }
0x28: {  	s2 =	sld [smem:$0x3FAD]  }
0x29: {  	s4 =	sld [smem:$0x3FAF]  }
0x2a: {  	p0 =	seq.s32 s5, $0x0;
	s5 =	sld [smem:$0x3FB0]  }
0x2b: {  	s6 =	sld [smem:$0x3FB1]  }
0x2c: {  	s7 =	sld [smem:$0x3FB2]  }
0x2d: {  	s3 =	simm.s32 $0x108;
	s8 =	sld [smem:$0x3FB3]  }
0x2e: {  	s3 =	simm.s32 @!p0 $0x1082;
	s9 =	sld [smem:$0x3FB4]  }
0x2f: {  	lr =	sadd.s32 s0, s3;
	s0 =	sld [smem:$0x3FAB]  }
0x30: {  	s3 =	sld [smem:$0x3FAE]  }
0x31: {  	[smem:$0x3FB7] =	sst s10  }
0x32: {  	s10 =	sld [smem:$0x3FB5];
	_ =	sdelay $0x3  }
0x33: {  	p0 =	seq.s32 s10, $0x1;
	s10 =	sld [smem:$0x3FB7];
	_ =	sdelay $0x3  }
0x34: {  	[smem:$0x3FB7] =	sst s10  }
0x35: {  	s10 =	sld [smem:$0x3FB6];
	_ =	sdelay $0x3  }
0x36: {  	p1 =	seq.s32 s10, $0x1;
	s10 =	sld [smem:$0x3FB7];
	_ =	sdelay $0x3  }
0x37: {  	[smem:$0x3FB7] =	sst s10  }
0x38: {  	s10 =	sld [smem:$0x3FB8]  }
0x39: {  	_ = 	snop;
	(pc) =	sbr.ind lr, $3  }
0x3a: {  	_ = 	snop  }
0x3b: {  	_ = 	snop  }
0x3c: {  	p2 =	seq.s32 s10, $0x1;
	s10 =	sld [smem:$0x3FB7]  }
0x3d: {  	_ =	shalt  }
0x3e: {  	_ =	shalt  }
0x3f: {  	_ =	shalt  }
0x40: {  	_ =	shalt  }
0x41: {  	_ =	shalt  }
0x42: {  	_ =	shalt  }
0x43: {  	_ =	shalt  }
0x44: {  	_ =	shalt  }
0x45: {  	_ =	shalt  }
0x46: {  	_ =	shalt  }
0x47: {  	_ =	shalt  }
0x48: {  	_ =	shalt  }
0x49: {  	_ =	shalt  }
0x4a: {  	_ =	shalt  }
0x4b: {  	_ =	shalt  }
0x4c: {  	_ =	shalt  }
0x4d: {  	_ =	shalt  }
0x4e: {  	_ =	shalt  }
0x4f: {  	_ =	shalt  }
0x50: {  	_ =	shalt  }
0x51: {  	_ =	shalt  }
0x52: {  	_ =	shalt  }
0x53: {  	_ =	shalt  }
0x54: {  	_ =	shalt  }
0x55: {  	_ =	shalt  }
0x56: {  	_ =	shalt  }
0x57: {  	_ =	shalt  }
0x58: {  	_ =	shalt  }
0x59: {  	_ =	shalt  }
0x5a: {  	_ =	shalt  }
0x5b: {  	_ =	shalt  }
0x5c: {  	_ =	shalt  }
0x5d: {  	_ =	shalt  }
0x5e: {  	_ =	shalt  }
0x5f: {  	_ =	shalt  }
0x60: {  	_ =	shalt  }
0x61: {  	_ =	shalt  }
0x62: {  	_ =	shalt  }
0x63: {  	_ =	shalt  }
0x64: {  	_ =	shalt  }
0x65: {  	_ =	shalt  }
0x66: {  	_ =	shalt  }
0x67: {  	_ =	shalt  }
0x68: {  	_ =	shalt  }
0x69: {  	_ =	shalt  }
0x6a: {  	_ =	shalt  }
0x6b: {  	_ =	shalt  }
0x6c: {  	_ =	shalt  }
0x6d: {  	_ =	shalt  }
0x6e: {  	_ =	shalt  }
0x6f: {  	_ =	shalt  }
0x70: {  	_ =	shalt  }
0x71: {  	_ =	shalt  }
0x72: {  	_ =	shalt  }
0x73: {  	_ =	shalt  }
0x74: {  	_ =	shalt  }
0x75: {  	_ =	shalt  }
0x76: {  	_ =	shalt  }
0x77: {  	_ =	shalt  }
0x78: {  	_ =	shalt  }
0x79: {  	_ =	shalt  }
0x7a: {  	_ =	shalt  }
0x7b: {  	_ =	shalt  }
0x7c: {  	_ =	shalt  }
0x7d: {  	_ =	shalt  }
0x7e: {  	_ =	shalt  }
0x7f: {  	_ =	shalt  }
0x80: {  	_ =	shalt  }
0x81: {  	_ =	shalt  }
0x82: {  	_ =	shalt  }
0x83: {  	_ =	shalt  }
0x84: {  	_ =	shalt  }
0x85: {  	_ =	shalt  }
0x86: {  	_ =	shalt  }
0x87: {  	_ =	shalt  }
.Lfunc_end0:
.L_simem_size_0:
called_computation_lowered:
.L_overlay_start_0:
0x88: {  	s2 =	sld [smem:$0x3FD9]  }
0x89: {  	s3 =	sld [smem:$0x3FFE];
	_ =	sdelay $0x1  }
0x8a: {  	s1 =	srdreg.scid  }
0x8b: {  	s0 =	sand.u32 $0x1, s1  }
0x8c: {  	s17 =	sshll.u32 s0, $0xA;
	s2 =	sadd.s32 s3, s2  }
0x8d: {  	s2 =	sadd.s32 s2, s17  }
0x8e: {  	[smem:$0x3FC3] =	sst s2  }
0x8f: {  	_ = 	snop  }
0x90: {  	s18 =	sld [smem:$0x3FC7];
	(tm) =	ssettm $0x1  }
0x91: {  	s19 =	sld [smem:$0x3FFB];
	_ =	sdelay $0x3  }
0x92: {  	_ =	strace s19  }
0x93: {  	s2 =	sld [smem:$0x3FFC];
	_ =	sdelay $0x3  }
0x94: {  	_ =	strace s2  }
0x95: {  	s2 =	sld [smem:$0x3FFD];
	_ =	sdelay $0x3  }
0x96: {  	_ =	strace s2  }
0x97: {  	_ =	strace $0x8FFFFFFF  }
0x98: {  	s20 =	sld [smem:$0x3FDB];
	_ =	sdelay $0x1  }
0x99: {  	s4 =	simm.s32 $_scs_section_size  }
0x9a: {  	s5 =	simm.s32 $_size__tile_overlayer_lowered;
	s6 =	simm.s32 $_tile_overlayer_lowered  }
0x9b: {  	s7 =	simm.s32 $0x1BFF;
	s21 =	sshll.u32 s6, $0x1;
	s4 =	sadd.s32 s4, s20  }
0x9c: {  	s22 =	simm.s32 $0x0;
	s5 =	sshll.u32 s5, $0x1;
	s6 =	sadd.s32 s21, s4  }
0x9d: {  	[timem:s22], [sflag:s7] =	dma.local [hbm:s6], s5  }
0x9e: {  	_ =	swait.ge [sflag:s7], s5  }
0x9f: {  	s5 =	ssub.s32 $0x0, s5;
	[sflag:s7] =	ssyncset.done $0x0  }
0xa0: {  	[sflag:s7] =	ssyncadd.s32 s5;
	_ =	sdelay $0x1  }
0xa1: {  	s23 =	simm.s32 $0x1B8B  }
0xa2: {  	_ =	swait.ge [sflag:s23], $0x1  }
0xa3: {  	[sflag:s23] =	ssyncset.done $0x0  }
0xa4: {  	[sflag:s23] =	ssyncadd.s32 $0xFFFFFFFF  }
0xa5: {  	s5 =	sld [smem:$0x0]  }
0xa6: {  	s6 =	sand.u32 $0xFFFFFFFE, s1  }
0xa7: {  	p0 =	sne.s32 s1, s6  }
0xa8: {  	s6 =	sshll.u32 @p0 s6, $0xE  }
0xa9: {  	s6 =	sadd.s32 @p0 $0x11B8D, s6;
	s7 =	sshll.u32 @p0 s5, $0x11  }
0xaa: {  	s6 =	sor.u32 @p0 s7, s6  }
0xab: {  	[sflag:s6] =	ssyncadd.remote.s32 @p0 $0x1;
	_ =	sdelay $0x1  }
0xac: {  	s6 =	simm.s32 @p0 $0x1B8D  }
0xad: {  	_ =	swait.eq @p0 [sflag:s6], $0x1  }
0xae: {  	[sflag:s6] =	ssyncadd.s32 @p0 $0xFFFFFFFF  }
0xaf: {  	s7 =	sshll.u32 @!p0 s1, $0xE  }
0xb0: {  	s7 =	sor.u32 @!p0 $0x4000, s7;
	s6 =	simm.s32 @!p0 $0x1B8D  }
0xb1: {  	s5 =	sshll.u32 @!p0 s5, $0x11;
	s7 =	sadd.s32 @!p0 $0x11B8D, s7;
	_ =	swait.eq @!p0 [sflag:s6], $0x1  }
0xb2: {  	s5 =	sor.u32 @!p0 s5, s7;
	[sflag:s6] =	ssyncadd.s32 @!p0 $0xFFFFFFFF  }
0xb3: {  	s25 =	simm.s32 $0x1B8E;
	s24 =	sld [smem:$0x3FFE];
	[sflag:s5] =	ssyncadd.remote.s32 @!p0 $0x1  }
0xb4: {  	s26 =	simm.s32 $execute0_lowered;
	[smem:$0x3FD2] =	sst s25  }
0xb5: {  	s6 =	sshll.u32 s26, $0x1;
	_ =	strace $0x80000049;
	[dreg:$0x1] =	wrdreg $0xFFFFFFFF  }
0xb6: {  	s28 =	simm.s32 $_size_execute0_lowered;
	s4 =	sadd.s32 s4, s6;
	[dreg:$0x0] =	wrdreg $0x0  }
0xb7: {  	s6 =	sshll.u32 s28, $0x1;
	[dreg:$0x2] =	wrdreg s4  }
0xb8: {  	[dreg:$0x3] =	wrdreg s6  }
0xb9: {  	[dreg:$0x4] =	wrdreg $0xC0  }
0xba: {  	_ =	task [dreg:s22], $0x5FFFF  }
0xbb: {  	[dreg:$0x1] =	wrdreg $0xFFFFFFFF  }
0xbc: {  	[dreg:$0x0] =	wrdreg $0x60  }
0xbd: {  	[dreg:$0x2] =	wrdreg s18  }
0xbe: {  	[dreg:$0x3] =	wrdreg s24  }
0xbf: {  	[dreg:$0x4] =	wrdreg $0x9  }
0xc0: {  	_ =	task.clear_ibuf [dreg:s22], $0x5FFFF;
	_ =	strace $0x90000049  }
0xc1: {  	s29 =	simm.s32 $0x9;
	_ =	strace $0x8000004B  }
0xc2: {  	_ =	swait.ge [sflag:s29], $0x1  }
0xc3: {  	[sflag:s29] =	ssyncadd.s32 $0xFFFFFFFF  }
0xc4: {  	_ =	strace $0x9000004B  }
0xc5: {  	_ =	sfence  }
0xc6: {  	s30 =	sld [smem:$0x0];
	_ =	sdelay $0x2  }
0xc7: {  	s31 =	sshll.u32 s1, $0xD;
	s1 =	sshrl.u32 s1, $0x2  }
0xc8: {  	s4 =	sand.u32 $0x4000, s31;
	s1 =	sadd.s32 s1, s30  }
0xc9: {  	s0 =	sor.u32 s4, s0;
	s1 =	sshll.u32 s1, $0x11  }
0xca: {  	s0 =	sor.u32 s1, s0  }
0xcb: {  	s0 =	sadd.s32 $0x8F2B, s0  }
0xcc: {  	[sflag:s0] =	ssyncadd.remote.s32 $0x1  }
0xcd: {  	_ =	sfence.sel $0xFFFF  }
0xce: {  	[dreg:$0x0] =	wrdreg $0xFFFFFFFF;
	(pc) =	sbr.abs _section_cstart, $3  }
0xcf: {  	[dreg:$0x1] =	wrdreg $0xFFFFFFFF  }
0xd0: {  	_ =	task.clear_ibuf [dreg:s22], $0x2FFFF;
	_ =	strace $0x9FFFFFFF  }
0xd1: {  	(tm) =	ssettm $0x7FFFFFFF  }
tec
execute0_lowered:
.L_overlay_start_1:
0x0: {  	(tag) =	ssettag $0x1  }
0x1: {  	s2 =	rddreg [dreg:$0x0]  }
0x2: {  	s7 =	rddreg [dreg:$0x1]  }
0x3: {  	s0 =	rddreg [dreg:$0x2]  }
0x4: {  	s1 =	srdreg.scid;
	_ =	strace $0x8000004A;
	s4 =	simm.s32 $0x1  }
0x5: {  	s9 =	simm.s32 $0x3;
	s11 =	simm.s32 $0x0;
	s5 =	sshll.u32 s1, $0x4  }
.Ltmp0:
0x6: {  	s1 =	stileid.u32;
	s5 =	sand.u32 $0x10, s5;
	(pc) =	sbr.rel .LBB2_1-.Ltmp0, $4  }
0x7: {  	p0 =	por $0x0, $0x0;
	s3 =	sadd.s32 $0x2000, s7;
	s6 =	sor.u32 s1, s5  }
0x8: {  	[sflag:s4] =	ssyncpa.u1 $0x0;
	s5 =	simm.s32 $0x2;
	s6 =	sshll.u32 s6, $0x9  }
0x9: {  	s7 =	sadd.s32 $0x42800, s7;
	[sflag:s5] =	ssyncpa.u1 $0x0;
	s8 =	sadd.s32 $0x200, s6  }
0xa: {  	vm0 =	vmmov $0xff;
	vm1 =	vcmask $0x3F20;
	[sflag:s9] =	ssyncpa.u1 $0x0;
	s10 =	smov.u32 s6;
	s9 =	simm.s32 $0x0  }
.LBB2_7:
0xb: {  	p1 =	slt.u32 s9, $0x2;
	s11 =	sadd.s32 $0x100, s10  }
0xc: {  	s13 =	smov.u32 s6;
	s9 =	sadd.s32 $0x1, s9;
	p2 =	slt.s32 s11, s8  }
0xd: {  	s13 =	smov.u32 @p2 s11;
	p2 =	sne.s32 s9, $0x4  }
.Ltmp1:
0xe: {  	_ = 	snop;
	(pc) =	sbr.rel @!p2 .LBB2_8-.Ltmp1, $4  }
0xf: {  	s12 =	simm.s32 @!p1 $0x3  }
0x10: {  	_ =	swait.ge @!p1 [sflag:s12], $0x8000  }
0x11: {  	p0 =	por !p0, !p0;
	[sflag:s12] =	ssyncset.done @!p1 $0x0  }
0x12: {  	s11 =	smov.u32 s10;
	s10 =	smov.u32 s13;
	[sflag:s12] =	ssyncadd.s32 @!p1 $0xFFFF8000  }
.LBB2_1:
0x13: {  	p1 =	sgt.u32 s9, $0x1  }
0x14: {  	s12 =	sshll.u32 @!p1 s9, $0x8;
	s13 =	sshrl.u32 @!p1 s10, $0x3  }
0x15: {  	s14 =	sand.u32 @!p1 $0x7, s10;
	s12 =	sxor.u32 @!p1 $0x100, s12;
	s13 =	sadd.s32 @!p1 s3, s13  }
0x16: {  	[tilespmem:s12], [sflag:$0x2] =	stream.linear.gather @!p1 [hbm4b:s13+s14], $0x100, $0x38;
	[tilespmem:$0x10200] =	vst v63  }
0x17: {  	p1 =	seq.s32 s9, $0x0  }
0x18: {  	p2 =	seq.s32 @!p1 s9, $0x3  }
0x19: {  	p1 =	por p1, p2  }
.Ltmp2:
0x1a: {  	_ = 	snop;
	(pc) =	sbr.rel @p1 .LBB2_7-.Ltmp2, $1  }
0x1b: {  	_ =	sdelay $0x3  }
0x1c: {  	s12 =	simm.s32 $0x1  }
0x1d: {  	_ =	swait.ge [sflag:s5], $0x100;
	s12 =	simm.s32 @!p0 $0x0  }
0x1e: {  	[sflag:s5] =	ssyncset.done $0x0;
	s14 =	sshll.u32 s12, $0x8  }
0x1f: {  	[sflag:s5] =	ssyncadd.s32 $0xFFFFFF00;
	s13 =	sadd.s32 $0x0, s14  }
0x20: {  	v0 =	vld.msk [tilespmem:s13+$0x0 ss:$0x1], $0xffff;
	_ =	sdelay $0x4  }
0x21: {  	vm2 =	vgt.s32 v0, $0x0  }
0x22: {  	v0 =	vnsel vm2, $0x0, v0  }
0x23: {  	v0 =	vmin.u32 v0, $0x1869F  }
0x24: {  	v0 =	vshll.u32 v0, $0x4;
	_ =	sdelay $0x2  }
0x25: {  	s12 =	sshll.u32 s12, $0xF  }
0x26: {  	s12 =	sor.u32 $0x200, s12  }
0x27: {  	[tilespmem:s12], [sflag:$0x1] =	stream.indirect_vreg.gather [hbm:s2], $0x80, v0, vm0, $0x38;
	[tilespmem:$0x10200] =	vst v63  }
0x28: {  	s15 =	sadd.s32 $0x10, s14;
	s13 =	sadd.s32 $0x400, s12  }
0x29: {  	[tilespmem:s13], [sflag:$0x1] =	stream.indirect_vreg.gather [hbm:s2], $0x80, v0, vm1, $0x38;
	[tilespmem:$0x10200] =	vst v63  }
0x2a: {  	s16 =	simm.s32 $0x80;
	v0 =	vld.msk [tilespmem:s15+$0x0 ss:$0x1], $0xffff;
	s15 =	smov.u32 s12  }
.LBB2_3:
0x2b: {  	p1 =	sne.s32 s16, $0x3C0;
	_ =	sdelay $0x4  }
0x2c: {  	vm2 =	vgt.s32 v0, $0x0  }
0x2d: {  	v0 =	vnsel vm2, $0x0, v0  }
0x2e: {  	v0 =	vmin.u32 v0, $0x1869F  }
0x2f: {  	v0 =	vshll.u32 v0, $0x4;
	_ =	sdelay $0x3  }
.Ltmp3:
0x30: {  	s17 =	sshra.s32 s16, $0x2;
	s15 =	sadd.s32 $0x800, s15;
	(pc) =	sbr.rel @p1 .LBB2_3-.Ltmp3, $4  }
0x31: {  	[tilespmem:s15], [sflag:$0x1] =	stream.indirect_vreg.gather [hbm:s2], $0x80, v0, vm0, $0x38;
	[tilespmem:$0x10200] =	vst v63  }
0x32: {  	s17 =	sadd.s32 s17, s14;
	s18 =	sadd.s32 $0x400, s15  }
0x33: {  	[tilespmem:s18], [sflag:$0x1] =	stream.indirect_vreg.gather [hbm:s2], $0x80, v0, vm1, $0x38;
	[tilespmem:$0x10200] =	vst v63  }
0x34: {  	s16 =	sadd.s32 $0x40, s16;
	v0 =	vld.msk [tilespmem:s17+$0x0 ss:$0x1], $0xffff  }
0x35: {  	_ =	sdelay $0x3  }
0x36: {  	vm2 =	vgt.s32 v0, $0x0  }
0x37: {  	v0 =	vnsel vm2, $0x0, v0  }
0x38: {  	v0 =	vmin.u32 v0, $0x1869F  }
0x39: {  	v0 =	vshll.u32 v0, $0x4;
	_ =	sdelay $0x3  }
0x3a: {  	s14 =	sadd.s32 $0x800, s15  }
0x3b: {  	[tilespmem:s14], [sflag:$0x1] =	stream.indirect_vreg.gather [hbm:s2], $0x80, v0, vm0, $0x38;
	[tilespmem:$0x10200] =	vst v63  }
0x3c: {  	s14 =	sadd.s32 $0x400, s14  }
0x3d: {  	[tilespmem:s14], [sflag:$0x1] =	stream.indirect_vreg.gather [hbm:s2], $0x80, v0, vm1, $0x38;
	[tilespmem:$0x10200] =	vst v63  }
0x3e: {  	s11 =	sshll.u32 s11, $0x4;
	_ =	swait.ge [sflag:s4], $0x8000  }
0x3f: {  	s11 =	sadd.s32 s11, s7;
	[sflag:s4] =	ssyncset.done $0x0  }
0x40: {  	s15 =	sadd.s32 $0x0, s11;
	s14 =	simm.s32 $0x80;
	[sflag:s4] =	ssyncadd.s32 $0xFFFF8000  }
.LBB2_5:
0x41: {  	[hbm:s15] =	stream.linear.scatter [tilespmem:s12], [sflag:$0x3], $0x400, $0x38;
	[tilespmem:$0x10200] =	vst v63  }
0x42: {  	s15 =	smov.u32 s14;
	s12 =	smov.u32 s13;
	p1 =	sne.s32 s14, $0xF80  }
.Ltmp4:
0x43: {  	s14 =	sadd.s32 $0x80, s14;
	(pc) =	sbr.rel @p1 .LBB2_5-.Ltmp4, $2  }
0x44: {  	_ =	sdelay $0x2  }
0x45: {  	s13 =	sadd.s32 $0x400, s13;
	s15 =	sadd.s32 s15, s11  }
.Ltmp5:
0x46: {  	(pc) =	sbr.rel .LBB2_7-.Ltmp5, $2  }
0x47: {  	_ =	sdelay $0x2  }
0x48: {  	[hbm:s15] =	stream.linear.scatter [tilespmem:s12], [sflag:$0x3], $0x400, $0x38;
	[tilespmem:$0x10200] =	vst v63  }
.LBB2_8:
0x49: {  	_ =	sfence.sel $0x180000  }
0x4a: {  	s2 =	simm.s32 $0x2;
	[bflag:$0x0] =	sbarrier.arrive $0xFFFF  }
0x4b: {  	s30 =	simm.s32 $0x3;
	[sflag:s2] =	ssyncpa.u1 $0x1  }
0x4c: {  	s31 =	simm.s32 $0x1;
	[sflag:s30] =	ssyncpa.u1 $0x1  }
0x4d: {  	[sflag:s31] =	ssyncpa.u1 $0x1  }
0x4e: {  	p0 =	sne.s32 s1, $0x0;
	_ =	strace $0x9000004A  }
0x4f: {  	s0 =	sadd.s32 @!p0 $0x100000, s0;
	[bflag:$0x2] =	sbarrier.arrive $0xFFFF  }
0x50: {  	[sflag:s0] =	ssyncadd.tile.s32 @!p0 $0x1;
	_ =	shalt  }
.Lfunc_end2:
_tile_overlayer_lowered:
.L_overlay_start_2:
0x51: {  	(tag) =	ssettag $0x2  }
0x52: {  	s0 =	rddreg [dreg:$0x0];
	s2 =	stileid.u32  }
0x53: {  	s1 =	rddreg [dreg:$0x1];
	p0 =	sne.s32 s2, $0x0  }
0x54: {  	s3 =	rddreg [dreg:$0x2];
	[bflag:$0x3] =	sbarrier.arrive $0xFFFF;
	s2 =	simm.s32 @!p0 $0x1C01  }
0x55: {  	[timem:s3], [sflag:s2] =	dma.local @!p0 [hbm:s0], s1  }
0x56: {  	s0 =	simm.s32 @!p0 $0x1  }
0x57: {  	_ =	swait.ge @!p0 [sflag:s0], s1  }
0x58: {  	s1 =	ssub.s32 @!p0 $0x0, s1;
	[sflag:s0] =	ssyncset.done @!p0 $0x0  }
0x59: {  	[sflag:s0] =	ssyncadd.s32 @!p0 s1  }
0x5a: {  	[bflag:$0x3] =	sbarrier.arrive $0xFFFF  }
0x5b: {  	_ =	shalt  }

// kernel: kernel.5.cloned.1.call-start
scs
__scs_entry_jumppad:
0x0: {  	(pc) =	sbr.rel $0x88, $3  }
0x1: {  	(tag) =	ssettag $0x0;
	lr =	simm.s32 $0x1  }
0x2: {  	[smem:$0x3F9C] =	sst lr;
	_ =	strace $0xD0000000  }
0x3: {  	_ = 	snop  }
0x4: {  	_ = 	snop  }
0x5: {  	_ = 	snop  }
0x6: {  	_ = 	snop  }
0x7: {  	_ = 	snop  }
__scs_overlays_trampoline_lowered:
0x8: {  	[smem:$0x3FAB] =	sst s0  }
0x9: {  	[smem:$0x3FAC] =	sst s1  }
0xa: {  	[smem:$0x3FAD] =	sst s2  }
0xb: {  	[smem:$0x3FAE] =	sst s3  }
0xc: {  	[smem:$0x3FAF] =	sst s4  }
0xd: {  	[smem:$0x3FB0] =	sst s5  }
0xe: {  	[smem:$0x3FB1] =	sst s6  }
0xf: {  	[smem:$0x3FB2] =	sst s7  }
0x10: {  	[smem:$0x3FB3] =	sst s8  }
0x11: {  	[smem:$0x3FB4] =	sst s9;
	s0 =	simm.s32 @!p0 $0x0  }
0x12: {  	s1 =	sld [smem:$0x3F9A];
	s0 =	simm.s32 @p0 $0x1  }
0x13: {  	[smem:$0x3FB5] =	sst s0;
	s0 =	simm.s32 @!p1 $0x0  }
0x14: {  	s2 =	sld [smem:$0x3F99];
	s0 =	simm.s32 @p1 $0x1  }
0x15: {  	[smem:$0x3FB6] =	sst s0;
	s0 =	simm.s32 @!p2 $0x0  }
0x16: {  	s3 =	sld [smem:$0x3FDB];
	s0 =	simm.s32 @p2 $0x1  }
0x17: {  	s4 =	simm.s32 $0x1BF5;
	[smem:$0x3FB8] =	sst s0  }
0x18: {  	s0 =	sld [smem:$0x3F9B];
	_ =	swait.ge [sflag:s4], $0x0  }
0x19: {  	s7 =	sld [smem:$0x3F9C]  }
0x1a: {  	s8 =	sadd.s32 $0xFFFFE003, lr  }
0x1b: {  	s9 =	sadd.s32 $0xFFFFFEF7, lr;
	s5 =	simm.s32 $0xFFFFFFFF;
	p2 =	slt.u32 s8, $0xFFFFF086  }
0x1c: {  	p1 =	slt.u32 s9, $0xF7A;
	s5 =	simm.s32 @!p2 $0x0  }
0x1d: {  	s5 =	simm.s32 @p1 $0x1;
	p0 =	seq.s32 s7, s2  }
0x1e: {  	s7 =	smul.u32 @!p0 $0xF7A, s2;
	p2 =	seq.s32 @!p0 s5, $0x0  }
0x1f: {  	s9 =	smul.u32 $0xF7A, s1;
	s8 =	simm.s32 @!p0 $0x1BF5;
	p2 =	por !p2, p0  }
0x20: {  	[sflag:s8] =	ssyncset.s32 @!p0 $0xFFFFF086;
	s6 =	sadd.s32 @!p0 s3, s7;
	s7 =	simm.s32 @!p0 $0x108  }
0x21: {  	s3 =	sadd.s32 s3, s9;
	s6 =	sadd.s32 @!p0 $0x88, s6;
	s7 =	simm.s32 @p2 $0x1082  }
0x22: {  	[simem:s7], [sflag:s8] =	dma.local @!p0 [hbm:s6], $0xF7A  }
0x23: {  	s9 =	sor.u32 $0xD0000000, s2;
	s6 =	simm.s32 $0x108;
	_ =	swait.ge @!p0 [sflag:s8], $0x0  }
0x24: {  	s3 =	sadd.s32 $0x88, s3;
	s6 =	simm.s32 @!p1 $0x1082;
	[sflag:s4] =	ssyncset.s32 $0xFFFFF086  }
0x25: {  	[simem:s6], [sflag:s4] =	dma.local [hbm:s3], $0xF7A  }
0x26: {  	[smem:$0x3F9C] =	sst s1;
	(tag) =	ssettag s2;
	_ =	strace s9  }
0x27: {  	s1 =	sld [smem:$0x3FAC]  }
0x28: {  	s2 =	sld [smem:$0x3FAD]  }
0x29: {  	s4 =	sld [smem:$0x3FAF]  }
0x2a: {  	p0 =	seq.s32 s5, $0x0;
	s5 =	sld [smem:$0x3FB0]  }
0x2b: {  	s6 =	sld [smem:$0x3FB1]  }
0x2c: {  	s7 =	sld [smem:$0x3FB2]  }
0x2d: {  	s3 =	simm.s32 $0x108;
	s8 =	sld [smem:$0x3FB3]  }
0x2e: {  	s3 =	simm.s32 @!p0 $0x1082;
	s9 =	sld [smem:$0x3FB4]  }
0x2f: {  	lr =	sadd.s32 s0, s3;
	s0 =	sld [smem:$0x3FAB]  }
0x30: {  	s3 =	sld [smem:$0x3FAE]  }
0x31: {  	[smem:$0x3FB7] =	sst s10  }
0x32: {  	s10 =	sld [smem:$0x3FB5];
	_ =	sdelay $0x3  }
0x33: {  	p0 =	seq.s32 s10, $0x1;
	s10 =	sld [smem:$0x3FB7];
	_ =	sdelay $0x3  }
0x34: {  	[smem:$0x3FB7] =	sst s10  }
0x35: {  	s10 =	sld [smem:$0x3FB6];
	_ =	sdelay $0x3  }
0x36: {  	p1 =	seq.s32 s10, $0x1;
	s10 =	sld [smem:$0x3FB7];
	_ =	sdelay $0x3  }
0x37: {  	[smem:$0x3FB7] =	sst s10  }
0x38: {  	s10 =	sld [smem:$0x3FB8]  }
0x39: {  	_ = 	snop;
	(pc) =	sbr.ind lr, $3  }
0x3a: {  	_ = 	snop  }
0x3b: {  	_ = 	snop  }
0x3c: {  	p2 =	seq.s32 s10, $0x1;
	s10 =	sld [smem:$0x3FB7]  }
0x3d: {  	_ =	shalt  }
0x3e: {  	_ =	shalt  }
0x3f: {  	_ =	shalt  }
0x40: {  	_ =	shalt  }
0x41: {  	_ =	shalt  }
0x42: {  	_ =	shalt  }
0x43: {  	_ =	shalt  }
0x44: {  	_ =	shalt  }
0x45: {  	_ =	shalt  }
0x46: {  	_ =	shalt  }
0x47: {  	_ =	shalt  }
0x48: {  	_ =	shalt  }
0x49: {  	_ =	shalt  }
0x4a: {  	_ =	shalt  }
0x4b: {  	_ =	shalt  }
0x4c: {  	_ =	shalt  }
0x4d: {  	_ =	shalt  }
0x4e: {  	_ =	shalt  }
0x4f: {  	_ =	shalt  }
0x50: {  	_ =	shalt  }
0x51: {  	_ =	shalt  }
0x52: {  	_ =	shalt  }
0x53: {  	_ =	shalt  }
0x54: {  	_ =	shalt  }
0x55: {  	_ =	shalt  }
0x56: {  	_ =	shalt  }
0x57: {  	_ =	shalt  }
0x58: {  	_ =	shalt  }
0x59: {  	_ =	shalt  }
0x5a: {  	_ =	shalt  }
0x5b: {  	_ =	shalt  }
0x5c: {  	_ =	shalt  }
0x5d: {  	_ =	shalt  }
0x5e: {  	_ =	shalt  }
0x5f: {  	_ =	shalt  }
0x60: {  	_ =	shalt  }
0x61: {  	_ =	shalt  }
0x62: {  	_ =	shalt  }
0x63: {  	_ =	shalt  }
0x64: {  	_ =	shalt  }
0x65: {  	_ =	shalt  }
0x66: {  	_ =	shalt  }
0x67: {  	_ =	shalt  }
0x68: {  	_ =	shalt  }
0x69: {  	_ =	shalt  }
0x6a: {  	_ =	shalt  }
0x6b: {  	_ =	shalt  }
0x6c: {  	_ =	shalt  }
0x6d: {  	_ =	shalt  }
0x6e: {  	_ =	shalt  }
0x6f: {  	_ =	shalt  }
0x70: {  	_ =	shalt  }
0x71: {  	_ =	shalt  }
0x72: {  	_ =	shalt  }
0x73: {  	_ =	shalt  }
0x74: {  	_ =	shalt  }
0x75: {  	_ =	shalt  }
0x76: {  	_ =	shalt  }
0x77: {  	_ =	shalt  }
0x78: {  	_ =	shalt  }
0x79: {  	_ =	shalt  }
0x7a: {  	_ =	shalt  }
0x7b: {  	_ =	shalt  }
0x7c: {  	_ =	shalt  }
0x7d: {  	_ =	shalt  }
0x7e: {  	_ =	shalt  }
0x7f: {  	_ =	shalt  }
0x80: {  	_ =	shalt  }
0x81: {  	_ =	shalt  }
0x82: {  	_ =	shalt  }
0x83: {  	_ =	shalt  }
0x84: {  	_ =	shalt  }
0x85: {  	_ =	shalt  }
0x86: {  	_ =	shalt  }
0x87: {  	_ =	shalt  }
.Lfunc_end0:
.L_simem_size_0:
called_computation.2_lowered:
.L_overlay_start_0:
0x88: {  	s2 =	sld [smem:$0x3FD9]  }
0x89: {  	s3 =	sld [smem:$0x3FFE];
	_ =	sdelay $0x1  }
0x8a: {  	s1 =	srdreg.scid  }
0x8b: {  	s0 =	sand.u32 $0x1, s1  }
0x8c: {  	s15 =	sshll.u32 s0, $0xA;
	s2 =	sadd.s32 s3, s2  }
0x8d: {  	s2 =	sadd.s32 s2, s15  }
0x8e: {  	[smem:$0x3FC3] =	sst s2  }
0x8f: {  	_ = 	snop  }
0x90: {  	s4 =	sld [smem:$0x3FD0];
	_ =	sdelay $0x1  }
0x91: {  	s2 =	sld [smem:$0x3FC7]  }
0x92: {  	s5 =	simm.s32 $0xC;
	s6 =	simm.s32 $0x10;
	s16 =	sld [smem:$0x3FC5]  }
0x93: {  	[smem:s6], [sflag:s5] =	dma.local [hbm:s4], $0x1  }
0x94: {  	_ =	swait.eq [sflag:s5], $0x1  }
0x95: {  	[sflag:s5] =	ssyncset.done $0x0  }
0x96: {  	[sflag:s5] =	ssyncadd.s32 $0xFFFFFFFF  }
0x97: {  	s17 =	sld [smem:$0x11];
	(tm) =	ssettm $0x1  }
0x98: {  	s18 =	sld [smem:$0x3FFB];
	_ =	sdelay $0x3  }
0x99: {  	_ =	strace s18  }
0x9a: {  	s4 =	sld [smem:$0x3FFC];
	_ =	sdelay $0x3  }
0x9b: {  	_ =	strace s4  }
0x9c: {  	s4 =	sld [smem:$0x3FFD];
	_ =	sdelay $0x3  }
0x9d: {  	_ =	strace s4  }
0x9e: {  	_ =	strace $0x8FFFFFFF  }
0x9f: {  	s19 =	sld [smem:$0x3FDB];
	_ =	sdelay $0x1  }
0xa0: {  	s20 =	simm.s32 $_scs_section_size  }
0xa1: {  	s7 =	simm.s32 $_size__tile_overlayer_lowered;
	s8 =	simm.s32 $_tile_overlayer_lowered  }
0xa2: {  	s9 =	simm.s32 $0x1BFF;
	s21 =	sshll.u32 s8, $0x1;
	s6 =	sadd.s32 s20, s19  }
0xa3: {  	s22 =	simm.s32 $0x0;
	s7 =	sshll.u32 s7, $0x1;
	s8 =	sadd.s32 s21, s6  }
0xa4: {  	[timem:s22], [sflag:s9] =	dma.local [hbm:s8], s7  }
0xa5: {  	_ =	swait.ge [sflag:s9], s7  }
0xa6: {  	s7 =	ssub.s32 $0x0, s7;
	[sflag:s9] =	ssyncset.done $0x0  }
0xa7: {  	[sflag:s9] =	ssyncadd.s32 s7;
	_ =	sdelay $0x1  }
0xa8: {  	s23 =	simm.s32 $0x1B8B  }
0xa9: {  	_ =	swait.ge [sflag:s23], $0x1  }
0xaa: {  	[sflag:s23] =	ssyncset.done $0x0  }
0xab: {  	[sflag:s23] =	ssyncadd.s32 $0xFFFFFFFF  }
0xac: {  	s7 =	sld [smem:$0x0]  }
0xad: {  	s8 =	sand.u32 $0xFFFFFFFE, s1  }
0xae: {  	p0 =	sne.s32 s1, s8  }
0xaf: {  	s8 =	sshll.u32 @p0 s8, $0xE  }
0xb0: {  	s8 =	sadd.s32 @p0 $0x11B8D, s8;
	s9 =	sshll.u32 @p0 s7, $0x11  }
0xb1: {  	s8 =	sor.u32 @p0 s9, s8  }
0xb2: {  	[sflag:s8] =	ssyncadd.remote.s32 @p0 $0x1;
	_ =	sdelay $0x1  }
0xb3: {  	s8 =	simm.s32 @p0 $0x1B8D  }
0xb4: {  	_ =	swait.eq @p0 [sflag:s8], $0x1  }
0xb5: {  	[sflag:s8] =	ssyncadd.s32 @p0 $0xFFFFFFFF  }
0xb6: {  	s9 =	sshll.u32 @!p0 s1, $0xE  }
0xb7: {  	s9 =	sor.u32 @!p0 $0x4000, s9;
	s8 =	simm.s32 @!p0 $0x1B8D  }
0xb8: {  	s7 =	sshll.u32 @!p0 s7, $0x11;
	s9 =	sadd.s32 @!p0 $0x11B8D, s9;
	_ =	swait.eq @!p0 [sflag:s8], $0x1  }
0xb9: {  	s7 =	sor.u32 @!p0 s7, s9;
	[sflag:s8] =	ssyncadd.s32 @!p0 $0xFFFFFFFF  }
0xba: {  	s25 =	simm.s32 $0x1B8E;
	s24 =	sld [smem:$0x3FFE];
	[sflag:s7] =	ssyncadd.remote.s32 @!p0 $0x1  }
0xbb: {  	s26 =	simm.s32 $execute0_lowered;
	[smem:$0x3FD2] =	sst s25  }
0xbc: {  	s8 =	sshll.u32 s26, $0x1;
	_ =	strace $0x8000004C;
	[dreg:$0x1] =	wrdreg $0xFFFFFFFF  }
0xbd: {  	s28 =	simm.s32 $_size_execute0_lowered;
	s6 =	sadd.s32 s6, s8;
	[dreg:$0x0] =	wrdreg $0x0  }
0xbe: {  	s8 =	sshll.u32 s28, $0x1;
	[dreg:$0x2] =	wrdreg s6  }
0xbf: {  	[dreg:$0x3] =	wrdreg s8  }
0xc0: {  	[dreg:$0x4] =	wrdreg $0xC0  }
0xc1: {  	_ =	task [dreg:s22], $0x5FFFF  }
0xc2: {  	[dreg:$0x1] =	wrdreg $0xFFFFFFFF  }
0xc3: {  	[dreg:$0x0] =	wrdreg $0x60  }
0xc4: {  	[dreg:$0x2] =	wrdreg s2  }
0xc5: {  	[dreg:$0x3] =	wrdreg s16  }
0xc6: {  	[dreg:$0x4] =	wrdreg s17  }
0xc7: {  	[dreg:$0x5] =	wrdreg s24  }
0xc8: {  	[dreg:$0x6] =	wrdreg $0xB  }
0xc9: {  	_ =	task.clear_ibuf [dreg:s22], $0x7FFFF;
	_ =	strace $0x9000004C  }
0xca: {  	s29 =	simm.s32 $0xB;
	_ =	strace $0x8000004E  }
0xcb: {  	_ =	swait.ge [sflag:s29], $0x1  }
0xcc: {  	[sflag:s29] =	ssyncadd.s32 $0xFFFFFFFF  }
0xcd: {  	_ =	strace $0x9000004E  }
0xce: {  	_ =	sfence  }
0xcf: {  	s30 =	sld [smem:$0x0];
	_ =	sdelay $0x2  }
0xd0: {  	s31 =	sshll.u32 s1, $0xD;
	s1 =	sshrl.u32 s1, $0x2  }
0xd1: {  	s3 =	sand.u32 $0x4000, s31;
	s1 =	sadd.s32 s1, s30  }
0xd2: {  	s0 =	sor.u32 s3, s0;
	s1 =	sshll.u32 s1, $0x11  }
0xd3: {  	s0 =	sor.u32 s1, s0  }
0xd4: {  	s0 =	sadd.s32 $0x8F2B, s0  }
0xd5: {  	[sflag:s0] =	ssyncadd.remote.s32 $0x1  }
0xd6: {  	_ =	sfence.sel $0xFFFF  }
0xd7: {  	[dreg:$0x0] =	wrdreg $0xFFFFFFFF;
	(pc) =	sbr.abs _section_cstart, $3  }
0xd8: {  	[dreg:$0x1] =	wrdreg $0xFFFFFFFF  }
0xd9: {  	_ =	task.clear_ibuf [dreg:s22], $0x2FFFF;
	_ =	strace $0x9FFFFFFF  }
0xda: {  	(tm) =	ssettm $0x7FFFFFFF  }
0xdb: {  	_ =	shalt  }
tec
execute0_lowered:
.L_overlay_start_1:
0x0: {  	(tag) =	ssettag $0x1  }
0x1: {  	v1 =	vimm.s32 $0x87654321  }
0x2: {  	v4 =	vimm.s32 $0x98765432;
	v5 =	vimm.s32 $0xFFFEDCBA;
	vm9 =	vcmask $0x1F00  }
0x3: {  	vm4 =	vcmask $0x2F20;
	v7 =	vimm.s32 $0xF0E0D0C;
	v8 =	vimm.s32 $0xCBA98765  }
0x4: {  	v9 =	vimm.s32 $0xF0F0E0D;
	v10 =	vimm.s32 $0xFEDCBA98;
	vm3 =	vcmask $0x3F30  }
0x5: {  	vm5 =	vcmask $0x2320;
	vm6 =	vcmask $0x3F24;
	vm7 =	vcmask $0x3F20  }
0x6: {  	vm8 =	vcmask $0x3F1C;
	vm12 =	vcmask $0xF00;
	vm10 =	vcmask $0x3F14  }
0x7: {  	vm11 =	vcmask $0x3F10;
	vm13 =	vcmask $0x300;
	v15 =	vimm.s32 $0xF  }
0x8: {  	vm14 =	vcmask $0x3F04;
	v18 =	vimm.s32 $0x0;
	v2 =	vunpack.c.l.s4.s8 v1  }
0x9: {  	v1 =	vimm.s32 $0xFFEDCBA9;
	v4 =	vunpack.c.l.s4.s8 v4;
	v5 =	vunpack.c.l.s4.s8 v5  }
0xa: {  	v14 =	vunpack.c.0.s8.s32 v7;
	v7 =	vunpack.c.l.s4.s8 v8;
	v8 =	vimm.s32 $0xDCBA9876  }
0xb: {  	s2 =	rddreg [dreg:$0x0];
	v16 =	vunpack.c.0.s8.s32 v9;
	v9 =	vimm.s32 $0xEDCBA987;
	v10 =	vunpack.c.l.s4.s8 v10  }
0xc: {  	s3 =	rddreg [dreg:$0x1];
	v17 =	vsel vm13, $0xE, v15;
	vm13 =	vcmask $0x3F08;
	v3 =	vunpack.c.l.s4.s8 v1  }
0xd: {  	s0 =	srdreg.scid;
	s4 =	rddreg [dreg:$0x2];
	v1 =	vimm.s32 $0xFFFFFFFF;
	v8 =	vunpack.c.l.s4.s8 v8;
	v9 =	vunpack.c.l.s4.s8 v9  }
0xe: {  	s29 =	stileid.u32;
	s8 =	rddreg [dreg:$0x3];
	s6 =	simm.s32 $0x0;
	v6 =	vunpack.c.0.s8.s32 v2;
	v2 =	vimm.s32 $0xA9876543;
	v4 =	vunpack.c.0.s8.s32 v4  }
0xf: {  	s12 =	simm.s32 $0xD700;
	s13 =	simm.s32 $0x4100;
	s14 =	simm.s32 $0x2;
	v12 =	vunpack.c.0.s8.s32 v5;
	v7 =	vunpack.c.0.s8.s32 v7;
	v10 =	vunpack.c.0.s8.s32 v10  }
0x10: {  	s15 =	simm.s32 $0x3;
	s16 =	simm.s32 $0x4;
	s17 =	simm.s32 $0x4D80;
	v11 =	vunpack.c.0.s8.s32 v3;
	v5 =	vunpack.c.l.s4.s8 v2;
	v2 =	vlaneseq.u32  }
0x11: {  	s18 =	simm.s32 $0x5A00;
	s19 =	simm.s32 $0x80;
	s5 =	sand.u32 $0x1, s0;
	v8 =	vunpack.c.0.s8.s32 v8;
	v9 =	vunpack.c.0.s8.s32 v9;
	v4 =	vcombine.low v4, v12  }
0x12: {  	s20 =	simm.s32 $0x400;
	s21 =	simm.s32 $0x6680;
	s1 =	sshll.u32 s5, $0x4;
	v7 =	vnsel vm9, $0xF, v7;
	v10 =	vnsel vm9, $0xF, v10;
	v12 =	vnsel vm9, $0xF, v12  }
0x13: {  	s22 =	simm.s32 $0x6700;
	s23 =	simm.s32 $0x1;
	s7 =	sor.u32 s29, s1;
	v19 =	vor.u32 $0x10, v2;
	v3 =	vcombine.low v6, v11;
	v6 =	vimm.s32 $0xE0D0C0B  }
0x14: {  	s24 =	simm.s32 $0x0;
	s1 =	smul.u32 $0xC40, s7;
	s7 =	sshrl.u32 s7, $0x3;
	v20 =	vor.u32 $0x20, v2;
	v13 =	vunpack.c.0.s8.s32 v6;
	v6 =	vimm.s32 $0xBA987654  }
0x15: {  	[smem:$0x7FF] =	sst s6;
	s9 =	sshll.u32 s29, $0x7;
	s10 =	smul.u32 $0x6400, s7;
	v21 =	vor.u32 $0x30, v2;
	v5 =	vunpack.c.0.s8.s32 v5;
	v6 =	vunpack.c.l.s4.s8 v6  }
0x16: {  	_ =	strace $0x8000004D;
	s9 =	sand.u32 $0x380, s9;
	s5 =	ssub.s32 $0x2, s5;
	v7 =	vsel vm4, v16, v7;
	v8 =	vnsel vm9, $0xF, v8;
	v9 =	vnsel vm9, $0xF, v9  }
0x17: {  	s7 =	sshll.u32 s7, $0xA;
	s1 =	smin.u32 s1, $0x17A60;
	v11 =	vnsel vm9, $0xF, v11;
	v16 =	vnsel vm12, $0xF, v16;
	s10 =	sor.u32 s9, s10;
	v6 =	vunpack.c.0.s8.s32 v6  }
0x18: {  	s31 =	sshrl.u32 s5, $0x1;
	s7 =	sor.u32 s9, s7;
	v0 =	vmov s1;
	v8 =	vsel vm5, $0xE, v8;
	v5 =	vnsel vm9, $0xF, v5;
	s30 =	sshrl.u32 s10, $0x3  }
0x19: {  	s5 =	ssub.s32 s5, s31;
	vm5 =	vcmask $0x3F28;
	s7 =	sshrl.u32 s7, $0x3;
	v5 =	vsel vm4, v13, v5;
	s9 =	sadd.s32 s30, s8;
	v6 =	vnsel vm9, $0xF, v6  }
0x1a: {  	s11 =	sadd.s32 s7, s8;
	s10 =	smax.u32 s5, $0x1;
	v13 =	vnsel vm12, $0xF, v13;
	s7 =	sadd.s32 $0x82800, s9;
	vm9 =	vcmask $0x3F18;
	v6 =	vsel vm4, v14, v6  }
0x1b: {  	s8 =	sadd.s32 $0x85A00, s9;
	s9 =	sadd.s32 $0x88C00, s11;
	s11 =	simm.s32 $0x5;
	vm4 =	vcmask $0x3F2C;
	v14 =	vnsel vm12, $0xF, v14;
	vm12 =	vcmask $0x3F0C  }
.LBB2_1:
0x1c: {  	[tilespmem:s6], [sflag:$0x5] =	stream.linear.gather [hbm4b:s3+s6], $0x4000, $0x38;
	[tilespmem:$0x14700] =	vst v63  }
0x1d: {  	_ =	swait.ge [sflag:s11], $0x4000  }
0x1e: {  	[sflag:s11] =	ssyncset.done $0x0  }
0x1f: {  	[sflag:s11] =	ssyncadd.s32 $0xFFFFC000  }
0x20: {  	[tilespmem:$0x4000] =	vst v1  }
0x21: {  	[tilespmem:$0x4010] =	vst v1  }
0x22: {  	[tilespmem:$0x4020] =	vst v1  }
0x23: {  	[tilespmem:$0x4030] =	vst v1  }
0x24: {  	[tilespmem:$0x4040] =	vst v1  }
0x25: {  	[tilespmem:$0x4050] =	vst v1  }
0x26: {  	[tilespmem:$0x4060] =	vst v1  }
0x27: {  	[tilespmem:$0x4070] =	vst v1  }
0x28: {  	[tilespmem:$0x4080] =	vst v1  }
0x29: {  	[tilespmem:$0x4090] =	vst v1  }
0x2a: {  	[tilespmem:$0x40A0] =	vst v1  }
0x2b: {  	s5 =	simm.s32 $0x0;
	[tilespmem:$0x40B0] =	vst v1  }
.LBB2_2:
0x2c: {  	p0 =	sne.s32 s5, $0x30C0  }
.Ltmp0:
0x2d: {  	_ = 	snop;
	(pc) =	sbr.rel @p0 .LBB2_2-.Ltmp0, $3  }
0x2e: {  	_ =	sdelay $0x1  }
0x2f: {  	s25 =	sshra.s32 s5, $0x2  }
0x30: {  	s5 =	sadd.s32 $0x40, s5;
	[tilespmem:s25+$0x4100] =	vst v1  }
.Ltmp1:
0x31: {  	(pc) =	sbr.rel .LBB2_4-.Ltmp1, $2  }
0x32: {  	_ =	sdelay $0x2  }
0x33: {  	s5 =	simm.s32 $0x0;
	s26 =	simm.s32 $0x0;
	s28 =	simm.s32 $0x0  }
.LBB2_14:
0x34: {  	_ =	swait.ge [sflag:s14], $0x7000  }
0x35: {  	[sflag:s14] =	ssyncset.done $0x0  }
0x36: {  	s0 =	sadd.s32 s4, s29;
	[sflag:s14] =	ssyncadd.s32 $0xFFFF9000  }
0x37: {  	[hbm4b:s0+s6] =	stream.linear.scatter [tilespmem:s12], [sflag:$0x4], $0x7000, $0x38;
	[tilespmem:$0x14700] =	vst v63  }
.LBB2_15:
0x38: {  	s28 =	sadd.s32 $0x1, s28  }
0x39: {  	p0 =	sne.s32 s28, $0xE  }
.Ltmp2:
0x3a: {  	_ = 	snop;
	(pc) =	sbr.rel @!p0 .LBB2_16-.Ltmp2, $2  }
0x3b: {  	_ =	sdelay $0x2  }
0x3c: {  	s26 =	sadd.s32 $0x4A0, s26;
	s5 =	sadd.s32 $0x4A0, s5  }
.LBB2_4:
0x3d: {  	s29 =	sand.u32 $0x1, s28  }
0x3e: {  	p0 =	seq.s32 s29, $0x1  }
.Ltmp3:
0x3f: {  	_ = 	snop;
	(pc) =	sbr.rel @p0 .LBB2_10-.Ltmp3, $1  }
0x40: {  	_ =	sdelay $0x3  }
0x41: {  	p0 =	slt.u32 s28, $0x2;
	s25 =	smul.u32 $0xE0, s28  }
0x42: {  	s31 =	simm.s32 @!p0 $0x3  }
.Ltmp4:
0x43: {  	_ =	swait.ge @!p0 [sflag:s31], $0x7000;
	s25 =	sadd.s32 s1, s25;
	(pc) =	sbr.rel .LBB2_6-.Ltmp4, $4  }
0x44: {  	[sflag:s31] =	ssyncset.done @!p0 $0x0;
	s30 =	sshll.u32 s25, $0x4  }
0x45: {  	[sflag:s31] =	ssyncadd.s32 @!p0 $0xFFFF9000;
	s25 =	sadd.s32 s2, s30;
	s31 =	simm.s32 $0x0  }
0x46: {  	[tilespmem:s22], [sflag:$0x1] =	stream.linear.gather [hbm4b:s25+s31], $0x7000, $0x38;
	[tilespmem:$0x14700] =	vst v63  }
0x47: {  	v22 =	vmov s26;
	s25 =	smov.u32 s5  }
.LBB2_8:
0x48: {  	s31 =	sadd.s32 $0x40, s31  }
0x49: {  	p0 =	sne.s32 s31, $0x1280  }
.Ltmp5:
0x4a: {  	_ = 	snop;
	(pc) =	sbr.rel @!p0 .LBB2_9-.Ltmp5, $2  }
0x4b: {  	_ =	sdelay $0x2  }
0x4c: {  	s25 =	sadd.s32 $0x10, s25  }
.LBB2_6:
0x4d: {  	_ =	sdelay $0x2  }
0x4e: {  	s0 =	sshra.s32 s31, $0x2  }
0x4f: {  	v23 =	vld.idx.msk [tilespmem:v22+s0+$0x0 ss:$0x1], $0xffff;
	_ =	sdelay $0x4  }
0x50: {  	v23 =	vsub.s32 v23, v0  }
0x51: {  	vm15 =	vlt.u32 v23, $0xC40;
	_ =	sdelay $0x4  }
0x52: {  	v24 =	vor.u32 s25, v2  }
0x53: {  	[tilespmem:v23+s13+$0x0] =	vst.idx.msk vm15, v24  }
0x54: {  	v25 =	vld.idx.msk [tilespmem:v23+s13+$0x0], vm15;
	_ =	sdelay $0x4  }
0x55: {  	vm0 =	vne.s32 v25, v24  }
0x56: {  	vm0 =	vmand vm15, vm0  }
0x57: {  	v25 =	vmpcnt.ones.xlane vm0;
	_ =	sdelay $0x1  }
0x58: {  	(v2sf) =	vpush v25, $0x0;
	_ =	sdelay $0xe  }
0x59: {  	s0 =	spop (v2sf)  }
0x5a: {  	p0 =	slt.s32 s0, $0x1  }
.Ltmp6:
0x5b: {  	_ = 	snop;
	(pc) =	sbr.rel @p0 .LBB2_8-.Ltmp6, $1  }
0x5c: {  	_ =	sdelay $0x3  }
0x5d: {  	v25 =	vperm.xlane v23, v3  }
0x5e: {  	v26 =	vperm.xlane v23, v4  }
0x5f: {  	v51 =	vperm.xlane v23, v5;
	vm1 =	vcmask $0x3F3C;
	vm0 =	vne.s32 v25, v23  }
0x60: {  	vm2 =	vcmask $0x3F38;
	vm0 =	vmor vm0, vm1;
	vm1 =	vne.s32 v26, v23  }
0x61: {  	v52 =	vperm.xlane v23, v6;
	vm1 =	vmor vm1, vm2  }
0x62: {  	vm2 =	vne.s32 v51, v23;
	vm0 =	vmand vm0, vm1;
	vm1 =	vcmask $0x3F34  }
0x63: {  	v53 =	vperm.xlane v23, v7;
	vm1 =	vmor vm2, vm1  }
0x64: {  	vm0 =	vmand vm0, vm1;
	vm1 =	vne.s32 v52, v23  }
0x65: {  	v54 =	vperm.xlane v23, v8;
	vm2 =	vne.s32 v53, v23;
	vm1 =	vmor vm1, vm3  }
0x66: {  	v55 =	vperm.xlane v23, v9;
	vm0 =	vmand vm0, vm1;
	vm1 =	vmor vm2, vm4  }
0x67: {  	vm0 =	vmand vm0, vm1;
	vm1 =	vne.s32 v54, v23  }
0x68: {  	v56 =	vperm.xlane v23, v10;
	vm2 =	vne.s32 v55, v23;
	vm1 =	vmor vm1, vm5  }
0x69: {  	v57 =	vperm.xlane v23, v11;
	vm0 =	vmand vm0, vm1;
	vm1 =	vmor vm2, vm6  }
0x6a: {  	vm0 =	vmand vm0, vm1;
	vm1 =	vne.s32 v56, v23  }
0x6b: {  	v58 =	vperm.xlane v23, v12;
	vm2 =	vne.s32 v57, v23;
	vm1 =	vmor vm1, vm7  }
0x6c: {  	v59 =	vperm.xlane v23, v13;
	vm0 =	vmand vm0, vm1;
	vm1 =	vmor vm2, vm8  }
0x6d: {  	vm0 =	vmand vm0, vm1;
	vm1 =	vne.s32 v58, v23  }
0x6e: {  	v60 =	vperm.xlane v23, v14;
	vm2 =	vne.s32 v59, v23;
	vm1 =	vmor vm1, vm9  }
0x6f: {  	v61 =	vperm.xlane v23, v16;
	vm0 =	vmand vm0, vm1;
	vm1 =	vmor vm2, vm10  }
0x70: {  	v62 =	vperm.xlane v23, v17;
	vm0 =	vmand vm0, vm1;
	vm1 =	vne.s32 v60, v23  }
0x71: {  	v63 =	vperm.xlane v23, v15;
	vm2 =	vne.s32 v61, v23;
	vm1 =	vmor vm1, vm11  }
0x72: {  	vm2 =	vmor vm2, vm12;
	vm0 =	vmand vm0, vm1;
	vm1 =	vne.s32 v62, v23  }
0x73: {  	vm0 =	vmand vm0, vm2;
	vm1 =	vmor vm1, vm13;
	vm2 =	vne.s32 v63, v23  }
0x74: {  	vm0 =	vmand vm0, vm1;
	vm1 =	vmor vm2, vm14  }
0x75: {  	vm0 =	vmand vm0, vm1  }
0x76: {  	vm0 =	vmand vm15, vm0;
	_ =	sdelay $0x1  }
.Ltmp7:
0x77: {  	_ = 	snop;
	(pc) =	sbr.rel .LBB2_8-.Ltmp7, $2  }
0x78: {  	_ =	sdelay $0x2  }
0x79: {  	[tilespmem:v23+s13+$0x0] =	vst.idx.msk vm0, v24  }
.LBB2_9:
0x7a: {  	p0 =	seq.s32 s29, $0x0  }
.Ltmp8:
0x7b: {  	_ = 	snop;
	(pc) =	sbr.rel @p0 .LBB2_15-.Ltmp8, $4  }
0x7c: {  	_ =	swait.ge [sflag:s23], $0x7000  }
0x7d: {  	[sflag:s23] =	ssyncset.done $0x0  }
0x7e: {  	s0 =	sadd.s32 s4, s30;
	[sflag:s23] =	ssyncadd.s32 $0xFFFF9000  }
0x7f: {  	[hbm4b:s0+s6] =	stream.linear.scatter [tilespmem:s22], [sflag:$0x3], $0x7000, $0x38;
	[tilespmem:$0x14700] =	vst v63  }
.LBB2_10:
0x80: {  	p0 =	slt.u32 s28, $0x2;
	s0 =	smul.u32 $0xE0, s28  }
.Ltmp9:
0x81: {  	s25 =	simm.s32 @!p0 $0x4;
	(pc) =	sbr.rel .LBB2_11-.Ltmp9, $4  }
0x82: {  	_ =	swait.ge @!p0 [sflag:s25], $0x7000;
	s0 =	sadd.s32 s1, s0  }
0x83: {  	s30 =	simm.s32 $0x0;
	[sflag:s25] =	ssyncset.done @!p0 $0x0;
	s29 =	sshll.u32 s0, $0x4  }
0x84: {  	[sflag:s25] =	ssyncadd.s32 @!p0 $0xFFFF9000;
	s0 =	sadd.s32 s2, s29;
	s25 =	smov.u32 s5  }
0x85: {  	v22 =	vmov s26;
	[tilespmem:s12], [sflag:$0x2] =	stream.linear.gather [hbm4b:s0+s30], $0x7000, $0x38;
	[tilespmem:$0x14700] =	vst v63  }
.LBB2_13:
0x86: {  	s30 =	sadd.s32 $0x40, s30  }
0x87: {  	p0 =	sne.s32 s30, $0x1280  }
.Ltmp10:
0x88: {  	_ = 	snop;
	(pc) =	sbr.rel @!p0 .LBB2_14-.Ltmp10, $2  }
0x89: {  	_ =	sdelay $0x2  }
0x8a: {  	s25 =	sadd.s32 $0x10, s25  }
.LBB2_11:
0x8b: {  	_ =	sdelay $0x2  }
0x8c: {  	s0 =	sshra.s32 s30, $0x2  }
0x8d: {  	v23 =	vld.idx.msk [tilespmem:v22+s0+$0x0 ss:$0x1], $0xffff;
	_ =	sdelay $0x4  }
0x8e: {  	v23 =	vsub.s32 v23, v0  }
0x8f: {  	vm15 =	vlt.u32 v23, $0xC40;
	_ =	sdelay $0x4  }
0x90: {  	v24 =	vor.u32 s25, v2  }
0x91: {  	[tilespmem:v23+s13+$0x0] =	vst.idx.msk vm15, v24  }
0x92: {  	v25 =	vld.idx.msk [tilespmem:v23+s13+$0x0], vm15;
	_ =	sdelay $0x4  }
0x93: {  	vm0 =	vne.s32 v25, v24  }
0x94: {  	vm0 =	vmand vm15, vm0  }
0x95: {  	v25 =	vmpcnt.ones.xlane vm0;
	_ =	sdelay $0x1  }
0x96: {  	(v2sf) =	vpush v25, $0x0;
	_ =	sdelay $0xe  }
0x97: {  	s31 =	spop (v2sf)  }
0x98: {  	p0 =	slt.s32 s31, $0x1  }
.Ltmp11:
0x99: {  	_ = 	snop;
	(pc) =	sbr.rel @p0 .LBB2_13-.Ltmp11, $1  }
0x9a: {  	_ =	sdelay $0x3  }
0x9b: {  	v25 =	vperm.xlane v23, v3  }
0x9c: {  	v26 =	vperm.xlane v23, v4  }
0x9d: {  	v51 =	vperm.xlane v23, v5;
	vm1 =	vcmask $0x3F3C;
	vm0 =	vne.s32 v25, v23  }
0x9e: {  	vm2 =	vcmask $0x3F38;
	vm0 =	vmor vm0, vm1;
	vm1 =	vne.s32 v26, v23  }
0x9f: {  	v52 =	vperm.xlane v23, v6;
	vm1 =	vmor vm1, vm2  }
0xa0: {  	vm2 =	vne.s32 v51, v23;
	vm0 =	vmand vm0, vm1;
	vm1 =	vcmask $0x3F34  }
0xa1: {  	v53 =	vperm.xlane v23, v7;
	vm1 =	vmor vm2, vm1  }
0xa2: {  	vm0 =	vmand vm0, vm1;
	vm1 =	vne.s32 v52, v23  }
0xa3: {  	v54 =	vperm.xlane v23, v8;
	vm2 =	vne.s32 v53, v23;
	vm1 =	vmor vm1, vm3  }
0xa4: {  	v55 =	vperm.xlane v23, v9;
	vm0 =	vmand vm0, vm1;
	vm1 =	vmor vm2, vm4  }
0xa5: {  	vm0 =	vmand vm0, vm1;
	vm1 =	vne.s32 v54, v23  }
0xa6: {  	v56 =	vperm.xlane v23, v10;
	vm2 =	vne.s32 v55, v23;
	vm1 =	vmor vm1, vm5  }
0xa7: {  	v57 =	vperm.xlane v23, v11;
	vm0 =	vmand vm0, vm1;
	vm1 =	vmor vm2, vm6  }
0xa8: {  	vm0 =	vmand vm0, vm1;
	vm1 =	vne.s32 v56, v23  }
0xa9: {  	v58 =	vperm.xlane v23, v12;
	vm2 =	vne.s32 v57, v23;
	vm1 =	vmor vm1, vm7  }
0xaa: {  	v59 =	vperm.xlane v23, v13;
	vm0 =	vmand vm0, vm1;
	vm1 =	vmor vm2, vm8  }
0xab: {  	vm0 =	vmand vm0, vm1;
	vm1 =	vne.s32 v58, v23  }
0xac: {  	v60 =	vperm.xlane v23, v14;
	vm2 =	vne.s32 v59, v23;
	vm1 =	vmor vm1, vm9  }
0xad: {  	v61 =	vperm.xlane v23, v16;
	vm0 =	vmand vm0, vm1;
	vm1 =	vmor vm2, vm10  }
0xae: {  	v62 =	vperm.xlane v23, v17;
	vm0 =	vmand vm0, vm1;
	vm1 =	vne.s32 v60, v23  }
0xaf: {  	v63 =	vperm.xlane v23, v15;
	vm2 =	vne.s32 v61, v23;
	vm1 =	vmor vm1, vm11  }
0xb0: {  	vm2 =	vmor vm2, vm12;
	vm0 =	vmand vm0, vm1;
	vm1 =	vne.s32 v62, v23  }
0xb1: {  	vm0 =	vmand vm0, vm2;
	vm1 =	vmor vm1, vm13;
	vm2 =	vne.s32 v63, v23  }
0xb2: {  	vm0 =	vmand vm0, vm1;
	vm1 =	vmor vm2, vm14  }
0xb3: {  	vm0 =	vmand vm0, vm1  }
0xb4: {  	vm0 =	vmand vm15, vm0;
	_ =	sdelay $0x1  }
.Ltmp12:
0xb5: {  	_ = 	snop;
	(pc) =	sbr.rel .LBB2_13-.Ltmp12, $2  }
0xb6: {  	_ =	sdelay $0x2  }
0xb7: {  	[tilespmem:v23+s13+$0x0] =	vst.idx.msk vm0, v24  }
.LBB2_16:
0xb8: {  	_ =	swait.ge [sflag:s15], $0x7000  }
0xb9: {  	[sflag:s15] =	ssyncset.done $0x0  }
0xba: {  	[sflag:s15] =	ssyncadd.s32 $0xFFFF9000  }
0xbb: {  	_ =	swait.ge [sflag:s16], $0x7000  }
0xbc: {  	[sflag:s16] =	ssyncset.done $0x0  }
0xbd: {  	s0 =	simm.s32 $0x4100;
	[sflag:s16] =	ssyncadd.s32 $0xFFFF9000  }
0xbe: {  	v22 =	vld [tilespmem:s0+$0x0];
	_ =	sdelay $0x4  }
0xbf: {  	vm0 =	vgt.s32 v22, $0xFFFFFFFF  }
0xc0: {  	v23 =	vmpcnt.ones.xlane vm0  }
0xc1: {  	v24 =	vsel vm0, $0x1, v18  }
0xc2: {  	(xrf0) =	vadd.scan.msk.s32 $0xffff, v24;
	(v2sf) =	vpush v23, $0x0;
	_ =	sdelay $0x1  }
0xc3: {  	s5 =	simm.s32 $0x0  }
0xc4: {  	v23 =	vmov s5  }
0xc5: {  	v23 =	vadd.s32 $0xFFFFFFFF, v23  }
0xc6: {  	v23 =	vbroadcast v23, $0x0  }
0xc7: {  	v24, _, _ =	vpop (xrf0)  }
0xc8: {  	v23 =	vadd.s32 v24, v23;
	_ =	sdelay $0x3  }
0xc9: {  	v63 =	vor.u32 s5, v2  }
0xca: {  	[tilespmem:v23+s17+$0x0] =	vst.idx.msk vm0, v63  }
0xcb: {  	s26 =	simm.s32 $0x4110;
	[tilespmem:v23+s18+$0x0] =	vst.idx.msk vm0, v22  }
0xcc: {  	v22 =	vld [tilespmem:s26+$0x0]  }
0xcd: {  	s25 =	simm.s32 $0x10;
	s28 =	simm.s32 $0x20;
	s29 =	spop (v2sf)  }
.LBB2_17:
0xce: {  	p0 =	sne.s32 s28, $0xC30  }
0xcf: {  	s5 =	sadd.s32 s5, s29;
	s0 =	smov.u32 s28;
	s28 =	sadd.s32 $0x10, s28  }
0xd0: {  	v23 =	vmov s5  }
0xd1: {  	vm0 =	vgt.s32 v22, $0xFFFFFFFF;
	v23 =	vadd.s32 $0xFFFFFFFF, v23  }
0xd2: {  	v24 =	vsel vm0, $0x1, v18;
	v25 =	vmpcnt.ones.xlane vm0  }
0xd3: {  	(xrf0) =	vadd.scan.msk.s32 $0xffff, v24  }
0xd4: {  	(v2sf) =	vpush v25, $0x0;
	_ =	sdelay $0x3  }
0xd5: {  	v23 =	vbroadcast v23, $0x0  }
0xd6: {  	v24, _, _ =	vpop (xrf0)  }
0xd7: {  	v23 =	vadd.s32 v24, v23;
	_ =	sdelay $0x3  }
0xd8: {  	v24 =	vor.u32 s25, v2;
	s25 =	smov.u32 s0  }
.Ltmp13:
0xd9: {  	[tilespmem:v23+s17+$0x0] =	vst.idx.msk vm0, v24;
	(pc) =	sbr.rel @p0 .LBB2_17-.Ltmp13, $3  }
0xda: {  	s26 =	sadd.s32 $0x10, s26;
	[tilespmem:v23+s18+$0x0] =	vst.idx.msk vm0, v22  }
0xdb: {  	v22 =	vld [tilespmem:s26+$0x0];
	_ =	sdelay $0x1  }
0xdc: {  	s29 =	spop (v2sf)  }
0xdd: {  	_ =	sdelay $0x1  }
0xde: {  	vm0 =	vgt.s32 v22, $0xFFFFFFFF  }
0xdf: {  	v23 =	vmpcnt.ones.xlane vm0;
	_ =	sdelay $0x1  }
0xe0: {  	(v2sf) =	vpush v23, $0x0;
	_ =	sdelay $0x5  }
0xe1: {  	v23 =	vsel vm0, $0x1, v18  }
0xe2: {  	(xrf0) =	vadd.scan.msk.s32 $0xffff, v23;
	_ =	sdelay $0x1  }
0xe3: {  	s0 =	sadd.s32 s5, s29  }
0xe4: {  	v23 =	vmov s0  }
0xe5: {  	v23 =	vadd.s32 $0xFFFFFFFF, v23  }
0xe6: {  	v23 =	vbroadcast v23, $0x0  }
0xe7: {  	v24, _, _ =	vpop (xrf0)  }
0xe8: {  	v23 =	vadd.s32 v24, v23  }
0xe9: {  	s30 =	spop (v2sf)  }
0xea: {  	s0 =	sadd.s32 s0, s30  }
0xeb: {  	s5 =	sadd.s32 $0xFFFFFFFF, s0  }
0xec: {  	v60 =	vor.u32 s25, v2;
	p0 =	sgt.s32 s5, $0x0  }
0xed: {  	[tilespmem:v23+s17+$0x0] =	vst.idx.msk vm0, v60;
	s5 =	simm.s32 @!p0 $0x0  }
0xee: {  	[tilespmem:v23+s18+$0x0] =	vst.idx.msk vm0, v22;
	s31 =	sand.u32 $0x7FFFFFF0, s5  }
0xef: {  	v22 =	vld [tilespmem:s31+$0x4D80]  }
0xf0: {  	v23 =	vld [tilespmem:s31+$0x5A00]  }
0xf1: {  	v61 =	vadd.s32 s0, v2  }
0xf2: {  	s5 =	sand.u32 $0xF, s5  }
0xf3: {  	v26 =	vadd.s32 s0, v19;
	v25 =	vmov s5  }
0xf4: {  	v22 =	vperm.xlane v22, v25  }
0xf5: {  	v62 =	vadd.s32 s0, v20;
	v23 =	vperm.xlane v23, v25  }
0xf6: {  	[tilespmem:v61+s17+$0x0] =	vst.idx.msk $0xffff, v22  }
0xf7: {  	v63 =	vadd.s32 s0, v21;
	[tilespmem:v61+s18+$0x0] =	vst.idx.msk $0xffff, v23  }
0xf8: {  	[tilespmem:v26+s17+$0x0] =	vst.idx.msk $0xffff, v22  }
0xf9: {  	[tilespmem:v26+s18+$0x0] =	vst.idx.msk $0xffff, v23  }
0xfa: {  	[tilespmem:v62+s17+$0x0] =	vst.idx.msk $0xffff, v22  }
0xfb: {  	[tilespmem:v62+s18+$0x0] =	vst.idx.msk $0xffff, v23  }
0xfc: {  	[tilespmem:v63+s17+$0x0] =	vst.idx.msk $0xffff, v22  }
0xfd: {  	[tilespmem:v63+s18+$0x0] =	vst.idx.msk $0xffff, v23  }
0xfe: {  	[hbm4b:s7+s19] =	stream.strided.scatter [tilespmem:s17], [sflag:$0x5], $0xC80, s20, s19, $0x38;
	[tilespmem:$0x14700] =	vst v63  }
0xff: {  	_ =	swait.ge [sflag:s11], $0xC80  }
0x100: {  	[sflag:s11] =	ssyncset.done $0x0  }
0x101: {  	[sflag:s11] =	ssyncadd.s32 $0xFFFFF380  }
0x102: {  	[hbm4b:s8+s19] =	stream.strided.scatter [tilespmem:s18], [sflag:$0x5], $0xC80, s20, s19, $0x38;
	[tilespmem:$0x14700] =	vst v63  }
0x103: {  	_ =	swait.ge [sflag:s11], $0xC80  }
0x104: {  	s24 =	sadd.s32 $0x1, s24;
	[sflag:s11] =	ssyncset.done $0x0  }
0x105: {  	p0 =	sne.s32 s24, s10;
	v22 =	vmov s0;
	[sflag:s11] =	ssyncadd.s32 $0xFFFFF380  }
.Ltmp14:
0x106: {  	[tilespmem:$0x6680] =	vst v22;
	(pc) =	sbr.rel @p0 .LBB2_1-.Ltmp14, $4  }
0x107: {  	[hbm4b:s9+s6] =	stream.linear.scatter [tilespmem:s21], [sflag:$0x5], $0x80, $0x38;
	[tilespmem:$0x14700] =	vst v63  }
0x108: {  	_ =	swait.ge [sflag:s11], $0x80  }
0x109: {  	[sflag:s11] =	ssyncset.done $0x0  }
0x10a: {  	[sflag:s11] =	ssyncadd.s32 $0xFFFFFF80  }
0x10b: {  	_ =	sfence.sel $0x180000  }
0x10c: {  	[bflag:$0x0] =	sbarrier.arrive $0xFFFF  }
0x10d: {  	_ =	strace $0x9000004D  }
0x10e: {  	s0 =	stileid.u32;
	[bflag:$0x2] =	sbarrier.arrive $0xFFFF  }
0x10f: {  	p0 =	sne.s32 s0, $0x0;
	s0 =	rddreg [dreg:$0x4]  }
0x110: {  	s0 =	sadd.s32 @!p0 $0x100000, s0  }
0x111: {  	[sflag:s0] =	ssyncadd.tile.s32 @!p0 $0x1;
	_ =	shalt  }
.Lfunc_end2:
_tile_overlayer_lowered:
.L_overlay_start_2:
0x112: {  	(tag) =	ssettag $0x2  }
0x113: {  	s0 =	rddreg [dreg:$0x0];
	s2 =	stileid.u32  }
0x114: {  	s1 =	rddreg [dreg:$0x1];
	p0 =	sne.s32 s2, $0x0  }
0x115: {  	s3 =	rddreg [dreg:$0x2];
	[bflag:$0x3] =	sbarrier.arrive $0xFFFF;
	s2 =	simm.s32 @!p0 $0x1C05  }
0x116: {  	[timem:s3], [sflag:s2] =	dma.local @!p0 [hbm:s0], s1  }
0x117: {  	s0 =	simm.s32 @!p0 $0x5  }
0x118: {  	_ =	swait.ge @!p0 [sflag:s0], s1  }
0x119: {  	s1 =	ssub.s32 @!p0 $0x0, s1;
	[sflag:s0] =	ssyncset.done @!p0 $0x0  }
0x11a: {  	[sflag:s0] =	ssyncadd.s32 @!p0 s1  }
0x11b: {  	[bflag:$0x3] =	sbarrier.arrive $0xFFFF  }
0x11c: {  	_ =	shalt  }

// kernel: kernel.8.cloned.1.call-start
scs
__scs_entry_jumppad:
0x0: {  	(pc) =	sbr.rel $0x88, $3  }
0x1: {  	(tag) =	ssettag $0x0;
	lr =	simm.s32 $0x1  }
0x2: {  	[smem:$0x3F9C] =	sst lr;
	_ =	strace $0xD0000000  }
0x3: {  	_ = 	snop  }
0x4: {  	_ = 	snop  }
0x5: {  	_ = 	snop  }
0x6: {  	_ = 	snop  }
0x7: {  	_ = 	snop  }
__scs_overlays_trampoline_lowered:
0x8: {  	[smem:$0x3FAB] =	sst s0  }
0x9: {  	[smem:$0x3FAC] =	sst s1  }
0xa: {  	[smem:$0x3FAD] =	sst s2  }
0xb: {  	[smem:$0x3FAE] =	sst s3  }
0xc: {  	[smem:$0x3FAF] =	sst s4  }
0xd: {  	[smem:$0x3FB0] =	sst s5  }
0xe: {  	[smem:$0x3FB1] =	sst s6  }
0xf: {  	[smem:$0x3FB2] =	sst s7  }
0x10: {  	[smem:$0x3FB3] =	sst s8  }
0x11: {  	[smem:$0x3FB4] =	sst s9;
	s0 =	simm.s32 @!p0 $0x0  }
0x12: {  	s1 =	sld [smem:$0x3F9A];
	s0 =	simm.s32 @p0 $0x1  }
0x13: {  	[smem:$0x3FB5] =	sst s0;
	s0 =	simm.s32 @!p1 $0x0  }
0x14: {  	s2 =	sld [smem:$0x3F99];
	s0 =	simm.s32 @p1 $0x1  }
0x15: {  	[smem:$0x3FB6] =	sst s0;
	s0 =	simm.s32 @!p2 $0x0  }
0x16: {  	s3 =	sld [smem:$0x3FDB];
	s0 =	simm.s32 @p2 $0x1  }
0x17: {  	s4 =	simm.s32 $0x1BF5;
	[smem:$0x3FB8] =	sst s0  }
0x18: {  	s0 =	sld [smem:$0x3F9B];
	_ =	swait.ge [sflag:s4], $0x0  }
0x19: {  	s7 =	sld [smem:$0x3F9C]  }
0x1a: {  	s8 =	sadd.s32 $0xFFFFE003, lr  }
0x1b: {  	s9 =	sadd.s32 $0xFFFFFEF7, lr;
	s5 =	simm.s32 $0xFFFFFFFF;
	p2 =	slt.u32 s8, $0xFFFFF086  }
0x1c: {  	p1 =	slt.u32 s9, $0xF7A;
	s5 =	simm.s32 @!p2 $0x0  }
0x1d: {  	s5 =	simm.s32 @p1 $0x1;
	p0 =	seq.s32 s7, s2  }
0x1e: {  	s7 =	smul.u32 @!p0 $0xF7A, s2;
	p2 =	seq.s32 @!p0 s5, $0x0  }
0x1f: {  	s9 =	smul.u32 $0xF7A, s1;
	s8 =	simm.s32 @!p0 $0x1BF5;
	p2 =	por !p2, p0  }
0x20: {  	[sflag:s8] =	ssyncset.s32 @!p0 $0xFFFFF086;
	s6 =	sadd.s32 @!p0 s3, s7;
	s7 =	simm.s32 @!p0 $0x108  }
0x21: {  	s3 =	sadd.s32 s3, s9;
	s6 =	sadd.s32 @!p0 $0x88, s6;
	s7 =	simm.s32 @p2 $0x1082  }
0x22: {  	[simem:s7], [sflag:s8] =	dma.local @!p0 [hbm:s6], $0xF7A  }
0x23: {  	s9 =	sor.u32 $0xD0000000, s2;
	s6 =	simm.s32 $0x108;
	_ =	swait.ge @!p0 [sflag:s8], $0x0  }
0x24: {  	s3 =	sadd.s32 $0x88, s3;
	s6 =	simm.s32 @!p1 $0x1082;
	[sflag:s4] =	ssyncset.s32 $0xFFFFF086  }
0x25: {  	[simem:s6], [sflag:s4] =	dma.local [hbm:s3], $0xF7A  }
0x26: {  	[smem:$0x3F9C] =	sst s1;
	(tag) =	ssettag s2;
	_ =	strace s9  }
0x27: {  	s1 =	sld [smem:$0x3FAC]  }
0x28: {  	s2 =	sld [smem:$0x3FAD]  }
0x29: {  	s4 =	sld [smem:$0x3FAF]  }
0x2a: {  	p0 =	seq.s32 s5, $0x0;
	s5 =	sld [smem:$0x3FB0]  }
0x2b: {  	s6 =	sld [smem:$0x3FB1]  }
0x2c: {  	s7 =	sld [smem:$0x3FB2]  }
0x2d: {  	s3 =	simm.s32 $0x108;
	s8 =	sld [smem:$0x3FB3]  }
0x2e: {  	s3 =	simm.s32 @!p0 $0x1082;
	s9 =	sld [smem:$0x3FB4]  }
0x2f: {  	lr =	sadd.s32 s0, s3;
	s0 =	sld [smem:$0x3FAB]  }
0x30: {  	s3 =	sld [smem:$0x3FAE]  }
0x31: {  	[smem:$0x3FB7] =	sst s10  }
0x32: {  	s10 =	sld [smem:$0x3FB5];
	_ =	sdelay $0x3  }
0x33: {  	p0 =	seq.s32 s10, $0x1;
	s10 =	sld [smem:$0x3FB7];
	_ =	sdelay $0x3  }
0x34: {  	[smem:$0x3FB7] =	sst s10  }
0x35: {  	s10 =	sld [smem:$0x3FB6];
	_ =	sdelay $0x3  }
0x36: {  	p1 =	seq.s32 s10, $0x1;
	s10 =	sld [smem:$0x3FB7];
	_ =	sdelay $0x3  }
0x37: {  	[smem:$0x3FB7] =	sst s10  }
0x38: {  	s10 =	sld [smem:$0x3FB8]  }
0x39: {  	_ = 	snop;
	(pc) =	sbr.ind lr, $3  }
0x3a: {  	_ = 	snop  }
0x3b: {  	_ = 	snop  }
0x3c: {  	p2 =	seq.s32 s10, $0x1;
	s10 =	sld [smem:$0x3FB7]  }
0x3d: {  	_ =	shalt  }
0x3e: {  	_ =	shalt  }
0x3f: {  	_ =	shalt  }
0x40: {  	_ =	shalt  }
0x41: {  	_ =	shalt  }
0x42: {  	_ =	shalt  }
0x43: {  	_ =	shalt  }
0x44: {  	_ =	shalt  }
0x45: {  	_ =	shalt  }
0x46: {  	_ =	shalt  }
0x47: {  	_ =	shalt  }
0x48: {  	_ =	shalt  }
0x49: {  	_ =	shalt  }
0x4a: {  	_ =	shalt  }
0x4b: {  	_ =	shalt  }
0x4c: {  	_ =	shalt  }
0x4d: {  	_ =	shalt  }
0x4e: {  	_ =	shalt  }
0x4f: {  	_ =	shalt  }
0x50: {  	_ =	shalt  }
0x51: {  	_ =	shalt  }
0x52: {  	_ =	shalt  }
0x53: {  	_ =	shalt  }
0x54: {  	_ =	shalt  }
0x55: {  	_ =	shalt  }
0x56: {  	_ =	shalt  }
0x57: {  	_ =	shalt  }
0x58: {  	_ =	shalt  }
0x59: {  	_ =	shalt  }
0x5a: {  	_ =	shalt  }
0x5b: {  	_ =	shalt  }
0x5c: {  	_ =	shalt  }
0x5d: {  	_ =	shalt  }
0x5e: {  	_ =	shalt  }
0x5f: {  	_ =	shalt  }
0x60: {  	_ =	shalt  }
0x61: {  	_ =	shalt  }
0x62: {  	_ =	shalt  }
0x63: {  	_ =	shalt  }
0x64: {  	_ =	shalt  }
0x65: {  	_ =	shalt  }
0x66: {  	_ =	shalt  }
0x67: {  	_ =	shalt  }
0x68: {  	_ =	shalt  }
0x69: {  	_ =	shalt  }
0x6a: {  	_ =	shalt  }
0x6b: {  	_ =	shalt  }
0x6c: {  	_ =	shalt  }
0x6d: {  	_ =	shalt  }
0x6e: {  	_ =	shalt  }
0x6f: {  	_ =	shalt  }
0x70: {  	_ =	shalt  }
0x71: {  	_ =	shalt  }
0x72: {  	_ =	shalt  }
0x73: {  	_ =	shalt  }
0x74: {  	_ =	shalt  }
0x75: {  	_ =	shalt  }
0x76: {  	_ =	shalt  }
0x77: {  	_ =	shalt  }
0x78: {  	_ =	shalt  }
0x79: {  	_ =	shalt  }
0x7a: {  	_ =	shalt  }
0x7b: {  	_ =	shalt  }
0x7c: {  	_ =	shalt  }
0x7d: {  	_ =	shalt  }
0x7e: {  	_ =	shalt  }
0x7f: {  	_ =	shalt  }
0x80: {  	_ =	shalt  }
0x81: {  	_ =	shalt  }
0x82: {  	_ =	shalt  }
0x83: {  	_ =	shalt  }
0x84: {  	_ =	shalt  }
0x85: {  	_ =	shalt  }
0x86: {  	_ =	shalt  }
0x87: {  	_ =	shalt  }
.Lfunc_end0:
.L_simem_size_0:
called_computation.3_lowered:
.L_overlay_start_0:
0x88: {  	s2 =	sld [smem:$0x3FD9]  }
0x89: {  	s3 =	sld [smem:$0x3FFE];
	_ =	sdelay $0x1  }
0x8a: {  	s1 =	srdreg.scid  }
0x8b: {  	s0 =	sand.u32 $0x1, s1  }
0x8c: {  	s14 =	sshll.u32 s0, $0xA;
	s2 =	sadd.s32 s3, s2  }
0x8d: {  	s2 =	sadd.s32 s2, s14  }
0x8e: {  	[smem:$0x3FC3] =	sst s2  }
0x8f: {  	_ = 	snop  }
0x90: {  	s2 =	sld [smem:$0x3FD0];
	_ =	sdelay $0x2  }
0x91: {  	s15 =	simm.s32 $0xC;
	s4 =	simm.s32 $0x10  }
0x92: {  	[smem:s4], [sflag:s15] =	dma.local [hbm:s2], $0x1  }
0x93: {  	_ =	swait.eq [sflag:s15], $0x1  }
0x94: {  	[sflag:s15] =	ssyncset.done $0x0  }
0x95: {  	[sflag:s15] =	ssyncadd.s32 $0xFFFFFFFF  }
0x96: {  	s16 =	sld [smem:$0x11];
	(tm) =	ssettm $0x1  }
0x97: {  	s17 =	sld [smem:$0x3FFB];
	_ =	sdelay $0x3  }
0x98: {  	_ =	strace s17  }
0x99: {  	s3 =	sld [smem:$0x3FFC];
	_ =	sdelay $0x3  }
0x9a: {  	_ =	strace s3  }
0x9b: {  	s3 =	sld [smem:$0x3FFD];
	_ =	sdelay $0x3  }
0x9c: {  	_ =	strace s3  }
0x9d: {  	_ =	strace $0x8FFFFFFF  }
0x9e: {  	s18 =	sld [smem:$0x3FDB];
	_ =	sdelay $0x1  }
0x9f: {  	s19 =	simm.s32 $_scs_section_size  }
0xa0: {  	s5 =	simm.s32 $_size__tile_overlayer_lowered;
	s6 =	simm.s32 $_tile_overlayer_lowered  }
0xa1: {  	s22 =	simm.s32 $0x1BFF;
	s21 =	sshll.u32 s6, $0x1;
	s3 =	sadd.s32 s19, s18  }
0xa2: {  	s7 =	simm.s32 $0x0;
	s20 =	sshll.u32 s5, $0x1;
	s5 =	sadd.s32 s21, s3  }
0xa3: {  	[timem:s7], [sflag:s22] =	dma.local [hbm:s5], s20  }
0xa4: {  	_ =	swait.ge [sflag:s22], s20  }
0xa5: {  	s4 =	ssub.s32 $0x0, s20;
	[sflag:s22] =	ssyncset.done $0x0  }
0xa6: {  	[sflag:s22] =	ssyncadd.s32 s4;
	_ =	sdelay $0x1  }
0xa7: {  	s23 =	simm.s32 $0x1B8B  }
0xa8: {  	_ =	swait.ge [sflag:s23], $0x1  }
0xa9: {  	[sflag:s23] =	ssyncset.done $0x0  }
0xaa: {  	s25 =	simm.s32 $0x1B8E;
	s24 =	sld [smem:$0x3FFE];
	[sflag:s23] =	ssyncadd.s32 $0xFFFFFFFF  }
0xab: {  	s26 =	simm.s32 $execute0_lowered;
	[smem:$0x3FD2] =	sst s25  }
0xac: {  	s5 =	sshll.u32 s26, $0x1;
	_ =	strace $0x8000004F;
	[dreg:$0x1] =	wrdreg $0xFFFFFFFF  }
0xad: {  	s28 =	simm.s32 $_size_execute0_lowered;
	s3 =	sadd.s32 s3, s5;
	[dreg:$0x0] =	wrdreg $0x0  }
0xae: {  	s5 =	sshll.u32 s28, $0x1;
	[dreg:$0x2] =	wrdreg s3  }
0xaf: {  	[dreg:$0x3] =	wrdreg s5  }
0xb0: {  	[dreg:$0x4] =	wrdreg $0xC0  }
0xb1: {  	_ =	task [dreg:s7], $0x5FFFF  }
0xb2: {  	[dreg:$0x1] =	wrdreg $0xFFFFFFFF  }
0xb3: {  	[dreg:$0x0] =	wrdreg $0x60  }
0xb4: {  	[dreg:$0x2] =	wrdreg s16  }
0xb5: {  	[dreg:$0x3] =	wrdreg s24  }
0xb6: {  	[dreg:$0x4] =	wrdreg $0x9  }
0xb7: {  	_ =	task.clear_ibuf [dreg:s7], $0x5FFFF;
	_ =	strace $0x9000004F  }
0xb8: {  	s29 =	simm.s32 $0x9;
	_ =	strace $0x80000051  }
0xb9: {  	_ =	swait.ge [sflag:s29], $0x1  }
0xba: {  	[sflag:s29] =	ssyncadd.s32 $0xFFFFFFFF  }
0xbb: {  	_ =	strace $0x90000051  }
0xbc: {  	_ =	sfence  }
0xbd: {  	s30 =	sld [smem:$0x0];
	_ =	sdelay $0x2  }
0xbe: {  	s31 =	sshll.u32 s1, $0xD;
	s1 =	sshrl.u32 s1, $0x2  }
0xbf: {  	s3 =	sand.u32 $0x4000, s31;
	s1 =	sadd.s32 s1, s30  }
0xc0: {  	s0 =	sor.u32 s3, s0;
	s1 =	sshll.u32 s1, $0x11  }
0xc1: {  	s0 =	sor.u32 s1, s0  }
0xc2: {  	s0 =	sadd.s32 $0x8F2B, s0  }
0xc3: {  	[sflag:s0] =	ssyncadd.remote.s32 $0x1  }
0xc4: {  	_ =	sfence.sel $0xFFFF  }
0xc5: {  	[dreg:$0x0] =	wrdreg $0xFFFFFFFF;
	(pc) =	sbr.abs _section_cstart, $3  }
0xc6: {  	[dreg:$0x1] =	wrdreg $0xFFFFFFFF  }
0xc7: {  	_ =	task.clear_ibuf [dreg:s7], $0x2FFFF;
	_ =	strace $0x9FFFFFFF  }
0xc8: {  	(tm) =	ssettm $0x7FFFFFFF  }
0xc9: {  	_ =	shalt  }
tec
execute0_lowered:
.L_overlay_start_1:
0x0: {  	(tag) =	ssettag $0x1  }
0x1: {  	s0 =	srdreg.scid;
	s2 =	rddreg [dreg:$0x0]  }
0x2: {  	s4 =	stileid.u32;
	s5 =	rddreg [dreg:$0x1];
	s3 =	simm.s32 $0x0  }
0x3: {  	s10 =	simm.s32 $0x1980;
	s13 =	simm.s32 $0x5;
	s16 =	simm.s32 $0x2  }
0x4: {  	s17 =	simm.s32 $0x1;
	s20 =	simm.s32 $0xBA80;
	s21 =	simm.s32 $0xC280  }
0x5: {  	s22 =	simm.s32 $0xCA80;
	s23 =	simm.s32 $0xD280;
	s24 =	simm.s32 $0x9A80  }
0x6: {  	s25 =	simm.s32 $0xA280;
	s28 =	simm.s32 $0xB280;
	s0 =	sand.u32 $0x1, s0  }
0x7: {  	s29 =	simm.s32 $0x0;
	[smem:$0x7FF] =	sst s3;
	s1 =	sshll.u32 s0, $0x4  }
0x8: {  	s7 =	sshll.u32 s4, $0x7;
	s9 =	sadd.s32 $0x42000, s5;
	s1 =	sor.u32 s4, s1  }
0x9: {  	_ =	strace $0x80000050;
	s7 =	sand.u32 $0x380, s7;
	s6 =	sshrl.u32 s1, $0x3  }
0xa: {  	[dreg:$0x3] =	wrdreg s9;
	s0 =	ssub.s32 $0x2, s0;
	s8 =	smul.u32 $0x6400, s6  }
0xb: {  	s4 =	sadd.s32 $0x2000, s5;
	s26 =	sshrl.u32 s0, $0x1;
	s1 =	smul.u32 $0xC40, s1  }
0xc: {  	s0 =	ssub.s32 s0, s26;
	s26 =	simm.s32 $0xAA80;
	s8 =	sor.u32 s7, s8  }
.Ltmp0:
0xd: {  	s6 =	sshll.u32 s6, $0xA;
	s8 =	sshrl.u32 s8, $0x3;
	(pc) =	sbr.rel .LBB2_1-.Ltmp0, $4  }
0xe: {  	s9 =	smax.u32 s0, $0x1;
	s6 =	sor.u32 s7, s6;
	s8 =	sadd.s32 s8, s5  }
0xf: {  	s1 =	smin.u32 s1, $0x17A60;
	s6 =	sshrl.u32 s6, $0x3;
	s30 =	sadd.s32 $0x82800, s8  }
0x10: {  	s5 =	sadd.s32 s6, s5;
	s31 =	sadd.s32 $0x85A00, s8;
	[dreg:$0x4] =	wrdreg s30  }
0x11: {  	vm0 =	vmmov $0xffff;
	v0 =	vmov s1;
	s6 =	simm.s32 $0xC80;
	s8 =	sadd.s32 $0x88C00, s5;
	[dreg:$0x5] =	wrdreg s31  }
.LBB2_11:
0x12: {  	p0 =	seq.s32 s30, $0x1  }
0x13: {  	s0 =	simm.s32 @!p0 $0x3  }
0x14: {  	_ =	swait.ge @!p0 [sflag:s0], $0x800  }
0x15: {  	[sflag:s0] =	ssyncset.done @!p0 $0x0  }
0x16: {  	[sflag:s0] =	ssyncadd.s32 @!p0 $0xFFFFF800  }
0x17: {  	_ =	swait.ge @!p0 [sflag:s0], $0x800  }
0x18: {  	[sflag:s0] =	ssyncset.done @!p0 $0x0  }
0x19: {  	[sflag:s0] =	ssyncadd.s32 @!p0 $0xFFFFF800  }
0x1a: {  	_ =	swait.ge @!p0 [sflag:s0], $0x800  }
0x1b: {  	[sflag:s0] =	ssyncset.done @!p0 $0x0  }
0x1c: {  	[sflag:s0] =	ssyncadd.s32 @!p0 $0xFFFFF800  }
0x1d: {  	_ =	swait.ge @!p0 [sflag:s0], $0x800  }
0x1e: {  	s1 =	simm.s32 @!p0 $0x4;
	[sflag:s0] =	ssyncset.done @!p0 $0x0  }
0x1f: {  	s1 =	simm.s32 @p0 $0x3;
	[sflag:s0] =	ssyncadd.s32 @!p0 $0xFFFFF800  }
0x20: {  	_ =	swait.ge [sflag:s1], $0x800  }
0x21: {  	[sflag:s1] =	ssyncset.done $0x0  }
0x22: {  	[sflag:s1] =	ssyncadd.s32 $0xFFFFF800  }
0x23: {  	_ =	swait.ge [sflag:s1], $0x800  }
0x24: {  	[sflag:s1] =	ssyncset.done $0x0  }
0x25: {  	[sflag:s1] =	ssyncadd.s32 $0xFFFFF800  }
0x26: {  	_ =	swait.ge [sflag:s1], $0x800  }
0x27: {  	[sflag:s1] =	ssyncset.done $0x0  }
0x28: {  	[sflag:s1] =	ssyncadd.s32 $0xFFFFF800  }
0x29: {  	_ =	swait.ge [sflag:s1], $0x800  }
0x2a: {  	[sflag:s1] =	ssyncset.done $0x0  }
0x2b: {  	s6 =	simm.s32 $0xC80;
	[sflag:s1] =	ssyncadd.s32 $0xFFFFF800  }
.LBB2_12:
0x2c: {  	s29 =	sadd.s32 $0x1, s29  }
0x2d: {  	p0 =	sne.s32 s29, s9  }
.Ltmp1:
0x2e: {  	_ = 	snop;
	(pc) =	sbr.rel @!p0 .LBB2_13-.Ltmp1, $1  }
0x2f: {  	_ =	sdelay $0x3  }
.LBB2_1:
0x30: {  	s0 =	rddreg [dreg:$0x3]  }
0x31: {  	[tilespmem:s10], [sflag:$0x2] =	stream.linear.gather [hbm4b:s0+s3], $0x4000, $0x38;
	[tilespmem:$0xDA80] =	vst v63  }
0x32: {  	s12 =	rddreg [dreg:$0x4];
	s1 =	simm.s32 $0x80;
	s5 =	simm.s32 $0x400  }
0x33: {  	[tilespmem:s3], [sflag:$0x5] =	stream.strided.gather [hbm4b:s12+s1], $0xC80, s5, s1, $0x38;
	[tilespmem:$0xDA80] =	vst v63  }
0x34: {  	_ =	swait.ge [sflag:s13], $0xC80  }
0x35: {  	[sflag:s13] =	ssyncset.done $0x0  }
0x36: {  	s14 =	rddreg [dreg:$0x5];
	[sflag:s13] =	ssyncadd.s32 $0xFFFFF380  }
0x37: {  	[tilespmem:s6], [sflag:$0x5] =	stream.strided.gather [hbm4b:s14+s1], $0xC80, s5, s1, $0x38;
	[tilespmem:$0xDA80] =	vst v63  }
0x38: {  	_ =	swait.ge [sflag:s13], $0xC80  }
0x39: {  	[sflag:s13] =	ssyncset.done $0x0  }
0x3a: {  	s15 =	simm.s32 $0x1900;
	[sflag:s13] =	ssyncadd.s32 $0xFFFFF380  }
0x3b: {  	[tilespmem:s15], [sflag:$0x5] =	stream.linear.gather [hbm4b:s8+s3], $0x80, $0x38;
	[tilespmem:$0xDA80] =	vst v63  }
0x3c: {  	_ =	swait.ge [sflag:s13], $0x80  }
0x3d: {  	[sflag:s13] =	ssyncset.done $0x0  }
0x3e: {  	[sflag:s13] =	ssyncadd.s32 $0xFFFFFF80  }
0x3f: {  	_ =	swait.ge [sflag:s16], $0x4000  }
0x40: {  	[sflag:s16] =	ssyncset.done $0x0  }
0x41: {  	[sflag:s16] =	ssyncadd.s32 $0xFFFFC000  }
0x42: {  	v1 =	vld [tilespmem:$0x1900];
	_ =	sdelay $0x4  }
0x43: {  	(v2sf) =	vpush v1, $0x0;
	_ =	sdelay $0xe  }
0x44: {  	s18 =	spop (v2sf)  }
0x45: {  	s0 =	sadd.s32 $0x3F, s18  }
0x46: {  	s19 =	sand.u32 $0x3F, s0  }
0x47: {  	s31 =	sshra.s32 s0, $0x1F;
	p1 =	slt.s32 s0, $0x1;
	p0 =	sne.s32 s19, $0x0  }
0x48: {  	s1 =	sshrl.u32 s31, $0x1A;
	p0 =	por !p1, !p0  }
0x49: {  	s0 =	sadd.s32 s1, s0;
	s1 =	simm.s32 $0x1;
	p0 =	por !p0, !p0  }
0x4a: {  	s0 =	sshra.s32 s0, $0x6;
	s1 =	simm.s32 @!p0 $0x0  }
0x4b: {  	s30 =	ssub.s32 s0, s1  }
0x4c: {  	p0 =	slt.s32 s30, $0x1  }
.Ltmp2:
0x4d: {  	_ = 	snop;
	(pc) =	sbr.rel @p0 .LBB2_12-.Ltmp2, $1  }
0x4e: {  	_ =	sdelay $0x3  }
.Ltmp3:
0x4f: {  	(pc) =	sbr.rel .LBB2_3-.Ltmp3, $3  }
0x50: {  	_ =	sdelay $0x1  }
0x51: {  	s0 =	simm.s32 $0x40;
	s1 =	simm.s32 $0x5A80;
	s31 =	simm.s32 $0x0  }
0x52: {  	[tilespmem:s1], [sflag:$0x1] =	stream.indirect.gather [hbm4b:s4+s0], $0x80, s6, s0, $0xb8;
	[tilespmem:$0xDA80] =	vst v63  }
.LBB2_10:
0x53: {  	p0 =	sne.s32 s1, s30  }
.Ltmp4:
0x54: {  	_ = 	snop;
	(pc) =	sbr.rel @!p0 .LBB2_11-.Ltmp4, $2  }
0x55: {  	_ =	sdelay $0x2  }
0x56: {  	s31 =	smov.u32 s1  }
.LBB2_3:
0x57: {  	s0 =	sand.u32 $0x1, s31  }
0x58: {  	p0 =	seq.s32 s0, $0x1  }
.Ltmp5:
0x59: {  	_ = 	snop;
	(pc) =	sbr.rel @p0 .LBB2_7-.Ltmp5, $1  }
0x5a: {  	_ =	sdelay $0x3  }
0x5b: {  	s1 =	sor.u32 $0x1, s31  }
0x5c: {  	p0 =	sge.s32 s1, s30  }
0x5d: {  	s5 =	sshll.u32 @!p0 s1, $0x8  }
0x5e: {  	s18 =	sshll.u32 s31, $0x6;
	s5 =	sshra.s32 @!p0 s5, $0x2  }
0x5f: {  	s6 =	simm.s32 @!p0 $0x40;
	s7 =	simm.s32 @!p0 $0x7A80;
	s5 =	sadd.s32 @!p0 $0xC80, s5  }
0x60: {  	[tilespmem:s7], [sflag:$0x2] =	stream.indirect.gather @!p0 [hbm4b:s4+s6], $0x80, s5, s6, $0xb8;
	[tilespmem:$0xDA80] =	vst v63  }
0x61: {  	v1 =	vld [tilespmem:s18+$0xC80];
	_ =	sdelay $0x7  }
0x62: {  	v1 =	vld.idx.msk [tilespmem:v1+s10+$0x0], $0xffff;
	_ =	sdelay $0x4  }
0x63: {  	[tilespmem:$0x5980] =	vst v1  }
0x64: {  	v1 =	vld [tilespmem:s18+$0xC90];
	_ =	sdelay $0x7  }
0x65: {  	v1 =	vld.idx.msk [tilespmem:v1+s10+$0x0], $0xffff;
	_ =	sdelay $0x4  }
0x66: {  	[tilespmem:$0x5990] =	vst v1  }
0x67: {  	v1 =	vld [tilespmem:s18+$0xCA0];
	_ =	sdelay $0x7  }
0x68: {  	v1 =	vld.idx.msk [tilespmem:v1+s10+$0x0], $0xffff;
	_ =	sdelay $0x4  }
0x69: {  	[tilespmem:$0x59A0] =	vst v1  }
0x6a: {  	v1 =	vld [tilespmem:s18+$0xCB0];
	_ =	sdelay $0x7  }
0x6b: {  	v1 =	vld.idx.msk [tilespmem:v1+s10+$0x0], $0xffff;
	_ =	sdelay $0x4  }
0x6c: {  	[tilespmem:$0x59B0] =	vst v1  }
0x6d: {  	_ =	swait.ge [sflag:s17], $0x2000  }
0x6e: {  	p0 =	slt.u32 s31, $0x2;
	[sflag:s17] =	ssyncset.done $0x0  }
0x6f: {  	s5 =	simm.s32 @!p0 $0x3;
	[sflag:s17] =	ssyncadd.s32 $0xFFFFE000  }
0x70: {  	_ =	swait.ge @!p0 [sflag:s5], $0x800  }
0x71: {  	[sflag:s5] =	ssyncset.done @!p0 $0x0  }
0x72: {  	[sflag:s5] =	ssyncadd.s32 @!p0 $0xFFFFF800  }
0x73: {  	_ =	swait.ge @!p0 [sflag:s5], $0x800  }
0x74: {  	[sflag:s5] =	ssyncset.done @!p0 $0x0  }
0x75: {  	[sflag:s5] =	ssyncadd.s32 @!p0 $0xFFFFF800  }
0x76: {  	_ =	swait.ge @!p0 [sflag:s5], $0x800  }
0x77: {  	[sflag:s5] =	ssyncset.done @!p0 $0x0  }
0x78: {  	[sflag:s5] =	ssyncadd.s32 @!p0 $0xFFFFF800  }
0x79: {  	_ =	swait.ge @!p0 [sflag:s5], $0x800  }
0x7a: {  	s15 =	simm.s32 $0x0;
	[sflag:s5] =	ssyncset.done @!p0 $0x0  }
0x7b: {  	s19 =	sand.u32 $0x30, s15;
	[sflag:s5] =	ssyncadd.s32 @!p0 $0xFFFFF800  }
0x7c: {  	v1 =	vld [tilespmem:s19+$0x5980];
	_ =	sdelay $0x3  }
0x7d: {  	v2 =	vmov s15  }
0x7e: {  	v1 =	vperm.xlane v1, v2;
	_ =	sdelay $0x1  }
0x7f: {  	(erf) = vrcp.f32 v1;
	_ =	sdelay $0x3  }
0x80: {  	s5 =	simm.s32 $0x5AC0  }
0x81: {  	v1 =	vld [tilespmem:s5+$0xFFFFFFC0];
	_ =	sdelay $0x3  }
0x82: {  	v2 =	vpop (erf)  }
0x83: {  	v1 =	vmul.f32 v2, v1  }
0x84: {  	s11 =	simm.s32 $0x9AC0  }
0x85: {  	[tilespmem:s11+$0xFFFFFFC0] =	vst v1  }
0x86: {  	v1 =	vld [tilespmem:s5+$0xFFFFFFD0];
	_ =	sdelay $0x4  }
0x87: {  	v1 =	vmul.f32 v1, v2;
	_ =	sdelay $0x1  }
0x88: {  	[tilespmem:s11+$0xFFFFFFD0] =	vst v1  }
0x89: {  	v1 =	vld [tilespmem:s5+$0xFFFFFFE0];
	_ =	sdelay $0x4  }
0x8a: {  	v1 =	vmul.f32 v1, v2;
	_ =	sdelay $0x1  }
0x8b: {  	[tilespmem:s11+$0xFFFFFFE0] =	vst v1  }
0x8c: {  	v1 =	vld [tilespmem:s5+$0xFFFFFFF0];
	_ =	sdelay $0x4  }
0x8d: {  	v1 =	vmul.f32 v1, v2;
	_ =	sdelay $0x1  }
0x8e: {  	[tilespmem:s11+$0xFFFFFFF0] =	vst v1  }
0x8f: {  	v1 =	vld [tilespmem:s5+$0x0];
	_ =	sdelay $0x4  }
0x90: {  	v1 =	vmul.f32 v1, v2;
	_ =	sdelay $0x1  }
0x91: {  	[tilespmem:s11+$0x0] =	vst v1  }
0x92: {  	v1 =	vld [tilespmem:s5+$0x10];
	_ =	sdelay $0x4  }
0x93: {  	v1 =	vmul.f32 v1, v2;
	_ =	sdelay $0x1  }
0x94: {  	[tilespmem:s11+$0x10] =	vst v1  }
0x95: {  	v1 =	vld [tilespmem:s5+$0x20];
	_ =	sdelay $0x4  }
0x96: {  	v1 =	vmul.f32 v1, v2;
	_ =	sdelay $0x1  }
0x97: {  	[tilespmem:s11+$0x20] =	vst v1  }
0x98: {  	v1 =	vld [tilespmem:s5+$0x30];
	_ =	sdelay $0x4  }
0x99: {  	v1 =	vmul.f32 v1, v2  }
0x9a: {  	s12 =	simm.s32 $0x1;
	s15 =	sor.u32 $0x20, s18;
	s14 =	sor.u32 $0x30, s18  }
0x9b: {  	s7 =	sand.u32 $0x30, s12;
	s6 =	simm.s32 $0x2;
	s19 =	sor.u32 $0x10, s18;
	[tilespmem:s11+$0x30] =	vst v1  }
.LBB2_5:
0x9c: {  	p0 =	sne.s32 s6, $0x3F;
	v1 =	vld [tilespmem:s7+$0x5980];
	s5 =	sadd.s32 $0x80, s5  }
0x9d: {  	v2 =	vld [tilespmem:s5+$0xFFFFFFC0];
	_ =	sdelay $0x2  }
0x9e: {  	v3 =	vmov s12;
	s12 =	smov.u32 s6  }
0x9f: {  	v1 =	vperm.xlane v1, v3;
	_ =	sdelay $0x1  }
0xa0: {  	(erf) = vrcp.f32 v1;
	_ =	sdelay $0x8  }
0xa1: {  	v1 =	vpop (erf)  }
0xa2: {  	v2 =	vmul.f32 v1, v2  }
0xa3: {  	s11 =	sadd.s32 $0x80, s11  }
0xa4: {  	[tilespmem:s11+$0xFFFFFFC0] =	vst v2  }
0xa5: {  	v2 =	vld [tilespmem:s5+$0xFFFFFFD0];
	_ =	sdelay $0x4  }
0xa6: {  	v2 =	vmul.f32 v2, v1;
	_ =	sdelay $0x1  }
0xa7: {  	[tilespmem:s11+$0xFFFFFFD0] =	vst v2  }
0xa8: {  	v2 =	vld [tilespmem:s5+$0xFFFFFFE0];
	_ =	sdelay $0x4  }
0xa9: {  	v2 =	vmul.f32 v2, v1;
	_ =	sdelay $0x1  }
0xaa: {  	[tilespmem:s11+$0xFFFFFFE0] =	vst v2  }
0xab: {  	v2 =	vld [tilespmem:s5+$0xFFFFFFF0];
	_ =	sdelay $0x4  }
0xac: {  	v2 =	vmul.f32 v2, v1;
	_ =	sdelay $0x1  }
0xad: {  	[tilespmem:s11+$0xFFFFFFF0] =	vst v2  }
0xae: {  	v2 =	vld [tilespmem:s5+$0x0];
	_ =	sdelay $0x4  }
0xaf: {  	v2 =	vmul.f32 v2, v1;
	_ =	sdelay $0x1  }
0xb0: {  	[tilespmem:s11+$0x0] =	vst v2  }
0xb1: {  	v2 =	vld [tilespmem:s5+$0x10];
	_ =	sdelay $0x4  }
0xb2: {  	v2 =	vmul.f32 v2, v1;
	_ =	sdelay $0x1  }
0xb3: {  	[tilespmem:s11+$0x10] =	vst v2  }
0xb4: {  	v2 =	vld [tilespmem:s5+$0x20];
	_ =	sdelay $0x4  }
0xb5: {  	v2 =	vmul.f32 v2, v1;
	_ =	sdelay $0x1  }
0xb6: {  	[tilespmem:s11+$0x20] =	vst v2  }
0xb7: {  	v2 =	vld [tilespmem:s5+$0x30];
	_ =	sdelay $0x2  }
.Ltmp6:
0xb8: {  	(pc) =	sbr.rel @p0 .LBB2_5-.Ltmp6, $3  }
0xb9: {  	_ = 	snop  }
0xba: {  	v1 =	vmul.f32 v2, v1;
	_ =	sdelay $0x1  }
0xbb: {  	s6 =	sadd.s32 $0x1, s6;
	s7 =	sand.u32 $0x30, s12;
	[tilespmem:s11+$0x30] =	vst v1  }
0xbc: {  	v1 =	vld [tilespmem:s7+$0x5980];
	_ =	sdelay $0x3  }
0xbd: {  	v2 =	vmov s12  }
0xbe: {  	v1 =	vperm.xlane v1, v2;
	_ =	sdelay $0x1  }
0xbf: {  	(erf) = vrcp.f32 v1;
	_ =	sdelay $0x3  }
0xc0: {  	s5 =	sadd.s32 $0x80, s5  }
0xc1: {  	v1 =	vld [tilespmem:s5+$0xFFFFFFC0];
	_ =	sdelay $0x3  }
0xc2: {  	v2 =	vpop (erf)  }
0xc3: {  	v1 =	vmul.f32 v2, v1  }
0xc4: {  	s6 =	sadd.s32 $0x80, s11  }
0xc5: {  	[tilespmem:s6+$0xFFFFFFC0] =	vst v1  }
0xc6: {  	v1 =	vld [tilespmem:s5+$0xFFFFFFD0];
	_ =	sdelay $0x4  }
0xc7: {  	v1 =	vmul.f32 v1, v2;
	_ =	sdelay $0x1  }
0xc8: {  	[tilespmem:s6+$0xFFFFFFD0] =	vst v1  }
0xc9: {  	v1 =	vld [tilespmem:s5+$0xFFFFFFE0];
	_ =	sdelay $0x4  }
0xca: {  	v1 =	vmul.f32 v1, v2;
	_ =	sdelay $0x1  }
0xcb: {  	[tilespmem:s6+$0xFFFFFFE0] =	vst v1  }
0xcc: {  	v1 =	vld [tilespmem:s5+$0xFFFFFFF0];
	_ =	sdelay $0x4  }
0xcd: {  	v1 =	vmul.f32 v1, v2;
	_ =	sdelay $0x1  }
0xce: {  	[tilespmem:s6+$0xFFFFFFF0] =	vst v1  }
0xcf: {  	v1 =	vld [tilespmem:s5+$0x0];
	_ =	sdelay $0x4  }
0xd0: {  	v1 =	vmul.f32 v1, v2;
	_ =	sdelay $0x1  }
0xd1: {  	[tilespmem:s6+$0x0] =	vst v1  }
0xd2: {  	v1 =	vld [tilespmem:s5+$0x10];
	_ =	sdelay $0x4  }
0xd3: {  	v1 =	vmul.f32 v1, v2;
	_ =	sdelay $0x1  }
0xd4: {  	[tilespmem:s6+$0x10] =	vst v1  }
0xd5: {  	v1 =	vld [tilespmem:s5+$0x20];
	_ =	sdelay $0x4  }
0xd6: {  	v1 =	vmul.f32 v1, v2;
	_ =	sdelay $0x1  }
0xd7: {  	[tilespmem:s6+$0x20] =	vst v1  }
0xd8: {  	v1 =	vld [tilespmem:s5+$0x30];
	_ =	sdelay $0x4  }
0xd9: {  	v1 =	vmul.f32 v1, v2;
	_ =	sdelay $0x1  }
0xda: {  	[tilespmem:s6+$0x30] =	vst v1  }
0xdb: {  	v1 =	vld [tilespmem:s18+$0x0];
	_ =	sdelay $0x1  }
0xdc: {  	v2 =	vld [tilespmem:s19+$0x0];
	_ =	sdelay $0x2  }
0xdd: {  	v3 =	vld [tilespmem:s15+$0x0];
	v1 =	vadd.s32 v0, v1;
	_ =	sdelay $0x1  }
0xde: {  	v4 =	vld [tilespmem:s14+$0x0];
	v2 =	vadd.s32 v0, v2;
	_ =	sdelay $0x2  }
0xdf: {  	v3 =	vadd.s32 v0, v3;
	[hbm4b:s2+s3] =	stream.indirect_vreg.scatter [tilespmem:s24], [sflag:$0x3], $0x80, v1, vm0, $0xb8;
	[tilespmem:$0xDA80] =	vst v63  }
0xe0: {  	p0 =	seq.s32 s0, $0x0  }
0xe1: {  	v1 =	vadd.s32 v0, v4;
	[hbm4b:s2+s3] =	stream.indirect_vreg.scatter [tilespmem:s25], [sflag:$0x3], $0x80, v2, vm0, $0xb8;
	[tilespmem:$0xDA80] =	vst v63  }
.Ltmp7:
0xe2: {  	_ = 	snop;
	(pc) =	sbr.rel @p0 .LBB2_10-.Ltmp7, $4  }
0xe3: {  	_ = 	snop  }
0xe4: {  	[hbm4b:s2+s3] =	stream.indirect_vreg.scatter [tilespmem:s26], [sflag:$0x3], $0x80, v3, vm0, $0xb8;
	[tilespmem:$0xDA80] =	vst v63  }
0xe5: {  	_ = 	snop  }
0xe6: {  	[hbm4b:s2+s3] =	stream.indirect_vreg.scatter [tilespmem:s28], [sflag:$0x3], $0x80, v1, vm0, $0xb8;
	[tilespmem:$0xDA80] =	vst v63  }
.LBB2_7:
0xe7: {  	s1 =	sadd.s32 $0x1, s31  }
0xe8: {  	p0 =	sge.s32 s1, s30  }
0xe9: {  	s0 =	sshll.u32 @!p0 s1, $0x8  }
0xea: {  	s0 =	sshra.s32 @!p0 s0, $0x2  }
0xeb: {  	s5 =	simm.s32 @!p0 $0x40;
	s6 =	simm.s32 @!p0 $0x5A80;
	s0 =	sadd.s32 @!p0 $0xC80, s0  }
0xec: {  	[tilespmem:s6], [sflag:$0x1] =	stream.indirect.gather @!p0 [hbm4b:s4+s5], $0x80, s0, s5, $0xb8;
	[tilespmem:$0xDA80] =	vst v63  }
0xed: {  	s0 =	sshll.u32 s31, $0x6  }
0xee: {  	v1 =	vld [tilespmem:s0+$0xC80];
	_ =	sdelay $0x7  }
0xef: {  	v1 =	vld.idx.msk [tilespmem:v1+s10+$0x0], $0xffff;
	_ =	sdelay $0x4  }
0xf0: {  	[tilespmem:$0x5A00] =	vst v1  }
0xf1: {  	v1 =	vld [tilespmem:s0+$0xC90];
	_ =	sdelay $0x7  }
0xf2: {  	v1 =	vld.idx.msk [tilespmem:v1+s10+$0x0], $0xffff;
	_ =	sdelay $0x4  }
0xf3: {  	[tilespmem:$0x5A10] =	vst v1  }
0xf4: {  	v1 =	vld [tilespmem:s0+$0xCA0];
	_ =	sdelay $0x7  }
0xf5: {  	v1 =	vld.idx.msk [tilespmem:v1+s10+$0x0], $0xffff;
	_ =	sdelay $0x4  }
0xf6: {  	[tilespmem:$0x5A20] =	vst v1  }
0xf7: {  	v1 =	vld [tilespmem:s0+$0xCB0];
	_ =	sdelay $0x7  }
0xf8: {  	v1 =	vld.idx.msk [tilespmem:v1+s10+$0x0], $0xffff;
	_ =	sdelay $0x4  }
0xf9: {  	[tilespmem:$0x5A30] =	vst v1  }
0xfa: {  	_ =	swait.ge [sflag:s16], $0x2000  }
0xfb: {  	p0 =	slt.u32 s31, $0x2;
	[sflag:s16] =	ssyncset.done $0x0  }
0xfc: {  	s5 =	simm.s32 @!p0 $0x4;
	[sflag:s16] =	ssyncadd.s32 $0xFFFFE000  }
0xfd: {  	_ =	swait.ge @!p0 [sflag:s5], $0x800  }
0xfe: {  	[sflag:s5] =	ssyncset.done @!p0 $0x0  }
0xff: {  	[sflag:s5] =	ssyncadd.s32 @!p0 $0xFFFFF800  }
0x100: {  	_ =	swait.ge @!p0 [sflag:s5], $0x800  }
0x101: {  	[sflag:s5] =	ssyncset.done @!p0 $0x0  }
0x102: {  	[sflag:s5] =	ssyncadd.s32 @!p0 $0xFFFFF800  }
0x103: {  	_ =	swait.ge @!p0 [sflag:s5], $0x800  }
0x104: {  	[sflag:s5] =	ssyncset.done @!p0 $0x0  }
0x105: {  	[sflag:s5] =	ssyncadd.s32 @!p0 $0xFFFFF800  }
0x106: {  	_ =	swait.ge @!p0 [sflag:s5], $0x800  }
0x107: {  	s19 =	simm.s32 $0x0;
	[sflag:s5] =	ssyncset.done @!p0 $0x0  }
0x108: {  	s31 =	sand.u32 $0x30, s19;
	[sflag:s5] =	ssyncadd.s32 @!p0 $0xFFFFF800  }
0x109: {  	v1 =	vld [tilespmem:s31+$0x5A00];
	_ =	sdelay $0x3  }
0x10a: {  	v2 =	vmov s19  }
0x10b: {  	v1 =	vperm.xlane v1, v2;
	_ =	sdelay $0x1  }
0x10c: {  	(erf) = vrcp.f32 v1;
	_ =	sdelay $0x3  }
0x10d: {  	s5 =	simm.s32 $0x7AF0  }
0x10e: {  	v1 =	vld [tilespmem:s5+$0xFFFFFF90];
	_ =	sdelay $0x3  }
0x10f: {  	v2 =	vpop (erf)  }
0x110: {  	v1 =	vmul.f32 v2, v1  }
0x111: {  	s11 =	simm.s32 $0xBAF0  }
0x112: {  	[tilespmem:s11+$0xFFFFFF90] =	vst v1  }
0x113: {  	v1 =	vld [tilespmem:s5+$0xFFFFFFA0];
	_ =	sdelay $0x4  }
0x114: {  	v1 =	vmul.f32 v1, v2;
	_ =	sdelay $0x1  }
0x115: {  	[tilespmem:s11+$0xFFFFFFA0] =	vst v1  }
0x116: {  	v1 =	vld [tilespmem:s5+$0xFFFFFFB0];
	_ =	sdelay $0x4  }
0x117: {  	v1 =	vmul.f32 v1, v2;
	_ =	sdelay $0x1  }
0x118: {  	[tilespmem:s11+$0xFFFFFFB0] =	vst v1  }
0x119: {  	v1 =	vld [tilespmem:s5+$0xFFFFFFC0];
	_ =	sdelay $0x4  }
0x11a: {  	v1 =	vmul.f32 v1, v2;
	_ =	sdelay $0x1  }
0x11b: {  	[tilespmem:s11+$0xFFFFFFC0] =	vst v1  }
0x11c: {  	v1 =	vld [tilespmem:s5+$0xFFFFFFD0];
	_ =	sdelay $0x4  }
0x11d: {  	v1 =	vmul.f32 v1, v2;
	_ =	sdelay $0x1  }
0x11e: {  	[tilespmem:s11+$0xFFFFFFD0] =	vst v1  }
0x11f: {  	v1 =	vld [tilespmem:s5+$0xFFFFFFE0];
	_ =	sdelay $0x4  }
0x120: {  	v1 =	vmul.f32 v1, v2;
	_ =	sdelay $0x1  }
0x121: {  	[tilespmem:s11+$0xFFFFFFE0] =	vst v1  }
0x122: {  	v1 =	vld [tilespmem:s5+$0xFFFFFFF0];
	_ =	sdelay $0x4  }
0x123: {  	v1 =	vmul.f32 v1, v2;
	_ =	sdelay $0x1  }
0x124: {  	[tilespmem:s11+$0xFFFFFFF0] =	vst v1  }
0x125: {  	v1 =	vld [tilespmem:s5+$0x0];
	_ =	sdelay $0x4  }
0x126: {  	s12 =	simm.s32 $0x1;
	v1 =	vmul.f32 v1, v2  }
0x127: {  	s7 =	sand.u32 $0x30, s12;
	s6 =	simm.s32 $0x2  }
0x128: {  	s14 =	sor.u32 $0x10, s0;
	s15 =	sor.u32 $0x20, s0;
	s18 =	sor.u32 $0x30, s0;
	[tilespmem:s11+$0x0] =	vst v1  }
.LBB2_8:
0x129: {  	p0 =	sne.s32 s6, $0x3F;
	v1 =	vld [tilespmem:s7+$0x5A00];
	s5 =	sadd.s32 $0x80, s5  }
0x12a: {  	v2 =	vld [tilespmem:s5+$0xFFFFFF90];
	_ =	sdelay $0x2  }
0x12b: {  	v3 =	vmov s12;
	s12 =	smov.u32 s6  }
0x12c: {  	v1 =	vperm.xlane v1, v3;
	_ =	sdelay $0x1  }
0x12d: {  	(erf) = vrcp.f32 v1;
	_ =	sdelay $0x8  }
0x12e: {  	v1 =	vpop (erf)  }
0x12f: {  	v2 =	vmul.f32 v1, v2  }
0x130: {  	s11 =	sadd.s32 $0x80, s11  }
0x131: {  	[tilespmem:s11+$0xFFFFFF90] =	vst v2  }
0x132: {  	v2 =	vld [tilespmem:s5+$0xFFFFFFA0];
	_ =	sdelay $0x4  }
0x133: {  	v2 =	vmul.f32 v2, v1;
	_ =	sdelay $0x1  }
0x134: {  	[tilespmem:s11+$0xFFFFFFA0] =	vst v2  }
0x135: {  	v2 =	vld [tilespmem:s5+$0xFFFFFFB0];
	_ =	sdelay $0x4  }
0x136: {  	v2 =	vmul.f32 v2, v1;
	_ =	sdelay $0x1  }
0x137: {  	[tilespmem:s11+$0xFFFFFFB0] =	vst v2  }
0x138: {  	v2 =	vld [tilespmem:s5+$0xFFFFFFC0];
	_ =	sdelay $0x4  }
0x139: {  	v2 =	vmul.f32 v2, v1;
	_ =	sdelay $0x1  }
0x13a: {  	[tilespmem:s11+$0xFFFFFFC0] =	vst v2  }
0x13b: {  	v2 =	vld [tilespmem:s5+$0xFFFFFFD0];
	_ =	sdelay $0x4  }
0x13c: {  	v2 =	vmul.f32 v2, v1;
	_ =	sdelay $0x1  }
0x13d: {  	[tilespmem:s11+$0xFFFFFFD0] =	vst v2  }
0x13e: {  	v2 =	vld [tilespmem:s5+$0xFFFFFFE0];
	_ =	sdelay $0x4  }
0x13f: {  	v2 =	vmul.f32 v2, v1;
	_ =	sdelay $0x1  }
0x140: {  	[tilespmem:s11+$0xFFFFFFE0] =	vst v2  }
0x141: {  	v2 =	vld [tilespmem:s5+$0xFFFFFFF0];
	_ =	sdelay $0x4  }
0x142: {  	v2 =	vmul.f32 v2, v1;
	_ =	sdelay $0x1  }
0x143: {  	[tilespmem:s11+$0xFFFFFFF0] =	vst v2  }
0x144: {  	v2 =	vld [tilespmem:s5+$0x0];
	_ =	sdelay $0x2  }
.Ltmp8:
0x145: {  	(pc) =	sbr.rel @p0 .LBB2_8-.Ltmp8, $3  }
0x146: {  	_ = 	snop  }
0x147: {  	v1 =	vmul.f32 v2, v1;
	_ =	sdelay $0x1  }
0x148: {  	s6 =	sadd.s32 $0x1, s6;
	s7 =	sand.u32 $0x30, s12;
	[tilespmem:s11+$0x0] =	vst v1  }
0x149: {  	v1 =	vld [tilespmem:s7+$0x5A00];
	_ =	sdelay $0x3  }
0x14a: {  	v2 =	vmov s12  }
0x14b: {  	v1 =	vperm.xlane v1, v2;
	_ =	sdelay $0x1  }
0x14c: {  	(erf) = vrcp.f32 v1;
	_ =	sdelay $0x3  }
0x14d: {  	s5 =	sadd.s32 $0x80, s5  }
0x14e: {  	v1 =	vld [tilespmem:s5+$0xFFFFFF90];
	_ =	sdelay $0x3  }
0x14f: {  	v2 =	vpop (erf)  }
0x150: {  	v1 =	vmul.f32 v2, v1  }
0x151: {  	s6 =	sadd.s32 $0x80, s11  }
0x152: {  	[tilespmem:s6+$0xFFFFFF90] =	vst v1  }
0x153: {  	v1 =	vld [tilespmem:s5+$0xFFFFFFA0];
	_ =	sdelay $0x4  }
0x154: {  	v1 =	vmul.f32 v1, v2;
	_ =	sdelay $0x1  }
0x155: {  	[tilespmem:s6+$0xFFFFFFA0] =	vst v1  }
0x156: {  	v1 =	vld [tilespmem:s5+$0xFFFFFFB0];
	_ =	sdelay $0x4  }
0x157: {  	v1 =	vmul.f32 v1, v2;
	_ =	sdelay $0x1  }
0x158: {  	[tilespmem:s6+$0xFFFFFFB0] =	vst v1  }
0x159: {  	v1 =	vld [tilespmem:s5+$0xFFFFFFC0];
	_ =	sdelay $0x4  }
0x15a: {  	v1 =	vmul.f32 v1, v2;
	_ =	sdelay $0x1  }
0x15b: {  	[tilespmem:s6+$0xFFFFFFC0] =	vst v1  }
0x15c: {  	v1 =	vld [tilespmem:s5+$0xFFFFFFD0];
	_ =	sdelay $0x4  }
0x15d: {  	v1 =	vmul.f32 v1, v2;
	_ =	sdelay $0x1  }
0x15e: {  	[tilespmem:s6+$0xFFFFFFD0] =	vst v1  }
0x15f: {  	v1 =	vld [tilespmem:s5+$0xFFFFFFE0];
	_ =	sdelay $0x4  }
0x160: {  	v1 =	vmul.f32 v1, v2;
	_ =	sdelay $0x1  }
0x161: {  	[tilespmem:s6+$0xFFFFFFE0] =	vst v1  }
0x162: {  	v1 =	vld [tilespmem:s5+$0xFFFFFFF0];
	_ =	sdelay $0x4  }
0x163: {  	v1 =	vmul.f32 v1, v2;
	_ =	sdelay $0x1  }
0x164: {  	[tilespmem:s6+$0xFFFFFFF0] =	vst v1  }
0x165: {  	v1 =	vld [tilespmem:s5+$0x0];
	_ =	sdelay $0x4  }
0x166: {  	v1 =	vmul.f32 v1, v2;
	_ =	sdelay $0x1  }
0x167: {  	[tilespmem:s6+$0x0] =	vst v1  }
0x168: {  	v1 =	vld [tilespmem:s0+$0x0];
	_ =	sdelay $0x1  }
0x169: {  	v2 =	vld [tilespmem:s14+$0x0];
	_ =	sdelay $0x2  }
0x16a: {  	v3 =	vld [tilespmem:s15+$0x0];
	v1 =	vadd.s32 v0, v1;
	_ =	sdelay $0x1  }
0x16b: {  	v4 =	vld [tilespmem:s18+$0x0];
	v2 =	vadd.s32 v0, v2;
	_ =	sdelay $0x2  }
0x16c: {  	v3 =	vadd.s32 v0, v3;
	[hbm4b:s2+s3] =	stream.indirect_vreg.scatter [tilespmem:s20], [sflag:$0x4], $0x80, v1, vm0, $0xb8;
	[tilespmem:$0xDA80] =	vst v63  }
0x16d: {  	_ = 	snop  }
0x16e: {  	v1 =	vadd.s32 v0, v4;
	[hbm4b:s2+s3] =	stream.indirect_vreg.scatter [tilespmem:s21], [sflag:$0x4], $0x80, v2, vm0, $0xb8;
	[tilespmem:$0xDA80] =	vst v63  }
.Ltmp9:
0x16f: {  	_ = 	snop;
	(pc) =	sbr.rel .LBB2_10-.Ltmp9, $4  }
0x170: {  	_ = 	snop  }
0x171: {  	[hbm4b:s2+s3] =	stream.indirect_vreg.scatter [tilespmem:s22], [sflag:$0x4], $0x80, v3, vm0, $0xb8;
	[tilespmem:$0xDA80] =	vst v63  }
0x172: {  	_ = 	snop  }
0x173: {  	[hbm4b:s2+s3] =	stream.indirect_vreg.scatter [tilespmem:s23], [sflag:$0x4], $0x80, v1, vm0, $0xb8;
	[tilespmem:$0xDA80] =	vst v63  }
.LBB2_13:
0x174: {  	_ =	sfence.sel $0x180000  }
0x175: {  	[bflag:$0x0] =	sbarrier.arrive $0xFFFF  }
0x176: {  	_ =	strace $0x90000050  }
0x177: {  	s0 =	stileid.u32;
	[bflag:$0x2] =	sbarrier.arrive $0xFFFF  }
0x178: {  	p0 =	sne.s32 s0, $0x0;
	s0 =	rddreg [dreg:$0x2]  }
0x179: {  	s0 =	sadd.s32 @!p0 $0x100000, s0  }
0x17a: {  	[sflag:s0] =	ssyncadd.tile.s32 @!p0 $0x1;
	_ =	shalt  }
.Lfunc_end2:
_tile_overlayer_lowered:
.L_overlay_start_2:
0x17b: {  	(tag) =	ssettag $0x2  }
0x17c: {  	s0 =	rddreg [dreg:$0x0];
	s2 =	stileid.u32  }
0x17d: {  	s1 =	rddreg [dreg:$0x1];
	p0 =	sne.s32 s2, $0x0  }
0x17e: {  	s3 =	rddreg [dreg:$0x2];
	[bflag:$0x3] =	sbarrier.arrive $0xFFFF;
	s2 =	simm.s32 @!p0 $0x1C05  }
0x17f: {  	[timem:s3], [sflag:s2] =	dma.local @!p0 [hbm:s0], s1  }
0x180: {  	s0 =	simm.s32 @!p0 $0x5  }
0x181: {  	_ =	swait.ge @!p0 [sflag:s0], s1  }
0x182: {  	s1 =	ssub.s32 @!p0 $0x0, s1;
	[sflag:s0] =	ssyncset.done @!p0 $0x0  }
0x183: {  	[sflag:s0] =	ssyncadd.s32 @!p0 s1  }
0x184: {  	[bflag:$0x3] =	sbarrier.arrive $0xFFFF  }
0x185: {  	_ =	shalt  }

</sc_bundles>
